<compile_context>
chip_gen: v7x
topology: tpu7x:2x2x1
jax: 0.10.2.dev20260603
libtpu: 0.0.44.dev20260713+nightly
codegen_flags: <defaults>
</compile_context>

<pallas_src>
import functools

import jax
import jax.numpy as jnp
from jax import lax
from jax.experimental import pallas as pl
from jax.experimental.pallas import tpu as pltpu
from jax.experimental.pallas import tpu_sc as plsc

WD = 64
AD = 32
NNEG = 5
NR = 4096
L = 200
BATCH = 1024
NNZ = 16384
AVG_RATING = 3.8

_NC = 2
_NS = 16
_NW = _NC * _NS


def _sc_gather(table, idx, chunk):
    n = idx.shape[0]
    d = table.shape[1]
    b_per_w = n // _NW
    nchunks = b_per_w // chunk
    mesh = plsc.VectorSubcoreMesh(core_axis_name="c", subcore_axis_name="s")

    @functools.partial(
        pl.kernel,
        mesh=mesh,
        compiler_params=pltpu.CompilerParams(use_tc_tiling_on_sc=False),
        out_type=jax.ShapeDtypeStruct((n, d), table.dtype),
        scratch_types=[
            pltpu.VMEM((chunk,), jnp.int32),
            pltpu.VMEM((chunk, d), table.dtype),
            pltpu.SemaphoreType.DMA,
        ],
    )
    def k(table_hbm, idx_hbm, out_hbm, idx_v, rows_v, sem):
        wid = lax.axis_index("s") * _NC + lax.axis_index("c")

        @pl.loop(0, nchunks)
        def _(c):
            base = wid * b_per_w + c * chunk
            pltpu.sync_copy(idx_hbm.at[pl.ds(base, chunk)], idx_v)
            pltpu.async_copy(table_hbm.at[idx_v], rows_v, sem).wait()
            pltpu.sync_copy(rows_v, out_hbm.at[pl.ds(base, chunk)])

    return k(table, idx)


def _l2n(x):
    n = jnp.sqrt(jnp.sum(x * x, axis=1, keepdims=True))
    return x / jnp.maximum(n, 1e-12)


def _abae_block(e_ref, rp_ref, rn_ref, mw_ref, wwt_ref, wb_ref,
                twt_ref, rs_ref, ab_ref):
    br = e_ref.shape[0]
    e2d = e_ref[...]
    e3 = e2d.reshape(br, L * WD // 128, 128)
    q = jnp.dot(rp_ref[...], mw_ref[...], preferred_element_type=jnp.float32)
    qq = jnp.concatenate([q, q], axis=1)
    w1 = e3 * qq[:, None, :]
    lo = jnp.sum(w1[:, :, :WD], axis=2)
    hi = jnp.sum(w1[:, :, WD:], axis=2)
    nt = L * WD // 128
    ti = lax.broadcasted_iota(jnp.int32, (nt, L), 0)
    ci = lax.broadcasted_iota(jnp.int32, (nt, L), 1)
    pe = (ci == 2 * ti).astype(jnp.float32)
    po = (ci == 2 * ti + 1).astype(jnp.float32)
    dx = (jnp.dot(lo, pe, preferred_element_type=jnp.float32) +
          jnp.dot(hi, po, preferred_element_type=jnp.float32))
    ex = jnp.exp(dx)
    sumex = jnp.sum(ex, axis=1, keepdims=True)
    per = jnp.concatenate([ex] * 16, axis=1)
    exf = jnp.concatenate([per] * 4, axis=1)
    w2 = e2d * exf
    zcols = [jnp.sum(w2[:, i * L:(i + 1) * L], axis=1, keepdims=True)
             for i in range(WD)]
    z_s = jnp.concatenate(zcols, axis=1) / sumex
    logits = jnp.dot(z_s, wwt_ref[...], preferred_element_type=jnp.float32)
    logits = logits + wb_ref[...]
    le = jnp.exp(logits)
    p_t = le / jnp.sum(le, axis=1, keepdims=True)
    r_s = jnp.dot(p_t, twt_ref[...], preferred_element_type=jnp.float32)
    rs_ref[...] = r_s
    rsn = _l2n(r_s)
    zsn = _l2n(z_s)
    c1 = jnp.sum(rsn * zsn, axis=1, keepdims=True)
    c2s = []
    for nn in range(NNEG):
        znn = _l2n(rn_ref[:, nn * WD:(nn + 1) * WD])
        c2s.append(jnp.sum(znn * rsn, axis=1, keepdims=True))
    c2 = jnp.concatenate(c2s, axis=1)
    ab_ref[...] = jnp.maximum(0.0, 1.0 - (c1 - c2))


def _abae_call(e_flat2d, rp, rn2, m_w, w_wt, w_b2, t_wt, br):
    nr = e_flat2d.shape[0]
    grid = (nr // br,)
    return pl.pallas_call(
        _abae_block,
        grid=grid,
        in_specs=[
            pl.BlockSpec((br, L * WD), lambda i: (i, 0)),
            pl.BlockSpec((br, WD), lambda i: (i, 0)),
            pl.BlockSpec((br, NNEG * WD), lambda i: (i, 0)),
            pl.BlockSpec((WD, WD), lambda i: (0, 0)),
            pl.BlockSpec((WD, AD), lambda i: (0, 0)),
            pl.BlockSpec((1, AD), lambda i: (0, 0)),
            pl.BlockSpec((AD, WD), lambda i: (0, 0)),
        ],
        out_specs=[
            pl.BlockSpec((br, WD), lambda i: (i, 0)),
            pl.BlockSpec((br, NNEG), lambda i: (i, 0)),
        ],
        out_shape=[
            jax.ShapeDtypeStruct((nr, WD), jnp.float32),
            jax.ShapeDtypeStruct((nr, NNEG), jnp.float32),
        ],
    )(e_flat2d, rp, rn2, m_w, w_wt, w_b2, t_wt)


def _rating_block(g_ref, vu_ref, vi_ref, iu_ref, ii_ref, lab_ref, tw_ref,
                  twt_ref, ab_ref, obj_ref, rl_ref, pred_ref):
    ch = 2048
    rows = lax.broadcasted_iota(jnp.int32, (BATCH, ch), 0)
    accu = jnp.zeros((BATCH, WD), jnp.float32)
    acci = jnp.zeros((BATCH, WD), jnp.float32)
    for c in range(NNZ // ch):
        sl = pl.ds(c * ch, ch)
        pu = (rows == iu_ref[:, sl]).astype(jnp.float32) * vu_ref[:, sl]
        accu = accu + jnp.dot(pu, g_ref[pl.ds(c * ch, ch), :],
                              preferred_element_type=jnp.float32)
        pi = (rows == ii_ref[:, sl]).astype(jnp.float32) * vi_ref[:, sl]
        acci = acci + jnp.dot(pi, g_ref[pl.ds(NNZ + c * ch, ch), :],
                              preferred_element_type=jnp.float32)
    pred = jnp.sum(accu * acci, axis=1) + AVG_RATING
    rl = (pred - lab_ref[0, :]) ** 2
    rl_ref[0, :] = rl
    pred_ref[...] = pred[:, None]
    cs = jnp.sum(tw_ref[...] * tw_ref[...], axis=0, keepdims=True)
    inv = 1.0 / jnp.maximum(jnp.sqrt(cs), 1e-12)
    tnt = twt_ref[...] * inv[0, :, None]
    tn = tw_ref[...] * inv
    tt = jnp.dot(tnt, tn, preferred_element_type=jnp.float32)
    eye = (lax.broadcasted_iota(jnp.int32, (AD, AD), 0) ==
           lax.broadcasted_iota(jnp.int32, (AD, AD), 1)).astype(jnp.float32)
    u_loss = jnp.sum((tt - eye) ** 2) / (AD * AD)
    j_loss = jnp.sum(ab_ref[...]) / (NR * NNEG)
    obj = jnp.sum(rl) / BATCH + u_loss + j_loss
    obj_ref[...] = jnp.broadcast_to(obj, (1, 1))


def _rating_call(g, vu, vi, iu, ii, lab, t_w, t_wt, ab):
    return pl.pallas_call(
        _rating_block,
        out_shape=[
            jax.ShapeDtypeStruct((1, 1), jnp.float32),
            jax.ShapeDtypeStruct((1, BATCH), jnp.float32),
            jax.ShapeDtypeStruct((BATCH, 1), jnp.float32),
        ],
    )(g, vu, vi, iu, ii, lab, t_w, t_wt, ab)


def kernel(historical_review, review_positive, review_negative, user, item,
           label, user_histor_index, user_histor_value, item_histor_index,
           item_histor_value, emb_table, M_w, W_w, W_b, T_w):
    hr = historical_review.reshape(-1).astype(jnp.int32)
    rn2 = review_negative.reshape(NR, NNEG * WD)
    n_slices = 8
    sr = NR // n_slices
    rs_parts, ab_parts = [], []
    for s in range(n_slices):
        hr_s = lax.dynamic_slice_in_dim(hr, s * sr * L, sr * L)
        e_flat = _sc_gather(emb_table, hr_s, 640)
        rs_s, ab_s = _abae_call(
            e_flat.reshape(sr, L * WD),
            lax.dynamic_slice_in_dim(review_positive, s * sr, sr),
            lax.dynamic_slice_in_dim(rn2, s * sr, sr),
            M_w, W_w.T, W_b.reshape(1, AD), T_w.T, 128)
        rs_parts.append(rs_s)
        ab_parts.append(ab_s)
    r_s = jnp.concatenate(rs_parts, axis=0)
    abae = jnp.concatenate(ab_parts, axis=0)
    idx_cat = jnp.concatenate(
        [user_histor_index[1], item_histor_index[1]]).astype(jnp.int32)
    g = _sc_gather(r_s, idx_cat, 1024)
    obj, rl, pred = _rating_call(
        g,
        user_histor_value.reshape(1, NNZ),
        item_histor_value.reshape(1, NNZ),
        user_histor_index[0].reshape(1, NNZ).astype(jnp.int32),
        item_histor_index[0].reshape(1, NNZ).astype(jnp.int32),
        label.reshape(1, BATCH),
        T_w,
        T_w.T,
        abae,
    )
    return (obj.reshape(()), rl.reshape(-1), abae.reshape(-1), pred)

# --- scband reference (transcript-rebuilt; emitter-appended) ---
"""Pipeline reference for scband-aspect-rating-1-17875653886124 (READ-ONLY COPY).

The authoritative reference and input builder live on the scoring server;
editing this copy changes nothing except your own understanding.
"""

import jax, jax.numpy as jnp
import numpy as np

VOCAB = 1000000
WD = 64
AD = 32
NNEG = 5
AVG_RATING = 3.8
LR_RATING = 1.0
LR_ABAE = 1.0
NR = 4096
L = 200
B = 1024
NNZ = 16384


def _l2norm(x, axis):
    n = jnp.sqrt(jnp.sum(x * x, axis=axis, keepdims=True))
    return x / jnp.maximum(n, 1e-12)


def setup_inputs(seed: int = 0):
    key = jax.random.key(seed)
    ks = jax.random.split(key, 16)
    return {
        "historical_review": jax.random.randint(ks[0], (NR, L), 0, VOCAB),
        "review_positive": jax.random.normal(ks[1], (NR, WD), dtype=jnp.float32),
        "review_negative": jax.random.normal(ks[2], (NR * NNEG, WD), dtype=jnp.float32),
        "user": jax.random.randint(ks[3], (B,), 0, 100000),
        "item": jax.random.randint(ks[4], (B,), 0, 100000),
        "label": jax.random.uniform(ks[5], (B,), dtype=jnp.float32),
        "user_histor_index": jax.random.randint(ks[6], (2, NNZ), 0, B),
        "user_histor_value": jax.random.uniform(ks[7], (NNZ,), dtype=jnp.float32),
        "item_histor_index": jax.random.randint(ks[8], (2, NNZ), 0, B),
        "item_histor_value": jax.random.uniform(ks[9], (NNZ,), dtype=jnp.float32),
        "emb_table": jax.random.normal(ks[10], (VOCAB, WD), dtype=jnp.float32) * 0.02,
        "M_w": jax.random.normal(ks[11], (WD, WD), dtype=jnp.float32) * (1.0 / np.sqrt(WD)),
        "W_w": jax.random.normal(ks[12], (AD, WD), dtype=jnp.float32) * (1.0 / np.sqrt(WD)),
        "W_b": jnp.zeros((AD,), dtype=jnp.float32),
        "T_w": jax.random.normal(ks[13], (WD, AD), dtype=jnp.float32) * (1.0 / np.sqrt(AD)),
    }


def reference(historical_review, review_positive, review_negative, user, item, label,
              user_histor_index, user_histor_value, item_histor_index, item_histor_value,
              emb_table, M_w, W_w, W_b, T_w):
    # ABAE encoder
    e_w = jnp.take(emb_table, historical_review, axis=0)            # [NR, L, WD]
    y_s = review_positive[:, :, None]                               # [NR, WD, 1]
    dx = jnp.matmul(jnp.matmul(e_w, M_w.T), y_s)                    # [NR, L, 1]
    ax = jax.nn.softmax(dx, axis=1)
    # NOTE: torch code uses .view (memory reinterpret), not transpose; kept faithful with reshape
    z_s = jnp.matmul(e_w.reshape(e_w.shape[0], e_w.shape[2], -1), ax).reshape(-1, WD)
    p_t = jax.nn.softmax(jnp.matmul(z_s, W_w.T) + W_b, axis=1)
    r_s = jnp.matmul(p_t, T_w.T)                                    # [NR, WD]
    c1 = jnp.sum(_l2norm(r_s, 1) * _l2norm(z_s, 1), axis=-1, keepdims=True)
    c1 = jnp.repeat(c1, NNEG, axis=1).reshape(-1)
    z_n = review_negative.reshape(NR, NNEG, -1)
    c2 = jnp.sum(_l2norm(z_n, 2) * _l2norm(r_s.reshape(NR, 1, -1), 2), axis=-1).reshape(-1)
    abae_out_loss = jnp.maximum(0.0, 1.0 - (c1 - c2))               # margin ranking, target=1, margin=1
    J_loss = jnp.mean(abae_out_loss)
    Tn = T_w / jnp.maximum(jnp.sqrt(jnp.sum(T_w * T_w, axis=0, keepdims=True)), 1e-12)
    U_loss = jnp.mean((jnp.matmul(Tn.T, Tn) - jnp.eye(AD, dtype=jnp.float32)) ** 2)
    abae_loss = U_loss + J_loss
    # sparse mm == scatter-add segment reduce over review rows
    ua = jnp.zeros((B, WD), dtype=r_s.dtype).at[user_histor_index[0]].add(
        user_histor_value[:, None] * jnp.take(r_s, user_histor_index[1], axis=0))
    ia = jnp.zeros((B, WD), dtype=r_s.dtype).at[item_histor_index[0]].add(
        item_histor_value[:, None] * jnp.take(r_s, item_histor_index[1], axis=0))
    output_emb = ua * ia
    prediction = jnp.sum(output_emb, axis=-1, keepdims=True) + AVG_RATING
    rating_out_loss = (prediction.reshape(-1) - label) ** 2
    rating_loss = jnp.mean(rating_out_loss)
    obj = LR_RATING * rating_loss + LR_ABAE * abae_loss
    return (obj, rating_out_loss, abae_out_loss, prediction)

if __name__ == "__main__":
    import jax
    _d = setup_inputs()
    print(jax.jit(kernel)(*tuple(_d.values())))

</pallas_src>

<mosaic_0001>
#map = affine_map<(d0, d1) -> (0, 0)>
#map1 = affine_map<(d0, d1) -> (0)>
module attributes {stable_mosaic.version = 14 : i64} {
  func.func @k(%arg0: i32, %arg1: i32, %arg2: memref<1000000x64xf32, #tpu.memory_space<hbm>>, %arg3: memref<102400xi32, #tpu.memory_space<hbm>>, %arg4: memref<102400x64xf32, #tpu.memory_space<hbm>>, %arg5: memref<640xi32, #tpu.memory_space<vmem>>, %arg6: memref<640x64xf32, #tpu.memory_space<vmem>>, %arg7: memref<!tpu.dma_semaphore, #tpu.memory_space<semaphore_mem>>) attributes {dimension_semantics = [#tpu.dimension_semantics<core_parallel>, #tpu.dimension_semantics<subcore_parallel>], iteration_bounds = array<i64: 2, 16>, scalar_prefetch = 0 : i64, scratch_operands = 3 : i64, tpu.core_type = #tpu.core_type<sc_vector_subcore>, window_params = [{transform_indices = #map}, {transform_indices = #map1}, {transform_indices = #map}]} {
    %mul3A = arith.constant 2 : i32
    %mul3A_0 = arith.muli %arg1, %mul3A : i32
    %add3A = arith.addi %mul3A_0, %arg0 : i32
    %scan3A = arith.constant 0 : i32
    %scan3A_1 = arith.constant 5 : i32
    %scan3A_2 = arith.addi %scan3A, %scan3A_1 : i32
    %scan3A_3 = arith.constant 1 : i32
    scf.for %scan3A_5 = %scan3A to %scan3A_2 step %scan3A_3  : i32 {
      %mul3A_6 = arith.constant 1 : i32
      %mul3A_7 = arith.muli %scan3A_5, %mul3A_6 : i32
      %add3A_8 = arith.constant 0 : i32
      %add3A_9 = arith.addi %add3A_8, %mul3A_7 : i32
      %mul3A_10 = arith.constant 3200 : i32
      %mul3A_11 = arith.muli %add3A, %mul3A_10 : i32
      %mul3A_12 = arith.constant 640 : i32
      %mul3A_13 = arith.muli %add3A_9, %mul3A_12 : i32
      %add3A_14 = arith.addi %mul3A_11, %mul3A_13 : i32
      "tpu.region"() ({
        %run_scoped3A = tpu.sem_alloc : memref<!tpu.dma_semaphore, #tpu.memory_space<semaphore_mem>>
        %dma_start3A_19 = tpu.memref_slice %arg3[%add3A_14] : memref<102400xi32, #tpu.memory_space<hbm>> -> memref<640xi32, #tpu.memory_space<hbm>>
        %dma_start3A_20 = tpu.memref_slice %arg3[%add3A_14] : memref<102400xi32, #tpu.memory_space<hbm>> -> memref<640xi32, #tpu.memory_space<hbm>>
        tpu.enqueue_dma source(%dma_start3A_20 : memref<640xi32, #tpu.memory_space<hbm>>) target(%arg5 : memref<640xi32, #tpu.memory_space<vmem>>) target_semaphore(%run_scoped3A : memref<!tpu.dma_semaphore, #tpu.memory_space<semaphore_mem>>)
        %dma_wait3A_21 = tpu.memref_slice %arg3[%add3A_14] : memref<102400xi32, #tpu.memory_space<hbm>> -> memref<640xi32, #tpu.memory_space<hbm>>
        %dma_wait3A_22 = tpu.memref_slice %arg3[%add3A_14] : memref<102400xi32, #tpu.memory_space<hbm>> -> memref<640xi32, #tpu.memory_space<hbm>>
        tpu.wait_dma2 semaphore(%run_scoped3A : memref<!tpu.dma_semaphore, #tpu.memory_space<semaphore_mem>>) src(%dma_wait3A_22 : memref<640xi32, #tpu.memory_space<hbm>>) dst(%arg5 : memref<640xi32, #tpu.memory_space<vmem>>)
        tpu.yield
      }) : () -> ()
      %dma_start3A = arith.constant 0 : i32
      %dma_start3A_15 = arith.constant 0 : i32
      %dma_start3A_16 = tpu.memref_slice %arg2[%dma_start3A, %dma_start3A_15] : memref<1000000x64xf32, #tpu.memory_space<hbm>> -> memref<1000000x64xf32, #tpu.memory_space<hbm>>
      tpu.enqueue_indirect_dma source(%dma_start3A_16 : memref<1000000x64xf32, #tpu.memory_space<hbm>>) target(%arg6 : memref<640x64xf32, #tpu.memory_space<vmem>>) offsets(%arg5 : memref<640xi32, #tpu.memory_space<vmem>>) semaphore(%arg7 : memref<!tpu.dma_semaphore, #tpu.memory_space<semaphore_mem>>)
      %dma_wait3A = arith.constant 0 : i32
      %dma_wait3A_17 = arith.constant 0 : i32
      %dma_wait3A_18 = tpu.memref_slice %arg2[%dma_wait3A, %dma_wait3A_17] : memref<1000000x64xf32, #tpu.memory_space<hbm>> -> memref<1000000x64xf32, #tpu.memory_space<hbm>>
      tpu.wait_indirect_dma semaphore(%arg7 : memref<!tpu.dma_semaphore, #tpu.memory_space<semaphore_mem>>) src(%dma_wait3A_18 : memref<1000000x64xf32, #tpu.memory_space<hbm>>) dst(%arg6 : memref<640x64xf32, #tpu.memory_space<vmem>>)
      "tpu.region"() ({
        %run_scoped3A = tpu.sem_alloc : memref<!tpu.dma_semaphore, #tpu.memory_space<semaphore_mem>>
        %dma_start3A_19 = arith.constant 0 : i32
        %dma_start3A_20 = tpu.memref_slice %arg4[%add3A_14, %dma_start3A_19] : memref<102400x64xf32, #tpu.memory_space<hbm>> -> memref<640x64xf32, #tpu.memory_space<hbm>>
        %dma_start3A_21 = arith.constant 0 : i32
        %dma_start3A_22 = tpu.memref_slice %arg4[%add3A_14, %dma_start3A_21] : memref<102400x64xf32, #tpu.memory_space<hbm>> -> memref<640x64xf32, #tpu.memory_space<hbm>>
        tpu.enqueue_dma source(%arg6 : memref<640x64xf32, #tpu.memory_space<vmem>>) target(%dma_start3A_22 : memref<640x64xf32, #tpu.memory_space<hbm>>) target_semaphore(%run_scoped3A : memref<!tpu.dma_semaphore, #tpu.memory_space<semaphore_mem>>)
        %dma_wait3A_23 = arith.constant 0 : i32
        %dma_wait3A_24 = tpu.memref_slice %arg4[%add3A_14, %dma_wait3A_23] : memref<102400x64xf32, #tpu.memory_space<hbm>> -> memref<640x64xf32, #tpu.memory_space<hbm>>
        %dma_wait3A_25 = arith.constant 0 : i32
        %dma_wait3A_26 = tpu.memref_slice %arg4[%add3A_14, %dma_wait3A_25] : memref<102400x64xf32, #tpu.memory_space<hbm>> -> memref<640x64xf32, #tpu.memory_space<hbm>>
        tpu.wait_dma2 semaphore(%run_scoped3A : memref<!tpu.dma_semaphore, #tpu.memory_space<semaphore_mem>>) src(%arg6 : memref<640x64xf32, #tpu.memory_space<vmem>>) dst(%dma_wait3A_26 : memref<640x64xf32, #tpu.memory_space<hbm>>)
        tpu.yield
      }) : () -> ()
    }
    %scan3A_4 = arith.constant 5 : i32
    return
  }
}

#map = affine_map<(d0, d1) -> (0, 0)>
#map1 = affine_map<(d0, d1) -> (0)>
module attributes {stable_mosaic.version = 14 : i64} {
  func.func @k(%arg0: i32, %arg1: i32, %arg2: memref<1000000x64xf32, #tpu.memory_space<hbm>>, %arg3: memref<102400xi32, #tpu.memory_space<hbm>>, %arg4: memref<102400x64xf32, #tpu.memory_space<hbm>>, %arg5: memref<640xi32, #tpu.memory_space<vmem>>, %arg6: memref<640x64xf32, #tpu.memory_space<vmem>>, %arg7: memref<!tpu.dma_semaphore, #tpu.memory_space<semaphore_mem>>) attributes {dimension_semantics = [#tpu.dimension_semantics<core_parallel>, #tpu.dimension_semantics<subcore_parallel>], iteration_bounds = array<i64: 2, 16>, scalar_prefetch = 0 : i64, scratch_operands = 3 : i64, tpu.core_type = #tpu.core_type<sc_vector_subcore>, window_params = [{transform_indices = #map}, {transform_indices = #map1}, {transform_indices = #map}]} {
    %mul3A = arith.constant 2 : i32
    %mul3A_0 = arith.muli %arg1, %mul3A : i32
    %add3A = arith.addi %mul3A_0, %arg0 : i32
    %scan3A = arith.constant 0 : i32
    %scan3A_1 = arith.constant 5 : i32
    %scan3A_2 = arith.addi %scan3A, %scan3A_1 : i32
    %scan3A_3 = arith.constant 1 : i32
    scf.for %scan3A_5 = %scan3A to %scan3A_2 step %scan3A_3  : i32 {
      %mul3A_6 = arith.constant 1 : i32
      %mul3A_7 = arith.muli %scan3A_5, %mul3A_6 : i32
      %add3A_8 = arith.constant 0 : i32
      %add3A_9 = arith.addi %add3A_8, %mul3A_7 : i32
      %mul3A_10 = arith.constant 3200 : i32
      %mul3A_11 = arith.muli %add3A, %mul3A_10 : i32
      %mul3A_12 = arith.constant 640 : i32
      %mul3A_13 = arith.muli %add3A_9, %mul3A_12 : i32
      %add3A_14 = arith.addi %mul3A_11, %mul3A_13 : i32
      "tpu.region"() ({
        %run_scoped3A = tpu.sem_alloc : memref<!tpu.dma_semaphore, #tpu.memory_space<semaphore_mem>>
        %dma_start3A_19 = tpu.memref_slice %arg3[%add3A_14] : memref<102400xi32, #tpu.memory_space<hbm>> -> memref<640xi32, #tpu.memory_space<hbm>>
        %dma_start3A_20 = tpu.memref_slice %arg3[%add3A_14] : memref<102400xi32, #tpu.memory_space<hbm>> -> memref<640xi32, #tpu.memory_space<hbm>>
        tpu.enqueue_dma source(%dma_start3A_20 : memref<640xi32, #tpu.memory_space<hbm>>) target(%arg5 : memref<640xi32, #tpu.memory_space<vmem>>) target_semaphore(%run_scoped3A : memref<!tpu.dma_semaphore, #tpu.memory_space<semaphore_mem>>)
        %dma_wait3A_21 = tpu.memref_slice %arg3[%add3A_14] : memref<102400xi32, #tpu.memory_space<hbm>> -> memref<640xi32, #tpu.memory_space<hbm>>
        %dma_wait3A_22 = tpu.memref_slice %arg3[%add3A_14] : memref<102400xi32, #tpu.memory_space<hbm>> -> memref<640xi32, #tpu.memory_space<hbm>>
        tpu.wait_dma2 semaphore(%run_scoped3A : memref<!tpu.dma_semaphore, #tpu.memory_space<semaphore_mem>>) src(%dma_wait3A_22 : memref<640xi32, #tpu.memory_space<hbm>>) dst(%arg5 : memref<640xi32, #tpu.memory_space<vmem>>)
        tpu.yield
      }) : () -> ()
      %dma_start3A = arith.constant 0 : i32
      %dma_start3A_15 = arith.constant 0 : i32
      %dma_start3A_16 = tpu.memref_slice %arg2[%dma_start3A, %dma_start3A_15] : memref<1000000x64xf32, #tpu.memory_space<hbm>> -> memref<1000000x64xf32, #tpu.memory_space<hbm>>
      tpu.enqueue_indirect_dma source(%dma_start3A_16 : memref<1000000x64xf32, #tpu.memory_space<hbm>>) target(%arg6 : memref<640x64xf32, #tpu.memory_space<vmem>>) offsets(%arg5 : memref<640xi32, #tpu.memory_space<vmem>>) semaphore(%arg7 : memref<!tpu.dma_semaphore, #tpu.memory_space<semaphore_mem>>)
      %dma_wait3A = arith.constant 0 : i32
      %dma_wait3A_17 = arith.constant 0 : i32
      %dma_wait3A_18 = tpu.memref_slice %arg2[%dma_wait3A, %dma_wait3A_17] : memref<1000000x64xf32, #tpu.memory_space<hbm>> -> memref<1000000x64xf32, #tpu.memory_space<hbm>>
      tpu.wait_indirect_dma semaphore(%arg7 : memref<!tpu.dma_semaphore, #tpu.memory_space<semaphore_mem>>) src(%dma_wait3A_18 : memref<1000000x64xf32, #tpu.memory_space<hbm>>) dst(%arg6 : memref<640x64xf32, #tpu.memory_space<vmem>>)
      "tpu.region"() ({
        %run_scoped3A = tpu.sem_alloc : memref<!tpu.dma_semaphore, #tpu.memory_space<semaphore_mem>>
        %dma_start3A_19 = arith.constant 0 : i32
        %dma_start3A_20 = tpu.memref_slice %arg4[%add3A_14, %dma_start3A_19] : memref<102400x64xf32, #tpu.memory_space<hbm>> -> memref<640x64xf32, #tpu.memory_space<hbm>>
        %dma_start3A_21 = arith.constant 0 : i32
        %dma_start3A_22 = tpu.memref_slice %arg4[%add3A_14, %dma_start3A_21] : memref<102400x64xf32, #tpu.memory_space<hbm>> -> memref<640x64xf32, #tpu.memory_space<hbm>>
        tpu.enqueue_dma source(%arg6 : memref<640x64xf32, #tpu.memory_space<vmem>>) target(%dma_start3A_22 : memref<640x64xf32, #tpu.memory_space<hbm>>) target_semaphore(%run_scoped3A : memref<!tpu.dma_semaphore, #tpu.memory_space<semaphore_mem>>)
        %dma_wait3A_23 = arith.constant 0 : i32
        %dma_wait3A_24 = tpu.memref_slice %arg4[%add3A_14, %dma_wait3A_23] : memref<102400x64xf32, #tpu.memory_space<hbm>> -> memref<640x64xf32, #tpu.memory_space<hbm>>
        %dma_wait3A_25 = arith.constant 0 : i32
        %dma_wait3A_26 = tpu.memref_slice %arg4[%add3A_14, %dma_wait3A_25] : memref<102400x64xf32, #tpu.memory_space<hbm>> -> memref<640x64xf32, #tpu.memory_space<hbm>>
        tpu.wait_dma2 semaphore(%run_scoped3A : memref<!tpu.dma_semaphore, #tpu.memory_space<semaphore_mem>>) src(%arg6 : memref<640x64xf32, #tpu.memory_space<vmem>>) dst(%dma_wait3A_26 : memref<640x64xf32, #tpu.memory_space<hbm>>)
        tpu.yield
      }) : () -> ()
    }
    %scan3A_4 = arith.constant 5 : i32
    return
  }
}

#map = affine_map<(d0, d1) -> (0, 0)>
#map1 = affine_map<(d0, d1) -> (0)>
module attributes {stable_mosaic.version = 14 : i64} {
  func.func @k(%arg0: i32, %arg1: i32, %arg2: memref<1000000x64xf32, #tpu.memory_space<hbm>>, %arg3: memref<102400xi32, #tpu.memory_space<hbm>>, %arg4: memref<102400x64xf32, #tpu.memory_space<hbm>>, %arg5: memref<640xi32, #tpu.memory_space<vmem>>, %arg6: memref<640x64xf32, #tpu.memory_space<vmem>>, %arg7: memref<!tpu.dma_semaphore, #tpu.memory_space<semaphore_mem>>) attributes {dimension_semantics = [#tpu.dimension_semantics<core_parallel>, #tpu.dimension_semantics<subcore_parallel>], iteration_bounds = array<i64: 2, 16>, scalar_prefetch = 0 : i64, scratch_operands = 3 : i64, tpu.core_type = #tpu.core_type<sc_vector_subcore>, window_params = [{transform_indices = #map}, {transform_indices = #map1}, {transform_indices = #map}]} {
    %mul3A = arith.constant 2 : i32
    %mul3A_0 = arith.muli %arg1, %mul3A : i32
    %add3A = arith.addi %mul3A_0, %arg0 : i32
    %scan3A = arith.constant 0 : i32
    %scan3A_1 = arith.constant 5 : i32
    %scan3A_2 = arith.addi %scan3A, %scan3A_1 : i32
    %scan3A_3 = arith.constant 1 : i32
    scf.for %scan3A_5 = %scan3A to %scan3A_2 step %scan3A_3  : i32 {
      %mul3A_6 = arith.constant 1 : i32
      %mul3A_7 = arith.muli %scan3A_5, %mul3A_6 : i32
      %add3A_8 = arith.constant 0 : i32
      %add3A_9 = arith.addi %add3A_8, %mul3A_7 : i32
      %mul3A_10 = arith.constant 3200 : i32
      %mul3A_11 = arith.muli %add3A, %mul3A_10 : i32
      %mul3A_12 = arith.constant 640 : i32
      %mul3A_13 = arith.muli %add3A_9, %mul3A_12 : i32
      %add3A_14 = arith.addi %mul3A_11, %mul3A_13 : i32
      "tpu.region"() ({
        %run_scoped3A = tpu.sem_alloc : memref<!tpu.dma_semaphore, #tpu.memory_space<semaphore_mem>>
        %dma_start3A_19 = tpu.memref_slice %arg3[%add3A_14] : memref<102400xi32, #tpu.memory_space<hbm>> -> memref<640xi32, #tpu.memory_space<hbm>>
        %dma_start3A_20 = tpu.memref_slice %arg3[%add3A_14] : memref<102400xi32, #tpu.memory_space<hbm>> -> memref<640xi32, #tpu.memory_space<hbm>>
        tpu.enqueue_dma source(%dma_start3A_20 : memref<640xi32, #tpu.memory_space<hbm>>) target(%arg5 : memref<640xi32, #tpu.memory_space<vmem>>) target_semaphore(%run_scoped3A : memref<!tpu.dma_semaphore, #tpu.memory_space<semaphore_mem>>)
        %dma_wait3A_21 = tpu.memref_slice %arg3[%add3A_14] : memref<102400xi32, #tpu.memory_space<hbm>> -> memref<640xi32, #tpu.memory_space<hbm>>
        %dma_wait3A_22 = tpu.memref_slice %arg3[%add3A_14] : memref<102400xi32, #tpu.memory_space<hbm>> -> memref<640xi32, #tpu.memory_space<hbm>>
        tpu.wait_dma2 semaphore(%run_scoped3A : memref<!tpu.dma_semaphore, #tpu.memory_space<semaphore_mem>>) src(%dma_wait3A_22 : memref<640xi32, #tpu.memory_space<hbm>>) dst(%arg5 : memref<640xi32, #tpu.memory_space<vmem>>)
        tpu.yield
      }) : () -> ()
      %dma_start3A = arith.constant 0 : i32
      %dma_start3A_15 = arith.constant 0 : i32
      %dma_start3A_16 = tpu.memref_slice %arg2[%dma_start3A, %dma_start3A_15] : memref<1000000x64xf32, #tpu.memory_space<hbm>> -> memref<1000000x64xf32, #tpu.memory_space<hbm>>
      tpu.enqueue_indirect_dma source(%dma_start3A_16 : memref<1000000x64xf32, #tpu.memory_space<hbm>>) target(%arg6 : memref<640x64xf32, #tpu.memory_space<vmem>>) offsets(%arg5 : memref<640xi32, #tpu.memory_space<vmem>>) semaphore(%arg7 : memref<!tpu.dma_semaphore, #tpu.memory_space<semaphore_mem>>)
      %dma_wait3A = arith.constant 0 : i32
      %dma_wait3A_17 = arith.constant 0 : i32
      %dma_wait3A_18 = tpu.memref_slice %arg2[%dma_wait3A, %dma_wait3A_17] : memref<1000000x64xf32, #tpu.memory_space<hbm>> -> memref<1000000x64xf32, #tpu.memory_space<hbm>>
      tpu.wait_indirect_dma semaphore(%arg7 : memref<!tpu.dma_semaphore, #tpu.memory_space<semaphore_mem>>) src(%dma_wait3A_18 : memref<1000000x64xf32, #tpu.memory_space<hbm>>) dst(%arg6 : memref<640x64xf32, #tpu.memory_space<vmem>>)
      "tpu.region"() ({
        %run_scoped3A = tpu.sem_alloc : memref<!tpu.dma_semaphore, #tpu.memory_space<semaphore_mem>>
        %dma_start3A_19 = arith.constant 0 : i32
        %dma_start3A_20 = tpu.memref_slice %arg4[%add3A_14, %dma_start3A_19] : memref<102400x64xf32, #tpu.memory_space<hbm>> -> memref<640x64xf32, #tpu.memory_space<hbm>>
        %dma_start3A_21 = arith.constant 0 : i32
        %dma_start3A_22 = tpu.memref_slice %arg4[%add3A_14, %dma_start3A_21] : memref<102400x64xf32, #tpu.memory_space<hbm>> -> memref<640x64xf32, #tpu.memory_space<hbm>>
        tpu.enqueue_dma source(%arg6 : memref<640x64xf32, #tpu.memory_space<vmem>>) target(%dma_start3A_22 : memref<640x64xf32, #tpu.memory_space<hbm>>) target_semaphore(%run_scoped3A : memref<!tpu.dma_semaphore, #tpu.memory_space<semaphore_mem>>)
        %dma_wait3A_23 = arith.constant 0 : i32
        %dma_wait3A_24 = tpu.memref_slice %arg4[%add3A_14, %dma_wait3A_23] : memref<102400x64xf32, #tpu.memory_space<hbm>> -> memref<640x64xf32, #tpu.memory_space<hbm>>
        %dma_wait3A_25 = arith.constant 0 : i32
        %dma_wait3A_26 = tpu.memref_slice %arg4[%add3A_14, %dma_wait3A_25] : memref<102400x64xf32, #tpu.memory_space<hbm>> -> memref<640x64xf32, #tpu.memory_space<hbm>>
        tpu.wait_dma2 semaphore(%run_scoped3A : memref<!tpu.dma_semaphore, #tpu.memory_space<semaphore_mem>>) src(%arg6 : memref<640x64xf32, #tpu.memory_space<vmem>>) dst(%dma_wait3A_26 : memref<640x64xf32, #tpu.memory_space<hbm>>)
        tpu.yield
      }) : () -> ()
    }
    %scan3A_4 = arith.constant 5 : i32
    return
  }
}

#map = affine_map<(d0, d1) -> (0, 0)>
#map1 = affine_map<(d0, d1) -> (0)>
module attributes {stable_mosaic.version = 14 : i64} {
  func.func @k(%arg0: i32, %arg1: i32, %arg2: memref<1000000x64xf32, #tpu.memory_space<hbm>>, %arg3: memref<102400xi32, #tpu.memory_space<hbm>>, %arg4: memref<102400x64xf32, #tpu.memory_space<hbm>>, %arg5: memref<640xi32, #tpu.memory_space<vmem>>, %arg6: memref<640x64xf32, #tpu.memory_space<vmem>>, %arg7: memref<!tpu.dma_semaphore, #tpu.memory_space<semaphore_mem>>) attributes {dimension_semantics = [#tpu.dimension_semantics<core_parallel>, #tpu.dimension_semantics<subcore_parallel>], iteration_bounds = array<i64: 2, 16>, scalar_prefetch = 0 : i64, scratch_operands = 3 : i64, tpu.core_type = #tpu.core_type<sc_vector_subcore>, window_params = [{transform_indices = #map}, {transform_indices = #map1}, {transform_indices = #map}]} {
    %mul3A = arith.constant 2 : i32
    %mul3A_0 = arith.muli %arg1, %mul3A : i32
    %add3A = arith.addi %mul3A_0, %arg0 : i32
    %scan3A = arith.constant 0 : i32
    %scan3A_1 = arith.constant 5 : i32
    %scan3A_2 = arith.addi %scan3A, %scan3A_1 : i32
    %scan3A_3 = arith.constant 1 : i32
    scf.for %scan3A_5 = %scan3A to %scan3A_2 step %scan3A_3  : i32 {
      %mul3A_6 = arith.constant 1 : i32
      %mul3A_7 = arith.muli %scan3A_5, %mul3A_6 : i32
      %add3A_8 = arith.constant 0 : i32
      %add3A_9 = arith.addi %add3A_8, %mul3A_7 : i32
      %mul3A_10 = arith.constant 3200 : i32
      %mul3A_11 = arith.muli %add3A, %mul3A_10 : i32
      %mul3A_12 = arith.constant 640 : i32
      %mul3A_13 = arith.muli %add3A_9, %mul3A_12 : i32
      %add3A_14 = arith.addi %mul3A_11, %mul3A_13 : i32
      "tpu.region"() ({
        %run_scoped3A = tpu.sem_alloc : memref<!tpu.dma_semaphore, #tpu.memory_space<semaphore_mem>>
        %dma_start3A_19 = tpu.memref_slice %arg3[%add3A_14] : memref<102400xi32, #tpu.memory_space<hbm>> -> memref<640xi32, #tpu.memory_space<hbm>>
        %dma_start3A_20 = tpu.memref_slice %arg3[%add3A_14] : memref<102400xi32, #tpu.memory_space<hbm>> -> memref<640xi32, #tpu.memory_space<hbm>>
        tpu.enqueue_dma source(%dma_start3A_20 : memref<640xi32, #tpu.memory_space<hbm>>) target(%arg5 : memref<640xi32, #tpu.memory_space<vmem>>) target_semaphore(%run_scoped3A : memref<!tpu.dma_semaphore, #tpu.memory_space<semaphore_mem>>)
        %dma_wait3A_21 = tpu.memref_slice %arg3[%add3A_14] : memref<102400xi32, #tpu.memory_space<hbm>> -> memref<640xi32, #tpu.memory_space<hbm>>
        %dma_wait3A_22 = tpu.memref_slice %arg3[%add3A_14] : memref<102400xi32, #tpu.memory_space<hbm>> -> memref<640xi32, #tpu.memory_space<hbm>>
        tpu.wait_dma2 semaphore(%run_scoped3A : memref<!tpu.dma_semaphore, #tpu.memory_space<semaphore_mem>>) src(%dma_wait3A_22 : memref<640xi32, #tpu.memory_space<hbm>>) dst(%arg5 : memref<640xi32, #tpu.memory_space<vmem>>)
        tpu.yield
      }) : () -> ()
      %dma_start3A = arith.constant 0 : i32
      %dma_start3A_15 = arith.constant 0 : i32
      %dma_start3A_16 = tpu.memref_slice %arg2[%dma_start3A, %dma_start3A_15] : memref<1000000x64xf32, #tpu.memory_space<hbm>> -> memref<1000000x64xf32, #tpu.memory_space<hbm>>
      tpu.enqueue_indirect_dma source(%dma_start3A_16 : memref<1000000x64xf32, #tpu.memory_space<hbm>>) target(%arg6 : memref<640x64xf32, #tpu.memory_space<vmem>>) offsets(%arg5 : memref<640xi32, #tpu.memory_space<vmem>>) semaphore(%arg7 : memref<!tpu.dma_semaphore, #tpu.memory_space<semaphore_mem>>)
      %dma_wait3A = arith.constant 0 : i32
      %dma_wait3A_17 = arith.constant 0 : i32
      %dma_wait3A_18 = tpu.memref_slice %arg2[%dma_wait3A, %dma_wait3A_17] : memref<1000000x64xf32, #tpu.memory_space<hbm>> -> memref<1000000x64xf32, #tpu.memory_space<hbm>>
      tpu.wait_indirect_dma semaphore(%arg7 : memref<!tpu.dma_semaphore, #tpu.memory_space<semaphore_mem>>) src(%dma_wait3A_18 : memref<1000000x64xf32, #tpu.memory_space<hbm>>) dst(%arg6 : memref<640x64xf32, #tpu.memory_space<vmem>>)
      "tpu.region"() ({
        %run_scoped3A = tpu.sem_alloc : memref<!tpu.dma_semaphore, #tpu.memory_space<semaphore_mem>>
        %dma_start3A_19 = arith.constant 0 : i32
        %dma_start3A_20 = tpu.memref_slice %arg4[%add3A_14, %dma_start3A_19] : memref<102400x64xf32, #tpu.memory_space<hbm>> -> memref<640x64xf32, #tpu.memory_space<hbm>>
        %dma_start3A_21 = arith.constant 0 : i32
        %dma_start3A_22 = tpu.memref_slice %arg4[%add3A_14, %dma_start3A_21] : memref<102400x64xf32, #tpu.memory_space<hbm>> -> memref<640x64xf32, #tpu.memory_space<hbm>>
        tpu.enqueue_dma source(%arg6 : memref<640x64xf32, #tpu.memory_space<vmem>>) target(%dma_start3A_22 : memref<640x64xf32, #tpu.memory_space<hbm>>) target_semaphore(%run_scoped3A : memref<!tpu.dma_semaphore, #tpu.memory_space<semaphore_mem>>)
        %dma_wait3A_23 = arith.constant 0 : i32
        %dma_wait3A_24 = tpu.memref_slice %arg4[%add3A_14, %dma_wait3A_23] : memref<102400x64xf32, #tpu.memory_space<hbm>> -> memref<640x64xf32, #tpu.memory_space<hbm>>
        %dma_wait3A_25 = arith.constant 0 : i32
        %dma_wait3A_26 = tpu.memref_slice %arg4[%add3A_14, %dma_wait3A_25] : memref<102400x64xf32, #tpu.memory_space<hbm>> -> memref<640x64xf32, #tpu.memory_space<hbm>>
        tpu.wait_dma2 semaphore(%run_scoped3A : memref<!tpu.dma_semaphore, #tpu.memory_space<semaphore_mem>>) src(%arg6 : memref<640x64xf32, #tpu.memory_space<vmem>>) dst(%dma_wait3A_26 : memref<640x64xf32, #tpu.memory_space<hbm>>)
        tpu.yield
      }) : () -> ()
    }
    %scan3A_4 = arith.constant 5 : i32
    return
  }
}

#map = affine_map<(d0, d1) -> (0, 0)>
#map1 = affine_map<(d0, d1) -> (0)>
module attributes {stable_mosaic.version = 14 : i64} {
  func.func @k(%arg0: i32, %arg1: i32, %arg2: memref<1000000x64xf32, #tpu.memory_space<hbm>>, %arg3: memref<102400xi32, #tpu.memory_space<hbm>>, %arg4: memref<102400x64xf32, #tpu.memory_space<hbm>>, %arg5: memref<640xi32, #tpu.memory_space<vmem>>, %arg6: memref<640x64xf32, #tpu.memory_space<vmem>>, %arg7: memref<!tpu.dma_semaphore, #tpu.memory_space<semaphore_mem>>) attributes {dimension_semantics = [#tpu.dimension_semantics<core_parallel>, #tpu.dimension_semantics<subcore_parallel>], iteration_bounds = array<i64: 2, 16>, scalar_prefetch = 0 : i64, scratch_operands = 3 : i64, tpu.core_type = #tpu.core_type<sc_vector_subcore>, window_params = [{transform_indices = #map}, {transform_indices = #map1}, {transform_indices = #map}]} {
    %mul3A = arith.constant 2 : i32
    %mul3A_0 = arith.muli %arg1, %mul3A : i32
    %add3A = arith.addi %mul3A_0, %arg0 : i32
    %scan3A = arith.constant 0 : i32
    %scan3A_1 = arith.constant 5 : i32
    %scan3A_2 = arith.addi %scan3A, %scan3A_1 : i32
    %scan3A_3 = arith.constant 1 : i32
    scf.for %scan3A_5 = %scan3A to %scan3A_2 step %scan3A_3  : i32 {
      %mul3A_6 = arith.constant 1 : i32
      %mul3A_7 = arith.muli %scan3A_5, %mul3A_6 : i32
      %add3A_8 = arith.constant 0 : i32
      %add3A_9 = arith.addi %add3A_8, %mul3A_7 : i32
      %mul3A_10 = arith.constant 3200 : i32
      %mul3A_11 = arith.muli %add3A, %mul3A_10 : i32
      %mul3A_12 = arith.constant 640 : i32
      %mul3A_13 = arith.muli %add3A_9, %mul3A_12 : i32
      %add3A_14 = arith.addi %mul3A_11, %mul3A_13 : i32
      "tpu.region"() ({
        %run_scoped3A = tpu.sem_alloc : memref<!tpu.dma_semaphore, #tpu.memory_space<semaphore_mem>>
        %dma_start3A_19 = tpu.memref_slice %arg3[%add3A_14] : memref<102400xi32, #tpu.memory_space<hbm>> -> memref<640xi32, #tpu.memory_space<hbm>>
        %dma_start3A_20 = tpu.memref_slice %arg3[%add3A_14] : memref<102400xi32, #tpu.memory_space<hbm>> -> memref<640xi32, #tpu.memory_space<hbm>>
        tpu.enqueue_dma source(%dma_start3A_20 : memref<640xi32, #tpu.memory_space<hbm>>) target(%arg5 : memref<640xi32, #tpu.memory_space<vmem>>) target_semaphore(%run_scoped3A : memref<!tpu.dma_semaphore, #tpu.memory_space<semaphore_mem>>)
        %dma_wait3A_21 = tpu.memref_slice %arg3[%add3A_14] : memref<102400xi32, #tpu.memory_space<hbm>> -> memref<640xi32, #tpu.memory_space<hbm>>
        %dma_wait3A_22 = tpu.memref_slice %arg3[%add3A_14] : memref<102400xi32, #tpu.memory_space<hbm>> -> memref<640xi32, #tpu.memory_space<hbm>>
        tpu.wait_dma2 semaphore(%run_scoped3A : memref<!tpu.dma_semaphore, #tpu.memory_space<semaphore_mem>>) src(%dma_wait3A_22 : memref<640xi32, #tpu.memory_space<hbm>>) dst(%arg5 : memref<640xi32, #tpu.memory_space<vmem>>)
        tpu.yield
      }) : () -> ()
      %dma_start3A = arith.constant 0 : i32
      %dma_start3A_15 = arith.constant 0 : i32
      %dma_start3A_16 = tpu.memref_slice %arg2[%dma_start3A, %dma_start3A_15] : memref<1000000x64xf32, #tpu.memory_space<hbm>> -> memref<1000000x64xf32, #tpu.memory_space<hbm>>
      tpu.enqueue_indirect_dma source(%dma_start3A_16 : memref<1000000x64xf32, #tpu.memory_space<hbm>>) target(%arg6 : memref<640x64xf32, #tpu.memory_space<vmem>>) offsets(%arg5 : memref<640xi32, #tpu.memory_space<vmem>>) semaphore(%arg7 : memref<!tpu.dma_semaphore, #tpu.memory_space<semaphore_mem>>)
      %dma_wait3A = arith.constant 0 : i32
      %dma_wait3A_17 = arith.constant 0 : i32
      %dma_wait3A_18 = tpu.memref_slice %arg2[%dma_wait3A, %dma_wait3A_17] : memref<1000000x64xf32, #tpu.memory_space<hbm>> -> memref<1000000x64xf32, #tpu.memory_space<hbm>>
      tpu.wait_indirect_dma semaphore(%arg7 : memref<!tpu.dma_semaphore, #tpu.memory_space<semaphore_mem>>) src(%dma_wait3A_18 : memref<1000000x64xf32, #tpu.memory_space<hbm>>) dst(%arg6 : memref<640x64xf32, #tpu.memory_space<vmem>>)
      "tpu.region"() ({
        %run_scoped3A = tpu.sem_alloc : memref<!tpu.dma_semaphore, #tpu.memory_space<semaphore_mem>>
        %dma_start3A_19 = arith.constant 0 : i32
        %dma_start3A_20 = tpu.memref_slice %arg4[%add3A_14, %dma_start3A_19] : memref<102400x64xf32, #tpu.memory_space<hbm>> -> memref<640x64xf32, #tpu.memory_space<hbm>>
        %dma_start3A_21 = arith.constant 0 : i32
        %dma_start3A_22 = tpu.memref_slice %arg4[%add3A_14, %dma_start3A_21] : memref<102400x64xf32, #tpu.memory_space<hbm>> -> memref<640x64xf32, #tpu.memory_space<hbm>>
        tpu.enqueue_dma source(%arg6 : memref<640x64xf32, #tpu.memory_space<vmem>>) target(%dma_start3A_22 : memref<640x64xf32, #tpu.memory_space<hbm>>) target_semaphore(%run_scoped3A : memref<!tpu.dma_semaphore, #tpu.memory_space<semaphore_mem>>)
        %dma_wait3A_23 = arith.constant 0 : i32
        %dma_wait3A_24 = tpu.memref_slice %arg4[%add3A_14, %dma_wait3A_23] : memref<102400x64xf32, #tpu.memory_space<hbm>> -> memref<640x64xf32, #tpu.memory_space<hbm>>
        %dma_wait3A_25 = arith.constant 0 : i32
        %dma_wait3A_26 = tpu.memref_slice %arg4[%add3A_14, %dma_wait3A_25] : memref<102400x64xf32, #tpu.memory_space<hbm>> -> memref<640x64xf32, #tpu.memory_space<hbm>>
        tpu.wait_dma2 semaphore(%run_scoped3A : memref<!tpu.dma_semaphore, #tpu.memory_space<semaphore_mem>>) src(%arg6 : memref<640x64xf32, #tpu.memory_space<vmem>>) dst(%dma_wait3A_26 : memref<640x64xf32, #tpu.memory_space<hbm>>)
        tpu.yield
      }) : () -> ()
    }
    %scan3A_4 = arith.constant 5 : i32
    return
  }
}

#map = affine_map<(d0, d1) -> (0, 0)>
#map1 = affine_map<(d0, d1) -> (0)>
module attributes {stable_mosaic.version = 14 : i64} {
  func.func @k(%arg0: i32, %arg1: i32, %arg2: memref<1000000x64xf32, #tpu.memory_space<hbm>>, %arg3: memref<102400xi32, #tpu.memory_space<hbm>>, %arg4: memref<102400x64xf32, #tpu.memory_space<hbm>>, %arg5: memref<640xi32, #tpu.memory_space<vmem>>, %arg6: memref<640x64xf32, #tpu.memory_space<vmem>>, %arg7: memref<!tpu.dma_semaphore, #tpu.memory_space<semaphore_mem>>) attributes {dimension_semantics = [#tpu.dimension_semantics<core_parallel>, #tpu.dimension_semantics<subcore_parallel>], iteration_bounds = array<i64: 2, 16>, scalar_prefetch = 0 : i64, scratch_operands = 3 : i64, tpu.core_type = #tpu.core_type<sc_vector_subcore>, window_params = [{transform_indices = #map}, {transform_indices = #map1}, {transform_indices = #map}]} {
    %mul3A = arith.constant 2 : i32
    %mul3A_0 = arith.muli %arg1, %mul3A : i32
    %add3A = arith.addi %mul3A_0, %arg0 : i32
    %scan3A = arith.constant 0 : i32
    %scan3A_1 = arith.constant 5 : i32
    %scan3A_2 = arith.addi %scan3A, %scan3A_1 : i32
    %scan3A_3 = arith.constant 1 : i32
    scf.for %scan3A_5 = %scan3A to %scan3A_2 step %scan3A_3  : i32 {
      %mul3A_6 = arith.constant 1 : i32
      %mul3A_7 = arith.muli %scan3A_5, %mul3A_6 : i32
      %add3A_8 = arith.constant 0 : i32
      %add3A_9 = arith.addi %add3A_8, %mul3A_7 : i32
      %mul3A_10 = arith.constant 3200 : i32
      %mul3A_11 = arith.muli %add3A, %mul3A_10 : i32
      %mul3A_12 = arith.constant 640 : i32
      %mul3A_13 = arith.muli %add3A_9, %mul3A_12 : i32
      %add3A_14 = arith.addi %mul3A_11, %mul3A_13 : i32
      "tpu.region"() ({
        %run_scoped3A = tpu.sem_alloc : memref<!tpu.dma_semaphore, #tpu.memory_space<semaphore_mem>>
        %dma_start3A_19 = tpu.memref_slice %arg3[%add3A_14] : memref<102400xi32, #tpu.memory_space<hbm>> -> memref<640xi32, #tpu.memory_space<hbm>>
        %dma_start3A_20 = tpu.memref_slice %arg3[%add3A_14] : memref<102400xi32, #tpu.memory_space<hbm>> -> memref<640xi32, #tpu.memory_space<hbm>>
        tpu.enqueue_dma source(%dma_start3A_20 : memref<640xi32, #tpu.memory_space<hbm>>) target(%arg5 : memref<640xi32, #tpu.memory_space<vmem>>) target_semaphore(%run_scoped3A : memref<!tpu.dma_semaphore, #tpu.memory_space<semaphore_mem>>)
        %dma_wait3A_21 = tpu.memref_slice %arg3[%add3A_14] : memref<102400xi32, #tpu.memory_space<hbm>> -> memref<640xi32, #tpu.memory_space<hbm>>
        %dma_wait3A_22 = tpu.memref_slice %arg3[%add3A_14] : memref<102400xi32, #tpu.memory_space<hbm>> -> memref<640xi32, #tpu.memory_space<hbm>>
        tpu.wait_dma2 semaphore(%run_scoped3A : memref<!tpu.dma_semaphore, #tpu.memory_space<semaphore_mem>>) src(%dma_wait3A_22 : memref<640xi32, #tpu.memory_space<hbm>>) dst(%arg5 : memref<640xi32, #tpu.memory_space<vmem>>)
        tpu.yield
      }) : () -> ()
      %dma_start3A = arith.constant 0 : i32
      %dma_start3A_15 = arith.constant 0 : i32
      %dma_start3A_16 = tpu.memref_slice %arg2[%dma_start3A, %dma_start3A_15] : memref<1000000x64xf32, #tpu.memory_space<hbm>> -> memref<1000000x64xf32, #tpu.memory_space<hbm>>
      tpu.enqueue_indirect_dma source(%dma_start3A_16 : memref<1000000x64xf32, #tpu.memory_space<hbm>>) target(%arg6 : memref<640x64xf32, #tpu.memory_space<vmem>>) offsets(%arg5 : memref<640xi32, #tpu.memory_space<vmem>>) semaphore(%arg7 : memref<!tpu.dma_semaphore, #tpu.memory_space<semaphore_mem>>)
      %dma_wait3A = arith.constant 0 : i32
      %dma_wait3A_17 = arith.constant 0 : i32
      %dma_wait3A_18 = tpu.memref_slice %arg2[%dma_wait3A, %dma_wait3A_17] : memref<1000000x64xf32, #tpu.memory_space<hbm>> -> memref<1000000x64xf32, #tpu.memory_space<hbm>>
      tpu.wait_indirect_dma semaphore(%arg7 : memref<!tpu.dma_semaphore, #tpu.memory_space<semaphore_mem>>) src(%dma_wait3A_18 : memref<1000000x64xf32, #tpu.memory_space<hbm>>) dst(%arg6 : memref<640x64xf32, #tpu.memory_space<vmem>>)
      "tpu.region"() ({
        %run_scoped3A = tpu.sem_alloc : memref<!tpu.dma_semaphore, #tpu.memory_space<semaphore_mem>>
        %dma_start3A_19 = arith.constant 0 : i32
        %dma_start3A_20 = tpu.memref_slice %arg4[%add3A_14, %dma_start3A_19] : memref<102400x64xf32, #tpu.memory_space<hbm>> -> memref<640x64xf32, #tpu.memory_space<hbm>>
        %dma_start3A_21 = arith.constant 0 : i32
        %dma_start3A_22 = tpu.memref_slice %arg4[%add3A_14, %dma_start3A_21] : memref<102400x64xf32, #tpu.memory_space<hbm>> -> memref<640x64xf32, #tpu.memory_space<hbm>>
        tpu.enqueue_dma source(%arg6 : memref<640x64xf32, #tpu.memory_space<vmem>>) target(%dma_start3A_22 : memref<640x64xf32, #tpu.memory_space<hbm>>) target_semaphore(%run_scoped3A : memref<!tpu.dma_semaphore, #tpu.memory_space<semaphore_mem>>)
        %dma_wait3A_23 = arith.constant 0 : i32
        %dma_wait3A_24 = tpu.memref_slice %arg4[%add3A_14, %dma_wait3A_23] : memref<102400x64xf32, #tpu.memory_space<hbm>> -> memref<640x64xf32, #tpu.memory_space<hbm>>
        %dma_wait3A_25 = arith.constant 0 : i32
        %dma_wait3A_26 = tpu.memref_slice %arg4[%add3A_14, %dma_wait3A_25] : memref<102400x64xf32, #tpu.memory_space<hbm>> -> memref<640x64xf32, #tpu.memory_space<hbm>>
        tpu.wait_dma2 semaphore(%run_scoped3A : memref<!tpu.dma_semaphore, #tpu.memory_space<semaphore_mem>>) src(%arg6 : memref<640x64xf32, #tpu.memory_space<vmem>>) dst(%dma_wait3A_26 : memref<640x64xf32, #tpu.memory_space<hbm>>)
        tpu.yield
      }) : () -> ()
    }
    %scan3A_4 = arith.constant 5 : i32
    return
  }
}

#map = affine_map<(d0, d1) -> (0, 0)>
#map1 = affine_map<(d0, d1) -> (0)>
module attributes {stable_mosaic.version = 14 : i64} {
  func.func @k(%arg0: i32, %arg1: i32, %arg2: memref<4096x64xf32, #tpu.memory_space<hbm>>, %arg3: memref<32768xi32, #tpu.memory_space<hbm>>, %arg4: memref<32768x64xf32, #tpu.memory_space<hbm>>, %arg5: memref<1024xi32, #tpu.memory_space<vmem>>, %arg6: memref<1024x64xf32, #tpu.memory_space<vmem>>, %arg7: memref<!tpu.dma_semaphore, #tpu.memory_space<semaphore_mem>>) attributes {dimension_semantics = [#tpu.dimension_semantics<core_parallel>, #tpu.dimension_semantics<subcore_parallel>], iteration_bounds = array<i64: 2, 16>, scalar_prefetch = 0 : i64, scratch_operands = 3 : i64, tpu.core_type = #tpu.core_type<sc_vector_subcore>, window_params = [{transform_indices = #map}, {transform_indices = #map1}, {transform_indices = #map}]} {
    %mul3A = arith.constant 2 : i32
    %mul3A_0 = arith.muli %arg1, %mul3A : i32
    %add3A = arith.addi %mul3A_0, %arg0 : i32
    %scan3A = arith.constant 0 : i32
    %mul3A_1 = arith.constant 1 : i32
    %mul3A_2 = arith.muli %scan3A, %mul3A_1 : i32
    %add3A_3 = arith.constant 0 : i32
    %add3A_4 = arith.addi %add3A_3, %mul3A_2 : i32
    %mul3A_5 = arith.constant 1024 : i32
    %mul3A_6 = arith.muli %add3A, %mul3A_5 : i32
    %mul3A_7 = arith.constant 1024 : i32
    %mul3A_8 = arith.muli %add3A_4, %mul3A_7 : i32
    %add3A_9 = arith.addi %mul3A_6, %mul3A_8 : i32
    "tpu.region"() ({
      %run_scoped3A = tpu.sem_alloc : memref<!tpu.dma_semaphore, #tpu.memory_space<semaphore_mem>>
      %dma_start3A_15 = tpu.memref_slice %arg3[%add3A_9] : memref<32768xi32, #tpu.memory_space<hbm>> -> memref<1024xi32, #tpu.memory_space<hbm>>
      %dma_start3A_16 = tpu.memref_slice %arg3[%add3A_9] : memref<32768xi32, #tpu.memory_space<hbm>> -> memref<1024xi32, #tpu.memory_space<hbm>>
      tpu.enqueue_dma source(%dma_start3A_16 : memref<1024xi32, #tpu.memory_space<hbm>>) target(%arg5 : memref<1024xi32, #tpu.memory_space<vmem>>) target_semaphore(%run_scoped3A : memref<!tpu.dma_semaphore, #tpu.memory_space<semaphore_mem>>)
      %dma_wait3A_17 = tpu.memref_slice %arg3[%add3A_9] : memref<32768xi32, #tpu.memory_space<hbm>> -> memref<1024xi32, #tpu.memory_space<hbm>>
      %dma_wait3A_18 = tpu.memref_slice %arg3[%add3A_9] : memref<32768xi32, #tpu.memory_space<hbm>> -> memref<1024xi32, #tpu.memory_space<hbm>>
      tpu.wait_dma2 semaphore(%run_scoped3A : memref<!tpu.dma_semaphore, #tpu.memory_space<semaphore_mem>>) src(%dma_wait3A_18 : memref<1024xi32, #tpu.memory_space<hbm>>) dst(%arg5 : memref<1024xi32, #tpu.memory_space<vmem>>)
      tpu.yield
    }) : () -> ()
    %dma_start3A = arith.constant 0 : i32
    %dma_start3A_10 = arith.constant 0 : i32
    %dma_start3A_11 = tpu.memref_slice %arg2[%dma_start3A, %dma_start3A_10] : memref<4096x64xf32, #tpu.memory_space<hbm>> -> memref<4096x64xf32, #tpu.memory_space<hbm>>
    tpu.enqueue_indirect_dma source(%dma_start3A_11 : memref<4096x64xf32, #tpu.memory_space<hbm>>) target(%arg6 : memref<1024x64xf32, #tpu.memory_space<vmem>>) offsets(%arg5 : memref<1024xi32, #tpu.memory_space<vmem>>) semaphore(%arg7 : memref<!tpu.dma_semaphore, #tpu.memory_space<semaphore_mem>>)
    %dma_wait3A = arith.constant 0 : i32
    %dma_wait3A_12 = arith.constant 0 : i32
    %dma_wait3A_13 = tpu.memref_slice %arg2[%dma_wait3A, %dma_wait3A_12] : memref<4096x64xf32, #tpu.memory_space<hbm>> -> memref<4096x64xf32, #tpu.memory_space<hbm>>
    tpu.wait_indirect_dma semaphore(%arg7 : memref<!tpu.dma_semaphore, #tpu.memory_space<semaphore_mem>>) src(%dma_wait3A_13 : memref<4096x64xf32, #tpu.memory_space<hbm>>) dst(%arg6 : memref<1024x64xf32, #tpu.memory_space<vmem>>)
    "tpu.region"() ({
      %run_scoped3A = tpu.sem_alloc : memref<!tpu.dma_semaphore, #tpu.memory_space<semaphore_mem>>
      %dma_start3A_15 = arith.constant 0 : i32
      %dma_start3A_16 = tpu.memref_slice %arg4[%add3A_9, %dma_start3A_15] : memref<32768x64xf32, #tpu.memory_space<hbm>> -> memref<1024x64xf32, #tpu.memory_space<hbm>>
      %dma_start3A_17 = arith.constant 0 : i32
      %dma_start3A_18 = tpu.memref_slice %arg4[%add3A_9, %dma_start3A_17] : memref<32768x64xf32, #tpu.memory_space<hbm>> -> memref<1024x64xf32, #tpu.memory_space<hbm>>
      tpu.enqueue_dma source(%arg6 : memref<1024x64xf32, #tpu.memory_space<vmem>>) target(%dma_start3A_18 : memref<1024x64xf32, #tpu.memory_space<hbm>>) target_semaphore(%run_scoped3A : memref<!tpu.dma_semaphore, #tpu.memory_space<semaphore_mem>>)
      %dma_wait3A_19 = arith.constant 0 : i32
      %dma_wait3A_20 = tpu.memref_slice %arg4[%add3A_9, %dma_wait3A_19] : memref<32768x64xf32, #tpu.memory_space<hbm>> -> memref<1024x64xf32, #tpu.memory_space<hbm>>
      %dma_wait3A_21 = arith.constant 0 : i32
      %dma_wait3A_22 = tpu.memref_slice %arg4[%add3A_9, %dma_wait3A_21] : memref<32768x64xf32, #tpu.memory_space<hbm>> -> memref<1024x64xf32, #tpu.memory_space<hbm>>
      tpu.wait_dma2 semaphore(%run_scoped3A : memref<!tpu.dma_semaphore, #tpu.memory_space<semaphore_mem>>) src(%arg6 : memref<1024x64xf32, #tpu.memory_space<vmem>>) dst(%dma_wait3A_22 : memref<1024x64xf32, #tpu.memory_space<hbm>>)
      tpu.yield
    }) : () -> ()
    %scan3A_14 = arith.constant 1 : i32
    return
  }
}

#map = affine_map<(d0, d1) -> (0, 0)>
#map1 = affine_map<(d0, d1) -> (0)>
module attributes {stable_mosaic.version = 14 : i64} {
  func.func @k(%arg0: i32, %arg1: i32, %arg2: memref<1000000x64xf32, #tpu.memory_space<hbm>>, %arg3: memref<102400xi32, #tpu.memory_space<hbm>>, %arg4: memref<102400x64xf32, #tpu.memory_space<hbm>>, %arg5: memref<640xi32, #tpu.memory_space<vmem>>, %arg6: memref<640x64xf32, #tpu.memory_space<vmem>>, %arg7: memref<!tpu.dma_semaphore, #tpu.memory_space<semaphore_mem>>) attributes {dimension_semantics = [#tpu.dimension_semantics<core_parallel>, #tpu.dimension_semantics<subcore_parallel>], iteration_bounds = array<i64: 2, 16>, scalar_prefetch = 0 : i64, scratch_operands = 3 : i64, tpu.core_type = #tpu.core_type<sc_vector_subcore>, window_params = [{transform_indices = #map}, {transform_indices = #map1}, {transform_indices = #map}]} {
    %mul3A = arith.constant 2 : i32
    %mul3A_0 = arith.muli %arg1, %mul3A : i32
    %add3A = arith.addi %mul3A_0, %arg0 : i32
    %scan3A = arith.constant 0 : i32
    %scan3A_1 = arith.constant 5 : i32
    %scan3A_2 = arith.addi %scan3A, %scan3A_1 : i32
    %scan3A_3 = arith.constant 1 : i32
    scf.for %scan3A_5 = %scan3A to %scan3A_2 step %scan3A_3  : i32 {
      %mul3A_6 = arith.constant 1 : i32
      %mul3A_7 = arith.muli %scan3A_5, %mul3A_6 : i32
      %add3A_8 = arith.constant 0 : i32
      %add3A_9 = arith.addi %add3A_8, %mul3A_7 : i32
      %mul3A_10 = arith.constant 3200 : i32
      %mul3A_11 = arith.muli %add3A, %mul3A_10 : i32
      %mul3A_12 = arith.constant 640 : i32
      %mul3A_13 = arith.muli %add3A_9, %mul3A_12 : i32
      %add3A_14 = arith.addi %mul3A_11, %mul3A_13 : i32
      "tpu.region"() ({
        %run_scoped3A = tpu.sem_alloc : memref<!tpu.dma_semaphore, #tpu.memory_space<semaphore_mem>>
        %dma_start3A_19 = tpu.memref_slice %arg3[%add3A_14] : memref<102400xi32, #tpu.memory_space<hbm>> -> memref<640xi32, #tpu.memory_space<hbm>>
        %dma_start3A_20 = tpu.memref_slice %arg3[%add3A_14] : memref<102400xi32, #tpu.memory_space<hbm>> -> memref<640xi32, #tpu.memory_space<hbm>>
        tpu.enqueue_dma source(%dma_start3A_20 : memref<640xi32, #tpu.memory_space<hbm>>) target(%arg5 : memref<640xi32, #tpu.memory_space<vmem>>) target_semaphore(%run_scoped3A : memref<!tpu.dma_semaphore, #tpu.memory_space<semaphore_mem>>)
        %dma_wait3A_21 = tpu.memref_slice %arg3[%add3A_14] : memref<102400xi32, #tpu.memory_space<hbm>> -> memref<640xi32, #tpu.memory_space<hbm>>
        %dma_wait3A_22 = tpu.memref_slice %arg3[%add3A_14] : memref<102400xi32, #tpu.memory_space<hbm>> -> memref<640xi32, #tpu.memory_space<hbm>>
        tpu.wait_dma2 semaphore(%run_scoped3A : memref<!tpu.dma_semaphore, #tpu.memory_space<semaphore_mem>>) src(%dma_wait3A_22 : memref<640xi32, #tpu.memory_space<hbm>>) dst(%arg5 : memref<640xi32, #tpu.memory_space<vmem>>)
        tpu.yield
      }) : () -> ()
      %dma_start3A = arith.constant 0 : i32
      %dma_start3A_15 = arith.constant 0 : i32
      %dma_start3A_16 = tpu.memref_slice %arg2[%dma_start3A, %dma_start3A_15] : memref<1000000x64xf32, #tpu.memory_space<hbm>> -> memref<1000000x64xf32, #tpu.memory_space<hbm>>
      tpu.enqueue_indirect_dma source(%dma_start3A_16 : memref<1000000x64xf32, #tpu.memory_space<hbm>>) target(%arg6 : memref<640x64xf32, #tpu.memory_space<vmem>>) offsets(%arg5 : memref<640xi32, #tpu.memory_space<vmem>>) semaphore(%arg7 : memref<!tpu.dma_semaphore, #tpu.memory_space<semaphore_mem>>)
      %dma_wait3A = arith.constant 0 : i32
      %dma_wait3A_17 = arith.constant 0 : i32
      %dma_wait3A_18 = tpu.memref_slice %arg2[%dma_wait3A, %dma_wait3A_17] : memref<1000000x64xf32, #tpu.memory_space<hbm>> -> memref<1000000x64xf32, #tpu.memory_space<hbm>>
      tpu.wait_indirect_dma semaphore(%arg7 : memref<!tpu.dma_semaphore, #tpu.memory_space<semaphore_mem>>) src(%dma_wait3A_18 : memref<1000000x64xf32, #tpu.memory_space<hbm>>) dst(%arg6 : memref<640x64xf32, #tpu.memory_space<vmem>>)
      "tpu.region"() ({
        %run_scoped3A = tpu.sem_alloc : memref<!tpu.dma_semaphore, #tpu.memory_space<semaphore_mem>>
        %dma_start3A_19 = arith.constant 0 : i32
        %dma_start3A_20 = tpu.memref_slice %arg4[%add3A_14, %dma_start3A_19] : memref<102400x64xf32, #tpu.memory_space<hbm>> -> memref<640x64xf32, #tpu.memory_space<hbm>>
        %dma_start3A_21 = arith.constant 0 : i32
        %dma_start3A_22 = tpu.memref_slice %arg4[%add3A_14, %dma_start3A_21] : memref<102400x64xf32, #tpu.memory_space<hbm>> -> memref<640x64xf32, #tpu.memory_space<hbm>>
        tpu.enqueue_dma source(%arg6 : memref<640x64xf32, #tpu.memory_space<vmem>>) target(%dma_start3A_22 : memref<640x64xf32, #tpu.memory_space<hbm>>) target_semaphore(%run_scoped3A : memref<!tpu.dma_semaphore, #tpu.memory_space<semaphore_mem>>)
        %dma_wait3A_23 = arith.constant 0 : i32
        %dma_wait3A_24 = tpu.memref_slice %arg4[%add3A_14, %dma_wait3A_23] : memref<102400x64xf32, #tpu.memory_space<hbm>> -> memref<640x64xf32, #tpu.memory_space<hbm>>
        %dma_wait3A_25 = arith.constant 0 : i32
        %dma_wait3A_26 = tpu.memref_slice %arg4[%add3A_14, %dma_wait3A_25] : memref<102400x64xf32, #tpu.memory_space<hbm>> -> memref<640x64xf32, #tpu.memory_space<hbm>>
        tpu.wait_dma2 semaphore(%run_scoped3A : memref<!tpu.dma_semaphore, #tpu.memory_space<semaphore_mem>>) src(%arg6 : memref<640x64xf32, #tpu.memory_space<vmem>>) dst(%dma_wait3A_26 : memref<640x64xf32, #tpu.memory_space<hbm>>)
        tpu.yield
      }) : () -> ()
    }
    %scan3A_4 = arith.constant 5 : i32
    return
  }
}

#map = affine_map<(d0, d1) -> (0, 0)>
#map1 = affine_map<(d0, d1) -> (0)>
module attributes {stable_mosaic.version = 14 : i64} {
  func.func @k(%arg0: i32, %arg1: i32, %arg2: memref<1000000x64xf32, #tpu.memory_space<hbm>>, %arg3: memref<102400xi32, #tpu.memory_space<hbm>>, %arg4: memref<102400x64xf32, #tpu.memory_space<hbm>>, %arg5: memref<640xi32, #tpu.memory_space<vmem>>, %arg6: memref<640x64xf32, #tpu.memory_space<vmem>>, %arg7: memref<!tpu.dma_semaphore, #tpu.memory_space<semaphore_mem>>) attributes {dimension_semantics = [#tpu.dimension_semantics<core_parallel>, #tpu.dimension_semantics<subcore_parallel>], iteration_bounds = array<i64: 2, 16>, scalar_prefetch = 0 : i64, scratch_operands = 3 : i64, tpu.core_type = #tpu.core_type<sc_vector_subcore>, window_params = [{transform_indices = #map}, {transform_indices = #map1}, {transform_indices = #map}]} {
    %mul3A = arith.constant 2 : i32
    %mul3A_0 = arith.muli %arg1, %mul3A : i32
    %add3A = arith.addi %mul3A_0, %arg0 : i32
    %scan3A = arith.constant 0 : i32
    %scan3A_1 = arith.constant 5 : i32
    %scan3A_2 = arith.addi %scan3A, %scan3A_1 : i32
    %scan3A_3 = arith.constant 1 : i32
    scf.for %scan3A_5 = %scan3A to %scan3A_2 step %scan3A_3  : i32 {
      %mul3A_6 = arith.constant 1 : i32
      %mul3A_7 = arith.muli %scan3A_5, %mul3A_6 : i32
      %add3A_8 = arith.constant 0 : i32
      %add3A_9 = arith.addi %add3A_8, %mul3A_7 : i32
      %mul3A_10 = arith.constant 3200 : i32
      %mul3A_11 = arith.muli %add3A, %mul3A_10 : i32
      %mul3A_12 = arith.constant 640 : i32
      %mul3A_13 = arith.muli %add3A_9, %mul3A_12 : i32
      %add3A_14 = arith.addi %mul3A_11, %mul3A_13 : i32
      "tpu.region"() ({
        %run_scoped3A = tpu.sem_alloc : memref<!tpu.dma_semaphore, #tpu.memory_space<semaphore_mem>>
        %dma_start3A_19 = tpu.memref_slice %arg3[%add3A_14] : memref<102400xi32, #tpu.memory_space<hbm>> -> memref<640xi32, #tpu.memory_space<hbm>>
        %dma_start3A_20 = tpu.memref_slice %arg3[%add3A_14] : memref<102400xi32, #tpu.memory_space<hbm>> -> memref<640xi32, #tpu.memory_space<hbm>>
        tpu.enqueue_dma source(%dma_start3A_20 : memref<640xi32, #tpu.memory_space<hbm>>) target(%arg5 : memref<640xi32, #tpu.memory_space<vmem>>) target_semaphore(%run_scoped3A : memref<!tpu.dma_semaphore, #tpu.memory_space<semaphore_mem>>)
        %dma_wait3A_21 = tpu.memref_slice %arg3[%add3A_14] : memref<102400xi32, #tpu.memory_space<hbm>> -> memref<640xi32, #tpu.memory_space<hbm>>
        %dma_wait3A_22 = tpu.memref_slice %arg3[%add3A_14] : memref<102400xi32, #tpu.memory_space<hbm>> -> memref<640xi32, #tpu.memory_space<hbm>>
        tpu.wait_dma2 semaphore(%run_scoped3A : memref<!tpu.dma_semaphore, #tpu.memory_space<semaphore_mem>>) src(%dma_wait3A_22 : memref<640xi32, #tpu.memory_space<hbm>>) dst(%arg5 : memref<640xi32, #tpu.memory_space<vmem>>)
        tpu.yield
      }) : () -> ()
      %dma_start3A = arith.constant 0 : i32
      %dma_start3A_15 = arith.constant 0 : i32
      %dma_start3A_16 = tpu.memref_slice %arg2[%dma_start3A, %dma_start3A_15] : memref<1000000x64xf32, #tpu.memory_space<hbm>> -> memref<1000000x64xf32, #tpu.memory_space<hbm>>
      tpu.enqueue_indirect_dma source(%dma_start3A_16 : memref<1000000x64xf32, #tpu.memory_space<hbm>>) target(%arg6 : memref<640x64xf32, #tpu.memory_space<vmem>>) offsets(%arg5 : memref<640xi32, #tpu.memory_space<vmem>>) semaphore(%arg7 : memref<!tpu.dma_semaphore, #tpu.memory_space<semaphore_mem>>)
      %dma_wait3A = arith.constant 0 : i32
      %dma_wait3A_17 = arith.constant 0 : i32
      %dma_wait3A_18 = tpu.memref_slice %arg2[%dma_wait3A, %dma_wait3A_17] : memref<1000000x64xf32, #tpu.memory_space<hbm>> -> memref<1000000x64xf32, #tpu.memory_space<hbm>>
      tpu.wait_indirect_dma semaphore(%arg7 : memref<!tpu.dma_semaphore, #tpu.memory_space<semaphore_mem>>) src(%dma_wait3A_18 : memref<1000000x64xf32, #tpu.memory_space<hbm>>) dst(%arg6 : memref<640x64xf32, #tpu.memory_space<vmem>>)
      "tpu.region"() ({
        %run_scoped3A = tpu.sem_alloc : memref<!tpu.dma_semaphore, #tpu.memory_space<semaphore_mem>>
        %dma_start3A_19 = arith.constant 0 : i32
        %dma_start3A_20 = tpu.memref_slice %arg4[%add3A_14, %dma_start3A_19] : memref<102400x64xf32, #tpu.memory_space<hbm>> -> memref<640x64xf32, #tpu.memory_space<hbm>>
        %dma_start3A_21 = arith.constant 0 : i32
        %dma_start3A_22 = tpu.memref_slice %arg4[%add3A_14, %dma_start3A_21] : memref<102400x64xf32, #tpu.memory_space<hbm>> -> memref<640x64xf32, #tpu.memory_space<hbm>>
        tpu.enqueue_dma source(%arg6 : memref<640x64xf32, #tpu.memory_space<vmem>>) target(%dma_start3A_22 : memref<640x64xf32, #tpu.memory_space<hbm>>) target_semaphore(%run_scoped3A : memref<!tpu.dma_semaphore, #tpu.memory_space<semaphore_mem>>)
        %dma_wait3A_23 = arith.constant 0 : i32
        %dma_wait3A_24 = tpu.memref_slice %arg4[%add3A_14, %dma_wait3A_23] : memref<102400x64xf32, #tpu.memory_space<hbm>> -> memref<640x64xf32, #tpu.memory_space<hbm>>
        %dma_wait3A_25 = arith.constant 0 : i32
        %dma_wait3A_26 = tpu.memref_slice %arg4[%add3A_14, %dma_wait3A_25] : memref<102400x64xf32, #tpu.memory_space<hbm>> -> memref<640x64xf32, #tpu.memory_space<hbm>>
        tpu.wait_dma2 semaphore(%run_scoped3A : memref<!tpu.dma_semaphore, #tpu.memory_space<semaphore_mem>>) src(%arg6 : memref<640x64xf32, #tpu.memory_space<vmem>>) dst(%dma_wait3A_26 : memref<640x64xf32, #tpu.memory_space<hbm>>)
        tpu.yield
      }) : () -> ()
    }
    %scan3A_4 = arith.constant 5 : i32
    return
  }
}

module attributes {stable_mosaic.version = 14 : i64} {
  func.func @_abae_block(%arg0: i32, %arg1: memref<128x12800xf32, #tpu.memory_space<vmem>>, %arg2: memref<128x64xf32, #tpu.memory_space<vmem>>, %arg3: memref<128x320xf32, #tpu.memory_space<vmem>>, %arg4: memref<64x64xf32, #tpu.memory_space<vmem>>, %arg5: memref<64x32xf32, #tpu.memory_space<vmem>>, %arg6: memref<1x32xf32, #tpu.memory_space<vmem>>, %arg7: memref<32x64xf32, #tpu.memory_space<vmem>>, %arg8: memref<128x64xf32, #tpu.memory_space<vmem>>, %arg9: memref<128x5xf32, #tpu.memory_space<vmem>>) attributes {dimension_semantics = [#tpu.dimension_semantics<arbitrary>], iteration_bounds = array<i64: 4>, scalar_prefetch = 0 : i64, scratch_operands = 0 : i64, tpu.core_type = #tpu.core_type<tc>, window_params = [{transform_indices = @transform_0, window_bounds = array<i64: 128, 12800>}, {transform_indices = @transform_1, window_bounds = array<i64: 128, 64>}, {transform_indices = @transform_2, window_bounds = array<i64: 128, 320>}, {pipeline_mode = #tpu.pipeline_mode<synchronous>, transform_indices = @transform_3, window_bounds = array<i64: 64, 64>}, {pipeline_mode = #tpu.pipeline_mode<synchronous>, transform_indices = @transform_4, window_bounds = array<i64: 64, 32>}, {pipeline_mode = #tpu.pipeline_mode<synchronous>, transform_indices = @transform_5, window_bounds = array<i64: 1, 32>}, {pipeline_mode = #tpu.pipeline_mode<synchronous>, transform_indices = @transform_6, window_bounds = array<i64: 32, 64>}, {transform_indices = @transform_7, window_bounds = array<i64: 128, 64>}, {transform_indices = @transform_8, window_bounds = array<i64: 128, 5>}]} {
    %get3A = arith.constant 0 : index
    %get3A_0 = arith.constant 0 : index
    %get3A_1 = vector.load %arg1[%get3A, %get3A_0] : memref<128x12800xf32, #tpu.memory_space<vmem>>, vector<128x12800xf32>
    %reshape3A = vector.shape_cast %get3A_1 : vector<128x12800xf32> to vector<128x100x128xf32>
    %get3A_2 = arith.constant 0 : index
    %get3A_3 = arith.constant 0 : index
    %get3A_4 = vector.load %arg2[%get3A_2, %get3A_3] : memref<128x64xf32, #tpu.memory_space<vmem>>, vector<128x64xf32>
    %get3A_5 = arith.constant 0 : index
    %get3A_6 = arith.constant 0 : index
    %get3A_7 = vector.load %arg4[%get3A_5, %get3A_6] : memref<64x64xf32, #tpu.memory_space<vmem>>, vector<64x64xf32>
    %dot_general3A = arith.constant dense<0.000000e+00> : vector<128x64xf32>
    %dot_general3A_8 = tpu.matmul %get3A_4, %get3A_7, %dot_general3A {dimension_numbers = #tpu.dot_dimension_numbers<[1], [0], [0], [1], [0, 0, 1, 1], [], []>, transpose_lhs_hint = false} : vector<128x64xf32>, vector<64x64xf32>, vector<128x64xf32> -> vector<128x64xf32>
    %concatenate3A = tpu.concatenate %dot_general3A_8, %dot_general3A_8 in 1 : vector<128x64xf32>, vector<128x64xf32> -> vector<128x128xf32>
    %broadcast_in_dim3A = vector.shape_cast %concatenate3A : vector<128x128xf32> to vector<128x1x128xf32>
    %mul3A = vector.broadcast %broadcast_in_dim3A : vector<128x1x128xf32> to vector<128x100x128xf32>
    %mul3A_9 = arith.mulf %reshape3A, %mul3A : vector<128x100x128xf32>
    %slice3A = vector.extract_strided_slice %mul3A_9 {offsets = [0, 0, 0], sizes = [128, 100, 64], strides = [1, 1, 1]} : vector<128x100x128xf32> to vector<128x100x64xf32>
    %reduce_sum3A = arith.constant dense<0.000000e+00> : vector<128x100xf32>
    %reduce_sum3A_10 = vector.multi_reduction <add>, %slice3A, %reduce_sum3A [2] : vector<128x100x64xf32> to vector<128x100xf32>
    %slice3A_11 = vector.extract_strided_slice %mul3A_9 {offsets = [0, 0, 64], sizes = [128, 100, 64], strides = [1, 1, 1]} : vector<128x100x128xf32> to vector<128x100x64xf32>
    %reduce_sum3A_12 = arith.constant dense<0.000000e+00> : vector<128x100xf32>
    %reduce_sum3A_13 = vector.multi_reduction <add>, %slice3A_11, %reduce_sum3A_12 [2] : vector<128x100x64xf32> to vector<128x100xf32>
    %iota3A = tpu.iota {dimensions = array<i32: 0>} : vector<100x200xi32>
    %iota3A_14 = tpu.iota {dimensions = array<i32: 1>} : vector<100x200xi32>
    %mul3A_15 = arith.constant 2 : i32
    %mul3A_16 = vector.broadcast %mul3A_15 : i32 to vector<100x200xi32>
    %mul3A_17 = arith.muli %mul3A_16, %iota3A : vector<100x200xi32>
    %eq3A = arith.cmpi eq, %iota3A_14, %mul3A_17 : vector<100x200xi32>
    %convert_element_type3A = arith.extui %eq3A : vector<100x200xi1> to vector<100x200xi32>
    %convert_element_type3A_18 = arith.sitofp %convert_element_type3A : vector<100x200xi32> to vector<100x200xf32>
    %mul3A_19 = arith.constant 2 : i32
    %mul3A_20 = vector.broadcast %mul3A_19 : i32 to vector<100x200xi32>
    %mul3A_21 = arith.muli %mul3A_20, %iota3A : vector<100x200xi32>
    %add3A = arith.constant 1 : i32
    %add3A_22 = vector.broadcast %add3A : i32 to vector<100x200xi32>
    %add3A_23 = arith.addi %mul3A_21, %add3A_22 : vector<100x200xi32>
    %eq3A_24 = arith.cmpi eq, %iota3A_14, %add3A_23 : vector<100x200xi32>
    %convert_element_type3A_25 = arith.extui %eq3A_24 : vector<100x200xi1> to vector<100x200xi32>
    %convert_element_type3A_26 = arith.sitofp %convert_element_type3A_25 : vector<100x200xi32> to vector<100x200xf32>
    %dot_general3A_27 = arith.constant dense<0.000000e+00> : vector<128x200xf32>
    %dot_general3A_28 = tpu.matmul %reduce_sum3A_10, %convert_element_type3A_18, %dot_general3A_27 {dimension_numbers = #tpu.dot_dimension_numbers<[1], [0], [0], [1], [0, 0, 1, 1], [], []>, transpose_lhs_hint = false} : vector<128x100xf32>, vector<100x200xf32>, vector<128x200xf32> -> vector<128x200xf32>
    %dot_general3A_29 = arith.constant dense<0.000000e+00> : vector<128x200xf32>
    %dot_general3A_30 = tpu.matmul %reduce_sum3A_13, %convert_element_type3A_26, %dot_general3A_29 {dimension_numbers = #tpu.dot_dimension_numbers<[1], [0], [0], [1], [0, 0, 1, 1], [], []>, transpose_lhs_hint = false} : vector<128x100xf32>, vector<100x200xf32>, vector<128x200xf32> -> vector<128x200xf32>
    %add3A_31 = arith.addf %dot_general3A_28, %dot_general3A_30 : vector<128x200xf32>
    %exp3A = math.exp %add3A_31 : vector<128x200xf32>
    %reduce_sum3A_32 = arith.constant dense<0.000000e+00> : vector<128xf32>
    %reduce_sum3A_33 = vector.multi_reduction <add>, %exp3A, %reduce_sum3A_32 [1] : vector<128x200xf32> to vector<128xf32>
    %broadcast_in_dim3A_34 = vector.shape_cast %reduce_sum3A_33 : vector<128xf32> to vector<128x1xf32>
    %concatenate3A_35 = tpu.concatenate %exp3A, %exp3A, %exp3A, %exp3A, %exp3A, %exp3A, %exp3A, %exp3A, %exp3A, %exp3A, %exp3A, %exp3A, %exp3A, %exp3A, %exp3A, %exp3A in 1 : vector<128x200xf32>, vector<128x200xf32>, vector<128x200xf32>, vector<128x200xf32>, vector<128x200xf32>, vector<128x200xf32>, vector<128x200xf32>, vector<128x200xf32>, vector<128x200xf32>, vector<128x200xf32>, vector<128x200xf32>, vector<128x200xf32>, vector<128x200xf32>, vector<128x200xf32>, vector<128x200xf32>, vector<128x200xf32> -> vector<128x3200xf32>
    %concatenate3A_36 = tpu.concatenate %concatenate3A_35, %concatenate3A_35, %concatenate3A_35, %concatenate3A_35 in 1 : vector<128x3200xf32>, vector<128x3200xf32>, vector<128x3200xf32>, vector<128x3200xf32> -> vector<128x12800xf32>
    %mul3A_37 = arith.mulf %get3A_1, %concatenate3A_36 : vector<128x12800xf32>
    %slice3A_38 = vector.extract_strided_slice %mul3A_37 {offsets = [0, 0], sizes = [128, 200], strides = [1, 1]} : vector<128x12800xf32> to vector<128x200xf32>
    %reduce_sum3A_39 = arith.constant dense<0.000000e+00> : vector<128xf32>
    %reduce_sum3A_40 = vector.multi_reduction <add>, %slice3A_38, %reduce_sum3A_39 [1] : vector<128x200xf32> to vector<128xf32>
    %broadcast_in_dim3A_41 = vector.shape_cast %reduce_sum3A_40 : vector<128xf32> to vector<128x1xf32>
    %slice3A_42 = vector.extract_strided_slice %mul3A_37 {offsets = [0, 200], sizes = [128, 200], strides = [1, 1]} : vector<128x12800xf32> to vector<128x200xf32>
    %reduce_sum3A_43 = arith.constant dense<0.000000e+00> : vector<128xf32>
    %reduce_sum3A_44 = vector.multi_reduction <add>, %slice3A_42, %reduce_sum3A_43 [1] : vector<128x200xf32> to vector<128xf32>
    %broadcast_in_dim3A_45 = vector.shape_cast %reduce_sum3A_44 : vector<128xf32> to vector<128x1xf32>
    %slice3A_46 = vector.extract_strided_slice %mul3A_37 {offsets = [0, 400], sizes = [128, 200], strides = [1, 1]} : vector<128x12800xf32> to vector<128x200xf32>
    %reduce_sum3A_47 = arith.constant dense<0.000000e+00> : vector<128xf32>
    %reduce_sum3A_48 = vector.multi_reduction <add>, %slice3A_46, %reduce_sum3A_47 [1] : vector<128x200xf32> to vector<128xf32>
    %broadcast_in_dim3A_49 = vector.shape_cast %reduce_sum3A_48 : vector<128xf32> to vector<128x1xf32>
    %slice3A_50 = vector.extract_strided_slice %mul3A_37 {offsets = [0, 600], sizes = [128, 200], strides = [1, 1]} : vector<128x12800xf32> to vector<128x200xf32>
    %reduce_sum3A_51 = arith.constant dense<0.000000e+00> : vector<128xf32>
    %reduce_sum3A_52 = vector.multi_reduction <add>, %slice3A_50, %reduce_sum3A_51 [1] : vector<128x200xf32> to vector<128xf32>
    %broadcast_in_dim3A_53 = vector.shape_cast %reduce_sum3A_52 : vector<128xf32> to vector<128x1xf32>
    %slice3A_54 = vector.extract_strided_slice %mul3A_37 {offsets = [0, 800], sizes = [128, 200], strides = [1, 1]} : vector<128x12800xf32> to vector<128x200xf32>
    %reduce_sum3A_55 = arith.constant dense<0.000000e+00> : vector<128xf32>
    %reduce_sum3A_56 = vector.multi_reduction <add>, %slice3A_54, %reduce_sum3A_55 [1] : vector<128x200xf32> to vector<128xf32>
    %broadcast_in_dim3A_57 = vector.shape_cast %reduce_sum3A_56 : vector<128xf32> to vector<128x1xf32>
    %slice3A_58 = vector.extract_strided_slice %mul3A_37 {offsets = [0, 1000], sizes = [128, 200], strides = [1, 1]} : vector<128x12800xf32> to vector<128x200xf32>
    %reduce_sum3A_59 = arith.constant dense<0.000000e+00> : vector<128xf32>
    %reduce_sum3A_60 = vector.multi_reduction <add>, %slice3A_58, %reduce_sum3A_59 [1] : vector<128x200xf32> to vector<128xf32>
    %broadcast_in_dim3A_61 = vector.shape_cast %reduce_sum3A_60 : vector<128xf32> to vector<128x1xf32>
    %slice3A_62 = vector.extract_strided_slice %mul3A_37 {offsets = [0, 1200], sizes = [128, 200], strides = [1, 1]} : vector<128x12800xf32> to vector<128x200xf32>
    %reduce_sum3A_63 = arith.constant dense<0.000000e+00> : vector<128xf32>
    %reduce_sum3A_64 = vector.multi_reduction <add>, %slice3A_62, %reduce_sum3A_63 [1] : vector<128x200xf32> to vector<128xf32>
    %broadcast_in_dim3A_65 = vector.shape_cast %reduce_sum3A_64 : vector<128xf32> to vector<128x1xf32>
    %slice3A_66 = vector.extract_strided_slice %mul3A_37 {offsets = [0, 1400], sizes = [128, 200], strides = [1, 1]} : vector<128x12800xf32> to vector<128x200xf32>
    %reduce_sum3A_67 = arith.constant dense<0.000000e+00> : vector<128xf32>
    %reduce_sum3A_68 = vector.multi_reduction <add>, %slice3A_66, %reduce_sum3A_67 [1] : vector<128x200xf32> to vector<128xf32>
    %broadcast_in_dim3A_69 = vector.shape_cast %reduce_sum3A_68 : vector<128xf32> to vector<128x1xf32>
    %slice3A_70 = vector.extract_strided_slice %mul3A_37 {offsets = [0, 1600], sizes = [128, 200], strides = [1, 1]} : vector<128x12800xf32> to vector<128x200xf32>
    %reduce_sum3A_71 = arith.constant dense<0.000000e+00> : vector<128xf32>
    %reduce_sum3A_72 = vector.multi_reduction <add>, %slice3A_70, %reduce_sum3A_71 [1] : vector<128x200xf32> to vector<128xf32>
    %broadcast_in_dim3A_73 = vector.shape_cast %reduce_sum3A_72 : vector<128xf32> to vector<128x1xf32>
    %slice3A_74 = vector.extract_strided_slice %mul3A_37 {offsets = [0, 1800], sizes = [128, 200], strides = [1, 1]} : vector<128x12800xf32> to vector<128x200xf32>
    %reduce_sum3A_75 = arith.constant dense<0.000000e+00> : vector<128xf32>
    %reduce_sum3A_76 = vector.multi_reduction <add>, %slice3A_74, %reduce_sum3A_75 [1] : vector<128x200xf32> to vector<128xf32>
    %broadcast_in_dim3A_77 = vector.shape_cast %reduce_sum3A_76 : vector<128xf32> to vector<128x1xf32>
    %slice3A_78 = vector.extract_strided_slice %mul3A_37 {offsets = [0, 2000], sizes = [128, 200], strides = [1, 1]} : vector<128x12800xf32> to vector<128x200xf32>
    %reduce_sum3A_79 = arith.constant dense<0.000000e+00> : vector<128xf32>
    %reduce_sum3A_80 = vector.multi_reduction <add>, %slice3A_78, %reduce_sum3A_79 [1] : vector<128x200xf32> to vector<128xf32>
    %broadcast_in_dim3A_81 = vector.shape_cast %reduce_sum3A_80 : vector<128xf32> to vector<128x1xf32>
    %slice3A_82 = vector.extract_strided_slice %mul3A_37 {offsets = [0, 2200], sizes = [128, 200], strides = [1, 1]} : vector<128x12800xf32> to vector<128x200xf32>
    %reduce_sum3A_83 = arith.constant dense<0.000000e+00> : vector<128xf32>
    %reduce_sum3A_84 = vector.multi_reduction <add>, %slice3A_82, %reduce_sum3A_83 [1] : vector<128x200xf32> to vector<128xf32>
    %broadcast_in_dim3A_85 = vector.shape_cast %reduce_sum3A_84 : vector<128xf32> to vector<128x1xf32>
    %slice3A_86 = vector.extract_strided_slice %mul3A_37 {offsets = [0, 2400], sizes = [128, 200], strides = [1, 1]} : vector<128x12800xf32> to vector<128x200xf32>
    %reduce_sum3A_87 = arith.constant dense<0.000000e+00> : vector<128xf32>
    %reduce_sum3A_88 = vector.multi_reduction <add>, %slice3A_86, %reduce_sum3A_87 [1] : vector<128x200xf32> to vector<128xf32>
    %broadcast_in_dim3A_89 = vector.shape_cast %reduce_sum3A_88 : vector<128xf32> to vector<128x1xf32>
    %slice3A_90 = vector.extract_strided_slice %mul3A_37 {offsets = [0, 2600], sizes = [128, 200], strides = [1, 1]} : vector<128x12800xf32> to vector<128x200xf32>
    %reduce_sum3A_91 = arith.constant dense<0.000000e+00> : vector<128xf32>
    %reduce_sum3A_92 = vector.multi_reduction <add>, %slice3A_90, %reduce_sum3A_91 [1] : vector<128x200xf32> to vector<128xf32>
    %broadcast_in_dim3A_93 = vector.shape_cast %reduce_sum3A_92 : vector<128xf32> to vector<128x1xf32>
    %slice3A_94 = vector.extract_strided_slice %mul3A_37 {offsets = [0, 2800], sizes = [128, 200], strides = [1, 1]} : vector<128x12800xf32> to vector<128x200xf32>
    %reduce_sum3A_95 = arith.constant dense<0.000000e+00> : vector<128xf32>
    %reduce_sum3A_96 = vector.multi_reduction <add>, %slice3A_94, %reduce_sum3A_95 [1] : vector<128x200xf32> to vector<128xf32>
    %broadcast_in_dim3A_97 = vector.shape_cast %reduce_sum3A_96 : vector<128xf32> to vector<128x1xf32>
    %slice3A_98 = vector.extract_strided_slice %mul3A_37 {offsets = [0, 3000], sizes = [128, 200], strides = [1, 1]} : vector<128x12800xf32> to vector<128x200xf32>
    %reduce_sum3A_99 = arith.constant dense<0.000000e+00> : vector<128xf32>
    %reduce_sum3A_100 = vector.multi_reduction <add>, %slice3A_98, %reduce_sum3A_99 [1] : vector<128x200xf32> to vector<128xf32>
    %broadcast_in_dim3A_101 = vector.shape_cast %reduce_sum3A_100 : vector<128xf32> to vector<128x1xf32>
    %slice3A_102 = vector.extract_strided_slice %mul3A_37 {offsets = [0, 3200], sizes = [128, 200], strides = [1, 1]} : vector<128x12800xf32> to vector<128x200xf32>
    %reduce_sum3A_103 = arith.constant dense<0.000000e+00> : vector<128xf32>
    %reduce_sum3A_104 = vector.multi_reduction <add>, %slice3A_102, %reduce_sum3A_103 [1] : vector<128x200xf32> to vector<128xf32>
    %broadcast_in_dim3A_105 = vector.shape_cast %reduce_sum3A_104 : vector<128xf32> to vector<128x1xf32>
    %slice3A_106 = vector.extract_strided_slice %mul3A_37 {offsets = [0, 3400], sizes = [128, 200], strides = [1, 1]} : vector<128x12800xf32> to vector<128x200xf32>
    %reduce_sum3A_107 = arith.constant dense<0.000000e+00> : vector<128xf32>
    %reduce_sum3A_108 = vector.multi_reduction <add>, %slice3A_106, %reduce_sum3A_107 [1] : vector<128x200xf32> to vector<128xf32>
    %broadcast_in_dim3A_109 = vector.shape_cast %reduce_sum3A_108 : vector<128xf32> to vector<128x1xf32>
    %slice3A_110 = vector.extract_strided_slice %mul3A_37 {offsets = [0, 3600], sizes = [128, 200], strides = [1, 1]} : vector<128x12800xf32> to vector<128x200xf32>
    %reduce_sum3A_111 = arith.constant dense<0.000000e+00> : vector<128xf32>
    %reduce_sum3A_112 = vector.multi_reduction <add>, %slice3A_110, %reduce_sum3A_111 [1] : vector<128x200xf32> to vector<128xf32>
    %broadcast_in_dim3A_113 = vector.shape_cast %reduce_sum3A_112 : vector<128xf32> to vector<128x1xf32>
    %slice3A_114 = vector.extract_strided_slice %mul3A_37 {offsets = [0, 3800], sizes = [128, 200], strides = [1, 1]} : vector<128x12800xf32> to vector<128x200xf32>
    %reduce_sum3A_115 = arith.constant dense<0.000000e+00> : vector<128xf32>
    %reduce_sum3A_116 = vector.multi_reduction <add>, %slice3A_114, %reduce_sum3A_115 [1] : vector<128x200xf32> to vector<128xf32>
    %broadcast_in_dim3A_117 = vector.shape_cast %reduce_sum3A_116 : vector<128xf32> to vector<128x1xf32>
    %slice3A_118 = vector.extract_strided_slice %mul3A_37 {offsets = [0, 4000], sizes = [128, 200], strides = [1, 1]} : vector<128x12800xf32> to vector<128x200xf32>
    %reduce_sum3A_119 = arith.constant dense<0.000000e+00> : vector<128xf32>
    %reduce_sum3A_120 = vector.multi_reduction <add>, %slice3A_118, %reduce_sum3A_119 [1] : vector<128x200xf32> to vector<128xf32>
    %broadcast_in_dim3A_121 = vector.shape_cast %reduce_sum3A_120 : vector<128xf32> to vector<128x1xf32>
    %slice3A_122 = vector.extract_strided_slice %mul3A_37 {offsets = [0, 4200], sizes = [128, 200], strides = [1, 1]} : vector<128x12800xf32> to vector<128x200xf32>
    %reduce_sum3A_123 = arith.constant dense<0.000000e+00> : vector<128xf32>
    %reduce_sum3A_124 = vector.multi_reduction <add>, %slice3A_122, %reduce_sum3A_123 [1] : vector<128x200xf32> to vector<128xf32>
    %broadcast_in_dim3A_125 = vector.shape_cast %reduce_sum3A_124 : vector<128xf32> to vector<128x1xf32>
    %slice3A_126 = vector.extract_strided_slice %mul3A_37 {offsets = [0, 4400], sizes = [128, 200], strides = [1, 1]} : vector<128x12800xf32> to vector<128x200xf32>
    %reduce_sum3A_127 = arith.constant dense<0.000000e+00> : vector<128xf32>
    %reduce_sum3A_128 = vector.multi_reduction <add>, %slice3A_126, %reduce_sum3A_127 [1] : vector<128x200xf32> to vector<128xf32>
    %broadcast_in_dim3A_129 = vector.shape_cast %reduce_sum3A_128 : vector<128xf32> to vector<128x1xf32>
    %slice3A_130 = vector.extract_strided_slice %mul3A_37 {offsets = [0, 4600], sizes = [128, 200], strides = [1, 1]} : vector<128x12800xf32> to vector<128x200xf32>
    %reduce_sum3A_131 = arith.constant dense<0.000000e+00> : vector<128xf32>
    %reduce_sum3A_132 = vector.multi_reduction <add>, %slice3A_130, %reduce_sum3A_131 [1] : vector<128x200xf32> to vector<128xf32>
    %broadcast_in_dim3A_133 = vector.shape_cast %reduce_sum3A_132 : vector<128xf32> to vector<128x1xf32>
    %slice3A_134 = vector.extract_strided_slice %mul3A_37 {offsets = [0, 4800], sizes = [128, 200], strides = [1, 1]} : vector<128x12800xf32> to vector<128x200xf32>
    %reduce_sum3A_135 = arith.constant dense<0.000000e+00> : vector<128xf32>
    %reduce_sum3A_136 = vector.multi_reduction <add>, %slice3A_134, %reduce_sum3A_135 [1] : vector<128x200xf32> to vector<128xf32>
    %broadcast_in_dim3A_137 = vector.shape_cast %reduce_sum3A_136 : vector<128xf32> to vector<128x1xf32>
    %slice3A_138 = vector.extract_strided_slice %mul3A_37 {offsets = [0, 5000], sizes = [128, 200], strides = [1, 1]} : vector<128x12800xf32> to vector<128x200xf32>
    %reduce_sum3A_139 = arith.constant dense<0.000000e+00> : vector<128xf32>
    %reduce_sum3A_140 = vector.multi_reduction <add>, %slice3A_138, %reduce_sum3A_139 [1] : vector<128x200xf32> to vector<128xf32>
    %broadcast_in_dim3A_141 = vector.shape_cast %reduce_sum3A_140 : vector<128xf32> to vector<128x1xf32>
    %slice3A_142 = vector.extract_strided_slice %mul3A_37 {offsets = [0, 5200], sizes = [128, 200], strides = [1, 1]} : vector<128x12800xf32> to vector<128x200xf32>
    %reduce_sum3A_143 = arith.constant dense<0.000000e+00> : vector<128xf32>
    %reduce_sum3A_144 = vector.multi_reduction <add>, %slice3A_142, %reduce_sum3A_143 [1] : vector<128x200xf32> to vector<128xf32>
    %broadcast_in_dim3A_145 = vector.shape_cast %reduce_sum3A_144 : vector<128xf32> to vector<128x1xf32>
    %slice3A_146 = vector.extract_strided_slice %mul3A_37 {offsets = [0, 5400], sizes = [128, 200], strides = [1, 1]} : vector<128x12800xf32> to vector<128x200xf32>
    %reduce_sum3A_147 = arith.constant dense<0.000000e+00> : vector<128xf32>
    %reduce_sum3A_148 = vector.multi_reduction <add>, %slice3A_146, %reduce_sum3A_147 [1] : vector<128x200xf32> to vector<128xf32>
    %broadcast_in_dim3A_149 = vector.shape_cast %reduce_sum3A_148 : vector<128xf32> to vector<128x1xf32>
    %slice3A_150 = vector.extract_strided_slice %mul3A_37 {offsets = [0, 5600], sizes = [128, 200], strides = [1, 1]} : vector<128x12800xf32> to vector<128x200xf32>
    %reduce_sum3A_151 = arith.constant dense<0.000000e+00> : vector<128xf32>
    %reduce_sum3A_152 = vector.multi_reduction <add>, %slice3A_150, %reduce_sum3A_151 [1] : vector<128x200xf32> to vector<128xf32>
    %broadcast_in_dim3A_153 = vector.shape_cast %reduce_sum3A_152 : vector<128xf32> to vector<128x1xf32>
    %slice3A_154 = vector.extract_strided_slice %mul3A_37 {offsets = [0, 5800], sizes = [128, 200], strides = [1, 1]} : vector<128x12800xf32> to vector<128x200xf32>
    %reduce_sum3A_155 = arith.constant dense<0.000000e+00> : vector<128xf32>
    %reduce_sum3A_156 = vector.multi_reduction <add>, %slice3A_154, %reduce_sum3A_155 [1] : vector<128x200xf32> to vector<128xf32>
    %broadcast_in_dim3A_157 = vector.shape_cast %reduce_sum3A_156 : vector<128xf32> to vector<128x1xf32>
    %slice3A_158 = vector.extract_strided_slice %mul3A_37 {offsets = [0, 6000], sizes = [128, 200], strides = [1, 1]} : vector<128x12800xf32> to vector<128x200xf32>
    %reduce_sum3A_159 = arith.constant dense<0.000000e+00> : vector<128xf32>
    %reduce_sum3A_160 = vector.multi_reduction <add>, %slice3A_158, %reduce_sum3A_159 [1] : vector<128x200xf32> to vector<128xf32>
    %broadcast_in_dim3A_161 = vector.shape_cast %reduce_sum3A_160 : vector<128xf32> to vector<128x1xf32>
    %slice3A_162 = vector.extract_strided_slice %mul3A_37 {offsets = [0, 6200], sizes = [128, 200], strides = [1, 1]} : vector<128x12800xf32> to vector<128x200xf32>
    %reduce_sum3A_163 = arith.constant dense<0.000000e+00> : vector<128xf32>
    %reduce_sum3A_164 = vector.multi_reduction <add>, %slice3A_162, %reduce_sum3A_163 [1] : vector<128x200xf32> to vector<128xf32>
    %broadcast_in_dim3A_165 = vector.shape_cast %reduce_sum3A_164 : vector<128xf32> to vector<128x1xf32>
    %slice3A_166 = vector.extract_strided_slice %mul3A_37 {offsets = [0, 6400], sizes = [128, 200], strides = [1, 1]} : vector<128x12800xf32> to vector<128x200xf32>
    %reduce_sum3A_167 = arith.constant dense<0.000000e+00> : vector<128xf32>
    %reduce_sum3A_168 = vector.multi_reduction <add>, %slice3A_166, %reduce_sum3A_167 [1] : vector<128x200xf32> to vector<128xf32>
    %broadcast_in_dim3A_169 = vector.shape_cast %reduce_sum3A_168 : vector<128xf32> to vector<128x1xf32>
    %slice3A_170 = vector.extract_strided_slice %mul3A_37 {offsets = [0, 6600], sizes = [128, 200], strides = [1, 1]} : vector<128x12800xf32> to vector<128x200xf32>
    %reduce_sum3A_171 = arith.constant dense<0.000000e+00> : vector<128xf32>
    %reduce_sum3A_172 = vector.multi_reduction <add>, %slice3A_170, %reduce_sum3A_171 [1] : vector<128x200xf32> to vector<128xf32>
    %broadcast_in_dim3A_173 = vector.shape_cast %reduce_sum3A_172 : vector<128xf32> to vector<128x1xf32>
    %slice3A_174 = vector.extract_strided_slice %mul3A_37 {offsets = [0, 6800], sizes = [128, 200], strides = [1, 1]} : vector<128x12800xf32> to vector<128x200xf32>
    %reduce_sum3A_175 = arith.constant dense<0.000000e+00> : vector<128xf32>
    %reduce_sum3A_176 = vector.multi_reduction <add>, %slice3A_174, %reduce_sum3A_175 [1] : vector<128x200xf32> to vector<128xf32>
    %broadcast_in_dim3A_177 = vector.shape_cast %reduce_sum3A_176 : vector<128xf32> to vector<128x1xf32>
    %slice3A_178 = vector.extract_strided_slice %mul3A_37 {offsets = [0, 7000], sizes = [128, 200], strides = [1, 1]} : vector<128x12800xf32> to vector<128x200xf32>
    %reduce_sum3A_179 = arith.constant dense<0.000000e+00> : vector<128xf32>
    %reduce_sum3A_180 = vector.multi_reduction <add>, %slice3A_178, %reduce_sum3A_179 [1] : vector<128x200xf32> to vector<128xf32>
    %broadcast_in_dim3A_181 = vector.shape_cast %reduce_sum3A_180 : vector<128xf32> to vector<128x1xf32>
    %slice3A_182 = vector.extract_strided_slice %mul3A_37 {offsets = [0, 7200], sizes = [128, 200], strides = [1, 1]} : vector<128x12800xf32> to vector<128x200xf32>
    %reduce_sum3A_183 = arith.constant dense<0.000000e+00> : vector<128xf32>
    %reduce_sum3A_184 = vector.multi_reduction <add>, %slice3A_182, %reduce_sum3A_183 [1] : vector<128x200xf32> to vector<128xf32>
    %broadcast_in_dim3A_185 = vector.shape_cast %reduce_sum3A_184 : vector<128xf32> to vector<128x1xf32>
    %slice3A_186 = vector.extract_strided_slice %mul3A_37 {offsets = [0, 7400], sizes = [128, 200], strides = [1, 1]} : vector<128x12800xf32> to vector<128x200xf32>
    %reduce_sum3A_187 = arith.constant dense<0.000000e+00> : vector<128xf32>
    %reduce_sum3A_188 = vector.multi_reduction <add>, %slice3A_186, %reduce_sum3A_187 [1] : vector<128x200xf32> to vector<128xf32>
    %broadcast_in_dim3A_189 = vector.shape_cast %reduce_sum3A_188 : vector<128xf32> to vector<128x1xf32>
    %slice3A_190 = vector.extract_strided_slice %mul3A_37 {offsets = [0, 7600], sizes = [128, 200], strides = [1, 1]} : vector<128x12800xf32> to vector<128x200xf32>
    %reduce_sum3A_191 = arith.constant dense<0.000000e+00> : vector<128xf32>
    %reduce_sum3A_192 = vector.multi_reduction <add>, %slice3A_190, %reduce_sum3A_191 [1] : vector<128x200xf32> to vector<128xf32>
    %broadcast_in_dim3A_193 = vector.shape_cast %reduce_sum3A_192 : vector<128xf32> to vector<128x1xf32>
    %slice3A_194 = vector.extract_strided_slice %mul3A_37 {offsets = [0, 7800], sizes = [128, 200], strides = [1, 1]} : vector<128x12800xf32> to vector<128x200xf32>
    %reduce_sum3A_195 = arith.constant dense<0.000000e+00> : vector<128xf32>
    %reduce_sum3A_196 = vector.multi_reduction <add>, %slice3A_194, %reduce_sum3A_195 [1] : vector<128x200xf32> to vector<128xf32>
    %broadcast_in_dim3A_197 = vector.shape_cast %reduce_sum3A_196 : vector<128xf32> to vector<128x1xf32>
    %slice3A_198 = vector.extract_strided_slice %mul3A_37 {offsets = [0, 8000], sizes = [128, 200], strides = [1, 1]} : vector<128x12800xf32> to vector<128x200xf32>
    %reduce_sum3A_199 = arith.constant dense<0.000000e+00> : vector<128xf32>
    %reduce_sum3A_200 = vector.multi_reduction <add>, %slice3A_198, %reduce_sum3A_199 [1] : vector<128x200xf32> to vector<128xf32>
    %broadcast_in_dim3A_201 = vector.shape_cast %reduce_sum3A_200 : vector<128xf32> to vector<128x1xf32>
    %slice3A_202 = vector.extract_strided_slice %mul3A_37 {offsets = [0, 8200], sizes = [128, 200], strides = [1, 1]} : vector<128x12800xf32> to vector<128x200xf32>
    %reduce_sum3A_203 = arith.constant dense<0.000000e+00> : vector<128xf32>
    %reduce_sum3A_204 = vector.multi_reduction <add>, %slice3A_202, %reduce_sum3A_203 [1] : vector<128x200xf32> to vector<128xf32>
    %broadcast_in_dim3A_205 = vector.shape_cast %reduce_sum3A_204 : vector<128xf32> to vector<128x1xf32>
    %slice3A_206 = vector.extract_strided_slice %mul3A_37 {offsets = [0, 8400], sizes = [128, 200], strides = [1, 1]} : vector<128x12800xf32> to vector<128x200xf32>
    %reduce_sum3A_207 = arith.constant dense<0.000000e+00> : vector<128xf32>
    %reduce_sum3A_208 = vector.multi_reduction <add>, %slice3A_206, %reduce_sum3A_207 [1] : vector<128x200xf32> to vector<128xf32>
    %broadcast_in_dim3A_209 = vector.shape_cast %reduce_sum3A_208 : vector<128xf32> to vector<128x1xf32>
    %slice3A_210 = vector.extract_strided_slice %mul3A_37 {offsets = [0, 8600], sizes = [128, 200], strides = [1, 1]} : vector<128x12800xf32> to vector<128x200xf32>
    %reduce_sum3A_211 = arith.constant dense<0.000000e+00> : vector<128xf32>
    %reduce_sum3A_212 = vector.multi_reduction <add>, %slice3A_210, %reduce_sum3A_211 [1] : vector<128x200xf32> to vector<128xf32>
    %broadcast_in_dim3A_213 = vector.shape_cast %reduce_sum3A_212 : vector<128xf32> to vector<128x1xf32>
    %slice3A_214 = vector.extract_strided_slice %mul3A_37 {offsets = [0, 8800], sizes = [128, 200], strides = [1, 1]} : vector<128x12800xf32> to vector<128x200xf32>
    %reduce_sum3A_215 = arith.constant dense<0.000000e+00> : vector<128xf32>
    %reduce_sum3A_216 = vector.multi_reduction <add>, %slice3A_214, %reduce_sum3A_215 [1] : vector<128x200xf32> to vector<128xf32>
    %broadcast_in_dim3A_217 = vector.shape_cast %reduce_sum3A_216 : vector<128xf32> to vector<128x1xf32>
    %slice3A_218 = vector.extract_strided_slice %mul3A_37 {offsets = [0, 9000], sizes = [128, 200], strides = [1, 1]} : vector<128x12800xf32> to vector<128x200xf32>
    %reduce_sum3A_219 = arith.constant dense<0.000000e+00> : vector<128xf32>
    %reduce_sum3A_220 = vector.multi_reduction <add>, %slice3A_218, %reduce_sum3A_219 [1] : vector<128x200xf32> to vector<128xf32>
    %broadcast_in_dim3A_221 = vector.shape_cast %reduce_sum3A_220 : vector<128xf32> to vector<128x1xf32>
    %slice3A_222 = vector.extract_strided_slice %mul3A_37 {offsets = [0, 9200], sizes = [128, 200], strides = [1, 1]} : vector<128x12800xf32> to vector<128x200xf32>
    %reduce_sum3A_223 = arith.constant dense<0.000000e+00> : vector<128xf32>
    %reduce_sum3A_224 = vector.multi_reduction <add>, %slice3A_222, %reduce_sum3A_223 [1] : vector<128x200xf32> to vector<128xf32>
    %broadcast_in_dim3A_225 = vector.shape_cast %reduce_sum3A_224 : vector<128xf32> to vector<128x1xf32>
    %slice3A_226 = vector.extract_strided_slice %mul3A_37 {offsets = [0, 9400], sizes = [128, 200], strides = [1, 1]} : vector<128x12800xf32> to vector<128x200xf32>
    %reduce_sum3A_227 = arith.constant dense<0.000000e+00> : vector<128xf32>
    %reduce_sum3A_228 = vector.multi_reduction <add>, %slice3A_226, %reduce_sum3A_227 [1] : vector<128x200xf32> to vector<128xf32>
    %broadcast_in_dim3A_229 = vector.shape_cast %reduce_sum3A_228 : vector<128xf32> to vector<128x1xf32>
    %slice3A_230 = vector.extract_strided_slice %mul3A_37 {offsets = [0, 9600], sizes = [128, 200], strides = [1, 1]} : vector<128x12800xf32> to vector<128x200xf32>
    %reduce_sum3A_231 = arith.constant dense<0.000000e+00> : vector<128xf32>
    %reduce_sum3A_232 = vector.multi_reduction <add>, %slice3A_230, %reduce_sum3A_231 [1] : vector<128x200xf32> to vector<128xf32>
    %broadcast_in_dim3A_233 = vector.shape_cast %reduce_sum3A_232 : vector<128xf32> to vector<128x1xf32>
    %slice3A_234 = vector.extract_strided_slice %mul3A_37 {offsets = [0, 9800], sizes = [128, 200], strides = [1, 1]} : vector<128x12800xf32> to vector<128x200xf32>
    %reduce_sum3A_235 = arith.constant dense<0.000000e+00> : vector<128xf32>
    %reduce_sum3A_236 = vector.multi_reduction <add>, %slice3A_234, %reduce_sum3A_235 [1] : vector<128x200xf32> to vector<128xf32>
    %broadcast_in_dim3A_237 = vector.shape_cast %reduce_sum3A_236 : vector<128xf32> to vector<128x1xf32>
    %slice3A_238 = vector.extract_strided_slice %mul3A_37 {offsets = [0, 10000], sizes = [128, 200], strides = [1, 1]} : vector<128x12800xf32> to vector<128x200xf32>
    %reduce_sum3A_239 = arith.constant dense<0.000000e+00> : vector<128xf32>
    %reduce_sum3A_240 = vector.multi_reduction <add>, %slice3A_238, %reduce_sum3A_239 [1] : vector<128x200xf32> to vector<128xf32>
    %broadcast_in_dim3A_241 = vector.shape_cast %reduce_sum3A_240 : vector<128xf32> to vector<128x1xf32>
    %slice3A_242 = vector.extract_strided_slice %mul3A_37 {offsets = [0, 10200], sizes = [128, 200], strides = [1, 1]} : vector<128x12800xf32> to vector<128x200xf32>
    %reduce_sum3A_243 = arith.constant dense<0.000000e+00> : vector<128xf32>
    %reduce_sum3A_244 = vector.multi_reduction <add>, %slice3A_242, %reduce_sum3A_243 [1] : vector<128x200xf32> to vector<128xf32>
    %broadcast_in_dim3A_245 = vector.shape_cast %reduce_sum3A_244 : vector<128xf32> to vector<128x1xf32>
    %slice3A_246 = vector.extract_strided_slice %mul3A_37 {offsets = [0, 10400], sizes = [128, 200], strides = [1, 1]} : vector<128x12800xf32> to vector<128x200xf32>
    %reduce_sum3A_247 = arith.constant dense<0.000000e+00> : vector<128xf32>
    %reduce_sum3A_248 = vector.multi_reduction <add>, %slice3A_246, %reduce_sum3A_247 [1] : vector<128x200xf32> to vector<128xf32>
    %broadcast_in_dim3A_249 = vector.shape_cast %reduce_sum3A_248 : vector<128xf32> to vector<128x1xf32>
    %slice3A_250 = vector.extract_strided_slice %mul3A_37 {offsets = [0, 10600], sizes = [128, 200], strides = [1, 1]} : vector<128x12800xf32> to vector<128x200xf32>
    %reduce_sum3A_251 = arith.constant dense<0.000000e+00> : vector<128xf32>
    %reduce_sum3A_252 = vector.multi_reduction <add>, %slice3A_250, %reduce_sum3A_251 [1] : vector<128x200xf32> to vector<128xf32>
    %broadcast_in_dim3A_253 = vector.shape_cast %reduce_sum3A_252 : vector<128xf32> to vector<128x1xf32>
    %slice3A_254 = vector.extract_strided_slice %mul3A_37 {offsets = [0, 10800], sizes = [128, 200], strides = [1, 1]} : vector<128x12800xf32> to vector<128x200xf32>
    %reduce_sum3A_255 = arith.constant dense<0.000000e+00> : vector<128xf32>
    %reduce_sum3A_256 = vector.multi_reduction <add>, %slice3A_254, %reduce_sum3A_255 [1] : vector<128x200xf32> to vector<128xf32>
    %broadcast_in_dim3A_257 = vector.shape_cast %reduce_sum3A_256 : vector<128xf32> to vector<128x1xf32>
    %slice3A_258 = vector.extract_strided_slice %mul3A_37 {offsets = [0, 11000], sizes = [128, 200], strides = [1, 1]} : vector<128x12800xf32> to vector<128x200xf32>
    %reduce_sum3A_259 = arith.constant dense<0.000000e+00> : vector<128xf32>
    %reduce_sum3A_260 = vector.multi_reduction <add>, %slice3A_258, %reduce_sum3A_259 [1] : vector<128x200xf32> to vector<128xf32>
    %broadcast_in_dim3A_261 = vector.shape_cast %reduce_sum3A_260 : vector<128xf32> to vector<128x1xf32>
    %slice3A_262 = vector.extract_strided_slice %mul3A_37 {offsets = [0, 11200], sizes = [128, 200], strides = [1, 1]} : vector<128x12800xf32> to vector<128x200xf32>
    %reduce_sum3A_263 = arith.constant dense<0.000000e+00> : vector<128xf32>
    %reduce_sum3A_264 = vector.multi_reduction <add>, %slice3A_262, %reduce_sum3A_263 [1] : vector<128x200xf32> to vector<128xf32>
    %broadcast_in_dim3A_265 = vector.shape_cast %reduce_sum3A_264 : vector<128xf32> to vector<128x1xf32>
    %slice3A_266 = vector.extract_strided_slice %mul3A_37 {offsets = [0, 11400], sizes = [128, 200], strides = [1, 1]} : vector<128x12800xf32> to vector<128x200xf32>
    %reduce_sum3A_267 = arith.constant dense<0.000000e+00> : vector<128xf32>
    %reduce_sum3A_268 = vector.multi_reduction <add>, %slice3A_266, %reduce_sum3A_267 [1] : vector<128x200xf32> to vector<128xf32>
    %broadcast_in_dim3A_269 = vector.shape_cast %reduce_sum3A_268 : vector<128xf32> to vector<128x1xf32>
    %slice3A_270 = vector.extract_strided_slice %mul3A_37 {offsets = [0, 11600], sizes = [128, 200], strides = [1, 1]} : vector<128x12800xf32> to vector<128x200xf32>
    %reduce_sum3A_271 = arith.constant dense<0.000000e+00> : vector<128xf32>
    %reduce_sum3A_272 = vector.multi_reduction <add>, %slice3A_270, %reduce_sum3A_271 [1] : vector<128x200xf32> to vector<128xf32>
    %broadcast_in_dim3A_273 = vector.shape_cast %reduce_sum3A_272 : vector<128xf32> to vector<128x1xf32>
    %slice3A_274 = vector.extract_strided_slice %mul3A_37 {offsets = [0, 11800], sizes = [128, 200], strides = [1, 1]} : vector<128x12800xf32> to vector<128x200xf32>
    %reduce_sum3A_275 = arith.constant dense<0.000000e+00> : vector<128xf32>
    %reduce_sum3A_276 = vector.multi_reduction <add>, %slice3A_274, %reduce_sum3A_275 [1] : vector<128x200xf32> to vector<128xf32>
    %broadcast_in_dim3A_277 = vector.shape_cast %reduce_sum3A_276 : vector<128xf32> to vector<128x1xf32>
    %slice3A_278 = vector.extract_strided_slice %mul3A_37 {offsets = [0, 12000], sizes = [128, 200], strides = [1, 1]} : vector<128x12800xf32> to vector<128x200xf32>
    %reduce_sum3A_279 = arith.constant dense<0.000000e+00> : vector<128xf32>
    %reduce_sum3A_280 = vector.multi_reduction <add>, %slice3A_278, %reduce_sum3A_279 [1] : vector<128x200xf32> to vector<128xf32>
    %broadcast_in_dim3A_281 = vector.shape_cast %reduce_sum3A_280 : vector<128xf32> to vector<128x1xf32>
    %slice3A_282 = vector.extract_strided_slice %mul3A_37 {offsets = [0, 12200], sizes = [128, 200], strides = [1, 1]} : vector<128x12800xf32> to vector<128x200xf32>
    %reduce_sum3A_283 = arith.constant dense<0.000000e+00> : vector<128xf32>
    %reduce_sum3A_284 = vector.multi_reduction <add>, %slice3A_282, %reduce_sum3A_283 [1] : vector<128x200xf32> to vector<128xf32>
    %broadcast_in_dim3A_285 = vector.shape_cast %reduce_sum3A_284 : vector<128xf32> to vector<128x1xf32>
    %slice3A_286 = vector.extract_strided_slice %mul3A_37 {offsets = [0, 12400], sizes = [128, 200], strides = [1, 1]} : vector<128x12800xf32> to vector<128x200xf32>
    %reduce_sum3A_287 = arith.constant dense<0.000000e+00> : vector<128xf32>
    %reduce_sum3A_288 = vector.multi_reduction <add>, %slice3A_286, %reduce_sum3A_287 [1] : vector<128x200xf32> to vector<128xf32>
    %broadcast_in_dim3A_289 = vector.shape_cast %reduce_sum3A_288 : vector<128xf32> to vector<128x1xf32>
    %slice3A_290 = vector.extract_strided_slice %mul3A_37 {offsets = [0, 12600], sizes = [128, 200], strides = [1, 1]} : vector<128x12800xf32> to vector<128x200xf32>
    %reduce_sum3A_291 = arith.constant dense<0.000000e+00> : vector<128xf32>
    %reduce_sum3A_292 = vector.multi_reduction <add>, %slice3A_290, %reduce_sum3A_291 [1] : vector<128x200xf32> to vector<128xf32>
    %broadcast_in_dim3A_293 = vector.shape_cast %reduce_sum3A_292 : vector<128xf32> to vector<128x1xf32>
    %concatenate3A_294 = tpu.concatenate %broadcast_in_dim3A_41, %broadcast_in_dim3A_45, %broadcast_in_dim3A_49, %broadcast_in_dim3A_53, %broadcast_in_dim3A_57, %broadcast_in_dim3A_61, %broadcast_in_dim3A_65, %broadcast_in_dim3A_69, %broadcast_in_dim3A_73, %broadcast_in_dim3A_77, %broadcast_in_dim3A_81, %broadcast_in_dim3A_85, %broadcast_in_dim3A_89, %broadcast_in_dim3A_93, %broadcast_in_dim3A_97, %broadcast_in_dim3A_101, %broadcast_in_dim3A_105, %broadcast_in_dim3A_109, %broadcast_in_dim3A_113, %broadcast_in_dim3A_117, %broadcast_in_dim3A_121, %broadcast_in_dim3A_125, %broadcast_in_dim3A_129, %broadcast_in_dim3A_133, %broadcast_in_dim3A_137, %broadcast_in_dim3A_141, %broadcast_in_dim3A_145, %broadcast_in_dim3A_149, %broadcast_in_dim3A_153, %broadcast_in_dim3A_157, %broadcast_in_dim3A_161, %broadcast_in_dim3A_165, %broadcast_in_dim3A_169, %broadcast_in_dim3A_173, %broadcast_in_dim3A_177, %broadcast_in_dim3A_181, %broadcast_in_dim3A_185, %broadcast_in_dim3A_189, %broadcast_in_dim3A_193, %broadcast_in_dim3A_197, %broadcast_in_dim3A_201, %broadcast_in_dim3A_205, %broadcast_in_dim3A_209, %broadcast_in_dim3A_213, %broadcast_in_dim3A_217, %broadcast_in_dim3A_221, %broadcast_in_dim3A_225, %broadcast_in_dim3A_229, %broadcast_in_dim3A_233, %broadcast_in_dim3A_237, %broadcast_in_dim3A_241, %broadcast_in_dim3A_245, %broadcast_in_dim3A_249, %broadcast_in_dim3A_253, %broadcast_in_dim3A_257, %broadcast_in_dim3A_261, %broadcast_in_dim3A_265, %broadcast_in_dim3A_269, %broadcast_in_dim3A_273, %broadcast_in_dim3A_277, %broadcast_in_dim3A_281, %broadcast_in_dim3A_285, %broadcast_in_dim3A_289, %broadcast_in_dim3A_293 in 1 : vector<128x1xf32>, vector<128x1xf32>, vector<128x1xf32>, vector<128x1xf32>, vector<128x1xf32>, vector<128x1xf32>, vector<128x1xf32>, vector<128x1xf32>, vector<128x1xf32>, vector<128x1xf32>, vector<128x1xf32>, vector<128x1xf32>, vector<128x1xf32>, vector<128x1xf32>, vector<128x1xf32>, vector<128x1xf32>, vector<128x1xf32>, vector<128x1xf32>, vector<128x1xf32>, vector<128x1xf32>, vector<128x1xf32>, vector<128x1xf32>, vector<128x1xf32>, vector<128x1xf32>, vector<128x1xf32>, vector<128x1xf32>, vector<128x1xf32>, vector<128x1xf32>, vector<128x1xf32>, vector<128x1xf32>, vector<128x1xf32>, vector<128x1xf32>, vector<128x1xf32>, vector<128x1xf32>, vector<128x1xf32>, vector<128x1xf32>, vector<128x1xf32>, vector<128x1xf32>, vector<128x1xf32>, vector<128x1xf32>, vector<128x1xf32>, vector<128x1xf32>, vector<128x1xf32>, vector<128x1xf32>, vector<128x1xf32>, vector<128x1xf32>, vector<128x1xf32>, vector<128x1xf32>, vector<128x1xf32>, vector<128x1xf32>, vector<128x1xf32>, vector<128x1xf32>, vector<128x1xf32>, vector<128x1xf32>, vector<128x1xf32>, vector<128x1xf32>, vector<128x1xf32>, vector<128x1xf32>, vector<128x1xf32>, vector<128x1xf32>, vector<128x1xf32>, vector<128x1xf32>, vector<128x1xf32>, vector<128x1xf32> -> vector<128x64xf32>
    %div3A = vector.broadcast %broadcast_in_dim3A_34 : vector<128x1xf32> to vector<128x64xf32>
    %div3A_295 = arith.divf %concatenate3A_294, %div3A : vector<128x64xf32>
    %get3A_296 = arith.constant 0 : index
    %get3A_297 = arith.constant 0 : index
    %get3A_298 = vector.load %arg5[%get3A_296, %get3A_297] : memref<64x32xf32, #tpu.memory_space<vmem>>, vector<64x32xf32>
    %dot_general3A_299 = arith.constant dense<0.000000e+00> : vector<128x32xf32>
    %dot_general3A_300 = tpu.matmul %div3A_295, %get3A_298, %dot_general3A_299 {dimension_numbers = #tpu.dot_dimension_numbers<[1], [0], [0], [1], [0, 0, 1, 1], [], []>, transpose_lhs_hint = false} : vector<128x64xf32>, vector<64x32xf32>, vector<128x32xf32> -> vector<128x32xf32>
    %get3A_301 = arith.constant 0 : index
    %get3A_302 = arith.constant 0 : index
    %get3A_303 = vector.load %arg6[%get3A_301, %get3A_302] : memref<1x32xf32, #tpu.memory_space<vmem>>, vector<1x32xf32>
    %add3A_304 = vector.broadcast %get3A_303 : vector<1x32xf32> to vector<128x32xf32>
    %add3A_305 = arith.addf %dot_general3A_300, %add3A_304 : vector<128x32xf32>
    %exp3A_306 = math.exp %add3A_305 : vector<128x32xf32>
    %reduce_sum3A_307 = arith.constant dense<0.000000e+00> : vector<128xf32>
    %reduce_sum3A_308 = vector.multi_reduction <add>, %exp3A_306, %reduce_sum3A_307 [1] : vector<128x32xf32> to vector<128xf32>
    %broadcast_in_dim3A_309 = vector.shape_cast %reduce_sum3A_308 : vector<128xf32> to vector<128x1xf32>
    %div3A_310 = vector.broadcast %broadcast_in_dim3A_309 : vector<128x1xf32> to vector<128x32xf32>
    %div3A_311 = arith.divf %exp3A_306, %div3A_310 : vector<128x32xf32>
    %get3A_312 = arith.constant 0 : index
    %get3A_313 = arith.constant 0 : index
    %get3A_314 = vector.load %arg7[%get3A_312, %get3A_313] : memref<32x64xf32, #tpu.memory_space<vmem>>, vector<32x64xf32>
    %dot_general3A_315 = arith.constant dense<0.000000e+00> : vector<128x64xf32>
    %dot_general3A_316 = tpu.matmul %div3A_311, %get3A_314, %dot_general3A_315 {dimension_numbers = #tpu.dot_dimension_numbers<[1], [0], [0], [1], [0, 0, 1, 1], [], []>, transpose_lhs_hint = false} : vector<128x32xf32>, vector<32x64xf32>, vector<128x64xf32> -> vector<128x64xf32>
    %swap3A = arith.constant 0 : index
    %swap3A_317 = arith.constant 0 : index
    %swap3A_318 = vector.load %arg8[%swap3A, %swap3A_317] : memref<128x64xf32, #tpu.memory_space<vmem>>, vector<128x64xf32>
    tpu.vector_store %arg8[%swap3A, %swap3A_317], %dot_general3A_316 {strides = array<i32>} : memref<128x64xf32, #tpu.memory_space<vmem>>, vector<128x64xf32>,
    %mul3A_319 = arith.mulf %dot_general3A_316, %dot_general3A_316 : vector<128x64xf32>
    %reduce_sum3A_320 = arith.constant dense<0.000000e+00> : vector<128xf32>
    %reduce_sum3A_321 = vector.multi_reduction <add>, %mul3A_319, %reduce_sum3A_320 [1] : vector<128x64xf32> to vector<128xf32>
    %broadcast_in_dim3A_322 = vector.shape_cast %reduce_sum3A_321 : vector<128xf32> to vector<128x1xf32>
    %sqrt3A = math.sqrt %broadcast_in_dim3A_322 : vector<128x1xf32>
    %max3A = arith.constant 9.99999996E-13 : f32
    %max3A_323 = vector.broadcast %max3A : f32 to vector<128x1xf32>
    %max3A_324 = arith.maximumf %sqrt3A, %max3A_323 : vector<128x1xf32>
    %div3A_325 = vector.broadcast %max3A_324 : vector<128x1xf32> to vector<128x64xf32>
    %div3A_326 = arith.divf %dot_general3A_316, %div3A_325 : vector<128x64xf32>
    %mul3A_327 = arith.mulf %div3A_295, %div3A_295 : vector<128x64xf32>
    %reduce_sum3A_328 = arith.constant dense<0.000000e+00> : vector<128xf32>
    %reduce_sum3A_329 = vector.multi_reduction <add>, %mul3A_327, %reduce_sum3A_328 [1] : vector<128x64xf32> to vector<128xf32>
    %broadcast_in_dim3A_330 = vector.shape_cast %reduce_sum3A_329 : vector<128xf32> to vector<128x1xf32>
    %sqrt3A_331 = math.sqrt %broadcast_in_dim3A_330 : vector<128x1xf32>
    %max3A_332 = arith.constant 9.99999996E-13 : f32
    %max3A_333 = vector.broadcast %max3A_332 : f32 to vector<128x1xf32>
    %max3A_334 = arith.maximumf %sqrt3A_331, %max3A_333 : vector<128x1xf32>
    %div3A_335 = vector.broadcast %max3A_334 : vector<128x1xf32> to vector<128x64xf32>
    %div3A_336 = arith.divf %div3A_295, %div3A_335 : vector<128x64xf32>
    %mul3A_337 = arith.mulf %div3A_326, %div3A_336 : vector<128x64xf32>
    %reduce_sum3A_338 = arith.constant dense<0.000000e+00> : vector<128xf32>
    %reduce_sum3A_339 = vector.multi_reduction <add>, %mul3A_337, %reduce_sum3A_338 [1] : vector<128x64xf32> to vector<128xf32>
    %broadcast_in_dim3A_340 = vector.shape_cast %reduce_sum3A_339 : vector<128xf32> to vector<128x1xf32>
    %get3A_341 = arith.constant 0 : index
    %get3A_342 = arith.constant 0 : index
    %get3A_343 = vector.load %arg3[%get3A_341, %get3A_342] : memref<128x320xf32, #tpu.memory_space<vmem>>, vector<128x64xf32>
    %mul3A_344 = arith.mulf %get3A_343, %get3A_343 : vector<128x64xf32>
    %reduce_sum3A_345 = arith.constant dense<0.000000e+00> : vector<128xf32>
    %reduce_sum3A_346 = vector.multi_reduction <add>, %mul3A_344, %reduce_sum3A_345 [1] : vector<128x64xf32> to vector<128xf32>
    %broadcast_in_dim3A_347 = vector.shape_cast %reduce_sum3A_346 : vector<128xf32> to vector<128x1xf32>
    %sqrt3A_348 = math.sqrt %broadcast_in_dim3A_347 : vector<128x1xf32>
    %max3A_349 = arith.constant 9.99999996E-13 : f32
    %max3A_350 = vector.broadcast %max3A_349 : f32 to vector<128x1xf32>
    %max3A_351 = arith.maximumf %sqrt3A_348, %max3A_350 : vector<128x1xf32>
    %div3A_352 = vector.broadcast %max3A_351 : vector<128x1xf32> to vector<128x64xf32>
    %div3A_353 = arith.divf %get3A_343, %div3A_352 : vector<128x64xf32>
    %mul3A_354 = arith.mulf %div3A_353, %div3A_326 : vector<128x64xf32>
    %reduce_sum3A_355 = arith.constant dense<0.000000e+00> : vector<128xf32>
    %reduce_sum3A_356 = vector.multi_reduction <add>, %mul3A_354, %reduce_sum3A_355 [1] : vector<128x64xf32> to vector<128xf32>
    %broadcast_in_dim3A_357 = vector.shape_cast %reduce_sum3A_356 : vector<128xf32> to vector<128x1xf32>
    %get3A_358 = arith.constant 0 : index
    %get3A_359 = arith.constant 64 : index
    %get3A_360 = vector.load %arg3[%get3A_358, %get3A_359] : memref<128x320xf32, #tpu.memory_space<vmem>>, vector<128x64xf32>
    %mul3A_361 = arith.mulf %get3A_360, %get3A_360 : vector<128x64xf32>
    %reduce_sum3A_362 = arith.constant dense<0.000000e+00> : vector<128xf32>
    %reduce_sum3A_363 = vector.multi_reduction <add>, %mul3A_361, %reduce_sum3A_362 [1] : vector<128x64xf32> to vector<128xf32>
    %broadcast_in_dim3A_364 = vector.shape_cast %reduce_sum3A_363 : vector<128xf32> to vector<128x1xf32>
    %sqrt3A_365 = math.sqrt %broadcast_in_dim3A_364 : vector<128x1xf32>
    %max3A_366 = arith.constant 9.99999996E-13 : f32
    %max3A_367 = vector.broadcast %max3A_366 : f32 to vector<128x1xf32>
    %max3A_368 = arith.maximumf %sqrt3A_365, %max3A_367 : vector<128x1xf32>
    %div3A_369 = vector.broadcast %max3A_368 : vector<128x1xf32> to vector<128x64xf32>
    %div3A_370 = arith.divf %get3A_360, %div3A_369 : vector<128x64xf32>
    %mul3A_371 = arith.mulf %div3A_370, %div3A_326 : vector<128x64xf32>
    %reduce_sum3A_372 = arith.constant dense<0.000000e+00> : vector<128xf32>
    %reduce_sum3A_373 = vector.multi_reduction <add>, %mul3A_371, %reduce_sum3A_372 [1] : vector<128x64xf32> to vector<128xf32>
    %broadcast_in_dim3A_374 = vector.shape_cast %reduce_sum3A_373 : vector<128xf32> to vector<128x1xf32>
    %get3A_375 = arith.constant 0 : index
    %get3A_376 = arith.constant 128 : index
    %get3A_377 = vector.load %arg3[%get3A_375, %get3A_376] : memref<128x320xf32, #tpu.memory_space<vmem>>, vector<128x64xf32>
    %mul3A_378 = arith.mulf %get3A_377, %get3A_377 : vector<128x64xf32>
    %reduce_sum3A_379 = arith.constant dense<0.000000e+00> : vector<128xf32>
    %reduce_sum3A_380 = vector.multi_reduction <add>, %mul3A_378, %reduce_sum3A_379 [1] : vector<128x64xf32> to vector<128xf32>
    %broadcast_in_dim3A_381 = vector.shape_cast %reduce_sum3A_380 : vector<128xf32> to vector<128x1xf32>
    %sqrt3A_382 = math.sqrt %broadcast_in_dim3A_381 : vector<128x1xf32>
    %max3A_383 = arith.constant 9.99999996E-13 : f32
    %max3A_384 = vector.broadcast %max3A_383 : f32 to vector<128x1xf32>
    %max3A_385 = arith.maximumf %sqrt3A_382, %max3A_384 : vector<128x1xf32>
    %div3A_386 = vector.broadcast %max3A_385 : vector<128x1xf32> to vector<128x64xf32>
    %div3A_387 = arith.divf %get3A_377, %div3A_386 : vector<128x64xf32>
    %mul3A_388 = arith.mulf %div3A_387, %div3A_326 : vector<128x64xf32>
    %reduce_sum3A_389 = arith.constant dense<0.000000e+00> : vector<128xf32>
    %reduce_sum3A_390 = vector.multi_reduction <add>, %mul3A_388, %reduce_sum3A_389 [1] : vector<128x64xf32> to vector<128xf32>
    %broadcast_in_dim3A_391 = vector.shape_cast %reduce_sum3A_390 : vector<128xf32> to vector<128x1xf32>
    %get3A_392 = arith.constant 0 : index
    %get3A_393 = arith.constant 192 : index
    %get3A_394 = vector.load %arg3[%get3A_392, %get3A_393] : memref<128x320xf32, #tpu.memory_space<vmem>>, vector<128x64xf32>
    %mul3A_395 = arith.mulf %get3A_394, %get3A_394 : vector<128x64xf32>
    %reduce_sum3A_396 = arith.constant dense<0.000000e+00> : vector<128xf32>
    %reduce_sum3A_397 = vector.multi_reduction <add>, %mul3A_395, %reduce_sum3A_396 [1] : vector<128x64xf32> to vector<128xf32>
    %broadcast_in_dim3A_398 = vector.shape_cast %reduce_sum3A_397 : vector<128xf32> to vector<128x1xf32>
    %sqrt3A_399 = math.sqrt %broadcast_in_dim3A_398 : vector<128x1xf32>
    %max3A_400 = arith.constant 9.99999996E-13 : f32
    %max3A_401 = vector.broadcast %max3A_400 : f32 to vector<128x1xf32>
    %max3A_402 = arith.maximumf %sqrt3A_399, %max3A_401 : vector<128x1xf32>
    %div3A_403 = vector.broadcast %max3A_402 : vector<128x1xf32> to vector<128x64xf32>
    %div3A_404 = arith.divf %get3A_394, %div3A_403 : vector<128x64xf32>
    %mul3A_405 = arith.mulf %div3A_404, %div3A_326 : vector<128x64xf32>
    %reduce_sum3A_406 = arith.constant dense<0.000000e+00> : vector<128xf32>
    %reduce_sum3A_407 = vector.multi_reduction <add>, %mul3A_405, %reduce_sum3A_406 [1] : vector<128x64xf32> to vector<128xf32>
    %broadcast_in_dim3A_408 = vector.shape_cast %reduce_sum3A_407 : vector<128xf32> to vector<128x1xf32>
    %get3A_409 = arith.constant 0 : index
    %get3A_410 = arith.constant 256 : index
    %get3A_411 = vector.load %arg3[%get3A_409, %get3A_410] : memref<128x320xf32, #tpu.memory_space<vmem>>, vector<128x64xf32>
    %mul3A_412 = arith.mulf %get3A_411, %get3A_411 : vector<128x64xf32>
    %reduce_sum3A_413 = arith.constant dense<0.000000e+00> : vector<128xf32>
    %reduce_sum3A_414 = vector.multi_reduction <add>, %mul3A_412, %reduce_sum3A_413 [1] : vector<128x64xf32> to vector<128xf32>
    %broadcast_in_dim3A_415 = vector.shape_cast %reduce_sum3A_414 : vector<128xf32> to vector<128x1xf32>
    %sqrt3A_416 = math.sqrt %broadcast_in_dim3A_415 : vector<128x1xf32>
    %max3A_417 = arith.constant 9.99999996E-13 : f32
    %max3A_418 = vector.broadcast %max3A_417 : f32 to vector<128x1xf32>
    %max3A_419 = arith.maximumf %sqrt3A_416, %max3A_418 : vector<128x1xf32>
    %div3A_420 = vector.broadcast %max3A_419 : vector<128x1xf32> to vector<128x64xf32>
    %div3A_421 = arith.divf %get3A_411, %div3A_420 : vector<128x64xf32>
    %mul3A_422 = arith.mulf %div3A_421, %div3A_326 : vector<128x64xf32>
    %reduce_sum3A_423 = arith.constant dense<0.000000e+00> : vector<128xf32>
    %reduce_sum3A_424 = vector.multi_reduction <add>, %mul3A_422, %reduce_sum3A_423 [1] : vector<128x64xf32> to vector<128xf32>
    %broadcast_in_dim3A_425 = vector.shape_cast %reduce_sum3A_424 : vector<128xf32> to vector<128x1xf32>
    %concatenate3A_426 = tpu.concatenate %broadcast_in_dim3A_357, %broadcast_in_dim3A_374, %broadcast_in_dim3A_391, %broadcast_in_dim3A_408, %broadcast_in_dim3A_425 in 1 : vector<128x1xf32>, vector<128x1xf32>, vector<128x1xf32>, vector<128x1xf32>, vector<128x1xf32> -> vector<128x5xf32>
    %sub3A = vector.broadcast %broadcast_in_dim3A_340 : vector<128x1xf32> to vector<128x5xf32>
    %sub3A_427 = arith.subf %sub3A, %concatenate3A_426 : vector<128x5xf32>
    %sub3A_428 = arith.constant 1.000000e+00 : f32
    %sub3A_429 = vector.broadcast %sub3A_428 : f32 to vector<128x5xf32>
    %sub3A_430 = arith.subf %sub3A_429, %sub3A_427 : vector<128x5xf32>
    %max3A_431 = arith.constant 0.000000e+00 : f32
    %max3A_432 = vector.broadcast %max3A_431 : f32 to vector<128x5xf32>
    %max3A_433 = arith.maximumf %max3A_432, %sub3A_430 : vector<128x5xf32>
    %swap3A_434 = arith.constant 0 : index
    %swap3A_435 = arith.constant 0 : index
    %swap3A_436 = vector.load %arg9[%swap3A_434, %swap3A_435] : memref<128x5xf32, #tpu.memory_space<vmem>>, vector<128x5xf32>
    tpu.vector_store %arg9[%swap3A_434, %swap3A_435], %max3A_433 {strides = array<i32>} : memref<128x5xf32, #tpu.memory_space<vmem>>, vector<128x5xf32>,
    return
  }
  func.func @transform_0(%arg0: i32) -> (i32, i32) {
    %c0_i32 = arith.constant 0 : i32
    %c0_i32_0 = arith.constant 0 : i32
    return %arg0, %c0_i32 : i32, i32
  }
  func.func @transform_1(%arg0: i32) -> (i32, i32) {
    %c0_i32 = arith.constant 0 : i32
    %c0_i32_0 = arith.constant 0 : i32
    return %arg0, %c0_i32 : i32, i32
  }
  func.func @transform_2(%arg0: i32) -> (i32, i32) {
    %c0_i32 = arith.constant 0 : i32
    %c0_i32_0 = arith.constant 0 : i32
    return %arg0, %c0_i32 : i32, i32
  }
  func.func @transform_3(%arg0: i32) -> (i32, i32) {
    %c0_i32 = arith.constant 0 : i32
    %c0_i32_0 = arith.constant 0 : i32
    %c0_i32_1 = arith.constant 0 : i32
    return %c0_i32, %c0_i32_0 : i32, i32
  }
  func.func @transform_4(%arg0: i32) -> (i32, i32) {
    %c0_i32 = arith.constant 0 : i32
    %c0_i32_0 = arith.constant 0 : i32
    %c0_i32_1 = arith.constant 0 : i32
    return %c0_i32, %c0_i32_0 : i32, i32
  }
  func.func @transform_5(%arg0: i32) -> (i32, i32) {
    %c0_i32 = arith.constant 0 : i32
    %c0_i32_0 = arith.constant 0 : i32
    %c0_i32_1 = arith.constant 0 : i32
    return %c0_i32, %c0_i32_0 : i32, i32
  }
  func.func @transform_6(%arg0: i32) -> (i32, i32) {
    %c0_i32 = arith.constant 0 : i32
    %c0_i32_0 = arith.constant 0 : i32
    %c0_i32_1 = arith.constant 0 : i32
    return %c0_i32, %c0_i32_0 : i32, i32
  }
  func.func @transform_7(%arg0: i32) -> (i32, i32) {
    %c0_i32 = arith.constant 0 : i32
    %c0_i32_0 = arith.constant 0 : i32
    return %arg0, %c0_i32 : i32, i32
  }
  func.func @transform_8(%arg0: i32) -> (i32, i32) {
    %c0_i32 = arith.constant 0 : i32
    %c0_i32_0 = arith.constant 0 : i32
    return %arg0, %c0_i32 : i32, i32
  }
}

module attributes {stable_mosaic.version = 14 : i64} {
  func.func @_rating_block(%arg0: memref<32768x64xf32, #tpu.memory_space<vmem>>, %arg1: memref<1x16384xf32, #tpu.memory_space<vmem>>, %arg2: memref<1x16384xf32, #tpu.memory_space<vmem>>, %arg3: memref<1x16384xi32, #tpu.memory_space<vmem>>, %arg4: memref<1x16384xi32, #tpu.memory_space<vmem>>, %arg5: memref<1x1024xf32, #tpu.memory_space<vmem>>, %arg6: memref<64x32xf32, #tpu.memory_space<vmem>>, %arg7: memref<32x64xf32, #tpu.memory_space<vmem>>, %arg8: memref<4096x5xf32, #tpu.memory_space<vmem>>, %arg9: memref<1x1xf32, #tpu.memory_space<vmem>>, %arg10: memref<1x1024xf32, #tpu.memory_space<vmem>>, %arg11: memref<1024x1xf32, #tpu.memory_space<vmem>>) attributes {dimension_semantics = [], scalar_prefetch = 0 : i64, scratch_operands = 0 : i64, tpu.core_type = #tpu.core_type<tc>} {
    %iota3A = tpu.iota {dimensions = array<i32: 0>} : vector<1024x2048xi32>
    %broadcast_in_dim3A = arith.constant 0.000000e+00 : f32
    %broadcast_in_dim3A_0 = vector.broadcast %broadcast_in_dim3A : f32 to vector<1024x64xf32>
    %broadcast_in_dim3A_1 = arith.constant 0.000000e+00 : f32
    %broadcast_in_dim3A_2 = vector.broadcast %broadcast_in_dim3A_1 : f32 to vector<1024x64xf32>
    %get3A = arith.constant 0 : index
    %get3A_3 = arith.constant 0 : index
    %get3A_4 = vector.load %arg3[%get3A, %get3A_3] : memref<1x16384xi32, #tpu.memory_space<vmem>>, vector<1x2048xi32>
    %eq3A = vector.broadcast %get3A_4 : vector<1x2048xi32> to vector<1024x2048xi32>
    %eq3A_5 = arith.cmpi eq, %iota3A, %eq3A : vector<1024x2048xi32>
    %convert_element_type3A = arith.extui %eq3A_5 : vector<1024x2048xi1> to vector<1024x2048xi32>
    %convert_element_type3A_6 = arith.sitofp %convert_element_type3A : vector<1024x2048xi32> to vector<1024x2048xf32>
    %get3A_7 = arith.constant 0 : index
    %get3A_8 = arith.constant 0 : index
    %get3A_9 = vector.load %arg1[%get3A_7, %get3A_8] : memref<1x16384xf32, #tpu.memory_space<vmem>>, vector<1x2048xf32>
    %mul3A = vector.broadcast %get3A_9 : vector<1x2048xf32> to vector<1024x2048xf32>
    %mul3A_10 = arith.mulf %convert_element_type3A_6, %mul3A : vector<1024x2048xf32>
    %get3A_11 = arith.constant 0 : index
    %get3A_12 = arith.constant 0 : index
    %get3A_13 = vector.load %arg0[%get3A_11, %get3A_12] : memref<32768x64xf32, #tpu.memory_space<vmem>>, vector<2048x64xf32>
    %dot_general3A = arith.constant dense<0.000000e+00> : vector<1024x64xf32>
    %dot_general3A_14 = tpu.matmul %mul3A_10, %get3A_13, %dot_general3A {dimension_numbers = #tpu.dot_dimension_numbers<[1], [0], [0], [1], [0, 0, 1, 1], [], []>, transpose_lhs_hint = false} : vector<1024x2048xf32>, vector<2048x64xf32>, vector<1024x64xf32> -> vector<1024x64xf32>
    %add3A = arith.addf %broadcast_in_dim3A_0, %dot_general3A_14 : vector<1024x64xf32>
    %get3A_15 = arith.constant 0 : index
    %get3A_16 = arith.constant 0 : index
    %get3A_17 = vector.load %arg4[%get3A_15, %get3A_16] : memref<1x16384xi32, #tpu.memory_space<vmem>>, vector<1x2048xi32>
    %eq3A_18 = vector.broadcast %get3A_17 : vector<1x2048xi32> to vector<1024x2048xi32>
    %eq3A_19 = arith.cmpi eq, %iota3A, %eq3A_18 : vector<1024x2048xi32>
    %convert_element_type3A_20 = arith.extui %eq3A_19 : vector<1024x2048xi1> to vector<1024x2048xi32>
    %convert_element_type3A_21 = arith.sitofp %convert_element_type3A_20 : vector<1024x2048xi32> to vector<1024x2048xf32>
    %get3A_22 = arith.constant 0 : index
    %get3A_23 = arith.constant 0 : index
    %get3A_24 = vector.load %arg2[%get3A_22, %get3A_23] : memref<1x16384xf32, #tpu.memory_space<vmem>>, vector<1x2048xf32>
    %mul3A_25 = vector.broadcast %get3A_24 : vector<1x2048xf32> to vector<1024x2048xf32>
    %mul3A_26 = arith.mulf %convert_element_type3A_21, %mul3A_25 : vector<1024x2048xf32>
    %get3A_27 = arith.constant 16384 : index
    %get3A_28 = arith.constant 0 : index
    %get3A_29 = vector.load %arg0[%get3A_27, %get3A_28] : memref<32768x64xf32, #tpu.memory_space<vmem>>, vector<2048x64xf32>
    %dot_general3A_30 = arith.constant dense<0.000000e+00> : vector<1024x64xf32>
    %dot_general3A_31 = tpu.matmul %mul3A_26, %get3A_29, %dot_general3A_30 {dimension_numbers = #tpu.dot_dimension_numbers<[1], [0], [0], [1], [0, 0, 1, 1], [], []>, transpose_lhs_hint = false} : vector<1024x2048xf32>, vector<2048x64xf32>, vector<1024x64xf32> -> vector<1024x64xf32>
    %add3A_32 = arith.addf %broadcast_in_dim3A_2, %dot_general3A_31 : vector<1024x64xf32>
    %get3A_33 = arith.constant 0 : index
    %get3A_34 = arith.constant 2048 : index
    %get3A_35 = vector.load %arg3[%get3A_33, %get3A_34] : memref<1x16384xi32, #tpu.memory_space<vmem>>, vector<1x2048xi32>
    %eq3A_36 = vector.broadcast %get3A_35 : vector<1x2048xi32> to vector<1024x2048xi32>
    %eq3A_37 = arith.cmpi eq, %iota3A, %eq3A_36 : vector<1024x2048xi32>
    %convert_element_type3A_38 = arith.extui %eq3A_37 : vector<1024x2048xi1> to vector<1024x2048xi32>
    %convert_element_type3A_39 = arith.sitofp %convert_element_type3A_38 : vector<1024x2048xi32> to vector<1024x2048xf32>
    %get3A_40 = arith.constant 0 : index
    %get3A_41 = arith.constant 2048 : index
    %get3A_42 = vector.load %arg1[%get3A_40, %get3A_41] : memref<1x16384xf32, #tpu.memory_space<vmem>>, vector<1x2048xf32>
    %mul3A_43 = vector.broadcast %get3A_42 : vector<1x2048xf32> to vector<1024x2048xf32>
    %mul3A_44 = arith.mulf %convert_element_type3A_39, %mul3A_43 : vector<1024x2048xf32>
    %get3A_45 = arith.constant 2048 : index
    %get3A_46 = arith.constant 0 : index
    %get3A_47 = vector.load %arg0[%get3A_45, %get3A_46] : memref<32768x64xf32, #tpu.memory_space<vmem>>, vector<2048x64xf32>
    %dot_general3A_48 = arith.constant dense<0.000000e+00> : vector<1024x64xf32>
    %dot_general3A_49 = tpu.matmul %mul3A_44, %get3A_47, %dot_general3A_48 {dimension_numbers = #tpu.dot_dimension_numbers<[1], [0], [0], [1], [0, 0, 1, 1], [], []>, transpose_lhs_hint = false} : vector<1024x2048xf32>, vector<2048x64xf32>, vector<1024x64xf32> -> vector<1024x64xf32>
    %add3A_50 = arith.addf %add3A, %dot_general3A_49 : vector<1024x64xf32>
    %get3A_51 = arith.constant 0 : index
    %get3A_52 = arith.constant 2048 : index
    %get3A_53 = vector.load %arg4[%get3A_51, %get3A_52] : memref<1x16384xi32, #tpu.memory_space<vmem>>, vector<1x2048xi32>
    %eq3A_54 = vector.broadcast %get3A_53 : vector<1x2048xi32> to vector<1024x2048xi32>
    %eq3A_55 = arith.cmpi eq, %iota3A, %eq3A_54 : vector<1024x2048xi32>
    %convert_element_type3A_56 = arith.extui %eq3A_55 : vector<1024x2048xi1> to vector<1024x2048xi32>
    %convert_element_type3A_57 = arith.sitofp %convert_element_type3A_56 : vector<1024x2048xi32> to vector<1024x2048xf32>
    %get3A_58 = arith.constant 0 : index
    %get3A_59 = arith.constant 2048 : index
    %get3A_60 = vector.load %arg2[%get3A_58, %get3A_59] : memref<1x16384xf32, #tpu.memory_space<vmem>>, vector<1x2048xf32>
    %mul3A_61 = vector.broadcast %get3A_60 : vector<1x2048xf32> to vector<1024x2048xf32>
    %mul3A_62 = arith.mulf %convert_element_type3A_57, %mul3A_61 : vector<1024x2048xf32>
    %get3A_63 = arith.constant 18432 : index
    %get3A_64 = arith.constant 0 : index
    %get3A_65 = vector.load %arg0[%get3A_63, %get3A_64] : memref<32768x64xf32, #tpu.memory_space<vmem>>, vector<2048x64xf32>
    %dot_general3A_66 = arith.constant dense<0.000000e+00> : vector<1024x64xf32>
    %dot_general3A_67 = tpu.matmul %mul3A_62, %get3A_65, %dot_general3A_66 {dimension_numbers = #tpu.dot_dimension_numbers<[1], [0], [0], [1], [0, 0, 1, 1], [], []>, transpose_lhs_hint = false} : vector<1024x2048xf32>, vector<2048x64xf32>, vector<1024x64xf32> -> vector<1024x64xf32>
    %add3A_68 = arith.addf %add3A_32, %dot_general3A_67 : vector<1024x64xf32>
    %get3A_69 = arith.constant 0 : index
    %get3A_70 = arith.constant 4096 : index
    %get3A_71 = vector.load %arg3[%get3A_69, %get3A_70] : memref<1x16384xi32, #tpu.memory_space<vmem>>, vector<1x2048xi32>
    %eq3A_72 = vector.broadcast %get3A_71 : vector<1x2048xi32> to vector<1024x2048xi32>
    %eq3A_73 = arith.cmpi eq, %iota3A, %eq3A_72 : vector<1024x2048xi32>
    %convert_element_type3A_74 = arith.extui %eq3A_73 : vector<1024x2048xi1> to vector<1024x2048xi32>
    %convert_element_type3A_75 = arith.sitofp %convert_element_type3A_74 : vector<1024x2048xi32> to vector<1024x2048xf32>
    %get3A_76 = arith.constant 0 : index
    %get3A_77 = arith.constant 4096 : index
    %get3A_78 = vector.load %arg1[%get3A_76, %get3A_77] : memref<1x16384xf32, #tpu.memory_space<vmem>>, vector<1x2048xf32>
    %mul3A_79 = vector.broadcast %get3A_78 : vector<1x2048xf32> to vector<1024x2048xf32>
    %mul3A_80 = arith.mulf %convert_element_type3A_75, %mul3A_79 : vector<1024x2048xf32>
    %get3A_81 = arith.constant 4096 : index
    %get3A_82 = arith.constant 0 : index
    %get3A_83 = vector.load %arg0[%get3A_81, %get3A_82] : memref<32768x64xf32, #tpu.memory_space<vmem>>, vector<2048x64xf32>
    %dot_general3A_84 = arith.constant dense<0.000000e+00> : vector<1024x64xf32>
    %dot_general3A_85 = tpu.matmul %mul3A_80, %get3A_83, %dot_general3A_84 {dimension_numbers = #tpu.dot_dimension_numbers<[1], [0], [0], [1], [0, 0, 1, 1], [], []>, transpose_lhs_hint = false} : vector<1024x2048xf32>, vector<2048x64xf32>, vector<1024x64xf32> -> vector<1024x64xf32>
    %add3A_86 = arith.addf %add3A_50, %dot_general3A_85 : vector<1024x64xf32>
    %get3A_87 = arith.constant 0 : index
    %get3A_88 = arith.constant 4096 : index
    %get3A_89 = vector.load %arg4[%get3A_87, %get3A_88] : memref<1x16384xi32, #tpu.memory_space<vmem>>, vector<1x2048xi32>
    %eq3A_90 = vector.broadcast %get3A_89 : vector<1x2048xi32> to vector<1024x2048xi32>
    %eq3A_91 = arith.cmpi eq, %iota3A, %eq3A_90 : vector<1024x2048xi32>
    %convert_element_type3A_92 = arith.extui %eq3A_91 : vector<1024x2048xi1> to vector<1024x2048xi32>
    %convert_element_type3A_93 = arith.sitofp %convert_element_type3A_92 : vector<1024x2048xi32> to vector<1024x2048xf32>
    %get3A_94 = arith.constant 0 : index
    %get3A_95 = arith.constant 4096 : index
    %get3A_96 = vector.load %arg2[%get3A_94, %get3A_95] : memref<1x16384xf32, #tpu.memory_space<vmem>>, vector<1x2048xf32>
    %mul3A_97 = vector.broadcast %get3A_96 : vector<1x2048xf32> to vector<1024x2048xf32>
    %mul3A_98 = arith.mulf %convert_element_type3A_93, %mul3A_97 : vector<1024x2048xf32>
    %get3A_99 = arith.constant 20480 : index
    %get3A_100 = arith.constant 0 : index
    %get3A_101 = vector.load %arg0[%get3A_99, %get3A_100] : memref<32768x64xf32, #tpu.memory_space<vmem>>, vector<2048x64xf32>
    %dot_general3A_102 = arith.constant dense<0.000000e+00> : vector<1024x64xf32>
    %dot_general3A_103 = tpu.matmul %mul3A_98, %get3A_101, %dot_general3A_102 {dimension_numbers = #tpu.dot_dimension_numbers<[1], [0], [0], [1], [0, 0, 1, 1], [], []>, transpose_lhs_hint = false} : vector<1024x2048xf32>, vector<2048x64xf32>, vector<1024x64xf32> -> vector<1024x64xf32>
    %add3A_104 = arith.addf %add3A_68, %dot_general3A_103 : vector<1024x64xf32>
    %get3A_105 = arith.constant 0 : index
    %get3A_106 = arith.constant 6144 : index
    %get3A_107 = vector.load %arg3[%get3A_105, %get3A_106] : memref<1x16384xi32, #tpu.memory_space<vmem>>, vector<1x2048xi32>
    %eq3A_108 = vector.broadcast %get3A_107 : vector<1x2048xi32> to vector<1024x2048xi32>
    %eq3A_109 = arith.cmpi eq, %iota3A, %eq3A_108 : vector<1024x2048xi32>
    %convert_element_type3A_110 = arith.extui %eq3A_109 : vector<1024x2048xi1> to vector<1024x2048xi32>
    %convert_element_type3A_111 = arith.sitofp %convert_element_type3A_110 : vector<1024x2048xi32> to vector<1024x2048xf32>
    %get3A_112 = arith.constant 0 : index
    %get3A_113 = arith.constant 6144 : index
    %get3A_114 = vector.load %arg1[%get3A_112, %get3A_113] : memref<1x16384xf32, #tpu.memory_space<vmem>>, vector<1x2048xf32>
    %mul3A_115 = vector.broadcast %get3A_114 : vector<1x2048xf32> to vector<1024x2048xf32>
    %mul3A_116 = arith.mulf %convert_element_type3A_111, %mul3A_115 : vector<1024x2048xf32>
    %get3A_117 = arith.constant 6144 : index
    %get3A_118 = arith.constant 0 : index
    %get3A_119 = vector.load %arg0[%get3A_117, %get3A_118] : memref<32768x64xf32, #tpu.memory_space<vmem>>, vector<2048x64xf32>
    %dot_general3A_120 = arith.constant dense<0.000000e+00> : vector<1024x64xf32>
    %dot_general3A_121 = tpu.matmul %mul3A_116, %get3A_119, %dot_general3A_120 {dimension_numbers = #tpu.dot_dimension_numbers<[1], [0], [0], [1], [0, 0, 1, 1], [], []>, transpose_lhs_hint = false} : vector<1024x2048xf32>, vector<2048x64xf32>, vector<1024x64xf32> -> vector<1024x64xf32>
    %add3A_122 = arith.addf %add3A_86, %dot_general3A_121 : vector<1024x64xf32>
    %get3A_123 = arith.constant 0 : index
    %get3A_124 = arith.constant 6144 : index
    %get3A_125 = vector.load %arg4[%get3A_123, %get3A_124] : memref<1x16384xi32, #tpu.memory_space<vmem>>, vector<1x2048xi32>
    %eq3A_126 = vector.broadcast %get3A_125 : vector<1x2048xi32> to vector<1024x2048xi32>
    %eq3A_127 = arith.cmpi eq, %iota3A, %eq3A_126 : vector<1024x2048xi32>
    %convert_element_type3A_128 = arith.extui %eq3A_127 : vector<1024x2048xi1> to vector<1024x2048xi32>
    %convert_element_type3A_129 = arith.sitofp %convert_element_type3A_128 : vector<1024x2048xi32> to vector<1024x2048xf32>
    %get3A_130 = arith.constant 0 : index
    %get3A_131 = arith.constant 6144 : index
    %get3A_132 = vector.load %arg2[%get3A_130, %get3A_131] : memref<1x16384xf32, #tpu.memory_space<vmem>>, vector<1x2048xf32>
    %mul3A_133 = vector.broadcast %get3A_132 : vector<1x2048xf32> to vector<1024x2048xf32>
    %mul3A_134 = arith.mulf %convert_element_type3A_129, %mul3A_133 : vector<1024x2048xf32>
    %get3A_135 = arith.constant 22528 : index
    %get3A_136 = arith.constant 0 : index
    %get3A_137 = vector.load %arg0[%get3A_135, %get3A_136] : memref<32768x64xf32, #tpu.memory_space<vmem>>, vector<2048x64xf32>
    %dot_general3A_138 = arith.constant dense<0.000000e+00> : vector<1024x64xf32>
    %dot_general3A_139 = tpu.matmul %mul3A_134, %get3A_137, %dot_general3A_138 {dimension_numbers = #tpu.dot_dimension_numbers<[1], [0], [0], [1], [0, 0, 1, 1], [], []>, transpose_lhs_hint = false} : vector<1024x2048xf32>, vector<2048x64xf32>, vector<1024x64xf32> -> vector<1024x64xf32>
    %add3A_140 = arith.addf %add3A_104, %dot_general3A_139 : vector<1024x64xf32>
    %get3A_141 = arith.constant 0 : index
    %get3A_142 = arith.constant 8192 : index
    %get3A_143 = vector.load %arg3[%get3A_141, %get3A_142] : memref<1x16384xi32, #tpu.memory_space<vmem>>, vector<1x2048xi32>
    %eq3A_144 = vector.broadcast %get3A_143 : vector<1x2048xi32> to vector<1024x2048xi32>
    %eq3A_145 = arith.cmpi eq, %iota3A, %eq3A_144 : vector<1024x2048xi32>
    %convert_element_type3A_146 = arith.extui %eq3A_145 : vector<1024x2048xi1> to vector<1024x2048xi32>
    %convert_element_type3A_147 = arith.sitofp %convert_element_type3A_146 : vector<1024x2048xi32> to vector<1024x2048xf32>
    %get3A_148 = arith.constant 0 : index
    %get3A_149 = arith.constant 8192 : index
    %get3A_150 = vector.load %arg1[%get3A_148, %get3A_149] : memref<1x16384xf32, #tpu.memory_space<vmem>>, vector<1x2048xf32>
    %mul3A_151 = vector.broadcast %get3A_150 : vector<1x2048xf32> to vector<1024x2048xf32>
    %mul3A_152 = arith.mulf %convert_element_type3A_147, %mul3A_151 : vector<1024x2048xf32>
    %get3A_153 = arith.constant 8192 : index
    %get3A_154 = arith.constant 0 : index
    %get3A_155 = vector.load %arg0[%get3A_153, %get3A_154] : memref<32768x64xf32, #tpu.memory_space<vmem>>, vector<2048x64xf32>
    %dot_general3A_156 = arith.constant dense<0.000000e+00> : vector<1024x64xf32>
    %dot_general3A_157 = tpu.matmul %mul3A_152, %get3A_155, %dot_general3A_156 {dimension_numbers = #tpu.dot_dimension_numbers<[1], [0], [0], [1], [0, 0, 1, 1], [], []>, transpose_lhs_hint = false} : vector<1024x2048xf32>, vector<2048x64xf32>, vector<1024x64xf32> -> vector<1024x64xf32>
    %add3A_158 = arith.addf %add3A_122, %dot_general3A_157 : vector<1024x64xf32>
    %get3A_159 = arith.constant 0 : index
    %get3A_160 = arith.constant 8192 : index
    %get3A_161 = vector.load %arg4[%get3A_159, %get3A_160] : memref<1x16384xi32, #tpu.memory_space<vmem>>, vector<1x2048xi32>
    %eq3A_162 = vector.broadcast %get3A_161 : vector<1x2048xi32> to vector<1024x2048xi32>
    %eq3A_163 = arith.cmpi eq, %iota3A, %eq3A_162 : vector<1024x2048xi32>
    %convert_element_type3A_164 = arith.extui %eq3A_163 : vector<1024x2048xi1> to vector<1024x2048xi32>
    %convert_element_type3A_165 = arith.sitofp %convert_element_type3A_164 : vector<1024x2048xi32> to vector<1024x2048xf32>
    %get3A_166 = arith.constant 0 : index
    %get3A_167 = arith.constant 8192 : index
    %get3A_168 = vector.load %arg2[%get3A_166, %get3A_167] : memref<1x16384xf32, #tpu.memory_space<vmem>>, vector<1x2048xf32>
    %mul3A_169 = vector.broadcast %get3A_168 : vector<1x2048xf32> to vector<1024x2048xf32>
    %mul3A_170 = arith.mulf %convert_element_type3A_165, %mul3A_169 : vector<1024x2048xf32>
    %get3A_171 = arith.constant 24576 : index
    %get3A_172 = arith.constant 0 : index
    %get3A_173 = vector.load %arg0[%get3A_171, %get3A_172] : memref<32768x64xf32, #tpu.memory_space<vmem>>, vector<2048x64xf32>
    %dot_general3A_174 = arith.constant dense<0.000000e+00> : vector<1024x64xf32>
    %dot_general3A_175 = tpu.matmul %mul3A_170, %get3A_173, %dot_general3A_174 {dimension_numbers = #tpu.dot_dimension_numbers<[1], [0], [0], [1], [0, 0, 1, 1], [], []>, transpose_lhs_hint = false} : vector<1024x2048xf32>, vector<2048x64xf32>, vector<1024x64xf32> -> vector<1024x64xf32>
    %add3A_176 = arith.addf %add3A_140, %dot_general3A_175 : vector<1024x64xf32>
    %get3A_177 = arith.constant 0 : index
    %get3A_178 = arith.constant 10240 : index
    %get3A_179 = vector.load %arg3[%get3A_177, %get3A_178] : memref<1x16384xi32, #tpu.memory_space<vmem>>, vector<1x2048xi32>
    %eq3A_180 = vector.broadcast %get3A_179 : vector<1x2048xi32> to vector<1024x2048xi32>
    %eq3A_181 = arith.cmpi eq, %iota3A, %eq3A_180 : vector<1024x2048xi32>
    %convert_element_type3A_182 = arith.extui %eq3A_181 : vector<1024x2048xi1> to vector<1024x2048xi32>
    %convert_element_type3A_183 = arith.sitofp %convert_element_type3A_182 : vector<1024x2048xi32> to vector<1024x2048xf32>
    %get3A_184 = arith.constant 0 : index
    %get3A_185 = arith.constant 10240 : index
    %get3A_186 = vector.load %arg1[%get3A_184, %get3A_185] : memref<1x16384xf32, #tpu.memory_space<vmem>>, vector<1x2048xf32>
    %mul3A_187 = vector.broadcast %get3A_186 : vector<1x2048xf32> to vector<1024x2048xf32>
    %mul3A_188 = arith.mulf %convert_element_type3A_183, %mul3A_187 : vector<1024x2048xf32>
    %get3A_189 = arith.constant 10240 : index
    %get3A_190 = arith.constant 0 : index
    %get3A_191 = vector.load %arg0[%get3A_189, %get3A_190] : memref<32768x64xf32, #tpu.memory_space<vmem>>, vector<2048x64xf32>
    %dot_general3A_192 = arith.constant dense<0.000000e+00> : vector<1024x64xf32>
    %dot_general3A_193 = tpu.matmul %mul3A_188, %get3A_191, %dot_general3A_192 {dimension_numbers = #tpu.dot_dimension_numbers<[1], [0], [0], [1], [0, 0, 1, 1], [], []>, transpose_lhs_hint = false} : vector<1024x2048xf32>, vector<2048x64xf32>, vector<1024x64xf32> -> vector<1024x64xf32>
    %add3A_194 = arith.addf %add3A_158, %dot_general3A_193 : vector<1024x64xf32>
    %get3A_195 = arith.constant 0 : index
    %get3A_196 = arith.constant 10240 : index
    %get3A_197 = vector.load %arg4[%get3A_195, %get3A_196] : memref<1x16384xi32, #tpu.memory_space<vmem>>, vector<1x2048xi32>
    %eq3A_198 = vector.broadcast %get3A_197 : vector<1x2048xi32> to vector<1024x2048xi32>
    %eq3A_199 = arith.cmpi eq, %iota3A, %eq3A_198 : vector<1024x2048xi32>
    %convert_element_type3A_200 = arith.extui %eq3A_199 : vector<1024x2048xi1> to vector<1024x2048xi32>
    %convert_element_type3A_201 = arith.sitofp %convert_element_type3A_200 : vector<1024x2048xi32> to vector<1024x2048xf32>
    %get3A_202 = arith.constant 0 : index
    %get3A_203 = arith.constant 10240 : index
    %get3A_204 = vector.load %arg2[%get3A_202, %get3A_203] : memref<1x16384xf32, #tpu.memory_space<vmem>>, vector<1x2048xf32>
    %mul3A_205 = vector.broadcast %get3A_204 : vector<1x2048xf32> to vector<1024x2048xf32>
    %mul3A_206 = arith.mulf %convert_element_type3A_201, %mul3A_205 : vector<1024x2048xf32>
    %get3A_207 = arith.constant 26624 : index
    %get3A_208 = arith.constant 0 : index
    %get3A_209 = vector.load %arg0[%get3A_207, %get3A_208] : memref<32768x64xf32, #tpu.memory_space<vmem>>, vector<2048x64xf32>
    %dot_general3A_210 = arith.constant dense<0.000000e+00> : vector<1024x64xf32>
    %dot_general3A_211 = tpu.matmul %mul3A_206, %get3A_209, %dot_general3A_210 {dimension_numbers = #tpu.dot_dimension_numbers<[1], [0], [0], [1], [0, 0, 1, 1], [], []>, transpose_lhs_hint = false} : vector<1024x2048xf32>, vector<2048x64xf32>, vector<1024x64xf32> -> vector<1024x64xf32>
    %add3A_212 = arith.addf %add3A_176, %dot_general3A_211 : vector<1024x64xf32>
    %get3A_213 = arith.constant 0 : index
    %get3A_214 = arith.constant 12288 : index
    %get3A_215 = vector.load %arg3[%get3A_213, %get3A_214] : memref<1x16384xi32, #tpu.memory_space<vmem>>, vector<1x2048xi32>
    %eq3A_216 = vector.broadcast %get3A_215 : vector<1x2048xi32> to vector<1024x2048xi32>
    %eq3A_217 = arith.cmpi eq, %iota3A, %eq3A_216 : vector<1024x2048xi32>
    %convert_element_type3A_218 = arith.extui %eq3A_217 : vector<1024x2048xi1> to vector<1024x2048xi32>
    %convert_element_type3A_219 = arith.sitofp %convert_element_type3A_218 : vector<1024x2048xi32> to vector<1024x2048xf32>
    %get3A_220 = arith.constant 0 : index
    %get3A_221 = arith.constant 12288 : index
    %get3A_222 = vector.load %arg1[%get3A_220, %get3A_221] : memref<1x16384xf32, #tpu.memory_space<vmem>>, vector<1x2048xf32>
    %mul3A_223 = vector.broadcast %get3A_222 : vector<1x2048xf32> to vector<1024x2048xf32>
    %mul3A_224 = arith.mulf %convert_element_type3A_219, %mul3A_223 : vector<1024x2048xf32>
    %get3A_225 = arith.constant 12288 : index
    %get3A_226 = arith.constant 0 : index
    %get3A_227 = vector.load %arg0[%get3A_225, %get3A_226] : memref<32768x64xf32, #tpu.memory_space<vmem>>, vector<2048x64xf32>
    %dot_general3A_228 = arith.constant dense<0.000000e+00> : vector<1024x64xf32>
    %dot_general3A_229 = tpu.matmul %mul3A_224, %get3A_227, %dot_general3A_228 {dimension_numbers = #tpu.dot_dimension_numbers<[1], [0], [0], [1], [0, 0, 1, 1], [], []>, transpose_lhs_hint = false} : vector<1024x2048xf32>, vector<2048x64xf32>, vector<1024x64xf32> -> vector<1024x64xf32>
    %add3A_230 = arith.addf %add3A_194, %dot_general3A_229 : vector<1024x64xf32>
    %get3A_231 = arith.constant 0 : index
    %get3A_232 = arith.constant 12288 : index
    %get3A_233 = vector.load %arg4[%get3A_231, %get3A_232] : memref<1x16384xi32, #tpu.memory_space<vmem>>, vector<1x2048xi32>
    %eq3A_234 = vector.broadcast %get3A_233 : vector<1x2048xi32> to vector<1024x2048xi32>
    %eq3A_235 = arith.cmpi eq, %iota3A, %eq3A_234 : vector<1024x2048xi32>
    %convert_element_type3A_236 = arith.extui %eq3A_235 : vector<1024x2048xi1> to vector<1024x2048xi32>
    %convert_element_type3A_237 = arith.sitofp %convert_element_type3A_236 : vector<1024x2048xi32> to vector<1024x2048xf32>
    %get3A_238 = arith.constant 0 : index
    %get3A_239 = arith.constant 12288 : index
    %get3A_240 = vector.load %arg2[%get3A_238, %get3A_239] : memref<1x16384xf32, #tpu.memory_space<vmem>>, vector<1x2048xf32>
    %mul3A_241 = vector.broadcast %get3A_240 : vector<1x2048xf32> to vector<1024x2048xf32>
    %mul3A_242 = arith.mulf %convert_element_type3A_237, %mul3A_241 : vector<1024x2048xf32>
    %get3A_243 = arith.constant 28672 : index
    %get3A_244 = arith.constant 0 : index
    %get3A_245 = vector.load %arg0[%get3A_243, %get3A_244] : memref<32768x64xf32, #tpu.memory_space<vmem>>, vector<2048x64xf32>
    %dot_general3A_246 = arith.constant dense<0.000000e+00> : vector<1024x64xf32>
    %dot_general3A_247 = tpu.matmul %mul3A_242, %get3A_245, %dot_general3A_246 {dimension_numbers = #tpu.dot_dimension_numbers<[1], [0], [0], [1], [0, 0, 1, 1], [], []>, transpose_lhs_hint = false} : vector<1024x2048xf32>, vector<2048x64xf32>, vector<1024x64xf32> -> vector<1024x64xf32>
    %add3A_248 = arith.addf %add3A_212, %dot_general3A_247 : vector<1024x64xf32>
    %get3A_249 = arith.constant 0 : index
    %get3A_250 = arith.constant 14336 : index
    %get3A_251 = vector.load %arg3[%get3A_249, %get3A_250] : memref<1x16384xi32, #tpu.memory_space<vmem>>, vector<1x2048xi32>
    %eq3A_252 = vector.broadcast %get3A_251 : vector<1x2048xi32> to vector<1024x2048xi32>
    %eq3A_253 = arith.cmpi eq, %iota3A, %eq3A_252 : vector<1024x2048xi32>
    %convert_element_type3A_254 = arith.extui %eq3A_253 : vector<1024x2048xi1> to vector<1024x2048xi32>
    %convert_element_type3A_255 = arith.sitofp %convert_element_type3A_254 : vector<1024x2048xi32> to vector<1024x2048xf32>
    %get3A_256 = arith.constant 0 : index
    %get3A_257 = arith.constant 14336 : index
    %get3A_258 = vector.load %arg1[%get3A_256, %get3A_257] : memref<1x16384xf32, #tpu.memory_space<vmem>>, vector<1x2048xf32>
    %mul3A_259 = vector.broadcast %get3A_258 : vector<1x2048xf32> to vector<1024x2048xf32>
    %mul3A_260 = arith.mulf %convert_element_type3A_255, %mul3A_259 : vector<1024x2048xf32>
    %get3A_261 = arith.constant 14336 : index
    %get3A_262 = arith.constant 0 : index
    %get3A_263 = vector.load %arg0[%get3A_261, %get3A_262] : memref<32768x64xf32, #tpu.memory_space<vmem>>, vector<2048x64xf32>
    %dot_general3A_264 = arith.constant dense<0.000000e+00> : vector<1024x64xf32>
    %dot_general3A_265 = tpu.matmul %mul3A_260, %get3A_263, %dot_general3A_264 {dimension_numbers = #tpu.dot_dimension_numbers<[1], [0], [0], [1], [0, 0, 1, 1], [], []>, transpose_lhs_hint = false} : vector<1024x2048xf32>, vector<2048x64xf32>, vector<1024x64xf32> -> vector<1024x64xf32>
    %add3A_266 = arith.addf %add3A_230, %dot_general3A_265 : vector<1024x64xf32>
    %get3A_267 = arith.constant 0 : index
    %get3A_268 = arith.constant 14336 : index
    %get3A_269 = vector.load %arg4[%get3A_267, %get3A_268] : memref<1x16384xi32, #tpu.memory_space<vmem>>, vector<1x2048xi32>
    %eq3A_270 = vector.broadcast %get3A_269 : vector<1x2048xi32> to vector<1024x2048xi32>
    %eq3A_271 = arith.cmpi eq, %iota3A, %eq3A_270 : vector<1024x2048xi32>
    %convert_element_type3A_272 = arith.extui %eq3A_271 : vector<1024x2048xi1> to vector<1024x2048xi32>
    %convert_element_type3A_273 = arith.sitofp %convert_element_type3A_272 : vector<1024x2048xi32> to vector<1024x2048xf32>
    %get3A_274 = arith.constant 0 : index
    %get3A_275 = arith.constant 14336 : index
    %get3A_276 = vector.load %arg2[%get3A_274, %get3A_275] : memref<1x16384xf32, #tpu.memory_space<vmem>>, vector<1x2048xf32>
    %mul3A_277 = vector.broadcast %get3A_276 : vector<1x2048xf32> to vector<1024x2048xf32>
    %mul3A_278 = arith.mulf %convert_element_type3A_273, %mul3A_277 : vector<1024x2048xf32>
    %get3A_279 = arith.constant 30720 : index
    %get3A_280 = arith.constant 0 : index
    %get3A_281 = vector.load %arg0[%get3A_279, %get3A_280] : memref<32768x64xf32, #tpu.memory_space<vmem>>, vector<2048x64xf32>
    %dot_general3A_282 = arith.constant dense<0.000000e+00> : vector<1024x64xf32>
    %dot_general3A_283 = tpu.matmul %mul3A_278, %get3A_281, %dot_general3A_282 {dimension_numbers = #tpu.dot_dimension_numbers<[1], [0], [0], [1], [0, 0, 1, 1], [], []>, transpose_lhs_hint = false} : vector<1024x2048xf32>, vector<2048x64xf32>, vector<1024x64xf32> -> vector<1024x64xf32>
    %add3A_284 = arith.addf %add3A_248, %dot_general3A_283 : vector<1024x64xf32>
    %mul3A_285 = arith.mulf %add3A_266, %add3A_284 : vector<1024x64xf32>
    %reduce_sum3A = arith.constant dense<0.000000e+00> : vector<1024xf32>
    %reduce_sum3A_286 = vector.multi_reduction <add>, %mul3A_285, %reduce_sum3A [1] : vector<1024x64xf32> to vector<1024xf32>
    %add3A_287 = arith.constant 3.800000e+00 : f32
    %add3A_288 = vector.broadcast %add3A_287 : f32 to vector<1024xf32>
    %add3A_289 = arith.addf %reduce_sum3A_286, %add3A_288 : vector<1024xf32>
    %get3A_290 = arith.constant 0 : index
    %get3A_291 = arith.constant 0 : index
    %get3A_292 = vector.load %arg5[%get3A_290, %get3A_291] : memref<1x1024xf32, #tpu.memory_space<vmem>>, vector<1x1024xf32>
    %get3A_293 = vector.shape_cast %get3A_292 : vector<1x1024xf32> to vector<1024xf32>
    %sub3A = arith.subf %add3A_289, %get3A_293 : vector<1024xf32>
    %integer_pow3A = arith.mulf %sub3A, %sub3A : vector<1024xf32>
    %swap3A = arith.constant 0 : index
    %swap3A_294 = arith.constant 0 : index
    %swap3A_295 = vector.load %arg10[%swap3A, %swap3A_294] : memref<1x1024xf32, #tpu.memory_space<vmem>>, vector<1x1024xf32>
    %swap3A_296 = vector.shape_cast %swap3A_295 : vector<1x1024xf32> to vector<1024xf32>
    %swap3A_297 = vector.shape_cast %integer_pow3A : vector<1024xf32> to vector<1x1024xf32>
    tpu.vector_store %arg10[%swap3A, %swap3A_294], %swap3A_297 {strides = array<i32>} : memref<1x1024xf32, #tpu.memory_space<vmem>>, vector<1x1024xf32>,
    %broadcast_in_dim3A_298 = vector.shape_cast %add3A_289 : vector<1024xf32> to vector<1024x1xf32>
    %swap3A_299 = arith.constant 0 : index
    %swap3A_300 = arith.constant 0 : index
    %swap3A_301 = vector.load %arg11[%swap3A_299, %swap3A_300] : memref<1024x1xf32, #tpu.memory_space<vmem>>, vector<1024x1xf32>
    tpu.vector_store %arg11[%swap3A_299, %swap3A_300], %broadcast_in_dim3A_298 {strides = array<i32>} : memref<1024x1xf32, #tpu.memory_space<vmem>>, vector<1024x1xf32>,
    %get3A_302 = arith.constant 0 : index
    %get3A_303 = arith.constant 0 : index
    %get3A_304 = vector.load %arg6[%get3A_302, %get3A_303] : memref<64x32xf32, #tpu.memory_space<vmem>>, vector<64x32xf32>
    %get3A_305 = arith.constant 0 : index
    %get3A_306 = arith.constant 0 : index
    %get3A_307 = vector.load %arg6[%get3A_305, %get3A_306] : memref<64x32xf32, #tpu.memory_space<vmem>>, vector<64x32xf32>
    %mul3A_308 = arith.mulf %get3A_304, %get3A_307 : vector<64x32xf32>
    %reduce_sum3A_309 = arith.constant dense<0.000000e+00> : vector<32xf32>
    %reduce_sum3A_310 = vector.multi_reduction <add>, %mul3A_308, %reduce_sum3A_309 [0] : vector<64x32xf32> to vector<32xf32>
    %broadcast_in_dim3A_311 = vector.shape_cast %reduce_sum3A_310 : vector<32xf32> to vector<1x32xf32>
    %sqrt3A = math.sqrt %broadcast_in_dim3A_311 : vector<1x32xf32>
    %max3A = arith.constant 9.99999996E-13 : f32
    %max3A_312 = vector.broadcast %max3A : f32 to vector<1x32xf32>
    %max3A_313 = arith.maximumf %sqrt3A, %max3A_312 : vector<1x32xf32>
    %div3A = arith.constant 1.000000e+00 : f32
    %div3A_314 = vector.broadcast %div3A : f32 to vector<1x32xf32>
    %div3A_315 = arith.divf %div3A_314, %max3A_313 : vector<1x32xf32>
    %get3A_316 = arith.constant 0 : index
    %get3A_317 = arith.constant 0 : index
    %get3A_318 = vector.load %arg7[%get3A_316, %get3A_317] : memref<32x64xf32, #tpu.memory_space<vmem>>, vector<32x64xf32>
    %squeeze3A = vector.shape_cast %div3A_315 : vector<1x32xf32> to vector<32xf32>
    %broadcast_in_dim3A_319 = vector.shape_cast %squeeze3A : vector<32xf32> to vector<32x1xf32>
    %mul3A_320 = vector.broadcast %broadcast_in_dim3A_319 : vector<32x1xf32> to vector<32x64xf32>
    %mul3A_321 = arith.mulf %get3A_318, %mul3A_320 : vector<32x64xf32>
    %get3A_322 = arith.constant 0 : index
    %get3A_323 = arith.constant 0 : index
    %get3A_324 = vector.load %arg6[%get3A_322, %get3A_323] : memref<64x32xf32, #tpu.memory_space<vmem>>, vector<64x32xf32>
    %mul3A_325 = vector.broadcast %div3A_315 : vector<1x32xf32> to vector<64x32xf32>
    %mul3A_326 = arith.mulf %get3A_324, %mul3A_325 : vector<64x32xf32>
    %dot_general3A_327 = arith.constant dense<0.000000e+00> : vector<32x32xf32>
    %dot_general3A_328 = tpu.matmul %mul3A_321, %mul3A_326, %dot_general3A_327 {dimension_numbers = #tpu.dot_dimension_numbers<[1], [0], [0], [1], [0, 0, 1, 1], [], []>, transpose_lhs_hint = false} : vector<32x64xf32>, vector<64x32xf32>, vector<32x32xf32> -> vector<32x32xf32>
    %iota3A_329 = tpu.iota {dimensions = array<i32: 0>} : vector<32x32xi32>
    %iota3A_330 = tpu.iota {dimensions = array<i32: 1>} : vector<32x32xi32>
    %eq3A_331 = arith.cmpi eq, %iota3A_329, %iota3A_330 : vector<32x32xi32>
    %convert_element_type3A_332 = arith.extui %eq3A_331 : vector<32x32xi1> to vector<32x32xi32>
    %convert_element_type3A_333 = arith.sitofp %convert_element_type3A_332 : vector<32x32xi32> to vector<32x32xf32>
    %sub3A_334 = arith.subf %dot_general3A_328, %convert_element_type3A_333 : vector<32x32xf32>
    %integer_pow3A_335 = arith.mulf %sub3A_334, %sub3A_334 : vector<32x32xf32>
    %reduce_sum3A_336 = vector.shape_cast %integer_pow3A_335 : vector<32x32xf32> to vector<1x32x32xf32>
    %reduce_sum3A_337 = arith.constant dense<0.000000e+00> : vector<1xf32>
    %reduce_sum3A_338 = vector.multi_reduction <add>, %reduce_sum3A_336, %reduce_sum3A_337 [1, 2] : vector<1x32x32xf32> to vector<1xf32>
    %reduce_sum3A_339 = vector.shape_cast %reduce_sum3A_338 : vector<1xf32> to vector<1x1x1xf32>
    %reduce_sum3A_340 = vector.extract %reduce_sum3A_339[0, 0, 0] : f32 from vector<1x1x1xf32>
    %div3A_341 = arith.constant 1.024000e+03 : f32
    %div3A_342 = arith.divf %reduce_sum3A_340, %div3A_341 : f32
    %get3A_343 = arith.constant 0 : index
    %get3A_344 = arith.constant 0 : index
    %get3A_345 = vector.load %arg8[%get3A_343, %get3A_344] : memref<4096x5xf32, #tpu.memory_space<vmem>>, vector<4096x5xf32>
    %reduce_sum3A_346 = vector.shape_cast %get3A_345 : vector<4096x5xf32> to vector<1x4096x5xf32>
    %reduce_sum3A_347 = arith.constant dense<0.000000e+00> : vector<1xf32>
    %reduce_sum3A_348 = vector.multi_reduction <add>, %reduce_sum3A_346, %reduce_sum3A_347 [1, 2] : vector<1x4096x5xf32> to vector<1xf32>
    %reduce_sum3A_349 = vector.shape_cast %reduce_sum3A_348 : vector<1xf32> to vector<1x1x1xf32>
    %reduce_sum3A_350 = vector.extract %reduce_sum3A_349[0, 0, 0] : f32 from vector<1x1x1xf32>
    %div3A_351 = arith.constant 2.048000e+04 : f32
    %div3A_352 = arith.divf %reduce_sum3A_350, %div3A_351 : f32
    %reduce_sum3A_353 = vector.shape_cast %integer_pow3A : vector<1024xf32> to vector<1x1024xf32>
    %reduce_sum3A_354 = arith.constant dense<0.000000e+00> : vector<1xf32>
    %reduce_sum3A_355 = vector.multi_reduction <add>, %reduce_sum3A_353, %reduce_sum3A_354 [1] : vector<1x1024xf32> to vector<1xf32>
    %reduce_sum3A_356 = vector.shape_cast %reduce_sum3A_355 : vector<1xf32> to vector<1x1xf32>
    %reduce_sum3A_357 = vector.extract %reduce_sum3A_356[0, 0] : f32 from vector<1x1xf32>
    %div3A_358 = arith.constant 1.024000e+03 : f32
    %div3A_359 = arith.divf %reduce_sum3A_357, %div3A_358 : f32
    %add3A_360 = arith.addf %div3A_359, %div3A_342 : f32
    %add3A_361 = arith.addf %add3A_360, %div3A_352 : f32
    %broadcast_in_dim3A_362 = vector.broadcast %add3A_361 : f32 to vector<1x1xf32>
    %swap3A_363 = arith.constant 0 : index
    %swap3A_364 = arith.constant 0 : index
    %swap3A_365 = vector.load %arg9[%swap3A_363, %swap3A_364] : memref<1x1xf32, #tpu.memory_space<vmem>>, vector<1x1xf32>
    tpu.vector_store %arg9[%swap3A_363, %swap3A_364], %broadcast_in_dim3A_362 {strides = array<i32>} : memref<1x1xf32, #tpu.memory_space<vmem>>, vector<1x1xf32>,
    return
  }
}

</mosaic_0001>

<sc_bundles>
// kernel: kernel.20.cloned.1.call-start
scs
__scs_entry_jumppad:
0x0: {  	(pc) =	sbr.rel $0x88, $3  }
0x1: {  	(tag) =	ssettag $0x0;
	lr =	simm.s32 $0x1  }
0x2: {  	[smem:$0x3F94] =	sst lr;
	_ =	strace $0xD0000000  }
0x3: {  	_ = 	snop  }
0x4: {  	_ = 	snop  }
0x5: {  	_ = 	snop  }
0x6: {  	_ = 	snop  }
0x7: {  	_ = 	snop  }
__scs_overlays_trampoline_lowered:
0x8: {  	[smem:$0x3FA3] =	sst s0  }
0x9: {  	[smem:$0x3FA4] =	sst s1  }
0xa: {  	[smem:$0x3FA5] =	sst s2  }
0xb: {  	[smem:$0x3FA6] =	sst s3  }
0xc: {  	[smem:$0x3FA7] =	sst s4  }
0xd: {  	[smem:$0x3FA8] =	sst s5  }
0xe: {  	[smem:$0x3FA9] =	sst s6  }
0xf: {  	[smem:$0x3FAA] =	sst s7  }
0x10: {  	[smem:$0x3FAB] =	sst s8  }
0x11: {  	[smem:$0x3FAC] =	sst s9;
	s0 =	simm.s32 @!p0 $0x0  }
0x12: {  	s1 =	sld [smem:$0x3F92];
	s0 =	simm.s32 @p0 $0x1  }
0x13: {  	[smem:$0x3FAD] =	sst s0;
	s0 =	simm.s32 @!p1 $0x0  }
0x14: {  	s2 =	sld [smem:$0x3F91];
	s0 =	simm.s32 @p1 $0x1  }
0x15: {  	[smem:$0x3FAE] =	sst s0;
	s0 =	simm.s32 @!p2 $0x0  }
0x16: {  	s3 =	sld [smem:$0x3FDB];
	s0 =	simm.s32 @p2 $0x1  }
0x17: {  	s4 =	simm.s32 $0x1BF5;
	[smem:$0x3FB0] =	sst s0  }
0x18: {  	s0 =	sld [smem:$0x3F93];
	_ =	swait.ge [sflag:s4], $0x0  }
0x19: {  	s7 =	sld [smem:$0x3F94]  }
0x1a: {  	s8 =	sadd.s32 $0xFFFFE003, lr  }
0x1b: {  	s9 =	sadd.s32 $0xFFFFFEF7, lr;
	s5 =	simm.s32 $0xFFFFFFFF;
	p2 =	slt.u32 s8, $0xFFFFF086  }
0x1c: {  	p1 =	slt.u32 s9, $0xF7A;
	s5 =	simm.s32 @!p2 $0x0  }
0x1d: {  	s5 =	simm.s32 @p1 $0x1;
	p0 =	seq.s32 s7, s2  }
0x1e: {  	s7 =	smul.u32 @!p0 $0xF7A, s2;
	p2 =	seq.s32 @!p0 s5, $0x0  }
0x1f: {  	s9 =	smul.u32 $0xF7A, s1;
	s8 =	simm.s32 @!p0 $0x1BF5;
	p2 =	por !p2, p0  }
0x20: {  	[sflag:s8] =	ssyncset.s32 @!p0 $0xFFFFF086;
	s6 =	sadd.s32 @!p0 s3, s7;
	s7 =	simm.s32 @!p0 $0x108  }
0x21: {  	s3 =	sadd.s32 s3, s9;
	s6 =	sadd.s32 @!p0 $0x88, s6;
	s7 =	simm.s32 @p2 $0x1082  }
0x22: {  	[simem:s7], [sflag:s8] =	dma.local @!p0 [hbm:s6], $0xF7A  }
0x23: {  	s9 =	sor.u32 $0xD0000000, s2;
	s6 =	simm.s32 $0x108;
	_ =	swait.ge @!p0 [sflag:s8], $0x0  }
0x24: {  	s3 =	sadd.s32 $0x88, s3;
	s6 =	simm.s32 @!p1 $0x1082;
	[sflag:s4] =	ssyncset.s32 $0xFFFFF086  }
0x25: {  	[simem:s6], [sflag:s4] =	dma.local [hbm:s3], $0xF7A  }
0x26: {  	[smem:$0x3F94] =	sst s1;
	(tag) =	ssettag s2;
	_ =	strace s9  }
0x27: {  	s1 =	sld [smem:$0x3FA4]  }
0x28: {  	s2 =	sld [smem:$0x3FA5]  }
0x29: {  	s4 =	sld [smem:$0x3FA7]  }
0x2a: {  	p0 =	seq.s32 s5, $0x0;
	s5 =	sld [smem:$0x3FA8]  }
0x2b: {  	s6 =	sld [smem:$0x3FA9]  }
0x2c: {  	s7 =	sld [smem:$0x3FAA]  }
0x2d: {  	s3 =	simm.s32 $0x108;
	s8 =	sld [smem:$0x3FAB]  }
0x2e: {  	s3 =	simm.s32 @!p0 $0x1082;
	s9 =	sld [smem:$0x3FAC]  }
0x2f: {  	lr =	sadd.s32 s0, s3;
	s0 =	sld [smem:$0x3FA3]  }
0x30: {  	s3 =	sld [smem:$0x3FA6]  }
0x31: {  	[smem:$0x3FAF] =	sst s10  }
0x32: {  	s10 =	sld [smem:$0x3FAD];
	_ =	sdelay $0x3  }
0x33: {  	p0 =	seq.s32 s10, $0x1;
	s10 =	sld [smem:$0x3FAF];
	_ =	sdelay $0x3  }
0x34: {  	[smem:$0x3FAF] =	sst s10  }
0x35: {  	s10 =	sld [smem:$0x3FAE];
	_ =	sdelay $0x3  }
0x36: {  	p1 =	seq.s32 s10, $0x1;
	s10 =	sld [smem:$0x3FAF];
	_ =	sdelay $0x3  }
0x37: {  	[smem:$0x3FAF] =	sst s10  }
0x38: {  	s10 =	sld [smem:$0x3FB0]  }
0x39: {  	_ = 	snop;
	(pc) =	sbr.ind lr, $3  }
0x3a: {  	_ = 	snop  }
0x3b: {  	_ = 	snop  }
0x3c: {  	p2 =	seq.s32 s10, $0x1;
	s10 =	sld [smem:$0x3FAF]  }
0x3d: {  	_ =	shalt  }
0x3e: {  	_ =	shalt  }
0x3f: {  	_ =	shalt  }
0x40: {  	_ =	shalt  }
0x41: {  	_ =	shalt  }
0x42: {  	_ =	shalt  }
0x43: {  	_ =	shalt  }
0x44: {  	_ =	shalt  }
0x45: {  	_ =	shalt  }
0x46: {  	_ =	shalt  }
0x47: {  	_ =	shalt  }
0x48: {  	_ =	shalt  }
0x49: {  	_ =	shalt  }
0x4a: {  	_ =	shalt  }
0x4b: {  	_ =	shalt  }
0x4c: {  	_ =	shalt  }
0x4d: {  	_ =	shalt  }
0x4e: {  	_ =	shalt  }
0x4f: {  	_ =	shalt  }
0x50: {  	_ =	shalt  }
0x51: {  	_ =	shalt  }
0x52: {  	_ =	shalt  }
0x53: {  	_ =	shalt  }
0x54: {  	_ =	shalt  }
0x55: {  	_ =	shalt  }
0x56: {  	_ =	shalt  }
0x57: {  	_ =	shalt  }
0x58: {  	_ =	shalt  }
0x59: {  	_ =	shalt  }
0x5a: {  	_ =	shalt  }
0x5b: {  	_ =	shalt  }
0x5c: {  	_ =	shalt  }
0x5d: {  	_ =	shalt  }
0x5e: {  	_ =	shalt  }
0x5f: {  	_ =	shalt  }
0x60: {  	_ =	shalt  }
0x61: {  	_ =	shalt  }
0x62: {  	_ =	shalt  }
0x63: {  	_ =	shalt  }
0x64: {  	_ =	shalt  }
0x65: {  	_ =	shalt  }
0x66: {  	_ =	shalt  }
0x67: {  	_ =	shalt  }
0x68: {  	_ =	shalt  }
0x69: {  	_ =	shalt  }
0x6a: {  	_ =	shalt  }
0x6b: {  	_ =	shalt  }
0x6c: {  	_ =	shalt  }
0x6d: {  	_ =	shalt  }
0x6e: {  	_ =	shalt  }
0x6f: {  	_ =	shalt  }
0x70: {  	_ =	shalt  }
0x71: {  	_ =	shalt  }
0x72: {  	_ =	shalt  }
0x73: {  	_ =	shalt  }
0x74: {  	_ =	shalt  }
0x75: {  	_ =	shalt  }
0x76: {  	_ =	shalt  }
0x77: {  	_ =	shalt  }
0x78: {  	_ =	shalt  }
0x79: {  	_ =	shalt  }
0x7a: {  	_ =	shalt  }
0x7b: {  	_ =	shalt  }
0x7c: {  	_ =	shalt  }
0x7d: {  	_ =	shalt  }
0x7e: {  	_ =	shalt  }
0x7f: {  	_ =	shalt  }
0x80: {  	_ =	shalt  }
0x81: {  	_ =	shalt  }
0x82: {  	_ =	shalt  }
0x83: {  	_ =	shalt  }
0x84: {  	_ =	shalt  }
0x85: {  	_ =	shalt  }
0x86: {  	_ =	shalt  }
0x87: {  	_ =	shalt  }
.Lfunc_end0:
.L_simem_size_0:
called_computation_lowered:
.L_overlay_start_0:
0x88: {  	s2 =	sld [smem:$0x3FD9]  }
0x89: {  	s3 =	sld [smem:$0x3FFE];
	_ =	sdelay $0x1  }
0x8a: {  	s1 =	srdreg.scid  }
0x8b: {  	s0 =	sand.u32 $0x1, s1  }
0x8c: {  	s17 =	sshll.u32 s0, $0xA;
	s2 =	sadd.s32 s3, s2  }
0x8d: {  	s2 =	sadd.s32 s2, s17  }
0x8e: {  	[smem:$0x3FBB] =	sst s2  }
0x8f: {  	_ = 	snop  }
0x90: {  	(tm) =	ssettm $0x1  }
0x91: {  	s18 =	sld [smem:$0x3FFB];
	_ =	sdelay $0x3  }
0x92: {  	_ =	strace s18  }
0x93: {  	s2 =	sld [smem:$0x3FFC];
	_ =	sdelay $0x3  }
0x94: {  	_ =	strace s2  }
0x95: {  	s2 =	sld [smem:$0x3FFD];
	_ =	sdelay $0x3  }
0x96: {  	_ =	strace s2  }
0x97: {  	_ =	strace $0x8FFFFFFF  }
0x98: {  	s19 =	sld [smem:$0x3FDB];
	_ =	sdelay $0x1  }
0x99: {  	s20 =	simm.s32 $_scs_section_size  }
0x9a: {  	s4 =	simm.s32 $_size__tile_overlayer_lowered;
	s5 =	simm.s32 $_tile_overlayer_lowered  }
0x9b: {  	s6 =	simm.s32 $0x1BFF;
	s21 =	sshll.u32 s5, $0x1;
	s3 =	sadd.s32 s20, s19  }
0x9c: {  	s22 =	simm.s32 $0x0;
	s4 =	sshll.u32 s4, $0x1;
	s5 =	sadd.s32 s21, s3  }
0x9d: {  	[timem:s22], [sflag:s6] =	dma.local [hbm:s5], s4  }
0x9e: {  	_ =	swait.ge [sflag:s6], s4  }
0x9f: {  	s4 =	ssub.s32 $0x0, s4;
	[sflag:s6] =	ssyncset.done $0x0  }
0xa0: {  	[sflag:s6] =	ssyncadd.s32 s4;
	_ =	sdelay $0x1  }
0xa1: {  	s23 =	simm.s32 $0x1B8B  }
0xa2: {  	_ =	swait.ge [sflag:s23], $0x1  }
0xa3: {  	[sflag:s23] =	ssyncset.done $0x0  }
0xa4: {  	[sflag:s23] =	ssyncadd.s32 $0xFFFFFFFF  }
0xa5: {  	s4 =	sld [smem:$0x0]  }
0xa6: {  	s5 =	sand.u32 $0xFFFFFFFE, s1  }
0xa7: {  	p0 =	sne.s32 s1, s5  }
0xa8: {  	s5 =	sshll.u32 @p0 s5, $0xE  }
0xa9: {  	s5 =	sadd.s32 @p0 $0x11B8D, s5;
	s6 =	sshll.u32 @p0 s4, $0x11  }
0xaa: {  	s5 =	sor.u32 @p0 s6, s5  }
0xab: {  	[sflag:s5] =	ssyncadd.remote.s32 @p0 $0x1;
	_ =	sdelay $0x1  }
0xac: {  	s5 =	simm.s32 @p0 $0x1B8D  }
0xad: {  	_ =	swait.eq @p0 [sflag:s5], $0x1  }
0xae: {  	[sflag:s5] =	ssyncadd.s32 @p0 $0xFFFFFFFF  }
0xaf: {  	s6 =	sshll.u32 @!p0 s1, $0xE  }
0xb0: {  	s6 =	sor.u32 @!p0 $0x4000, s6;
	s5 =	simm.s32 @!p0 $0x1B8D  }
0xb1: {  	s4 =	sshll.u32 @!p0 s4, $0x11;
	s6 =	sadd.s32 @!p0 $0x11B8D, s6;
	_ =	swait.eq @!p0 [sflag:s5], $0x1  }
0xb2: {  	s4 =	sor.u32 @!p0 s4, s6;
	[sflag:s5] =	ssyncadd.s32 @!p0 $0xFFFFFFFF  }
0xb3: {  	s25 =	simm.s32 $0x1B8E;
	s24 =	sld [smem:$0x3FFE];
	[sflag:s4] =	ssyncadd.remote.s32 @!p0 $0x1  }
0xb4: {  	s26 =	simm.s32 $execute0_lowered;
	[smem:$0x3FD2] =	sst s25  }
0xb5: {  	s5 =	sshll.u32 s26, $0x1;
	_ =	strace $0x80000049;
	[dreg:$0x1] =	wrdreg $0xFFFFFFFF  }
0xb6: {  	s28 =	simm.s32 $_size_execute0_lowered;
	s3 =	sadd.s32 s3, s5;
	[dreg:$0x0] =	wrdreg $0x0  }
0xb7: {  	s5 =	sshll.u32 s28, $0x1;
	[dreg:$0x2] =	wrdreg s3  }
0xb8: {  	[dreg:$0x3] =	wrdreg s5  }
0xb9: {  	[dreg:$0x4] =	wrdreg $0xC0  }
0xba: {  	_ =	task [dreg:s22], $0x5FFFF  }
0xbb: {  	[dreg:$0x1] =	wrdreg $0xFFFFFFFF  }
0xbc: {  	[dreg:$0x0] =	wrdreg $0x60  }
0xbd: {  	[dreg:$0x2] =	wrdreg s24  }
0xbe: {  	[dreg:$0x3] =	wrdreg $0x9  }
0xbf: {  	_ =	task.clear_ibuf [dreg:s22], $0x4FFFF;
	_ =	strace $0x90000049  }
0xc0: {  	s29 =	simm.s32 $0x9;
	_ =	strace $0x8000004B  }
0xc1: {  	_ =	swait.ge [sflag:s29], $0x1  }
0xc2: {  	[sflag:s29] =	ssyncadd.s32 $0xFFFFFFFF  }
0xc3: {  	_ =	strace $0x9000004B  }
0xc4: {  	_ =	sfence  }
0xc5: {  	s30 =	sld [smem:$0x0];
	_ =	sdelay $0x2  }
0xc6: {  	s31 =	sshll.u32 s1, $0xD;
	s1 =	sshrl.u32 s1, $0x2  }
0xc7: {  	s4 =	sand.u32 $0x4000, s31;
	s1 =	sadd.s32 s1, s30  }
0xc8: {  	s0 =	sor.u32 s4, s0;
	s1 =	sshll.u32 s1, $0x11  }
0xc9: {  	s0 =	sor.u32 s1, s0  }
0xca: {  	s0 =	sadd.s32 $0x8F2B, s0  }
0xcb: {  	[sflag:s0] =	ssyncadd.remote.s32 $0x1  }
0xcc: {  	_ =	sfence.sel $0xFFFF  }
0xcd: {  	[dreg:$0x0] =	wrdreg $0xFFFFFFFF;
	(pc) =	sbr.abs _section_cstart, $3  }
0xce: {  	[dreg:$0x1] =	wrdreg $0xFFFFFFFF  }
0xcf: {  	_ =	task.clear_ibuf [dreg:s22], $0x2FFFF;
	_ =	strace $0x9FFFFFFF  }
0xd0: {  	(tm) =	ssettm $0x7FFFFFFF  }
0xd1: {  	_ =	shalt  }
tec
execute0_lowered:
.L_overlay_start_1:
0x0: {  	(tag) =	ssettag $0x1  }
0x1: {  	s1 =	srdreg.scid;
	s0 =	stileid.u32  }
0x2: {  	s16 =	sand.u32 $0x1, s1;
	s26 =	sshll.u32 s0, $0x1  }
0x3: {  	s8 =	sor.u32 s16, s26  }
0x4: {  	s9 =	rddreg [dreg:$0x0];
	s17 =	smul.u32 $0xC80, s8  }
0x5: {  	s2 =	simm.s32 $0x0;
	s1 =	rddreg [dreg:$0x1]  }
0x6: {  	[smem:$0x7FF] =	sst s2;
	s15 =	sadd.s32 $0xE4C00, s9;
	s3 =	sshrl.u32 s17, $0x3  }
0x7: {  	_ =	strace $0x8000004A;
	s4 =	sadd.s32 s15, s3;
	s3 =	simm.s32 $0x2  }
0x8: {  	[tilespmem:s2], [sflag:$0x2] =	stream.linear.gather [hbm4b:s4+s2], $0x280, $0x38;
	[tilespmem:$0xA280] =	vst v63  }
0x9: {  	_ =	swait.ge [sflag:s3], $0x280  }
0xa: {  	s6 =	simm.s32 $0x280;
	[sflag:s3] =	ssyncset.done $0x0  }
0xb: {  	s7 =	simm.s32 $0x1;
	s5 =	sadd.s32 $0xF49200, s9;
	[sflag:s3] =	ssyncadd.s32 $0xFFFFFD80  }
0xc: {  	[tilespmem:s6], [sflag:$0x1] =	stream.indirect.gather [hbm4b:s5+s6], $0x40, s2, s6, $0xb8;
	[tilespmem:$0xA280] =	vst v63  }
0xd: {  	s8 =	smul.u32 $0x6400, s8;
	_ =	swait.ge [sflag:s7], $0xA000  }
0xe: {  	s18 =	sadd.s32 $0xE7E00, s9;
	[sflag:s7] =	ssyncset.done $0x0  }
0xf: {  	s8 =	sadd.s32 s18, s8;
	[sflag:s7] =	ssyncadd.s32 $0xFFFF6000  }
0x10: {  	[hbm4b:s8+s2] =	stream.linear.scatter [tilespmem:s6], [sflag:$0x2], $0xA000, $0x38;
	[tilespmem:$0xA280] =	vst v63  }
0x11: {  	s10 =	sadd.s32 $0x280, s17;
	_ =	swait.ge [sflag:s3], $0xA000  }
0x12: {  	s28 =	sshrl.u32 s10, $0x3;
	[sflag:s3] =	ssyncset.done $0x0  }
0x13: {  	s9 =	sadd.s32 s15, s28;
	[sflag:s3] =	ssyncadd.s32 $0xFFFF6000  }
0x14: {  	[tilespmem:s2], [sflag:$0x2] =	stream.linear.gather [hbm4b:s9+s2], $0x280, $0x38;
	[tilespmem:$0xA280] =	vst v63  }
0x15: {  	_ =	swait.ge [sflag:s3], $0x280  }
0x16: {  	[sflag:s3] =	ssyncset.done $0x0  }
0x17: {  	[sflag:s3] =	ssyncadd.s32 $0xFFFFFD80  }
0x18: {  	[tilespmem:s6], [sflag:$0x1] =	stream.indirect.gather [hbm4b:s5+s6], $0x40, s2, s6, $0xb8;
	[tilespmem:$0xA280] =	vst v63  }
0x19: {  	_ =	swait.ge [sflag:s7], $0xA000  }
0x1a: {  	s10 =	sshll.u32 s10, $0x3;
	[sflag:s7] =	ssyncset.done $0x0  }
0x1b: {  	s10 =	sadd.s32 s18, s10;
	[sflag:s7] =	ssyncadd.s32 $0xFFFF6000  }
0x1c: {  	[hbm4b:s10+s2] =	stream.linear.scatter [tilespmem:s6], [sflag:$0x2], $0xA000, $0x38;
	[tilespmem:$0xA280] =	vst v63  }
0x1d: {  	s12 =	sadd.s32 $0x500, s17;
	_ =	swait.ge [sflag:s3], $0xA000  }
0x1e: {  	s11 =	sshrl.u32 s12, $0x3;
	[sflag:s3] =	ssyncset.done $0x0  }
0x1f: {  	s11 =	sadd.s32 s15, s11;
	[sflag:s3] =	ssyncadd.s32 $0xFFFF6000  }
0x20: {  	[tilespmem:s2], [sflag:$0x2] =	stream.linear.gather [hbm4b:s11+s2], $0x280, $0x38;
	[tilespmem:$0xA280] =	vst v63  }
0x21: {  	_ =	swait.ge [sflag:s3], $0x280  }
0x22: {  	[sflag:s3] =	ssyncset.done $0x0  }
0x23: {  	[sflag:s3] =	ssyncadd.s32 $0xFFFFFD80  }
0x24: {  	[tilespmem:s6], [sflag:$0x1] =	stream.indirect.gather [hbm4b:s5+s6], $0x40, s2, s6, $0xb8;
	[tilespmem:$0xA280] =	vst v63  }
0x25: {  	_ =	swait.ge [sflag:s7], $0xA000  }
0x26: {  	s12 =	sshll.u32 s12, $0x3;
	[sflag:s7] =	ssyncset.done $0x0  }
0x27: {  	s12 =	sadd.s32 s18, s12;
	[sflag:s7] =	ssyncadd.s32 $0xFFFF6000  }
0x28: {  	[hbm4b:s12+s2] =	stream.linear.scatter [tilespmem:s6], [sflag:$0x2], $0xA000, $0x38;
	[tilespmem:$0xA280] =	vst v63  }
0x29: {  	s14 =	sadd.s32 $0x780, s17;
	_ =	swait.ge [sflag:s3], $0xA000  }
0x2a: {  	s13 =	sshrl.u32 s14, $0x3;
	[sflag:s3] =	ssyncset.done $0x0  }
0x2b: {  	s13 =	sadd.s32 s15, s13;
	[sflag:s3] =	ssyncadd.s32 $0xFFFF6000  }
0x2c: {  	[tilespmem:s2], [sflag:$0x2] =	stream.linear.gather [hbm4b:s13+s2], $0x280, $0x38;
	[tilespmem:$0xA280] =	vst v63  }
0x2d: {  	_ =	swait.ge [sflag:s3], $0x280  }
0x2e: {  	[sflag:s3] =	ssyncset.done $0x0  }
0x2f: {  	[sflag:s3] =	ssyncadd.s32 $0xFFFFFD80  }
0x30: {  	[tilespmem:s6], [sflag:$0x1] =	stream.indirect.gather [hbm4b:s5+s6], $0x40, s2, s6, $0xb8;
	[tilespmem:$0xA280] =	vst v63  }
0x31: {  	_ =	swait.ge [sflag:s7], $0xA000  }
0x32: {  	s14 =	sshll.u32 s14, $0x3;
	[sflag:s7] =	ssyncset.done $0x0  }
0x33: {  	s14 =	sadd.s32 s18, s14;
	[sflag:s7] =	ssyncadd.s32 $0xFFFF6000  }
0x34: {  	[hbm4b:s14+s2] =	stream.linear.scatter [tilespmem:s6], [sflag:$0x2], $0xA000, $0x38;
	[tilespmem:$0xA280] =	vst v63  }
0x35: {  	s17 =	sadd.s32 $0xA00, s17;
	_ =	swait.ge [sflag:s3], $0xA000  }
0x36: {  	s19 =	sshrl.u32 s17, $0x3;
	[sflag:s3] =	ssyncset.done $0x0  }
0x37: {  	s16 =	ssub.s32 $0x2, s16;
	s15 =	sadd.s32 s15, s19;
	[sflag:s3] =	ssyncadd.s32 $0xFFFF6000  }
0x38: {  	[tilespmem:s2], [sflag:$0x2] =	stream.linear.gather [hbm4b:s15+s2], $0x280, $0x38;
	[tilespmem:$0xA280] =	vst v63  }
0x39: {  	s29 =	sshrl.u32 s16, $0x1;
	_ =	swait.ge [sflag:s3], $0x280  }
0x3a: {  	s19 =	ssub.s32 s16, s29;
	[sflag:s3] =	ssyncset.done $0x0  }
0x3b: {  	s31 =	smax.u32 s19, $0x1;
	[sflag:s3] =	ssyncadd.s32 $0xFFFFFD80  }
0x3c: {  	[tilespmem:s6], [sflag:$0x1] =	stream.indirect.gather [hbm4b:s5+s6], $0x40, s2, s6, $0xb8;
	[tilespmem:$0xA280] =	vst v63  }
0x3d: {  	p0 =	sne.s32 s31, $0x1;
	_ =	swait.ge [sflag:s7], $0xA000  }
.Ltmp0:
0x3e: {  	s30 =	sshll.u32 s17, $0x3;
	[sflag:s7] =	ssyncset.done $0x0;
	(pc) =	sbr.rel @!p0 .LBB2_2-.Ltmp0, $4  }
0x3f: {  	s16 =	sadd.s32 s18, s30;
	[sflag:s7] =	ssyncadd.s32 $0xFFFF6000  }
0x40: {  	[hbm4b:s16+s2] =	stream.linear.scatter [tilespmem:s6], [sflag:$0x2], $0xA000, $0x38;
	[tilespmem:$0xA280] =	vst v63  }
0x41: {  	_ =	swait.ge [sflag:s3], $0xA000  }
0x42: {  	s17 =	sadd.s32 $0xFFFFFFFF, s31;
	[sflag:s3] =	ssyncset.done $0x0  }
.LBB2_1:
0x43: {  	p0 =	sne.s32 s17, $0x1;
	s17 =	sadd.s32 $0xFFFFFFFF, s17;
	[sflag:s3] =	ssyncadd.s32 $0xFFFF6000  }
0x44: {  	[tilespmem:s2], [sflag:$0x2] =	stream.linear.gather [hbm4b:s4+s2], $0x280, $0x38;
	[tilespmem:$0xA280] =	vst v63  }
0x45: {  	_ =	swait.ge [sflag:s3], $0x280  }
0x46: {  	[sflag:s3] =	ssyncset.done $0x0  }
0x47: {  	[sflag:s3] =	ssyncadd.s32 $0xFFFFFD80  }
0x48: {  	[tilespmem:s6], [sflag:$0x1] =	stream.indirect.gather [hbm4b:s5+s6], $0x40, s2, s6, $0xb8;
	[tilespmem:$0xA280] =	vst v63  }
0x49: {  	_ =	swait.ge [sflag:s7], $0xA000  }
0x4a: {  	[sflag:s7] =	ssyncset.done $0x0  }
0x4b: {  	[sflag:s7] =	ssyncadd.s32 $0xFFFF6000  }
0x4c: {  	[hbm4b:s8+s2] =	stream.linear.scatter [tilespmem:s6], [sflag:$0x2], $0xA000, $0x38;
	[tilespmem:$0xA280] =	vst v63  }
0x4d: {  	_ =	swait.ge [sflag:s3], $0xA000  }
0x4e: {  	[sflag:s3] =	ssyncset.done $0x0  }
0x4f: {  	[sflag:s3] =	ssyncadd.s32 $0xFFFF6000  }
0x50: {  	[tilespmem:s2], [sflag:$0x2] =	stream.linear.gather [hbm4b:s9+s2], $0x280, $0x38;
	[tilespmem:$0xA280] =	vst v63  }
0x51: {  	_ =	swait.ge [sflag:s3], $0x280  }
0x52: {  	[sflag:s3] =	ssyncset.done $0x0  }
0x53: {  	[sflag:s3] =	ssyncadd.s32 $0xFFFFFD80  }
0x54: {  	[tilespmem:s6], [sflag:$0x1] =	stream.indirect.gather [hbm4b:s5+s6], $0x40, s2, s6, $0xb8;
	[tilespmem:$0xA280] =	vst v63  }
0x55: {  	_ =	swait.ge [sflag:s7], $0xA000  }
0x56: {  	[sflag:s7] =	ssyncset.done $0x0  }
0x57: {  	[sflag:s7] =	ssyncadd.s32 $0xFFFF6000  }
0x58: {  	[hbm4b:s10+s2] =	stream.linear.scatter [tilespmem:s6], [sflag:$0x2], $0xA000, $0x38;
	[tilespmem:$0xA280] =	vst v63  }
0x59: {  	_ =	swait.ge [sflag:s3], $0xA000  }
0x5a: {  	[sflag:s3] =	ssyncset.done $0x0  }
0x5b: {  	[sflag:s3] =	ssyncadd.s32 $0xFFFF6000  }
0x5c: {  	[tilespmem:s2], [sflag:$0x2] =	stream.linear.gather [hbm4b:s11+s2], $0x280, $0x38;
	[tilespmem:$0xA280] =	vst v63  }
0x5d: {  	_ =	swait.ge [sflag:s3], $0x280  }
0x5e: {  	[sflag:s3] =	ssyncset.done $0x0  }
0x5f: {  	[sflag:s3] =	ssyncadd.s32 $0xFFFFFD80  }
0x60: {  	[tilespmem:s6], [sflag:$0x1] =	stream.indirect.gather [hbm4b:s5+s6], $0x40, s2, s6, $0xb8;
	[tilespmem:$0xA280] =	vst v63  }
0x61: {  	_ =	swait.ge [sflag:s7], $0xA000  }
0x62: {  	[sflag:s7] =	ssyncset.done $0x0  }
0x63: {  	[sflag:s7] =	ssyncadd.s32 $0xFFFF6000  }
0x64: {  	[hbm4b:s12+s2] =	stream.linear.scatter [tilespmem:s6], [sflag:$0x2], $0xA000, $0x38;
	[tilespmem:$0xA280] =	vst v63  }
0x65: {  	_ =	swait.ge [sflag:s3], $0xA000  }
0x66: {  	[sflag:s3] =	ssyncset.done $0x0  }
0x67: {  	[sflag:s3] =	ssyncadd.s32 $0xFFFF6000  }
0x68: {  	[tilespmem:s2], [sflag:$0x2] =	stream.linear.gather [hbm4b:s13+s2], $0x280, $0x38;
	[tilespmem:$0xA280] =	vst v63  }
0x69: {  	_ =	swait.ge [sflag:s3], $0x280  }
0x6a: {  	[sflag:s3] =	ssyncset.done $0x0  }
0x6b: {  	[sflag:s3] =	ssyncadd.s32 $0xFFFFFD80  }
0x6c: {  	[tilespmem:s6], [sflag:$0x1] =	stream.indirect.gather [hbm4b:s5+s6], $0x40, s2, s6, $0xb8;
	[tilespmem:$0xA280] =	vst v63  }
0x6d: {  	_ =	swait.ge [sflag:s7], $0xA000  }
0x6e: {  	[sflag:s7] =	ssyncset.done $0x0  }
0x6f: {  	[sflag:s7] =	ssyncadd.s32 $0xFFFF6000  }
0x70: {  	[hbm4b:s14+s2] =	stream.linear.scatter [tilespmem:s6], [sflag:$0x2], $0xA000, $0x38;
	[tilespmem:$0xA280] =	vst v63  }
0x71: {  	_ =	swait.ge [sflag:s3], $0xA000  }
0x72: {  	[sflag:s3] =	ssyncset.done $0x0  }
0x73: {  	[sflag:s3] =	ssyncadd.s32 $0xFFFF6000  }
0x74: {  	[tilespmem:s2], [sflag:$0x2] =	stream.linear.gather [hbm4b:s15+s2], $0x280, $0x38;
	[tilespmem:$0xA280] =	vst v63  }
0x75: {  	_ =	swait.ge [sflag:s3], $0x280  }
0x76: {  	[sflag:s3] =	ssyncset.done $0x0  }
0x77: {  	[sflag:s3] =	ssyncadd.s32 $0xFFFFFD80  }
0x78: {  	[tilespmem:s6], [sflag:$0x1] =	stream.indirect.gather [hbm4b:s5+s6], $0x40, s2, s6, $0xb8;
	[tilespmem:$0xA280] =	vst v63  }
0x79: {  	_ =	swait.ge [sflag:s7], $0xA000  }
.Ltmp1:
0x7a: {  	[sflag:s7] =	ssyncset.done $0x0;
	(pc) =	sbr.rel @p0 .LBB2_1-.Ltmp1, $4  }
0x7b: {  	[sflag:s7] =	ssyncadd.s32 $0xFFFF6000  }
0x7c: {  	[hbm4b:s16+s2] =	stream.linear.scatter [tilespmem:s6], [sflag:$0x2], $0xA000, $0x38;
	[tilespmem:$0xA280] =	vst v63  }
0x7d: {  	_ =	swait.ge [sflag:s3], $0xA000  }
0x7e: {  	[sflag:s3] =	ssyncset.done $0x0  }
.LBB2_2:
0x7f: {  	[sflag:s3] =	ssyncadd.s32 $0xFFFF6000  }
0x80: {  	_ =	sfence.sel $0x180000  }
0x81: {  	[bflag:$0x0] =	sbarrier.arrive $0xFFFF  }
0x82: {  	p0 =	sne.s32 s0, $0x0;
	_ =	strace $0x9000004A  }
0x83: {  	s0 =	sadd.s32 @!p0 $0x100000, s1;
	[bflag:$0x2] =	sbarrier.arrive $0xFFFF  }
0x84: {  	[sflag:s0] =	ssyncadd.tile.s32 @!p0 $0x1;
	_ =	shalt  }
.Lfunc_end2:
_tile_overlayer_lowered:
.L_overlay_start_2:
0x85: {  	(tag) =	ssettag $0x2  }
0x86: {  	s0 =	rddreg [dreg:$0x0];
	s2 =	stileid.u32  }
0x87: {  	s1 =	rddreg [dreg:$0x1];
	p0 =	sne.s32 s2, $0x0  }
0x88: {  	s3 =	rddreg [dreg:$0x2];
	[bflag:$0x3] =	sbarrier.arrive $0xFFFF;
	s2 =	simm.s32 @!p0 $0x1C02  }
0x89: {  	[timem:s3], [sflag:s2] =	dma.local @!p0 [hbm:s0], s1  }
0x8a: {  	s0 =	simm.s32 @!p0 $0x2  }
0x8b: {  	_ =	swait.ge @!p0 [sflag:s0], s1  }
0x8c: {  	s1 =	ssub.s32 @!p0 $0x0, s1;
	[sflag:s0] =	ssyncset.done @!p0 $0x0  }
0x8d: {  	[sflag:s0] =	ssyncadd.s32 @!p0 s1  }
0x8e: {  	[bflag:$0x3] =	sbarrier.arrive $0xFFFF  }
0x8f: {  	_ =	shalt  }

// kernel: kernel.23.cloned.1.call-start
scs
__scs_entry_jumppad:
0x0: {  	(pc) =	sbr.rel $0x88, $3  }
0x1: {  	(tag) =	ssettag $0x0;
	lr =	simm.s32 $0x1  }
0x2: {  	[smem:$0x3F94] =	sst lr;
	_ =	strace $0xD0000000  }
0x3: {  	_ = 	snop  }
0x4: {  	_ = 	snop  }
0x5: {  	_ = 	snop  }
0x6: {  	_ = 	snop  }
0x7: {  	_ = 	snop  }
__scs_overlays_trampoline_lowered:
0x8: {  	[smem:$0x3FA3] =	sst s0  }
0x9: {  	[smem:$0x3FA4] =	sst s1  }
0xa: {  	[smem:$0x3FA5] =	sst s2  }
0xb: {  	[smem:$0x3FA6] =	sst s3  }
0xc: {  	[smem:$0x3FA7] =	sst s4  }
0xd: {  	[smem:$0x3FA8] =	sst s5  }
0xe: {  	[smem:$0x3FA9] =	sst s6  }
0xf: {  	[smem:$0x3FAA] =	sst s7  }
0x10: {  	[smem:$0x3FAB] =	sst s8  }
0x11: {  	[smem:$0x3FAC] =	sst s9;
	s0 =	simm.s32 @!p0 $0x0  }
0x12: {  	s1 =	sld [smem:$0x3F92];
	s0 =	simm.s32 @p0 $0x1  }
0x13: {  	[smem:$0x3FAD] =	sst s0;
	s0 =	simm.s32 @!p1 $0x0  }
0x14: {  	s2 =	sld [smem:$0x3F91];
	s0 =	simm.s32 @p1 $0x1  }
0x15: {  	[smem:$0x3FAE] =	sst s0;
	s0 =	simm.s32 @!p2 $0x0  }
0x16: {  	s3 =	sld [smem:$0x3FDB];
	s0 =	simm.s32 @p2 $0x1  }
0x17: {  	s4 =	simm.s32 $0x1BF5;
	[smem:$0x3FB0] =	sst s0  }
0x18: {  	s0 =	sld [smem:$0x3F93];
	_ =	swait.ge [sflag:s4], $0x0  }
0x19: {  	s7 =	sld [smem:$0x3F94]  }
0x1a: {  	s8 =	sadd.s32 $0xFFFFE003, lr  }
0x1b: {  	s9 =	sadd.s32 $0xFFFFFEF7, lr;
	s5 =	simm.s32 $0xFFFFFFFF;
	p2 =	slt.u32 s8, $0xFFFFF086  }
0x1c: {  	p1 =	slt.u32 s9, $0xF7A;
	s5 =	simm.s32 @!p2 $0x0  }
0x1d: {  	s5 =	simm.s32 @p1 $0x1;
	p0 =	seq.s32 s7, s2  }
0x1e: {  	s7 =	smul.u32 @!p0 $0xF7A, s2;
	p2 =	seq.s32 @!p0 s5, $0x0  }
0x1f: {  	s9 =	smul.u32 $0xF7A, s1;
	s8 =	simm.s32 @!p0 $0x1BF5;
	p2 =	por !p2, p0  }
0x20: {  	[sflag:s8] =	ssyncset.s32 @!p0 $0xFFFFF086;
	s6 =	sadd.s32 @!p0 s3, s7;
	s7 =	simm.s32 @!p0 $0x108  }
0x21: {  	s3 =	sadd.s32 s3, s9;
	s6 =	sadd.s32 @!p0 $0x88, s6;
	s7 =	simm.s32 @p2 $0x1082  }
0x22: {  	[simem:s7], [sflag:s8] =	dma.local @!p0 [hbm:s6], $0xF7A  }
0x23: {  	s9 =	sor.u32 $0xD0000000, s2;
	s6 =	simm.s32 $0x108;
	_ =	swait.ge @!p0 [sflag:s8], $0x0  }
0x24: {  	s3 =	sadd.s32 $0x88, s3;
	s6 =	simm.s32 @!p1 $0x1082;
	[sflag:s4] =	ssyncset.s32 $0xFFFFF086  }
0x25: {  	[simem:s6], [sflag:s4] =	dma.local [hbm:s3], $0xF7A  }
0x26: {  	[smem:$0x3F94] =	sst s1;
	(tag) =	ssettag s2;
	_ =	strace s9  }
0x27: {  	s1 =	sld [smem:$0x3FA4]  }
0x28: {  	s2 =	sld [smem:$0x3FA5]  }
0x29: {  	s4 =	sld [smem:$0x3FA7]  }
0x2a: {  	p0 =	seq.s32 s5, $0x0;
	s5 =	sld [smem:$0x3FA8]  }
0x2b: {  	s6 =	sld [smem:$0x3FA9]  }
0x2c: {  	s7 =	sld [smem:$0x3FAA]  }
0x2d: {  	s3 =	simm.s32 $0x108;
	s8 =	sld [smem:$0x3FAB]  }
0x2e: {  	s3 =	simm.s32 @!p0 $0x1082;
	s9 =	sld [smem:$0x3FAC]  }
0x2f: {  	lr =	sadd.s32 s0, s3;
	s0 =	sld [smem:$0x3FA3]  }
0x30: {  	s3 =	sld [smem:$0x3FA6]  }
0x31: {  	[smem:$0x3FAF] =	sst s10  }
0x32: {  	s10 =	sld [smem:$0x3FAD];
	_ =	sdelay $0x3  }
0x33: {  	p0 =	seq.s32 s10, $0x1;
	s10 =	sld [smem:$0x3FAF];
	_ =	sdelay $0x3  }
0x34: {  	[smem:$0x3FAF] =	sst s10  }
0x35: {  	s10 =	sld [smem:$0x3FAE];
	_ =	sdelay $0x3  }
0x36: {  	p1 =	seq.s32 s10, $0x1;
	s10 =	sld [smem:$0x3FAF];
	_ =	sdelay $0x3  }
0x37: {  	[smem:$0x3FAF] =	sst s10  }
0x38: {  	s10 =	sld [smem:$0x3FB0]  }
0x39: {  	_ = 	snop;
	(pc) =	sbr.ind lr, $3  }
0x3a: {  	_ = 	snop  }
0x3b: {  	_ = 	snop  }
0x3c: {  	p2 =	seq.s32 s10, $0x1;
	s10 =	sld [smem:$0x3FAF]  }
0x3d: {  	_ =	shalt  }
0x3e: {  	_ =	shalt  }
0x3f: {  	_ =	shalt  }
0x40: {  	_ =	shalt  }
0x41: {  	_ =	shalt  }
0x42: {  	_ =	shalt  }
0x43: {  	_ =	shalt  }
0x44: {  	_ =	shalt  }
0x45: {  	_ =	shalt  }
0x46: {  	_ =	shalt  }
0x47: {  	_ =	shalt  }
0x48: {  	_ =	shalt  }
0x49: {  	_ =	shalt  }
0x4a: {  	_ =	shalt  }
0x4b: {  	_ =	shalt  }
0x4c: {  	_ =	shalt  }
0x4d: {  	_ =	shalt  }
0x4e: {  	_ =	shalt  }
0x4f: {  	_ =	shalt  }
0x50: {  	_ =	shalt  }
0x51: {  	_ =	shalt  }
0x52: {  	_ =	shalt  }
0x53: {  	_ =	shalt  }
0x54: {  	_ =	shalt  }
0x55: {  	_ =	shalt  }
0x56: {  	_ =	shalt  }
0x57: {  	_ =	shalt  }
0x58: {  	_ =	shalt  }
0x59: {  	_ =	shalt  }
0x5a: {  	_ =	shalt  }
0x5b: {  	_ =	shalt  }
0x5c: {  	_ =	shalt  }
0x5d: {  	_ =	shalt  }
0x5e: {  	_ =	shalt  }
0x5f: {  	_ =	shalt  }
0x60: {  	_ =	shalt  }
0x61: {  	_ =	shalt  }
0x62: {  	_ =	shalt  }
0x63: {  	_ =	shalt  }
0x64: {  	_ =	shalt  }
0x65: {  	_ =	shalt  }
0x66: {  	_ =	shalt  }
0x67: {  	_ =	shalt  }
0x68: {  	_ =	shalt  }
0x69: {  	_ =	shalt  }
0x6a: {  	_ =	shalt  }
0x6b: {  	_ =	shalt  }
0x6c: {  	_ =	shalt  }
0x6d: {  	_ =	shalt  }
0x6e: {  	_ =	shalt  }
0x6f: {  	_ =	shalt  }
0x70: {  	_ =	shalt  }
0x71: {  	_ =	shalt  }
0x72: {  	_ =	shalt  }
0x73: {  	_ =	shalt  }
0x74: {  	_ =	shalt  }
0x75: {  	_ =	shalt  }
0x76: {  	_ =	shalt  }
0x77: {  	_ =	shalt  }
0x78: {  	_ =	shalt  }
0x79: {  	_ =	shalt  }
0x7a: {  	_ =	shalt  }
0x7b: {  	_ =	shalt  }
0x7c: {  	_ =	shalt  }
0x7d: {  	_ =	shalt  }
0x7e: {  	_ =	shalt  }
0x7f: {  	_ =	shalt  }
0x80: {  	_ =	shalt  }
0x81: {  	_ =	shalt  }
0x82: {  	_ =	shalt  }
0x83: {  	_ =	shalt  }
0x84: {  	_ =	shalt  }
0x85: {  	_ =	shalt  }
0x86: {  	_ =	shalt  }
0x87: {  	_ =	shalt  }
.Lfunc_end0:
.L_simem_size_0:
called_computation.1_lowered:
.L_overlay_start_0:
0x88: {  	s2 =	sld [smem:$0x3FD9]  }
0x89: {  	s3 =	sld [smem:$0x3FFE];
	_ =	sdelay $0x1  }
0x8a: {  	s1 =	srdreg.scid  }
0x8b: {  	s0 =	sand.u32 $0x1, s1  }
0x8c: {  	s16 =	sshll.u32 s0, $0xA;
	s2 =	sadd.s32 s3, s2  }
0x8d: {  	s2 =	sadd.s32 s2, s16  }
0x8e: {  	[smem:$0x3FBB] =	sst s2  }
0x8f: {  	_ = 	snop  }
0x90: {  	(tm) =	ssettm $0x1  }
0x91: {  	s17 =	sld [smem:$0x3FFB];
	_ =	sdelay $0x3  }
0x92: {  	_ =	strace s17  }
0x93: {  	s2 =	sld [smem:$0x3FFC];
	_ =	sdelay $0x3  }
0x94: {  	_ =	strace s2  }
0x95: {  	s2 =	sld [smem:$0x3FFD];
	_ =	sdelay $0x3  }
0x96: {  	_ =	strace s2  }
0x97: {  	_ =	strace $0x8FFFFFFF  }
0x98: {  	s18 =	sld [smem:$0x3FDB];
	_ =	sdelay $0x1  }
0x99: {  	s19 =	simm.s32 $_scs_section_size  }
0x9a: {  	s4 =	simm.s32 $_size__tile_overlayer_lowered;
	s5 =	simm.s32 $_tile_overlayer_lowered  }
0x9b: {  	s22 =	simm.s32 $0x1BFF;
	s21 =	sshll.u32 s5, $0x1;
	s2 =	sadd.s32 s19, s18  }
0x9c: {  	s6 =	simm.s32 $0x0;
	s20 =	sshll.u32 s4, $0x1;
	s4 =	sadd.s32 s21, s2  }
0x9d: {  	[timem:s6], [sflag:s22] =	dma.local [hbm:s4], s20  }
0x9e: {  	_ =	swait.ge [sflag:s22], s20  }
0x9f: {  	s3 =	ssub.s32 $0x0, s20;
	[sflag:s22] =	ssyncset.done $0x0  }
0xa0: {  	[sflag:s22] =	ssyncadd.s32 s3;
	_ =	sdelay $0x1  }
0xa1: {  	s23 =	simm.s32 $0x1B8B  }
0xa2: {  	_ =	swait.ge [sflag:s23], $0x1  }
0xa3: {  	[sflag:s23] =	ssyncset.done $0x0  }
0xa4: {  	s25 =	simm.s32 $0x1B8E;
	s24 =	sld [smem:$0x3FFE];
	[sflag:s23] =	ssyncadd.s32 $0xFFFFFFFF  }
0xa5: {  	s26 =	simm.s32 $execute0_lowered;
	[smem:$0x3FD2] =	sst s25  }
0xa6: {  	s4 =	sshll.u32 s26, $0x1;
	_ =	strace $0x80000046;
	[dreg:$0x1] =	wrdreg $0xFFFFFFFF  }
0xa7: {  	s28 =	simm.s32 $_size_execute0_lowered;
	s2 =	sadd.s32 s2, s4;
	[dreg:$0x0] =	wrdreg $0x0  }
0xa8: {  	s4 =	sshll.u32 s28, $0x1;
	[dreg:$0x2] =	wrdreg s2  }
0xa9: {  	[dreg:$0x3] =	wrdreg s4  }
0xaa: {  	[dreg:$0x4] =	wrdreg $0xC0  }
0xab: {  	_ =	task [dreg:s6], $0x5FFFF  }
0xac: {  	[dreg:$0x1] =	wrdreg $0xFFFFFFFF  }
0xad: {  	[dreg:$0x0] =	wrdreg $0x60  }
0xae: {  	[dreg:$0x2] =	wrdreg s24  }
0xaf: {  	[dreg:$0x3] =	wrdreg $0xA  }
0xb0: {  	_ =	task.clear_ibuf [dreg:s6], $0x4FFFF;
	_ =	strace $0x90000046  }
0xb1: {  	s29 =	simm.s32 $0xA;
	_ =	strace $0x80000048  }
0xb2: {  	_ =	swait.ge [sflag:s29], $0x1  }
0xb3: {  	[sflag:s29] =	ssyncadd.s32 $0xFFFFFFFF  }
0xb4: {  	_ =	strace $0x90000048  }
0xb5: {  	_ =	sfence  }
0xb6: {  	s30 =	sld [smem:$0x0];
	_ =	sdelay $0x2  }
0xb7: {  	s31 =	sshll.u32 s1, $0xD;
	s1 =	sshrl.u32 s1, $0x2  }
0xb8: {  	s3 =	sand.u32 $0x4000, s31;
	s1 =	sadd.s32 s1, s30  }
0xb9: {  	s0 =	sor.u32 s3, s0;
	s1 =	sshll.u32 s1, $0x11  }
0xba: {  	s0 =	sor.u32 s1, s0  }
0xbb: {  	s0 =	sadd.s32 $0x8F2B, s0  }
0xbc: {  	[sflag:s0] =	ssyncadd.remote.s32 $0x1  }
0xbd: {  	_ =	sfence.sel $0xFFFF  }
0xbe: {  	[dreg:$0x0] =	wrdreg $0xFFFFFFFF;
	(pc) =	sbr.abs _section_cstart, $3  }
0xbf: {  	[dreg:$0x1] =	wrdreg $0xFFFFFFFF  }
0xc0: {  	_ =	task.clear_ibuf [dreg:s6], $0x2FFFF;
	_ =	strace $0x9FFFFFFF  }
0xc1: {  	(tm) =	ssettm $0x7FFFFFFF  }
tec
execute0_lowered:
.L_overlay_start_1:
0x0: {  	(tag) =	ssettag $0x1  }
0x1: {  	s1 =	srdreg.scid;
	s0 =	stileid.u32  }
0x2: {  	s16 =	sand.u32 $0x1, s1;
	s26 =	sshll.u32 s0, $0x1  }
0x3: {  	s8 =	sor.u32 s16, s26  }
0x4: {  	s9 =	rddreg [dreg:$0x0];
	s17 =	smul.u32 $0xC80, s8  }
0x5: {  	s2 =	simm.s32 $0x0;
	s1 =	rddreg [dreg:$0x1]  }
0x6: {  	[smem:$0x7FF] =	sst s2;
	s15 =	sadd.s32 $0x6E00, s9;
	s3 =	sshrl.u32 s17, $0x3  }
0x7: {  	_ =	strace $0x80000047;
	s4 =	sadd.s32 s15, s3;
	s3 =	simm.s32 $0x2  }
0x8: {  	[tilespmem:s2], [sflag:$0x2] =	stream.linear.gather [hbm4b:s4+s2], $0x280, $0x38;
	[tilespmem:$0xA280] =	vst v63  }
0x9: {  	_ =	swait.ge [sflag:s3], $0x280  }
0xa: {  	s6 =	simm.s32 $0x280;
	[sflag:s3] =	ssyncset.done $0x0  }
0xb: {  	s7 =	simm.s32 $0x1;
	s5 =	sadd.s32 $0xF49200, s9;
	[sflag:s3] =	ssyncadd.s32 $0xFFFFFD80  }
0xc: {  	[tilespmem:s6], [sflag:$0x1] =	stream.indirect.gather [hbm4b:s5+s6], $0x40, s2, s6, $0xb8;
	[tilespmem:$0xA280] =	vst v63  }
0xd: {  	s8 =	smul.u32 $0x6400, s8;
	_ =	swait.ge [sflag:s7], $0xA000  }
0xe: {  	s18 =	sadd.s32 $0x1CC00, s9;
	[sflag:s7] =	ssyncset.done $0x0  }
0xf: {  	s8 =	sadd.s32 s18, s8;
	[sflag:s7] =	ssyncadd.s32 $0xFFFF6000  }
0x10: {  	[hbm4b:s8+s2] =	stream.linear.scatter [tilespmem:s6], [sflag:$0x2], $0xA000, $0x38;
	[tilespmem:$0xA280] =	vst v63  }
0x11: {  	s10 =	sadd.s32 $0x280, s17;
	_ =	swait.ge [sflag:s3], $0xA000  }
0x12: {  	s28 =	sshrl.u32 s10, $0x3;
	[sflag:s3] =	ssyncset.done $0x0  }
0x13: {  	s9 =	sadd.s32 s15, s28;
	[sflag:s3] =	ssyncadd.s32 $0xFFFF6000  }
0x14: {  	[tilespmem:s2], [sflag:$0x2] =	stream.linear.gather [hbm4b:s9+s2], $0x280, $0x38;
	[tilespmem:$0xA280] =	vst v63  }
0x15: {  	_ =	swait.ge [sflag:s3], $0x280  }
0x16: {  	[sflag:s3] =	ssyncset.done $0x0  }
0x17: {  	[sflag:s3] =	ssyncadd.s32 $0xFFFFFD80  }
0x18: {  	[tilespmem:s6], [sflag:$0x1] =	stream.indirect.gather [hbm4b:s5+s6], $0x40, s2, s6, $0xb8;
	[tilespmem:$0xA280] =	vst v63  }
0x19: {  	_ =	swait.ge [sflag:s7], $0xA000  }
0x1a: {  	s10 =	sshll.u32 s10, $0x3;
	[sflag:s7] =	ssyncset.done $0x0  }
0x1b: {  	s10 =	sadd.s32 s18, s10;
	[sflag:s7] =	ssyncadd.s32 $0xFFFF6000  }
0x1c: {  	[hbm4b:s10+s2] =	stream.linear.scatter [tilespmem:s6], [sflag:$0x2], $0xA000, $0x38;
	[tilespmem:$0xA280] =	vst v63  }
0x1d: {  	s12 =	sadd.s32 $0x500, s17;
	_ =	swait.ge [sflag:s3], $0xA000  }
0x1e: {  	s11 =	sshrl.u32 s12, $0x3;
	[sflag:s3] =	ssyncset.done $0x0  }
0x1f: {  	s11 =	sadd.s32 s15, s11;
	[sflag:s3] =	ssyncadd.s32 $0xFFFF6000  }
0x20: {  	[tilespmem:s2], [sflag:$0x2] =	stream.linear.gather [hbm4b:s11+s2], $0x280, $0x38;
	[tilespmem:$0xA280] =	vst v63  }
0x21: {  	_ =	swait.ge [sflag:s3], $0x280  }
0x22: {  	[sflag:s3] =	ssyncset.done $0x0  }
0x23: {  	[sflag:s3] =	ssyncadd.s32 $0xFFFFFD80  }
0x24: {  	[tilespmem:s6], [sflag:$0x1] =	stream.indirect.gather [hbm4b:s5+s6], $0x40, s2, s6, $0xb8;
	[tilespmem:$0xA280] =	vst v63  }
0x25: {  	_ =	swait.ge [sflag:s7], $0xA000  }
0x26: {  	s12 =	sshll.u32 s12, $0x3;
	[sflag:s7] =	ssyncset.done $0x0  }
0x27: {  	s12 =	sadd.s32 s18, s12;
	[sflag:s7] =	ssyncadd.s32 $0xFFFF6000  }
0x28: {  	[hbm4b:s12+s2] =	stream.linear.scatter [tilespmem:s6], [sflag:$0x2], $0xA000, $0x38;
	[tilespmem:$0xA280] =	vst v63  }
0x29: {  	s14 =	sadd.s32 $0x780, s17;
	_ =	swait.ge [sflag:s3], $0xA000  }
0x2a: {  	s13 =	sshrl.u32 s14, $0x3;
	[sflag:s3] =	ssyncset.done $0x0  }
0x2b: {  	s13 =	sadd.s32 s15, s13;
	[sflag:s3] =	ssyncadd.s32 $0xFFFF6000  }
0x2c: {  	[tilespmem:s2], [sflag:$0x2] =	stream.linear.gather [hbm4b:s13+s2], $0x280, $0x38;
	[tilespmem:$0xA280] =	vst v63  }
0x2d: {  	_ =	swait.ge [sflag:s3], $0x280  }
0x2e: {  	[sflag:s3] =	ssyncset.done $0x0  }
0x2f: {  	[sflag:s3] =	ssyncadd.s32 $0xFFFFFD80  }
0x30: {  	[tilespmem:s6], [sflag:$0x1] =	stream.indirect.gather [hbm4b:s5+s6], $0x40, s2, s6, $0xb8;
	[tilespmem:$0xA280] =	vst v63  }
0x31: {  	_ =	swait.ge [sflag:s7], $0xA000  }
0x32: {  	s14 =	sshll.u32 s14, $0x3;
	[sflag:s7] =	ssyncset.done $0x0  }
0x33: {  	s14 =	sadd.s32 s18, s14;
	[sflag:s7] =	ssyncadd.s32 $0xFFFF6000  }
0x34: {  	[hbm4b:s14+s2] =	stream.linear.scatter [tilespmem:s6], [sflag:$0x2], $0xA000, $0x38;
	[tilespmem:$0xA280] =	vst v63  }
0x35: {  	s17 =	sadd.s32 $0xA00, s17;
	_ =	swait.ge [sflag:s3], $0xA000  }
0x36: {  	s19 =	sshrl.u32 s17, $0x3;
	[sflag:s3] =	ssyncset.done $0x0  }
0x37: {  	s16 =	ssub.s32 $0x2, s16;
	s15 =	sadd.s32 s15, s19;
	[sflag:s3] =	ssyncadd.s32 $0xFFFF6000  }
0x38: {  	[tilespmem:s2], [sflag:$0x2] =	stream.linear.gather [hbm4b:s15+s2], $0x280, $0x38;
	[tilespmem:$0xA280] =	vst v63  }
0x39: {  	s29 =	sshrl.u32 s16, $0x1;
	_ =	swait.ge [sflag:s3], $0x280  }
0x3a: {  	s19 =	ssub.s32 s16, s29;
	[sflag:s3] =	ssyncset.done $0x0  }
0x3b: {  	s31 =	smax.u32 s19, $0x1;
	[sflag:s3] =	ssyncadd.s32 $0xFFFFFD80  }
0x3c: {  	[tilespmem:s6], [sflag:$0x1] =	stream.indirect.gather [hbm4b:s5+s6], $0x40, s2, s6, $0xb8;
	[tilespmem:$0xA280] =	vst v63  }
0x3d: {  	p0 =	sne.s32 s31, $0x1;
	_ =	swait.ge [sflag:s7], $0xA000  }
.Ltmp0:
0x3e: {  	s30 =	sshll.u32 s17, $0x3;
	[sflag:s7] =	ssyncset.done $0x0;
	(pc) =	sbr.rel @!p0 .LBB2_2-.Ltmp0, $4  }
0x3f: {  	s16 =	sadd.s32 s18, s30;
	[sflag:s7] =	ssyncadd.s32 $0xFFFF6000  }
0x40: {  	[hbm4b:s16+s2] =	stream.linear.scatter [tilespmem:s6], [sflag:$0x2], $0xA000, $0x38;
	[tilespmem:$0xA280] =	vst v63  }
0x41: {  	_ =	swait.ge [sflag:s3], $0xA000  }
0x42: {  	s17 =	sadd.s32 $0xFFFFFFFF, s31;
	[sflag:s3] =	ssyncset.done $0x0  }
.LBB2_1:
0x43: {  	p0 =	sne.s32 s17, $0x1;
	s17 =	sadd.s32 $0xFFFFFFFF, s17;
	[sflag:s3] =	ssyncadd.s32 $0xFFFF6000  }
0x44: {  	[tilespmem:s2], [sflag:$0x2] =	stream.linear.gather [hbm4b:s4+s2], $0x280, $0x38;
	[tilespmem:$0xA280] =	vst v63  }
0x45: {  	_ =	swait.ge [sflag:s3], $0x280  }
0x46: {  	[sflag:s3] =	ssyncset.done $0x0  }
0x47: {  	[sflag:s3] =	ssyncadd.s32 $0xFFFFFD80  }
0x48: {  	[tilespmem:s6], [sflag:$0x1] =	stream.indirect.gather [hbm4b:s5+s6], $0x40, s2, s6, $0xb8;
	[tilespmem:$0xA280] =	vst v63  }
0x49: {  	_ =	swait.ge [sflag:s7], $0xA000  }
0x4a: {  	[sflag:s7] =	ssyncset.done $0x0  }
0x4b: {  	[sflag:s7] =	ssyncadd.s32 $0xFFFF6000  }
0x4c: {  	[hbm4b:s8+s2] =	stream.linear.scatter [tilespmem:s6], [sflag:$0x2], $0xA000, $0x38;
	[tilespmem:$0xA280] =	vst v63  }
0x4d: {  	_ =	swait.ge [sflag:s3], $0xA000  }
0x4e: {  	[sflag:s3] =	ssyncset.done $0x0  }
0x4f: {  	[sflag:s3] =	ssyncadd.s32 $0xFFFF6000  }
0x50: {  	[tilespmem:s2], [sflag:$0x2] =	stream.linear.gather [hbm4b:s9+s2], $0x280, $0x38;
	[tilespmem:$0xA280] =	vst v63  }
0x51: {  	_ =	swait.ge [sflag:s3], $0x280  }
0x52: {  	[sflag:s3] =	ssyncset.done $0x0  }
0x53: {  	[sflag:s3] =	ssyncadd.s32 $0xFFFFFD80  }
0x54: {  	[tilespmem:s6], [sflag:$0x1] =	stream.indirect.gather [hbm4b:s5+s6], $0x40, s2, s6, $0xb8;
	[tilespmem:$0xA280] =	vst v63  }
0x55: {  	_ =	swait.ge [sflag:s7], $0xA000  }
0x56: {  	[sflag:s7] =	ssyncset.done $0x0  }
0x57: {  	[sflag:s7] =	ssyncadd.s32 $0xFFFF6000  }
0x58: {  	[hbm4b:s10+s2] =	stream.linear.scatter [tilespmem:s6], [sflag:$0x2], $0xA000, $0x38;
	[tilespmem:$0xA280] =	vst v63  }
0x59: {  	_ =	swait.ge [sflag:s3], $0xA000  }
0x5a: {  	[sflag:s3] =	ssyncset.done $0x0  }
0x5b: {  	[sflag:s3] =	ssyncadd.s32 $0xFFFF6000  }
0x5c: {  	[tilespmem:s2], [sflag:$0x2] =	stream.linear.gather [hbm4b:s11+s2], $0x280, $0x38;
	[tilespmem:$0xA280] =	vst v63  }
0x5d: {  	_ =	swait.ge [sflag:s3], $0x280  }
0x5e: {  	[sflag:s3] =	ssyncset.done $0x0  }
0x5f: {  	[sflag:s3] =	ssyncadd.s32 $0xFFFFFD80  }
0x60: {  	[tilespmem:s6], [sflag:$0x1] =	stream.indirect.gather [hbm4b:s5+s6], $0x40, s2, s6, $0xb8;
	[tilespmem:$0xA280] =	vst v63  }
0x61: {  	_ =	swait.ge [sflag:s7], $0xA000  }
0x62: {  	[sflag:s7] =	ssyncset.done $0x0  }
0x63: {  	[sflag:s7] =	ssyncadd.s32 $0xFFFF6000  }
0x64: {  	[hbm4b:s12+s2] =	stream.linear.scatter [tilespmem:s6], [sflag:$0x2], $0xA000, $0x38;
	[tilespmem:$0xA280] =	vst v63  }
0x65: {  	_ =	swait.ge [sflag:s3], $0xA000  }
0x66: {  	[sflag:s3] =	ssyncset.done $0x0  }
0x67: {  	[sflag:s3] =	ssyncadd.s32 $0xFFFF6000  }
0x68: {  	[tilespmem:s2], [sflag:$0x2] =	stream.linear.gather [hbm4b:s13+s2], $0x280, $0x38;
	[tilespmem:$0xA280] =	vst v63  }
0x69: {  	_ =	swait.ge [sflag:s3], $0x280  }
0x6a: {  	[sflag:s3] =	ssyncset.done $0x0  }
0x6b: {  	[sflag:s3] =	ssyncadd.s32 $0xFFFFFD80  }
0x6c: {  	[tilespmem:s6], [sflag:$0x1] =	stream.indirect.gather [hbm4b:s5+s6], $0x40, s2, s6, $0xb8;
	[tilespmem:$0xA280] =	vst v63  }
0x6d: {  	_ =	swait.ge [sflag:s7], $0xA000  }
0x6e: {  	[sflag:s7] =	ssyncset.done $0x0  }
0x6f: {  	[sflag:s7] =	ssyncadd.s32 $0xFFFF6000  }
0x70: {  	[hbm4b:s14+s2] =	stream.linear.scatter [tilespmem:s6], [sflag:$0x2], $0xA000, $0x38;
	[tilespmem:$0xA280] =	vst v63  }
0x71: {  	_ =	swait.ge [sflag:s3], $0xA000  }
0x72: {  	[sflag:s3] =	ssyncset.done $0x0  }
0x73: {  	[sflag:s3] =	ssyncadd.s32 $0xFFFF6000  }
0x74: {  	[tilespmem:s2], [sflag:$0x2] =	stream.linear.gather [hbm4b:s15+s2], $0x280, $0x38;
	[tilespmem:$0xA280] =	vst v63  }
0x75: {  	_ =	swait.ge [sflag:s3], $0x280  }
0x76: {  	[sflag:s3] =	ssyncset.done $0x0  }
0x77: {  	[sflag:s3] =	ssyncadd.s32 $0xFFFFFD80  }
0x78: {  	[tilespmem:s6], [sflag:$0x1] =	stream.indirect.gather [hbm4b:s5+s6], $0x40, s2, s6, $0xb8;
	[tilespmem:$0xA280] =	vst v63  }
0x79: {  	_ =	swait.ge [sflag:s7], $0xA000  }
.Ltmp1:
0x7a: {  	[sflag:s7] =	ssyncset.done $0x0;
	(pc) =	sbr.rel @p0 .LBB2_1-.Ltmp1, $4  }
0x7b: {  	[sflag:s7] =	ssyncadd.s32 $0xFFFF6000  }
0x7c: {  	[hbm4b:s16+s2] =	stream.linear.scatter [tilespmem:s6], [sflag:$0x2], $0xA000, $0x38;
	[tilespmem:$0xA280] =	vst v63  }
0x7d: {  	_ =	swait.ge [sflag:s3], $0xA000  }
0x7e: {  	[sflag:s3] =	ssyncset.done $0x0  }
.LBB2_2:
0x7f: {  	[sflag:s3] =	ssyncadd.s32 $0xFFFF6000  }
0x80: {  	_ =	sfence.sel $0x180000  }
0x81: {  	[bflag:$0x0] =	sbarrier.arrive $0xFFFF  }
0x82: {  	p0 =	sne.s32 s0, $0x0;
	_ =	strace $0x90000047  }
0x83: {  	s0 =	sadd.s32 @!p0 $0x100000, s1;
	[bflag:$0x2] =	sbarrier.arrive $0xFFFF  }
0x84: {  	[sflag:s0] =	ssyncadd.tile.s32 @!p0 $0x1;
	_ =	shalt  }
.Lfunc_end2:
_tile_overlayer_lowered:
.L_overlay_start_2:
0x85: {  	(tag) =	ssettag $0x2  }
0x86: {  	s0 =	rddreg [dreg:$0x0];
	s2 =	stileid.u32  }
0x87: {  	s1 =	rddreg [dreg:$0x1];
	p0 =	sne.s32 s2, $0x0  }
0x88: {  	s3 =	rddreg [dreg:$0x2];
	[bflag:$0x3] =	sbarrier.arrive $0xFFFF;
	s2 =	simm.s32 @!p0 $0x1C02  }
0x89: {  	[timem:s3], [sflag:s2] =	dma.local @!p0 [hbm:s0], s1  }
0x8a: {  	s0 =	simm.s32 @!p0 $0x2  }
0x8b: {  	_ =	swait.ge @!p0 [sflag:s0], s1  }
0x8c: {  	s1 =	ssub.s32 @!p0 $0x0, s1;
	[sflag:s0] =	ssyncset.done @!p0 $0x0  }
0x8d: {  	[sflag:s0] =	ssyncadd.s32 @!p0 s1  }
0x8e: {  	[bflag:$0x3] =	sbarrier.arrive $0xFFFF  }
0x8f: {  	_ =	shalt  }

// kernel: kernel.26.cloned.1.call-start
scs
__scs_entry_jumppad:
0x0: {  	(pc) =	sbr.rel $0x88, $3  }
0x1: {  	(tag) =	ssettag $0x0;
	lr =	simm.s32 $0x1  }
0x2: {  	[smem:$0x3F94] =	sst lr;
	_ =	strace $0xD0000000  }
0x3: {  	_ = 	snop  }
0x4: {  	_ = 	snop  }
0x5: {  	_ = 	snop  }
0x6: {  	_ = 	snop  }
0x7: {  	_ = 	snop  }
__scs_overlays_trampoline_lowered:
0x8: {  	[smem:$0x3FA3] =	sst s0  }
0x9: {  	[smem:$0x3FA4] =	sst s1  }
0xa: {  	[smem:$0x3FA5] =	sst s2  }
0xb: {  	[smem:$0x3FA6] =	sst s3  }
0xc: {  	[smem:$0x3FA7] =	sst s4  }
0xd: {  	[smem:$0x3FA8] =	sst s5  }
0xe: {  	[smem:$0x3FA9] =	sst s6  }
0xf: {  	[smem:$0x3FAA] =	sst s7  }
0x10: {  	[smem:$0x3FAB] =	sst s8  }
0x11: {  	[smem:$0x3FAC] =	sst s9;
	s0 =	simm.s32 @!p0 $0x0  }
0x12: {  	s1 =	sld [smem:$0x3F92];
	s0 =	simm.s32 @p0 $0x1  }
0x13: {  	[smem:$0x3FAD] =	sst s0;
	s0 =	simm.s32 @!p1 $0x0  }
0x14: {  	s2 =	sld [smem:$0x3F91];
	s0 =	simm.s32 @p1 $0x1  }
0x15: {  	[smem:$0x3FAE] =	sst s0;
	s0 =	simm.s32 @!p2 $0x0  }
0x16: {  	s3 =	sld [smem:$0x3FDB];
	s0 =	simm.s32 @p2 $0x1  }
0x17: {  	s4 =	simm.s32 $0x1BF5;
	[smem:$0x3FB0] =	sst s0  }
0x18: {  	s0 =	sld [smem:$0x3F93];
	_ =	swait.ge [sflag:s4], $0x0  }
0x19: {  	s7 =	sld [smem:$0x3F94]  }
0x1a: {  	s8 =	sadd.s32 $0xFFFFE003, lr  }
0x1b: {  	s9 =	sadd.s32 $0xFFFFFEF7, lr;
	s5 =	simm.s32 $0xFFFFFFFF;
	p2 =	slt.u32 s8, $0xFFFFF086  }
0x1c: {  	p1 =	slt.u32 s9, $0xF7A;
	s5 =	simm.s32 @!p2 $0x0  }
0x1d: {  	s5 =	simm.s32 @p1 $0x1;
	p0 =	seq.s32 s7, s2  }
0x1e: {  	s7 =	smul.u32 @!p0 $0xF7A, s2;
	p2 =	seq.s32 @!p0 s5, $0x0  }
0x1f: {  	s9 =	smul.u32 $0xF7A, s1;
	s8 =	simm.s32 @!p0 $0x1BF5;
	p2 =	por !p2, p0  }
0x20: {  	[sflag:s8] =	ssyncset.s32 @!p0 $0xFFFFF086;
	s6 =	sadd.s32 @!p0 s3, s7;
	s7 =	simm.s32 @!p0 $0x108  }
0x21: {  	s3 =	sadd.s32 s3, s9;
	s6 =	sadd.s32 @!p0 $0x88, s6;
	s7 =	simm.s32 @p2 $0x1082  }
0x22: {  	[simem:s7], [sflag:s8] =	dma.local @!p0 [hbm:s6], $0xF7A  }
0x23: {  	s9 =	sor.u32 $0xD0000000, s2;
	s6 =	simm.s32 $0x108;
	_ =	swait.ge @!p0 [sflag:s8], $0x0  }
0x24: {  	s3 =	sadd.s32 $0x88, s3;
	s6 =	simm.s32 @!p1 $0x1082;
	[sflag:s4] =	ssyncset.s32 $0xFFFFF086  }
0x25: {  	[simem:s6], [sflag:s4] =	dma.local [hbm:s3], $0xF7A  }
0x26: {  	[smem:$0x3F94] =	sst s1;
	(tag) =	ssettag s2;
	_ =	strace s9  }
0x27: {  	s1 =	sld [smem:$0x3FA4]  }
0x28: {  	s2 =	sld [smem:$0x3FA5]  }
0x29: {  	s4 =	sld [smem:$0x3FA7]  }
0x2a: {  	p0 =	seq.s32 s5, $0x0;
	s5 =	sld [smem:$0x3FA8]  }
0x2b: {  	s6 =	sld [smem:$0x3FA9]  }
0x2c: {  	s7 =	sld [smem:$0x3FAA]  }
0x2d: {  	s3 =	simm.s32 $0x108;
	s8 =	sld [smem:$0x3FAB]  }
0x2e: {  	s3 =	simm.s32 @!p0 $0x1082;
	s9 =	sld [smem:$0x3FAC]  }
0x2f: {  	lr =	sadd.s32 s0, s3;
	s0 =	sld [smem:$0x3FA3]  }
0x30: {  	s3 =	sld [smem:$0x3FA6]  }
0x31: {  	[smem:$0x3FAF] =	sst s10  }
0x32: {  	s10 =	sld [smem:$0x3FAD];
	_ =	sdelay $0x3  }
0x33: {  	p0 =	seq.s32 s10, $0x1;
	s10 =	sld [smem:$0x3FAF];
	_ =	sdelay $0x3  }
0x34: {  	[smem:$0x3FAF] =	sst s10  }
0x35: {  	s10 =	sld [smem:$0x3FAE];
	_ =	sdelay $0x3  }
0x36: {  	p1 =	seq.s32 s10, $0x1;
	s10 =	sld [smem:$0x3FAF];
	_ =	sdelay $0x3  }
0x37: {  	[smem:$0x3FAF] =	sst s10  }
0x38: {  	s10 =	sld [smem:$0x3FB0]  }
0x39: {  	_ = 	snop;
	(pc) =	sbr.ind lr, $3  }
0x3a: {  	_ = 	snop  }
0x3b: {  	_ = 	snop  }
0x3c: {  	p2 =	seq.s32 s10, $0x1;
	s10 =	sld [smem:$0x3FAF]  }
0x3d: {  	_ =	shalt  }
0x3e: {  	_ =	shalt  }
0x3f: {  	_ =	shalt  }
0x40: {  	_ =	shalt  }
0x41: {  	_ =	shalt  }
0x42: {  	_ =	shalt  }
0x43: {  	_ =	shalt  }
0x44: {  	_ =	shalt  }
0x45: {  	_ =	shalt  }
0x46: {  	_ =	shalt  }
0x47: {  	_ =	shalt  }
0x48: {  	_ =	shalt  }
0x49: {  	_ =	shalt  }
0x4a: {  	_ =	shalt  }
0x4b: {  	_ =	shalt  }
0x4c: {  	_ =	shalt  }
0x4d: {  	_ =	shalt  }
0x4e: {  	_ =	shalt  }
0x4f: {  	_ =	shalt  }
0x50: {  	_ =	shalt  }
0x51: {  	_ =	shalt  }
0x52: {  	_ =	shalt  }
0x53: {  	_ =	shalt  }
0x54: {  	_ =	shalt  }
0x55: {  	_ =	shalt  }
0x56: {  	_ =	shalt  }
0x57: {  	_ =	shalt  }
0x58: {  	_ =	shalt  }
0x59: {  	_ =	shalt  }
0x5a: {  	_ =	shalt  }
0x5b: {  	_ =	shalt  }
0x5c: {  	_ =	shalt  }
0x5d: {  	_ =	shalt  }
0x5e: {  	_ =	shalt  }
0x5f: {  	_ =	shalt  }
0x60: {  	_ =	shalt  }
0x61: {  	_ =	shalt  }
0x62: {  	_ =	shalt  }
0x63: {  	_ =	shalt  }
0x64: {  	_ =	shalt  }
0x65: {  	_ =	shalt  }
0x66: {  	_ =	shalt  }
0x67: {  	_ =	shalt  }
0x68: {  	_ =	shalt  }
0x69: {  	_ =	shalt  }
0x6a: {  	_ =	shalt  }
0x6b: {  	_ =	shalt  }
0x6c: {  	_ =	shalt  }
0x6d: {  	_ =	shalt  }
0x6e: {  	_ =	shalt  }
0x6f: {  	_ =	shalt  }
0x70: {  	_ =	shalt  }
0x71: {  	_ =	shalt  }
0x72: {  	_ =	shalt  }
0x73: {  	_ =	shalt  }
0x74: {  	_ =	shalt  }
0x75: {  	_ =	shalt  }
0x76: {  	_ =	shalt  }
0x77: {  	_ =	shalt  }
0x78: {  	_ =	shalt  }
0x79: {  	_ =	shalt  }
0x7a: {  	_ =	shalt  }
0x7b: {  	_ =	shalt  }
0x7c: {  	_ =	shalt  }
0x7d: {  	_ =	shalt  }
0x7e: {  	_ =	shalt  }
0x7f: {  	_ =	shalt  }
0x80: {  	_ =	shalt  }
0x81: {  	_ =	shalt  }
0x82: {  	_ =	shalt  }
0x83: {  	_ =	shalt  }
0x84: {  	_ =	shalt  }
0x85: {  	_ =	shalt  }
0x86: {  	_ =	shalt  }
0x87: {  	_ =	shalt  }
.Lfunc_end0:
.L_simem_size_0:
called_computation.2_lowered:
.L_overlay_start_0:
0x88: {  	s2 =	sld [smem:$0x3FD9]  }
0x89: {  	s3 =	sld [smem:$0x3FFE];
	_ =	sdelay $0x1  }
0x8a: {  	s1 =	srdreg.scid  }
0x8b: {  	s0 =	sand.u32 $0x1, s1  }
0x8c: {  	s17 =	sshll.u32 s0, $0xA;
	s2 =	sadd.s32 s3, s2  }
0x8d: {  	s2 =	sadd.s32 s2, s17  }
0x8e: {  	[smem:$0x3FBB] =	sst s2  }
0x8f: {  	_ = 	snop  }
0x90: {  	(tm) =	ssettm $0x1  }
0x91: {  	s18 =	sld [smem:$0x3FFB];
	_ =	sdelay $0x3  }
0x92: {  	_ =	strace s18  }
0x93: {  	s2 =	sld [smem:$0x3FFC];
	_ =	sdelay $0x3  }
0x94: {  	_ =	strace s2  }
0x95: {  	s2 =	sld [smem:$0x3FFD];
	_ =	sdelay $0x3  }
0x96: {  	_ =	strace s2  }
0x97: {  	_ =	strace $0x8FFFFFFF  }
0x98: {  	s19 =	sld [smem:$0x3FDB];
	_ =	sdelay $0x1  }
0x99: {  	s20 =	simm.s32 $_scs_section_size  }
0x9a: {  	s4 =	simm.s32 $_size__tile_overlayer_lowered;
	s5 =	simm.s32 $_tile_overlayer_lowered  }
0x9b: {  	s6 =	simm.s32 $0x1BFF;
	s21 =	sshll.u32 s5, $0x1;
	s3 =	sadd.s32 s20, s19  }
0x9c: {  	s22 =	simm.s32 $0x0;
	s4 =	sshll.u32 s4, $0x1;
	s5 =	sadd.s32 s21, s3  }
0x9d: {  	[timem:s22], [sflag:s6] =	dma.local [hbm:s5], s4  }
0x9e: {  	_ =	swait.ge [sflag:s6], s4  }
0x9f: {  	s4 =	ssub.s32 $0x0, s4;
	[sflag:s6] =	ssyncset.done $0x0  }
0xa0: {  	[sflag:s6] =	ssyncadd.s32 s4;
	_ =	sdelay $0x1  }
0xa1: {  	s23 =	simm.s32 $0x1B8B  }
0xa2: {  	_ =	swait.ge [sflag:s23], $0x1  }
0xa3: {  	[sflag:s23] =	ssyncset.done $0x0  }
0xa4: {  	[sflag:s23] =	ssyncadd.s32 $0xFFFFFFFF  }
0xa5: {  	s4 =	sld [smem:$0x0]  }
0xa6: {  	s5 =	sand.u32 $0xFFFFFFFE, s1  }
0xa7: {  	p0 =	sne.s32 s1, s5  }
0xa8: {  	s5 =	sshll.u32 @p0 s5, $0xE  }
0xa9: {  	s5 =	sadd.s32 @p0 $0x11B8D, s5;
	s6 =	sshll.u32 @p0 s4, $0x11  }
0xaa: {  	s5 =	sor.u32 @p0 s6, s5  }
0xab: {  	[sflag:s5] =	ssyncadd.remote.s32 @p0 $0x1;
	_ =	sdelay $0x1  }
0xac: {  	s5 =	simm.s32 @p0 $0x1B8D  }
0xad: {  	_ =	swait.eq @p0 [sflag:s5], $0x1  }
0xae: {  	[sflag:s5] =	ssyncadd.s32 @p0 $0xFFFFFFFF  }
0xaf: {  	s6 =	sshll.u32 @!p0 s1, $0xE  }
0xb0: {  	s6 =	sor.u32 @!p0 $0x4000, s6;
	s5 =	simm.s32 @!p0 $0x1B8D  }
0xb1: {  	s4 =	sshll.u32 @!p0 s4, $0x11;
	s6 =	sadd.s32 @!p0 $0x11B8D, s6;
	_ =	swait.eq @!p0 [sflag:s5], $0x1  }
0xb2: {  	s4 =	sor.u32 @!p0 s4, s6;
	[sflag:s5] =	ssyncadd.s32 @!p0 $0xFFFFFFFF  }
0xb3: {  	s25 =	simm.s32 $0x1B8E;
	s24 =	sld [smem:$0x3FFE];
	[sflag:s4] =	ssyncadd.remote.s32 @!p0 $0x1  }
0xb4: {  	s26 =	simm.s32 $execute0_lowered;
	[smem:$0x3FD2] =	sst s25  }
0xb5: {  	s5 =	sshll.u32 s26, $0x1;
	_ =	strace $0x8000004C;
	[dreg:$0x1] =	wrdreg $0xFFFFFFFF  }
0xb6: {  	s28 =	simm.s32 $_size_execute0_lowered;
	s3 =	sadd.s32 s3, s5;
	[dreg:$0x0] =	wrdreg $0x0  }
0xb7: {  	s5 =	sshll.u32 s28, $0x1;
	[dreg:$0x2] =	wrdreg s3  }
0xb8: {  	[dreg:$0x3] =	wrdreg s5  }
0xb9: {  	[dreg:$0x4] =	wrdreg $0xC0  }
0xba: {  	_ =	task [dreg:s22], $0x5FFFF  }
0xbb: {  	[dreg:$0x1] =	wrdreg $0xFFFFFFFF  }
0xbc: {  	[dreg:$0x0] =	wrdreg $0x60  }
0xbd: {  	[dreg:$0x2] =	wrdreg s24  }
0xbe: {  	[dreg:$0x3] =	wrdreg $0xB  }
0xbf: {  	_ =	task.clear_ibuf [dreg:s22], $0x4FFFF;
	_ =	strace $0x9000004C  }
0xc0: {  	s29 =	simm.s32 $0xB;
	_ =	strace $0x8000004E  }
0xc1: {  	_ =	swait.ge [sflag:s29], $0x1  }
0xc2: {  	[sflag:s29] =	ssyncadd.s32 $0xFFFFFFFF  }
0xc3: {  	_ =	strace $0x9000004E  }
0xc4: {  	_ =	sfence  }
0xc5: {  	s30 =	sld [smem:$0x0];
	_ =	sdelay $0x2  }
0xc6: {  	s31 =	sshll.u32 s1, $0xD;
	s1 =	sshrl.u32 s1, $0x2  }
0xc7: {  	s4 =	sand.u32 $0x4000, s31;
	s1 =	sadd.s32 s1, s30  }
0xc8: {  	s0 =	sor.u32 s4, s0;
	s1 =	sshll.u32 s1, $0x11  }
0xc9: {  	s0 =	sor.u32 s1, s0  }
0xca: {  	s0 =	sadd.s32 $0x8F2B, s0  }
0xcb: {  	[sflag:s0] =	ssyncadd.remote.s32 $0x1  }
0xcc: {  	_ =	sfence.sel $0xFFFF  }
0xcd: {  	[dreg:$0x0] =	wrdreg $0xFFFFFFFF;
	(pc) =	sbr.abs _section_cstart, $3  }
0xce: {  	[dreg:$0x1] =	wrdreg $0xFFFFFFFF  }
0xcf: {  	_ =	task.clear_ibuf [dreg:s22], $0x2FFFF;
	_ =	strace $0x9FFFFFFF  }
0xd0: {  	(tm) =	ssettm $0x7FFFFFFF  }
0xd1: {  	_ =	shalt  }
tec
execute0_lowered:
.L_overlay_start_1:
0x0: {  	(tag) =	ssettag $0x1  }
0x1: {  	s1 =	srdreg.scid;
	s0 =	stileid.u32  }
0x2: {  	s16 =	sand.u32 $0x1, s1;
	s26 =	sshll.u32 s0, $0x1  }
0x3: {  	s8 =	sor.u32 s16, s26  }
0x4: {  	s9 =	rddreg [dreg:$0x0];
	s17 =	smul.u32 $0xC80, s8  }
0x5: {  	s2 =	simm.s32 $0x0;
	s1 =	rddreg [dreg:$0x1]  }
0x6: {  	[smem:$0x7FF] =	sst s2;
	s15 =	sadd.s32 $0xA000, s9;
	s3 =	sshrl.u32 s17, $0x3  }
0x7: {  	_ =	strace $0x8000004D;
	s4 =	sadd.s32 s15, s3;
	s3 =	simm.s32 $0x2  }
0x8: {  	[tilespmem:s2], [sflag:$0x2] =	stream.linear.gather [hbm4b:s4+s2], $0x280, $0x38;
	[tilespmem:$0xA280] =	vst v63  }
0x9: {  	_ =	swait.ge [sflag:s3], $0x280  }
0xa: {  	s6 =	simm.s32 $0x280;
	[sflag:s3] =	ssyncset.done $0x0  }
0xb: {  	s7 =	simm.s32 $0x1;
	s5 =	sadd.s32 $0xF49200, s9;
	[sflag:s3] =	ssyncadd.s32 $0xFFFFFD80  }
0xc: {  	[tilespmem:s6], [sflag:$0x1] =	stream.indirect.gather [hbm4b:s5+s6], $0x40, s2, s6, $0xb8;
	[tilespmem:$0xA280] =	vst v63  }
0xd: {  	s8 =	smul.u32 $0x6400, s8;
	_ =	swait.ge [sflag:s7], $0xA000  }
0xe: {  	s18 =	sadd.s32 $0x1AFE00, s9;
	[sflag:s7] =	ssyncset.done $0x0  }
0xf: {  	s8 =	sadd.s32 s18, s8;
	[sflag:s7] =	ssyncadd.s32 $0xFFFF6000  }
0x10: {  	[hbm4b:s8+s2] =	stream.linear.scatter [tilespmem:s6], [sflag:$0x2], $0xA000, $0x38;
	[tilespmem:$0xA280] =	vst v63  }
0x11: {  	s10 =	sadd.s32 $0x280, s17;
	_ =	swait.ge [sflag:s3], $0xA000  }
0x12: {  	s28 =	sshrl.u32 s10, $0x3;
	[sflag:s3] =	ssyncset.done $0x0  }
0x13: {  	s9 =	sadd.s32 s15, s28;
	[sflag:s3] =	ssyncadd.s32 $0xFFFF6000  }
0x14: {  	[tilespmem:s2], [sflag:$0x2] =	stream.linear.gather [hbm4b:s9+s2], $0x280, $0x38;
	[tilespmem:$0xA280] =	vst v63  }
0x15: {  	_ =	swait.ge [sflag:s3], $0x280  }
0x16: {  	[sflag:s3] =	ssyncset.done $0x0  }
0x17: {  	[sflag:s3] =	ssyncadd.s32 $0xFFFFFD80  }
0x18: {  	[tilespmem:s6], [sflag:$0x1] =	stream.indirect.gather [hbm4b:s5+s6], $0x40, s2, s6, $0xb8;
	[tilespmem:$0xA280] =	vst v63  }
0x19: {  	_ =	swait.ge [sflag:s7], $0xA000  }
0x1a: {  	s10 =	sshll.u32 s10, $0x3;
	[sflag:s7] =	ssyncset.done $0x0  }
0x1b: {  	s10 =	sadd.s32 s18, s10;
	[sflag:s7] =	ssyncadd.s32 $0xFFFF6000  }
0x1c: {  	[hbm4b:s10+s2] =	stream.linear.scatter [tilespmem:s6], [sflag:$0x2], $0xA000, $0x38;
	[tilespmem:$0xA280] =	vst v63  }
0x1d: {  	s12 =	sadd.s32 $0x500, s17;
	_ =	swait.ge [sflag:s3], $0xA000  }
0x1e: {  	s11 =	sshrl.u32 s12, $0x3;
	[sflag:s3] =	ssyncset.done $0x0  }
0x1f: {  	s11 =	sadd.s32 s15, s11;
	[sflag:s3] =	ssyncadd.s32 $0xFFFF6000  }
0x20: {  	[tilespmem:s2], [sflag:$0x2] =	stream.linear.gather [hbm4b:s11+s2], $0x280, $0x38;
	[tilespmem:$0xA280] =	vst v63  }
0x21: {  	_ =	swait.ge [sflag:s3], $0x280  }
0x22: {  	[sflag:s3] =	ssyncset.done $0x0  }
0x23: {  	[sflag:s3] =	ssyncadd.s32 $0xFFFFFD80  }
0x24: {  	[tilespmem:s6], [sflag:$0x1] =	stream.indirect.gather [hbm4b:s5+s6], $0x40, s2, s6, $0xb8;
	[tilespmem:$0xA280] =	vst v63  }
0x25: {  	_ =	swait.ge [sflag:s7], $0xA000  }
0x26: {  	s12 =	sshll.u32 s12, $0x3;
	[sflag:s7] =	ssyncset.done $0x0  }
0x27: {  	s12 =	sadd.s32 s18, s12;
	[sflag:s7] =	ssyncadd.s32 $0xFFFF6000  }
0x28: {  	[hbm4b:s12+s2] =	stream.linear.scatter [tilespmem:s6], [sflag:$0x2], $0xA000, $0x38;
	[tilespmem:$0xA280] =	vst v63  }
0x29: {  	s14 =	sadd.s32 $0x780, s17;
	_ =	swait.ge [sflag:s3], $0xA000  }
0x2a: {  	s13 =	sshrl.u32 s14, $0x3;
	[sflag:s3] =	ssyncset.done $0x0  }
0x2b: {  	s13 =	sadd.s32 s15, s13;
	[sflag:s3] =	ssyncadd.s32 $0xFFFF6000  }
0x2c: {  	[tilespmem:s2], [sflag:$0x2] =	stream.linear.gather [hbm4b:s13+s2], $0x280, $0x38;
	[tilespmem:$0xA280] =	vst v63  }
0x2d: {  	_ =	swait.ge [sflag:s3], $0x280  }
0x2e: {  	[sflag:s3] =	ssyncset.done $0x0  }
0x2f: {  	[sflag:s3] =	ssyncadd.s32 $0xFFFFFD80  }
0x30: {  	[tilespmem:s6], [sflag:$0x1] =	stream.indirect.gather [hbm4b:s5+s6], $0x40, s2, s6, $0xb8;
	[tilespmem:$0xA280] =	vst v63  }
0x31: {  	_ =	swait.ge [sflag:s7], $0xA000  }
0x32: {  	s14 =	sshll.u32 s14, $0x3;
	[sflag:s7] =	ssyncset.done $0x0  }
0x33: {  	s14 =	sadd.s32 s18, s14;
	[sflag:s7] =	ssyncadd.s32 $0xFFFF6000  }
0x34: {  	[hbm4b:s14+s2] =	stream.linear.scatter [tilespmem:s6], [sflag:$0x2], $0xA000, $0x38;
	[tilespmem:$0xA280] =	vst v63  }
0x35: {  	s17 =	sadd.s32 $0xA00, s17;
	_ =	swait.ge [sflag:s3], $0xA000  }
0x36: {  	s19 =	sshrl.u32 s17, $0x3;
	[sflag:s3] =	ssyncset.done $0x0  }
0x37: {  	s16 =	ssub.s32 $0x2, s16;
	s15 =	sadd.s32 s15, s19;
	[sflag:s3] =	ssyncadd.s32 $0xFFFF6000  }
0x38: {  	[tilespmem:s2], [sflag:$0x2] =	stream.linear.gather [hbm4b:s15+s2], $0x280, $0x38;
	[tilespmem:$0xA280] =	vst v63  }
0x39: {  	s29 =	sshrl.u32 s16, $0x1;
	_ =	swait.ge [sflag:s3], $0x280  }
0x3a: {  	s19 =	ssub.s32 s16, s29;
	[sflag:s3] =	ssyncset.done $0x0  }
0x3b: {  	s31 =	smax.u32 s19, $0x1;
	[sflag:s3] =	ssyncadd.s32 $0xFFFFFD80  }
0x3c: {  	[tilespmem:s6], [sflag:$0x1] =	stream.indirect.gather [hbm4b:s5+s6], $0x40, s2, s6, $0xb8;
	[tilespmem:$0xA280] =	vst v63  }
0x3d: {  	p0 =	sne.s32 s31, $0x1;
	_ =	swait.ge [sflag:s7], $0xA000  }
.Ltmp0:
0x3e: {  	s30 =	sshll.u32 s17, $0x3;
	[sflag:s7] =	ssyncset.done $0x0;
	(pc) =	sbr.rel @!p0 .LBB2_2-.Ltmp0, $4  }
0x3f: {  	s16 =	sadd.s32 s18, s30;
	[sflag:s7] =	ssyncadd.s32 $0xFFFF6000  }
0x40: {  	[hbm4b:s16+s2] =	stream.linear.scatter [tilespmem:s6], [sflag:$0x2], $0xA000, $0x38;
	[tilespmem:$0xA280] =	vst v63  }
0x41: {  	_ =	swait.ge [sflag:s3], $0xA000  }
0x42: {  	s17 =	sadd.s32 $0xFFFFFFFF, s31;
	[sflag:s3] =	ssyncset.done $0x0  }
.LBB2_1:
0x43: {  	p0 =	sne.s32 s17, $0x1;
	s17 =	sadd.s32 $0xFFFFFFFF, s17;
	[sflag:s3] =	ssyncadd.s32 $0xFFFF6000  }
0x44: {  	[tilespmem:s2], [sflag:$0x2] =	stream.linear.gather [hbm4b:s4+s2], $0x280, $0x38;
	[tilespmem:$0xA280] =	vst v63  }
0x45: {  	_ =	swait.ge [sflag:s3], $0x280  }
0x46: {  	[sflag:s3] =	ssyncset.done $0x0  }
0x47: {  	[sflag:s3] =	ssyncadd.s32 $0xFFFFFD80  }
0x48: {  	[tilespmem:s6], [sflag:$0x1] =	stream.indirect.gather [hbm4b:s5+s6], $0x40, s2, s6, $0xb8;
	[tilespmem:$0xA280] =	vst v63  }
0x49: {  	_ =	swait.ge [sflag:s7], $0xA000  }
0x4a: {  	[sflag:s7] =	ssyncset.done $0x0  }
0x4b: {  	[sflag:s7] =	ssyncadd.s32 $0xFFFF6000  }
0x4c: {  	[hbm4b:s8+s2] =	stream.linear.scatter [tilespmem:s6], [sflag:$0x2], $0xA000, $0x38;
	[tilespmem:$0xA280] =	vst v63  }
0x4d: {  	_ =	swait.ge [sflag:s3], $0xA000  }
0x4e: {  	[sflag:s3] =	ssyncset.done $0x0  }
0x4f: {  	[sflag:s3] =	ssyncadd.s32 $0xFFFF6000  }
0x50: {  	[tilespmem:s2], [sflag:$0x2] =	stream.linear.gather [hbm4b:s9+s2], $0x280, $0x38;
	[tilespmem:$0xA280] =	vst v63  }
0x51: {  	_ =	swait.ge [sflag:s3], $0x280  }
0x52: {  	[sflag:s3] =	ssyncset.done $0x0  }
0x53: {  	[sflag:s3] =	ssyncadd.s32 $0xFFFFFD80  }
0x54: {  	[tilespmem:s6], [sflag:$0x1] =	stream.indirect.gather [hbm4b:s5+s6], $0x40, s2, s6, $0xb8;
	[tilespmem:$0xA280] =	vst v63  }
0x55: {  	_ =	swait.ge [sflag:s7], $0xA000  }
0x56: {  	[sflag:s7] =	ssyncset.done $0x0  }
0x57: {  	[sflag:s7] =	ssyncadd.s32 $0xFFFF6000  }
0x58: {  	[hbm4b:s10+s2] =	stream.linear.scatter [tilespmem:s6], [sflag:$0x2], $0xA000, $0x38;
	[tilespmem:$0xA280] =	vst v63  }
0x59: {  	_ =	swait.ge [sflag:s3], $0xA000  }
0x5a: {  	[sflag:s3] =	ssyncset.done $0x0  }
0x5b: {  	[sflag:s3] =	ssyncadd.s32 $0xFFFF6000  }
0x5c: {  	[tilespmem:s2], [sflag:$0x2] =	stream.linear.gather [hbm4b:s11+s2], $0x280, $0x38;
	[tilespmem:$0xA280] =	vst v63  }
0x5d: {  	_ =	swait.ge [sflag:s3], $0x280  }
0x5e: {  	[sflag:s3] =	ssyncset.done $0x0  }
0x5f: {  	[sflag:s3] =	ssyncadd.s32 $0xFFFFFD80  }
0x60: {  	[tilespmem:s6], [sflag:$0x1] =	stream.indirect.gather [hbm4b:s5+s6], $0x40, s2, s6, $0xb8;
	[tilespmem:$0xA280] =	vst v63  }
0x61: {  	_ =	swait.ge [sflag:s7], $0xA000  }
0x62: {  	[sflag:s7] =	ssyncset.done $0x0  }
0x63: {  	[sflag:s7] =	ssyncadd.s32 $0xFFFF6000  }
0x64: {  	[hbm4b:s12+s2] =	stream.linear.scatter [tilespmem:s6], [sflag:$0x2], $0xA000, $0x38;
	[tilespmem:$0xA280] =	vst v63  }
0x65: {  	_ =	swait.ge [sflag:s3], $0xA000  }
0x66: {  	[sflag:s3] =	ssyncset.done $0x0  }
0x67: {  	[sflag:s3] =	ssyncadd.s32 $0xFFFF6000  }
0x68: {  	[tilespmem:s2], [sflag:$0x2] =	stream.linear.gather [hbm4b:s13+s2], $0x280, $0x38;
	[tilespmem:$0xA280] =	vst v63  }
0x69: {  	_ =	swait.ge [sflag:s3], $0x280  }
0x6a: {  	[sflag:s3] =	ssyncset.done $0x0  }
0x6b: {  	[sflag:s3] =	ssyncadd.s32 $0xFFFFFD80  }
0x6c: {  	[tilespmem:s6], [sflag:$0x1] =	stream.indirect.gather [hbm4b:s5+s6], $0x40, s2, s6, $0xb8;
	[tilespmem:$0xA280] =	vst v63  }
0x6d: {  	_ =	swait.ge [sflag:s7], $0xA000  }
0x6e: {  	[sflag:s7] =	ssyncset.done $0x0  }
0x6f: {  	[sflag:s7] =	ssyncadd.s32 $0xFFFF6000  }
0x70: {  	[hbm4b:s14+s2] =	stream.linear.scatter [tilespmem:s6], [sflag:$0x2], $0xA000, $0x38;
	[tilespmem:$0xA280] =	vst v63  }
0x71: {  	_ =	swait.ge [sflag:s3], $0xA000  }
0x72: {  	[sflag:s3] =	ssyncset.done $0x0  }
0x73: {  	[sflag:s3] =	ssyncadd.s32 $0xFFFF6000  }
0x74: {  	[tilespmem:s2], [sflag:$0x2] =	stream.linear.gather [hbm4b:s15+s2], $0x280, $0x38;
	[tilespmem:$0xA280] =	vst v63  }
0x75: {  	_ =	swait.ge [sflag:s3], $0x280  }
0x76: {  	[sflag:s3] =	ssyncset.done $0x0  }
0x77: {  	[sflag:s3] =	ssyncadd.s32 $0xFFFFFD80  }
0x78: {  	[tilespmem:s6], [sflag:$0x1] =	stream.indirect.gather [hbm4b:s5+s6], $0x40, s2, s6, $0xb8;
	[tilespmem:$0xA280] =	vst v63  }
0x79: {  	_ =	swait.ge [sflag:s7], $0xA000  }
.Ltmp1:
0x7a: {  	[sflag:s7] =	ssyncset.done $0x0;
	(pc) =	sbr.rel @p0 .LBB2_1-.Ltmp1, $4  }
0x7b: {  	[sflag:s7] =	ssyncadd.s32 $0xFFFF6000  }
0x7c: {  	[hbm4b:s16+s2] =	stream.linear.scatter [tilespmem:s6], [sflag:$0x2], $0xA000, $0x38;
	[tilespmem:$0xA280] =	vst v63  }
0x7d: {  	_ =	swait.ge [sflag:s3], $0xA000  }
0x7e: {  	[sflag:s3] =	ssyncset.done $0x0  }
.LBB2_2:
0x7f: {  	[sflag:s3] =	ssyncadd.s32 $0xFFFF6000  }
0x80: {  	_ =	sfence.sel $0x180000  }
0x81: {  	[bflag:$0x0] =	sbarrier.arrive $0xFFFF  }
0x82: {  	p0 =	sne.s32 s0, $0x0;
	_ =	strace $0x9000004D  }
0x83: {  	s0 =	sadd.s32 @!p0 $0x100000, s1;
	[bflag:$0x2] =	sbarrier.arrive $0xFFFF  }
0x84: {  	[sflag:s0] =	ssyncadd.tile.s32 @!p0 $0x1;
	_ =	shalt  }
.Lfunc_end2:
_tile_overlayer_lowered:
.L_overlay_start_2:
0x85: {  	(tag) =	ssettag $0x2  }
0x86: {  	s0 =	rddreg [dreg:$0x0];
	s2 =	stileid.u32  }
0x87: {  	s1 =	rddreg [dreg:$0x1];
	p0 =	sne.s32 s2, $0x0  }
0x88: {  	s3 =	rddreg [dreg:$0x2];
	[bflag:$0x3] =	sbarrier.arrive $0xFFFF;
	s2 =	simm.s32 @!p0 $0x1C02  }
0x89: {  	[timem:s3], [sflag:s2] =	dma.local @!p0 [hbm:s0], s1  }
0x8a: {  	s0 =	simm.s32 @!p0 $0x2  }
0x8b: {  	_ =	swait.ge @!p0 [sflag:s0], s1  }
0x8c: {  	s1 =	ssub.s32 @!p0 $0x0, s1;
	[sflag:s0] =	ssyncset.done @!p0 $0x0  }
0x8d: {  	[sflag:s0] =	ssyncadd.s32 @!p0 s1  }
0x8e: {  	[bflag:$0x3] =	sbarrier.arrive $0xFFFF  }
0x8f: {  	_ =	shalt  }

// kernel: kernel.29.cloned.1.call-start
scs
__scs_entry_jumppad:
0x0: {  	(pc) =	sbr.rel $0x88, $3  }
0x1: {  	(tag) =	ssettag $0x0;
	lr =	simm.s32 $0x1  }
0x2: {  	[smem:$0x3F94] =	sst lr;
	_ =	strace $0xD0000000  }
0x3: {  	_ = 	snop  }
0x4: {  	_ = 	snop  }
0x5: {  	_ = 	snop  }
0x6: {  	_ = 	snop  }
0x7: {  	_ = 	snop  }
__scs_overlays_trampoline_lowered:
0x8: {  	[smem:$0x3FA3] =	sst s0  }
0x9: {  	[smem:$0x3FA4] =	sst s1  }
0xa: {  	[smem:$0x3FA5] =	sst s2  }
0xb: {  	[smem:$0x3FA6] =	sst s3  }
0xc: {  	[smem:$0x3FA7] =	sst s4  }
0xd: {  	[smem:$0x3FA8] =	sst s5  }
0xe: {  	[smem:$0x3FA9] =	sst s6  }
0xf: {  	[smem:$0x3FAA] =	sst s7  }
0x10: {  	[smem:$0x3FAB] =	sst s8  }
0x11: {  	[smem:$0x3FAC] =	sst s9;
	s0 =	simm.s32 @!p0 $0x0  }
0x12: {  	s1 =	sld [smem:$0x3F92];
	s0 =	simm.s32 @p0 $0x1  }
0x13: {  	[smem:$0x3FAD] =	sst s0;
	s0 =	simm.s32 @!p1 $0x0  }
0x14: {  	s2 =	sld [smem:$0x3F91];
	s0 =	simm.s32 @p1 $0x1  }
0x15: {  	[smem:$0x3FAE] =	sst s0;
	s0 =	simm.s32 @!p2 $0x0  }
0x16: {  	s3 =	sld [smem:$0x3FDB];
	s0 =	simm.s32 @p2 $0x1  }
0x17: {  	s4 =	simm.s32 $0x1BF5;
	[smem:$0x3FB0] =	sst s0  }
0x18: {  	s0 =	sld [smem:$0x3F93];
	_ =	swait.ge [sflag:s4], $0x0  }
0x19: {  	s7 =	sld [smem:$0x3F94]  }
0x1a: {  	s8 =	sadd.s32 $0xFFFFE003, lr  }
0x1b: {  	s9 =	sadd.s32 $0xFFFFFEF7, lr;
	s5 =	simm.s32 $0xFFFFFFFF;
	p2 =	slt.u32 s8, $0xFFFFF086  }
0x1c: {  	p1 =	slt.u32 s9, $0xF7A;
	s5 =	simm.s32 @!p2 $0x0  }
0x1d: {  	s5 =	simm.s32 @p1 $0x1;
	p0 =	seq.s32 s7, s2  }
0x1e: {  	s7 =	smul.u32 @!p0 $0xF7A, s2;
	p2 =	seq.s32 @!p0 s5, $0x0  }
0x1f: {  	s9 =	smul.u32 $0xF7A, s1;
	s8 =	simm.s32 @!p0 $0x1BF5;
	p2 =	por !p2, p0  }
0x20: {  	[sflag:s8] =	ssyncset.s32 @!p0 $0xFFFFF086;
	s6 =	sadd.s32 @!p0 s3, s7;
	s7 =	simm.s32 @!p0 $0x108  }
0x21: {  	s3 =	sadd.s32 s3, s9;
	s6 =	sadd.s32 @!p0 $0x88, s6;
	s7 =	simm.s32 @p2 $0x1082  }
0x22: {  	[simem:s7], [sflag:s8] =	dma.local @!p0 [hbm:s6], $0xF7A  }
0x23: {  	s9 =	sor.u32 $0xD0000000, s2;
	s6 =	simm.s32 $0x108;
	_ =	swait.ge @!p0 [sflag:s8], $0x0  }
0x24: {  	s3 =	sadd.s32 $0x88, s3;
	s6 =	simm.s32 @!p1 $0x1082;
	[sflag:s4] =	ssyncset.s32 $0xFFFFF086  }
0x25: {  	[simem:s6], [sflag:s4] =	dma.local [hbm:s3], $0xF7A  }
0x26: {  	[smem:$0x3F94] =	sst s1;
	(tag) =	ssettag s2;
	_ =	strace s9  }
0x27: {  	s1 =	sld [smem:$0x3FA4]  }
0x28: {  	s2 =	sld [smem:$0x3FA5]  }
0x29: {  	s4 =	sld [smem:$0x3FA7]  }
0x2a: {  	p0 =	seq.s32 s5, $0x0;
	s5 =	sld [smem:$0x3FA8]  }
0x2b: {  	s6 =	sld [smem:$0x3FA9]  }
0x2c: {  	s7 =	sld [smem:$0x3FAA]  }
0x2d: {  	s3 =	simm.s32 $0x108;
	s8 =	sld [smem:$0x3FAB]  }
0x2e: {  	s3 =	simm.s32 @!p0 $0x1082;
	s9 =	sld [smem:$0x3FAC]  }
0x2f: {  	lr =	sadd.s32 s0, s3;
	s0 =	sld [smem:$0x3FA3]  }
0x30: {  	s3 =	sld [smem:$0x3FA6]  }
0x31: {  	[smem:$0x3FAF] =	sst s10  }
0x32: {  	s10 =	sld [smem:$0x3FAD];
	_ =	sdelay $0x3  }
0x33: {  	p0 =	seq.s32 s10, $0x1;
	s10 =	sld [smem:$0x3FAF];
	_ =	sdelay $0x3  }
0x34: {  	[smem:$0x3FAF] =	sst s10  }
0x35: {  	s10 =	sld [smem:$0x3FAE];
	_ =	sdelay $0x3  }
0x36: {  	p1 =	seq.s32 s10, $0x1;
	s10 =	sld [smem:$0x3FAF];
	_ =	sdelay $0x3  }
0x37: {  	[smem:$0x3FAF] =	sst s10  }
0x38: {  	s10 =	sld [smem:$0x3FB0]  }
0x39: {  	_ = 	snop;
	(pc) =	sbr.ind lr, $3  }
0x3a: {  	_ = 	snop  }
0x3b: {  	_ = 	snop  }
0x3c: {  	p2 =	seq.s32 s10, $0x1;
	s10 =	sld [smem:$0x3FAF]  }
0x3d: {  	_ =	shalt  }
0x3e: {  	_ =	shalt  }
0x3f: {  	_ =	shalt  }
0x40: {  	_ =	shalt  }
0x41: {  	_ =	shalt  }
0x42: {  	_ =	shalt  }
0x43: {  	_ =	shalt  }
0x44: {  	_ =	shalt  }
0x45: {  	_ =	shalt  }
0x46: {  	_ =	shalt  }
0x47: {  	_ =	shalt  }
0x48: {  	_ =	shalt  }
0x49: {  	_ =	shalt  }
0x4a: {  	_ =	shalt  }
0x4b: {  	_ =	shalt  }
0x4c: {  	_ =	shalt  }
0x4d: {  	_ =	shalt  }
0x4e: {  	_ =	shalt  }
0x4f: {  	_ =	shalt  }
0x50: {  	_ =	shalt  }
0x51: {  	_ =	shalt  }
0x52: {  	_ =	shalt  }
0x53: {  	_ =	shalt  }
0x54: {  	_ =	shalt  }
0x55: {  	_ =	shalt  }
0x56: {  	_ =	shalt  }
0x57: {  	_ =	shalt  }
0x58: {  	_ =	shalt  }
0x59: {  	_ =	shalt  }
0x5a: {  	_ =	shalt  }
0x5b: {  	_ =	shalt  }
0x5c: {  	_ =	shalt  }
0x5d: {  	_ =	shalt  }
0x5e: {  	_ =	shalt  }
0x5f: {  	_ =	shalt  }
0x60: {  	_ =	shalt  }
0x61: {  	_ =	shalt  }
0x62: {  	_ =	shalt  }
0x63: {  	_ =	shalt  }
0x64: {  	_ =	shalt  }
0x65: {  	_ =	shalt  }
0x66: {  	_ =	shalt  }
0x67: {  	_ =	shalt  }
0x68: {  	_ =	shalt  }
0x69: {  	_ =	shalt  }
0x6a: {  	_ =	shalt  }
0x6b: {  	_ =	shalt  }
0x6c: {  	_ =	shalt  }
0x6d: {  	_ =	shalt  }
0x6e: {  	_ =	shalt  }
0x6f: {  	_ =	shalt  }
0x70: {  	_ =	shalt  }
0x71: {  	_ =	shalt  }
0x72: {  	_ =	shalt  }
0x73: {  	_ =	shalt  }
0x74: {  	_ =	shalt  }
0x75: {  	_ =	shalt  }
0x76: {  	_ =	shalt  }
0x77: {  	_ =	shalt  }
0x78: {  	_ =	shalt  }
0x79: {  	_ =	shalt  }
0x7a: {  	_ =	shalt  }
0x7b: {  	_ =	shalt  }
0x7c: {  	_ =	shalt  }
0x7d: {  	_ =	shalt  }
0x7e: {  	_ =	shalt  }
0x7f: {  	_ =	shalt  }
0x80: {  	_ =	shalt  }
0x81: {  	_ =	shalt  }
0x82: {  	_ =	shalt  }
0x83: {  	_ =	shalt  }
0x84: {  	_ =	shalt  }
0x85: {  	_ =	shalt  }
0x86: {  	_ =	shalt  }
0x87: {  	_ =	shalt  }
.Lfunc_end0:
.L_simem_size_0:
called_computation.3_lowered:
.L_overlay_start_0:
0x88: {  	s2 =	sld [smem:$0x3FD9]  }
0x89: {  	s3 =	sld [smem:$0x3FFE];
	_ =	sdelay $0x1  }
0x8a: {  	s1 =	srdreg.scid  }
0x8b: {  	s0 =	sand.u32 $0x1, s1  }
0x8c: {  	s17 =	sshll.u32 s0, $0xA;
	s2 =	sadd.s32 s3, s2  }
0x8d: {  	s2 =	sadd.s32 s2, s17  }
0x8e: {  	[smem:$0x3FBB] =	sst s2  }
0x8f: {  	_ = 	snop  }
0x90: {  	(tm) =	ssettm $0x1  }
0x91: {  	s18 =	sld [smem:$0x3FFB];
	_ =	sdelay $0x3  }
0x92: {  	_ =	strace s18  }
0x93: {  	s2 =	sld [smem:$0x3FFC];
	_ =	sdelay $0x3  }
0x94: {  	_ =	strace s2  }
0x95: {  	s2 =	sld [smem:$0x3FFD];
	_ =	sdelay $0x3  }
0x96: {  	_ =	strace s2  }
0x97: {  	_ =	strace $0x8FFFFFFF  }
0x98: {  	s19 =	sld [smem:$0x3FDB];
	_ =	sdelay $0x1  }
0x99: {  	s20 =	simm.s32 $_scs_section_size  }
0x9a: {  	s4 =	simm.s32 $_size__tile_overlayer_lowered;
	s5 =	simm.s32 $_tile_overlayer_lowered  }
0x9b: {  	s6 =	simm.s32 $0x1BFF;
	s21 =	sshll.u32 s5, $0x1;
	s3 =	sadd.s32 s20, s19  }
0x9c: {  	s22 =	simm.s32 $0x0;
	s4 =	sshll.u32 s4, $0x1;
	s5 =	sadd.s32 s21, s3  }
0x9d: {  	[timem:s22], [sflag:s6] =	dma.local [hbm:s5], s4  }
0x9e: {  	_ =	swait.ge [sflag:s6], s4  }
0x9f: {  	s4 =	ssub.s32 $0x0, s4;
	[sflag:s6] =	ssyncset.done $0x0  }
0xa0: {  	[sflag:s6] =	ssyncadd.s32 s4;
	_ =	sdelay $0x1  }
0xa1: {  	s23 =	simm.s32 $0x1B8B  }
0xa2: {  	_ =	swait.ge [sflag:s23], $0x1  }
0xa3: {  	[sflag:s23] =	ssyncset.done $0x0  }
0xa4: {  	[sflag:s23] =	ssyncadd.s32 $0xFFFFFFFF  }
0xa5: {  	s4 =	sld [smem:$0x0]  }
0xa6: {  	s5 =	sand.u32 $0xFFFFFFFE, s1  }
0xa7: {  	p0 =	sne.s32 s1, s5  }
0xa8: {  	s5 =	sshll.u32 @p0 s5, $0xE  }
0xa9: {  	s5 =	sadd.s32 @p0 $0x11B8D, s5;
	s6 =	sshll.u32 @p0 s4, $0x11  }
0xaa: {  	s5 =	sor.u32 @p0 s6, s5  }
0xab: {  	[sflag:s5] =	ssyncadd.remote.s32 @p0 $0x1;
	_ =	sdelay $0x1  }
0xac: {  	s5 =	simm.s32 @p0 $0x1B8D  }
0xad: {  	_ =	swait.eq @p0 [sflag:s5], $0x1  }
0xae: {  	[sflag:s5] =	ssyncadd.s32 @p0 $0xFFFFFFFF  }
0xaf: {  	s6 =	sshll.u32 @!p0 s1, $0xE  }
0xb0: {  	s6 =	sor.u32 @!p0 $0x4000, s6;
	s5 =	simm.s32 @!p0 $0x1B8D  }
0xb1: {  	s4 =	sshll.u32 @!p0 s4, $0x11;
	s6 =	sadd.s32 @!p0 $0x11B8D, s6;
	_ =	swait.eq @!p0 [sflag:s5], $0x1  }
0xb2: {  	s4 =	sor.u32 @!p0 s4, s6;
	[sflag:s5] =	ssyncadd.s32 @!p0 $0xFFFFFFFF  }
0xb3: {  	s25 =	simm.s32 $0x1B8E;
	s24 =	sld [smem:$0x3FFE];
	[sflag:s4] =	ssyncadd.remote.s32 @!p0 $0x1  }
0xb4: {  	s26 =	simm.s32 $execute0_lowered;
	[smem:$0x3FD2] =	sst s25  }
0xb5: {  	s5 =	sshll.u32 s26, $0x1;
	_ =	strace $0x8000004F;
	[dreg:$0x1] =	wrdreg $0xFFFFFFFF  }
0xb6: {  	s28 =	simm.s32 $_size_execute0_lowered;
	s3 =	sadd.s32 s3, s5;
	[dreg:$0x0] =	wrdreg $0x0  }
0xb7: {  	s5 =	sshll.u32 s28, $0x1;
	[dreg:$0x2] =	wrdreg s3  }
0xb8: {  	[dreg:$0x3] =	wrdreg s5  }
0xb9: {  	[dreg:$0x4] =	wrdreg $0xC0  }
0xba: {  	_ =	task [dreg:s22], $0x5FFFF  }
0xbb: {  	[dreg:$0x1] =	wrdreg $0xFFFFFFFF  }
0xbc: {  	[dreg:$0x0] =	wrdreg $0x60  }
0xbd: {  	[dreg:$0x2] =	wrdreg s24  }
0xbe: {  	[dreg:$0x3] =	wrdreg $0xC  }
0xbf: {  	_ =	task.clear_ibuf [dreg:s22], $0x4FFFF;
	_ =	strace $0x9000004F  }
0xc0: {  	s29 =	simm.s32 $0xC;
	_ =	strace $0x80000051  }
0xc1: {  	_ =	swait.ge [sflag:s29], $0x1  }
0xc2: {  	[sflag:s29] =	ssyncadd.s32 $0xFFFFFFFF  }
0xc3: {  	_ =	strace $0x90000051  }
0xc4: {  	_ =	sfence  }
0xc5: {  	s30 =	sld [smem:$0x0];
	_ =	sdelay $0x2  }
0xc6: {  	s31 =	sshll.u32 s1, $0xD;
	s1 =	sshrl.u32 s1, $0x2  }
0xc7: {  	s4 =	sand.u32 $0x4000, s31;
	s1 =	sadd.s32 s1, s30  }
0xc8: {  	s0 =	sor.u32 s4, s0;
	s1 =	sshll.u32 s1, $0x11  }
0xc9: {  	s0 =	sor.u32 s1, s0  }
0xca: {  	s0 =	sadd.s32 $0x8F2B, s0  }
0xcb: {  	[sflag:s0] =	ssyncadd.remote.s32 $0x1  }
0xcc: {  	_ =	sfence.sel $0xFFFF  }
0xcd: {  	[dreg:$0x0] =	wrdreg $0xFFFFFFFF;
	(pc) =	sbr.abs _section_cstart, $3  }
0xce: {  	[dreg:$0x1] =	wrdreg $0xFFFFFFFF  }
0xcf: {  	_ =	task.clear_ibuf [dreg:s22], $0x2FFFF;
	_ =	strace $0x9FFFFFFF  }
0xd0: {  	(tm) =	ssettm $0x7FFFFFFF  }
0xd1: {  	_ =	shalt  }
tec
execute0_lowered:
.L_overlay_start_1:
0x0: {  	(tag) =	ssettag $0x1  }
0x1: {  	s1 =	srdreg.scid;
	s0 =	stileid.u32  }
0x2: {  	s16 =	sand.u32 $0x1, s1;
	s26 =	sshll.u32 s0, $0x1  }
0x3: {  	s8 =	sor.u32 s16, s26  }
0x4: {  	s9 =	rddreg [dreg:$0x0];
	s17 =	smul.u32 $0xC80, s8  }
0x5: {  	s2 =	simm.s32 $0x0;
	s1 =	rddreg [dreg:$0x1]  }
0x6: {  	[smem:$0x7FF] =	sst s2;
	s15 =	sadd.s32 $0xD200, s9;
	s3 =	sshrl.u32 s17, $0x3  }
0x7: {  	_ =	strace $0x80000050;
	s4 =	sadd.s32 s15, s3;
	s3 =	simm.s32 $0x2  }
0x8: {  	[tilespmem:s2], [sflag:$0x2] =	stream.linear.gather [hbm4b:s4+s2], $0x280, $0x38;
	[tilespmem:$0xA280] =	vst v63  }
0x9: {  	_ =	swait.ge [sflag:s3], $0x280  }
0xa: {  	s6 =	simm.s32 $0x280;
	[sflag:s3] =	ssyncset.done $0x0  }
0xb: {  	s7 =	simm.s32 $0x1;
	s5 =	sadd.s32 $0xF49200, s9;
	[sflag:s3] =	ssyncadd.s32 $0xFFFFFD80  }
0xc: {  	[tilespmem:s6], [sflag:$0x1] =	stream.indirect.gather [hbm4b:s5+s6], $0x40, s2, s6, $0xb8;
	[tilespmem:$0xA280] =	vst v63  }
0xd: {  	s8 =	smul.u32 $0x6400, s8;
	_ =	swait.ge [sflag:s7], $0xA000  }
0xe: {  	s18 =	sadd.s32 $0x277E00, s9;
	[sflag:s7] =	ssyncset.done $0x0  }
0xf: {  	s8 =	sadd.s32 s18, s8;
	[sflag:s7] =	ssyncadd.s32 $0xFFFF6000  }
0x10: {  	[hbm4b:s8+s2] =	stream.linear.scatter [tilespmem:s6], [sflag:$0x2], $0xA000, $0x38;
	[tilespmem:$0xA280] =	vst v63  }
0x11: {  	s10 =	sadd.s32 $0x280, s17;
	_ =	swait.ge [sflag:s3], $0xA000  }
0x12: {  	s28 =	sshrl.u32 s10, $0x3;
	[sflag:s3] =	ssyncset.done $0x0  }
0x13: {  	s9 =	sadd.s32 s15, s28;
	[sflag:s3] =	ssyncadd.s32 $0xFFFF6000  }
0x14: {  	[tilespmem:s2], [sflag:$0x2] =	stream.linear.gather [hbm4b:s9+s2], $0x280, $0x38;
	[tilespmem:$0xA280] =	vst v63  }
0x15: {  	_ =	swait.ge [sflag:s3], $0x280  }
0x16: {  	[sflag:s3] =	ssyncset.done $0x0  }
0x17: {  	[sflag:s3] =	ssyncadd.s32 $0xFFFFFD80  }
0x18: {  	[tilespmem:s6], [sflag:$0x1] =	stream.indirect.gather [hbm4b:s5+s6], $0x40, s2, s6, $0xb8;
	[tilespmem:$0xA280] =	vst v63  }
0x19: {  	_ =	swait.ge [sflag:s7], $0xA000  }
0x1a: {  	s10 =	sshll.u32 s10, $0x3;
	[sflag:s7] =	ssyncset.done $0x0  }
0x1b: {  	s10 =	sadd.s32 s18, s10;
	[sflag:s7] =	ssyncadd.s32 $0xFFFF6000  }
0x1c: {  	[hbm4b:s10+s2] =	stream.linear.scatter [tilespmem:s6], [sflag:$0x2], $0xA000, $0x38;
	[tilespmem:$0xA280] =	vst v63  }
0x1d: {  	s12 =	sadd.s32 $0x500, s17;
	_ =	swait.ge [sflag:s3], $0xA000  }
0x1e: {  	s11 =	sshrl.u32 s12, $0x3;
	[sflag:s3] =	ssyncset.done $0x0  }
0x1f: {  	s11 =	sadd.s32 s15, s11;
	[sflag:s3] =	ssyncadd.s32 $0xFFFF6000  }
0x20: {  	[tilespmem:s2], [sflag:$0x2] =	stream.linear.gather [hbm4b:s11+s2], $0x280, $0x38;
	[tilespmem:$0xA280] =	vst v63  }
0x21: {  	_ =	swait.ge [sflag:s3], $0x280  }
0x22: {  	[sflag:s3] =	ssyncset.done $0x0  }
0x23: {  	[sflag:s3] =	ssyncadd.s32 $0xFFFFFD80  }
0x24: {  	[tilespmem:s6], [sflag:$0x1] =	stream.indirect.gather [hbm4b:s5+s6], $0x40, s2, s6, $0xb8;
	[tilespmem:$0xA280] =	vst v63  }
0x25: {  	_ =	swait.ge [sflag:s7], $0xA000  }
0x26: {  	s12 =	sshll.u32 s12, $0x3;
	[sflag:s7] =	ssyncset.done $0x0  }
0x27: {  	s12 =	sadd.s32 s18, s12;
	[sflag:s7] =	ssyncadd.s32 $0xFFFF6000  }
0x28: {  	[hbm4b:s12+s2] =	stream.linear.scatter [tilespmem:s6], [sflag:$0x2], $0xA000, $0x38;
	[tilespmem:$0xA280] =	vst v63  }
0x29: {  	s14 =	sadd.s32 $0x780, s17;
	_ =	swait.ge [sflag:s3], $0xA000  }
0x2a: {  	s13 =	sshrl.u32 s14, $0x3;
	[sflag:s3] =	ssyncset.done $0x0  }
0x2b: {  	s13 =	sadd.s32 s15, s13;
	[sflag:s3] =	ssyncadd.s32 $0xFFFF6000  }
0x2c: {  	[tilespmem:s2], [sflag:$0x2] =	stream.linear.gather [hbm4b:s13+s2], $0x280, $0x38;
	[tilespmem:$0xA280] =	vst v63  }
0x2d: {  	_ =	swait.ge [sflag:s3], $0x280  }
0x2e: {  	[sflag:s3] =	ssyncset.done $0x0  }
0x2f: {  	[sflag:s3] =	ssyncadd.s32 $0xFFFFFD80  }
0x30: {  	[tilespmem:s6], [sflag:$0x1] =	stream.indirect.gather [hbm4b:s5+s6], $0x40, s2, s6, $0xb8;
	[tilespmem:$0xA280] =	vst v63  }
0x31: {  	_ =	swait.ge [sflag:s7], $0xA000  }
0x32: {  	s14 =	sshll.u32 s14, $0x3;
	[sflag:s7] =	ssyncset.done $0x0  }
0x33: {  	s14 =	sadd.s32 s18, s14;
	[sflag:s7] =	ssyncadd.s32 $0xFFFF6000  }
0x34: {  	[hbm4b:s14+s2] =	stream.linear.scatter [tilespmem:s6], [sflag:$0x2], $0xA000, $0x38;
	[tilespmem:$0xA280] =	vst v63  }
0x35: {  	s17 =	sadd.s32 $0xA00, s17;
	_ =	swait.ge [sflag:s3], $0xA000  }
0x36: {  	s19 =	sshrl.u32 s17, $0x3;
	[sflag:s3] =	ssyncset.done $0x0  }
0x37: {  	s16 =	ssub.s32 $0x2, s16;
	s15 =	sadd.s32 s15, s19;
	[sflag:s3] =	ssyncadd.s32 $0xFFFF6000  }
0x38: {  	[tilespmem:s2], [sflag:$0x2] =	stream.linear.gather [hbm4b:s15+s2], $0x280, $0x38;
	[tilespmem:$0xA280] =	vst v63  }
0x39: {  	s29 =	sshrl.u32 s16, $0x1;
	_ =	swait.ge [sflag:s3], $0x280  }
0x3a: {  	s19 =	ssub.s32 s16, s29;
	[sflag:s3] =	ssyncset.done $0x0  }
0x3b: {  	s31 =	smax.u32 s19, $0x1;
	[sflag:s3] =	ssyncadd.s32 $0xFFFFFD80  }
0x3c: {  	[tilespmem:s6], [sflag:$0x1] =	stream.indirect.gather [hbm4b:s5+s6], $0x40, s2, s6, $0xb8;
	[tilespmem:$0xA280] =	vst v63  }
0x3d: {  	p0 =	sne.s32 s31, $0x1;
	_ =	swait.ge [sflag:s7], $0xA000  }
.Ltmp0:
0x3e: {  	s30 =	sshll.u32 s17, $0x3;
	[sflag:s7] =	ssyncset.done $0x0;
	(pc) =	sbr.rel @!p0 .LBB2_2-.Ltmp0, $4  }
0x3f: {  	s16 =	sadd.s32 s18, s30;
	[sflag:s7] =	ssyncadd.s32 $0xFFFF6000  }
0x40: {  	[hbm4b:s16+s2] =	stream.linear.scatter [tilespmem:s6], [sflag:$0x2], $0xA000, $0x38;
	[tilespmem:$0xA280] =	vst v63  }
0x41: {  	_ =	swait.ge [sflag:s3], $0xA000  }
0x42: {  	s17 =	sadd.s32 $0xFFFFFFFF, s31;
	[sflag:s3] =	ssyncset.done $0x0  }
.LBB2_1:
0x43: {  	p0 =	sne.s32 s17, $0x1;
	s17 =	sadd.s32 $0xFFFFFFFF, s17;
	[sflag:s3] =	ssyncadd.s32 $0xFFFF6000  }
0x44: {  	[tilespmem:s2], [sflag:$0x2] =	stream.linear.gather [hbm4b:s4+s2], $0x280, $0x38;
	[tilespmem:$0xA280] =	vst v63  }
0x45: {  	_ =	swait.ge [sflag:s3], $0x280  }
0x46: {  	[sflag:s3] =	ssyncset.done $0x0  }
0x47: {  	[sflag:s3] =	ssyncadd.s32 $0xFFFFFD80  }
0x48: {  	[tilespmem:s6], [sflag:$0x1] =	stream.indirect.gather [hbm4b:s5+s6], $0x40, s2, s6, $0xb8;
	[tilespmem:$0xA280] =	vst v63  }
0x49: {  	_ =	swait.ge [sflag:s7], $0xA000  }
0x4a: {  	[sflag:s7] =	ssyncset.done $0x0  }
0x4b: {  	[sflag:s7] =	ssyncadd.s32 $0xFFFF6000  }
0x4c: {  	[hbm4b:s8+s2] =	stream.linear.scatter [tilespmem:s6], [sflag:$0x2], $0xA000, $0x38;
	[tilespmem:$0xA280] =	vst v63  }
0x4d: {  	_ =	swait.ge [sflag:s3], $0xA000  }
0x4e: {  	[sflag:s3] =	ssyncset.done $0x0  }
0x4f: {  	[sflag:s3] =	ssyncadd.s32 $0xFFFF6000  }
0x50: {  	[tilespmem:s2], [sflag:$0x2] =	stream.linear.gather [hbm4b:s9+s2], $0x280, $0x38;
	[tilespmem:$0xA280] =	vst v63  }
0x51: {  	_ =	swait.ge [sflag:s3], $0x280  }
0x52: {  	[sflag:s3] =	ssyncset.done $0x0  }
0x53: {  	[sflag:s3] =	ssyncadd.s32 $0xFFFFFD80  }
0x54: {  	[tilespmem:s6], [sflag:$0x1] =	stream.indirect.gather [hbm4b:s5+s6], $0x40, s2, s6, $0xb8;
	[tilespmem:$0xA280] =	vst v63  }
0x55: {  	_ =	swait.ge [sflag:s7], $0xA000  }
0x56: {  	[sflag:s7] =	ssyncset.done $0x0  }
0x57: {  	[sflag:s7] =	ssyncadd.s32 $0xFFFF6000  }
0x58: {  	[hbm4b:s10+s2] =	stream.linear.scatter [tilespmem:s6], [sflag:$0x2], $0xA000, $0x38;
	[tilespmem:$0xA280] =	vst v63  }
0x59: {  	_ =	swait.ge [sflag:s3], $0xA000  }
0x5a: {  	[sflag:s3] =	ssyncset.done $0x0  }
0x5b: {  	[sflag:s3] =	ssyncadd.s32 $0xFFFF6000  }
0x5c: {  	[tilespmem:s2], [sflag:$0x2] =	stream.linear.gather [hbm4b:s11+s2], $0x280, $0x38;
	[tilespmem:$0xA280] =	vst v63  }
0x5d: {  	_ =	swait.ge [sflag:s3], $0x280  }
0x5e: {  	[sflag:s3] =	ssyncset.done $0x0  }
0x5f: {  	[sflag:s3] =	ssyncadd.s32 $0xFFFFFD80  }
0x60: {  	[tilespmem:s6], [sflag:$0x1] =	stream.indirect.gather [hbm4b:s5+s6], $0x40, s2, s6, $0xb8;
	[tilespmem:$0xA280] =	vst v63  }
0x61: {  	_ =	swait.ge [sflag:s7], $0xA000  }
0x62: {  	[sflag:s7] =	ssyncset.done $0x0  }
0x63: {  	[sflag:s7] =	ssyncadd.s32 $0xFFFF6000  }
0x64: {  	[hbm4b:s12+s2] =	stream.linear.scatter [tilespmem:s6], [sflag:$0x2], $0xA000, $0x38;
	[tilespmem:$0xA280] =	vst v63  }
0x65: {  	_ =	swait.ge [sflag:s3], $0xA000  }
0x66: {  	[sflag:s3] =	ssyncset.done $0x0  }
0x67: {  	[sflag:s3] =	ssyncadd.s32 $0xFFFF6000  }
0x68: {  	[tilespmem:s2], [sflag:$0x2] =	stream.linear.gather [hbm4b:s13+s2], $0x280, $0x38;
	[tilespmem:$0xA280] =	vst v63  }
0x69: {  	_ =	swait.ge [sflag:s3], $0x280  }
0x6a: {  	[sflag:s3] =	ssyncset.done $0x0  }
0x6b: {  	[sflag:s3] =	ssyncadd.s32 $0xFFFFFD80  }
0x6c: {  	[tilespmem:s6], [sflag:$0x1] =	stream.indirect.gather [hbm4b:s5+s6], $0x40, s2, s6, $0xb8;
	[tilespmem:$0xA280] =	vst v63  }
0x6d: {  	_ =	swait.ge [sflag:s7], $0xA000  }
0x6e: {  	[sflag:s7] =	ssyncset.done $0x0  }
0x6f: {  	[sflag:s7] =	ssyncadd.s32 $0xFFFF6000  }
0x70: {  	[hbm4b:s14+s2] =	stream.linear.scatter [tilespmem:s6], [sflag:$0x2], $0xA000, $0x38;
	[tilespmem:$0xA280] =	vst v63  }
0x71: {  	_ =	swait.ge [sflag:s3], $0xA000  }
0x72: {  	[sflag:s3] =	ssyncset.done $0x0  }
0x73: {  	[sflag:s3] =	ssyncadd.s32 $0xFFFF6000  }
0x74: {  	[tilespmem:s2], [sflag:$0x2] =	stream.linear.gather [hbm4b:s15+s2], $0x280, $0x38;
	[tilespmem:$0xA280] =	vst v63  }
0x75: {  	_ =	swait.ge [sflag:s3], $0x280  }
0x76: {  	[sflag:s3] =	ssyncset.done $0x0  }
0x77: {  	[sflag:s3] =	ssyncadd.s32 $0xFFFFFD80  }
0x78: {  	[tilespmem:s6], [sflag:$0x1] =	stream.indirect.gather [hbm4b:s5+s6], $0x40, s2, s6, $0xb8;
	[tilespmem:$0xA280] =	vst v63  }
0x79: {  	_ =	swait.ge [sflag:s7], $0xA000  }
.Ltmp1:
0x7a: {  	[sflag:s7] =	ssyncset.done $0x0;
	(pc) =	sbr.rel @p0 .LBB2_1-.Ltmp1, $4  }
0x7b: {  	[sflag:s7] =	ssyncadd.s32 $0xFFFF6000  }
0x7c: {  	[hbm4b:s16+s2] =	stream.linear.scatter [tilespmem:s6], [sflag:$0x2], $0xA000, $0x38;
	[tilespmem:$0xA280] =	vst v63  }
0x7d: {  	_ =	swait.ge [sflag:s3], $0xA000  }
0x7e: {  	[sflag:s3] =	ssyncset.done $0x0  }
.LBB2_2:
0x7f: {  	[sflag:s3] =	ssyncadd.s32 $0xFFFF6000  }
0x80: {  	_ =	sfence.sel $0x180000  }
0x81: {  	[bflag:$0x0] =	sbarrier.arrive $0xFFFF  }
0x82: {  	p0 =	sne.s32 s0, $0x0;
	_ =	strace $0x90000050  }
0x83: {  	s0 =	sadd.s32 @!p0 $0x100000, s1;
	[bflag:$0x2] =	sbarrier.arrive $0xFFFF  }
0x84: {  	[sflag:s0] =	ssyncadd.tile.s32 @!p0 $0x1;
	_ =	shalt  }
.Lfunc_end2:
_tile_overlayer_lowered:
.L_overlay_start_2:
0x85: {  	(tag) =	ssettag $0x2  }
0x86: {  	s0 =	rddreg [dreg:$0x0];
	s2 =	stileid.u32  }
0x87: {  	s1 =	rddreg [dreg:$0x1];
	p0 =	sne.s32 s2, $0x0  }
0x88: {  	s3 =	rddreg [dreg:$0x2];
	[bflag:$0x3] =	sbarrier.arrive $0xFFFF;
	s2 =	simm.s32 @!p0 $0x1C02  }
0x89: {  	[timem:s3], [sflag:s2] =	dma.local @!p0 [hbm:s0], s1  }
0x8a: {  	s0 =	simm.s32 @!p0 $0x2  }
0x8b: {  	_ =	swait.ge @!p0 [sflag:s0], s1  }
0x8c: {  	s1 =	ssub.s32 @!p0 $0x0, s1;
	[sflag:s0] =	ssyncset.done @!p0 $0x0  }
0x8d: {  	[sflag:s0] =	ssyncadd.s32 @!p0 s1  }
0x8e: {  	[bflag:$0x3] =	sbarrier.arrive $0xFFFF  }
0x8f: {  	_ =	shalt  }

// kernel: kernel.32.cloned.1.call-start
scs
__scs_entry_jumppad:
0x0: {  	(pc) =	sbr.rel $0x88, $3  }
0x1: {  	(tag) =	ssettag $0x0;
	lr =	simm.s32 $0x1  }
0x2: {  	[smem:$0x3F94] =	sst lr;
	_ =	strace $0xD0000000  }
0x3: {  	_ = 	snop  }
0x4: {  	_ = 	snop  }
0x5: {  	_ = 	snop  }
0x6: {  	_ = 	snop  }
0x7: {  	_ = 	snop  }
__scs_overlays_trampoline_lowered:
0x8: {  	[smem:$0x3FA3] =	sst s0  }
0x9: {  	[smem:$0x3FA4] =	sst s1  }
0xa: {  	[smem:$0x3FA5] =	sst s2  }
0xb: {  	[smem:$0x3FA6] =	sst s3  }
0xc: {  	[smem:$0x3FA7] =	sst s4  }
0xd: {  	[smem:$0x3FA8] =	sst s5  }
0xe: {  	[smem:$0x3FA9] =	sst s6  }
0xf: {  	[smem:$0x3FAA] =	sst s7  }
0x10: {  	[smem:$0x3FAB] =	sst s8  }
0x11: {  	[smem:$0x3FAC] =	sst s9;
	s0 =	simm.s32 @!p0 $0x0  }
0x12: {  	s1 =	sld [smem:$0x3F92];
	s0 =	simm.s32 @p0 $0x1  }
0x13: {  	[smem:$0x3FAD] =	sst s0;
	s0 =	simm.s32 @!p1 $0x0  }
0x14: {  	s2 =	sld [smem:$0x3F91];
	s0 =	simm.s32 @p1 $0x1  }
0x15: {  	[smem:$0x3FAE] =	sst s0;
	s0 =	simm.s32 @!p2 $0x0  }
0x16: {  	s3 =	sld [smem:$0x3FDB];
	s0 =	simm.s32 @p2 $0x1  }
0x17: {  	s4 =	simm.s32 $0x1BF5;
	[smem:$0x3FB0] =	sst s0  }
0x18: {  	s0 =	sld [smem:$0x3F93];
	_ =	swait.ge [sflag:s4], $0x0  }
0x19: {  	s7 =	sld [smem:$0x3F94]  }
0x1a: {  	s8 =	sadd.s32 $0xFFFFE003, lr  }
0x1b: {  	s9 =	sadd.s32 $0xFFFFFEF7, lr;
	s5 =	simm.s32 $0xFFFFFFFF;
	p2 =	slt.u32 s8, $0xFFFFF086  }
0x1c: {  	p1 =	slt.u32 s9, $0xF7A;
	s5 =	simm.s32 @!p2 $0x0  }
0x1d: {  	s5 =	simm.s32 @p1 $0x1;
	p0 =	seq.s32 s7, s2  }
0x1e: {  	s7 =	smul.u32 @!p0 $0xF7A, s2;
	p2 =	seq.s32 @!p0 s5, $0x0  }
0x1f: {  	s9 =	smul.u32 $0xF7A, s1;
	s8 =	simm.s32 @!p0 $0x1BF5;
	p2 =	por !p2, p0  }
0x20: {  	[sflag:s8] =	ssyncset.s32 @!p0 $0xFFFFF086;
	s6 =	sadd.s32 @!p0 s3, s7;
	s7 =	simm.s32 @!p0 $0x108  }
0x21: {  	s3 =	sadd.s32 s3, s9;
	s6 =	sadd.s32 @!p0 $0x88, s6;
	s7 =	simm.s32 @p2 $0x1082  }
0x22: {  	[simem:s7], [sflag:s8] =	dma.local @!p0 [hbm:s6], $0xF7A  }
0x23: {  	s9 =	sor.u32 $0xD0000000, s2;
	s6 =	simm.s32 $0x108;
	_ =	swait.ge @!p0 [sflag:s8], $0x0  }
0x24: {  	s3 =	sadd.s32 $0x88, s3;
	s6 =	simm.s32 @!p1 $0x1082;
	[sflag:s4] =	ssyncset.s32 $0xFFFFF086  }
0x25: {  	[simem:s6], [sflag:s4] =	dma.local [hbm:s3], $0xF7A  }
0x26: {  	[smem:$0x3F94] =	sst s1;
	(tag) =	ssettag s2;
	_ =	strace s9  }
0x27: {  	s1 =	sld [smem:$0x3FA4]  }
0x28: {  	s2 =	sld [smem:$0x3FA5]  }
0x29: {  	s4 =	sld [smem:$0x3FA7]  }
0x2a: {  	p0 =	seq.s32 s5, $0x0;
	s5 =	sld [smem:$0x3FA8]  }
0x2b: {  	s6 =	sld [smem:$0x3FA9]  }
0x2c: {  	s7 =	sld [smem:$0x3FAA]  }
0x2d: {  	s3 =	simm.s32 $0x108;
	s8 =	sld [smem:$0x3FAB]  }
0x2e: {  	s3 =	simm.s32 @!p0 $0x1082;
	s9 =	sld [smem:$0x3FAC]  }
0x2f: {  	lr =	sadd.s32 s0, s3;
	s0 =	sld [smem:$0x3FA3]  }
0x30: {  	s3 =	sld [smem:$0x3FA6]  }
0x31: {  	[smem:$0x3FAF] =	sst s10  }
0x32: {  	s10 =	sld [smem:$0x3FAD];
	_ =	sdelay $0x3  }
0x33: {  	p0 =	seq.s32 s10, $0x1;
	s10 =	sld [smem:$0x3FAF];
	_ =	sdelay $0x3  }
0x34: {  	[smem:$0x3FAF] =	sst s10  }
0x35: {  	s10 =	sld [smem:$0x3FAE];
	_ =	sdelay $0x3  }
0x36: {  	p1 =	seq.s32 s10, $0x1;
	s10 =	sld [smem:$0x3FAF];
	_ =	sdelay $0x3  }
0x37: {  	[smem:$0x3FAF] =	sst s10  }
0x38: {  	s10 =	sld [smem:$0x3FB0]  }
0x39: {  	_ = 	snop;
	(pc) =	sbr.ind lr, $3  }
0x3a: {  	_ = 	snop  }
0x3b: {  	_ = 	snop  }
0x3c: {  	p2 =	seq.s32 s10, $0x1;
	s10 =	sld [smem:$0x3FAF]  }
0x3d: {  	_ =	shalt  }
0x3e: {  	_ =	shalt  }
0x3f: {  	_ =	shalt  }
0x40: {  	_ =	shalt  }
0x41: {  	_ =	shalt  }
0x42: {  	_ =	shalt  }
0x43: {  	_ =	shalt  }
0x44: {  	_ =	shalt  }
0x45: {  	_ =	shalt  }
0x46: {  	_ =	shalt  }
0x47: {  	_ =	shalt  }
0x48: {  	_ =	shalt  }
0x49: {  	_ =	shalt  }
0x4a: {  	_ =	shalt  }
0x4b: {  	_ =	shalt  }
0x4c: {  	_ =	shalt  }
0x4d: {  	_ =	shalt  }
0x4e: {  	_ =	shalt  }
0x4f: {  	_ =	shalt  }
0x50: {  	_ =	shalt  }
0x51: {  	_ =	shalt  }
0x52: {  	_ =	shalt  }
0x53: {  	_ =	shalt  }
0x54: {  	_ =	shalt  }
0x55: {  	_ =	shalt  }
0x56: {  	_ =	shalt  }
0x57: {  	_ =	shalt  }
0x58: {  	_ =	shalt  }
0x59: {  	_ =	shalt  }
0x5a: {  	_ =	shalt  }
0x5b: {  	_ =	shalt  }
0x5c: {  	_ =	shalt  }
0x5d: {  	_ =	shalt  }
0x5e: {  	_ =	shalt  }
0x5f: {  	_ =	shalt  }
0x60: {  	_ =	shalt  }
0x61: {  	_ =	shalt  }
0x62: {  	_ =	shalt  }
0x63: {  	_ =	shalt  }
0x64: {  	_ =	shalt  }
0x65: {  	_ =	shalt  }
0x66: {  	_ =	shalt  }
0x67: {  	_ =	shalt  }
0x68: {  	_ =	shalt  }
0x69: {  	_ =	shalt  }
0x6a: {  	_ =	shalt  }
0x6b: {  	_ =	shalt  }
0x6c: {  	_ =	shalt  }
0x6d: {  	_ =	shalt  }
0x6e: {  	_ =	shalt  }
0x6f: {  	_ =	shalt  }
0x70: {  	_ =	shalt  }
0x71: {  	_ =	shalt  }
0x72: {  	_ =	shalt  }
0x73: {  	_ =	shalt  }
0x74: {  	_ =	shalt  }
0x75: {  	_ =	shalt  }
0x76: {  	_ =	shalt  }
0x77: {  	_ =	shalt  }
0x78: {  	_ =	shalt  }
0x79: {  	_ =	shalt  }
0x7a: {  	_ =	shalt  }
0x7b: {  	_ =	shalt  }
0x7c: {  	_ =	shalt  }
0x7d: {  	_ =	shalt  }
0x7e: {  	_ =	shalt  }
0x7f: {  	_ =	shalt  }
0x80: {  	_ =	shalt  }
0x81: {  	_ =	shalt  }
0x82: {  	_ =	shalt  }
0x83: {  	_ =	shalt  }
0x84: {  	_ =	shalt  }
0x85: {  	_ =	shalt  }
0x86: {  	_ =	shalt  }
0x87: {  	_ =	shalt  }
.Lfunc_end0:
.L_simem_size_0:
called_computation.4_lowered:
.L_overlay_start_0:
0x88: {  	s2 =	sld [smem:$0x3FD9]  }
0x89: {  	s3 =	sld [smem:$0x3FFE];
	_ =	sdelay $0x1  }
0x8a: {  	s1 =	srdreg.scid  }
0x8b: {  	s0 =	sand.u32 $0x1, s1  }
0x8c: {  	s17 =	sshll.u32 s0, $0xA;
	s2 =	sadd.s32 s3, s2  }
0x8d: {  	s2 =	sadd.s32 s2, s17  }
0x8e: {  	[smem:$0x3FBB] =	sst s2  }
0x8f: {  	_ = 	snop  }
0x90: {  	(tm) =	ssettm $0x1  }
0x91: {  	s18 =	sld [smem:$0x3FFB];
	_ =	sdelay $0x3  }
0x92: {  	_ =	strace s18  }
0x93: {  	s2 =	sld [smem:$0x3FFC];
	_ =	sdelay $0x3  }
0x94: {  	_ =	strace s2  }
0x95: {  	s2 =	sld [smem:$0x3FFD];
	_ =	sdelay $0x3  }
0x96: {  	_ =	strace s2  }
0x97: {  	_ =	strace $0x8FFFFFFF  }
0x98: {  	s19 =	sld [smem:$0x3FDB];
	_ =	sdelay $0x1  }
0x99: {  	s20 =	simm.s32 $_scs_section_size  }
0x9a: {  	s4 =	simm.s32 $_size__tile_overlayer_lowered;
	s5 =	simm.s32 $_tile_overlayer_lowered  }
0x9b: {  	s6 =	simm.s32 $0x1BFF;
	s21 =	sshll.u32 s5, $0x1;
	s3 =	sadd.s32 s20, s19  }
0x9c: {  	s22 =	simm.s32 $0x0;
	s4 =	sshll.u32 s4, $0x1;
	s5 =	sadd.s32 s21, s3  }
0x9d: {  	[timem:s22], [sflag:s6] =	dma.local [hbm:s5], s4  }
0x9e: {  	_ =	swait.ge [sflag:s6], s4  }
0x9f: {  	s4 =	ssub.s32 $0x0, s4;
	[sflag:s6] =	ssyncset.done $0x0  }
0xa0: {  	[sflag:s6] =	ssyncadd.s32 s4;
	_ =	sdelay $0x1  }
0xa1: {  	s23 =	simm.s32 $0x1B8B  }
0xa2: {  	_ =	swait.ge [sflag:s23], $0x1  }
0xa3: {  	[sflag:s23] =	ssyncset.done $0x0  }
0xa4: {  	[sflag:s23] =	ssyncadd.s32 $0xFFFFFFFF  }
0xa5: {  	s4 =	sld [smem:$0x0]  }
0xa6: {  	s5 =	sand.u32 $0xFFFFFFFE, s1  }
0xa7: {  	p0 =	sne.s32 s1, s5  }
0xa8: {  	s5 =	sshll.u32 @p0 s5, $0xE  }
0xa9: {  	s5 =	sadd.s32 @p0 $0x11B8D, s5;
	s6 =	sshll.u32 @p0 s4, $0x11  }
0xaa: {  	s5 =	sor.u32 @p0 s6, s5  }
0xab: {  	[sflag:s5] =	ssyncadd.remote.s32 @p0 $0x1;
	_ =	sdelay $0x1  }
0xac: {  	s5 =	simm.s32 @p0 $0x1B8D  }
0xad: {  	_ =	swait.eq @p0 [sflag:s5], $0x1  }
0xae: {  	[sflag:s5] =	ssyncadd.s32 @p0 $0xFFFFFFFF  }
0xaf: {  	s6 =	sshll.u32 @!p0 s1, $0xE  }
0xb0: {  	s6 =	sor.u32 @!p0 $0x4000, s6;
	s5 =	simm.s32 @!p0 $0x1B8D  }
0xb1: {  	s4 =	sshll.u32 @!p0 s4, $0x11;
	s6 =	sadd.s32 @!p0 $0x11B8D, s6;
	_ =	swait.eq @!p0 [sflag:s5], $0x1  }
0xb2: {  	s4 =	sor.u32 @!p0 s4, s6;
	[sflag:s5] =	ssyncadd.s32 @!p0 $0xFFFFFFFF  }
0xb3: {  	s25 =	simm.s32 $0x1B8E;
	s24 =	sld [smem:$0x3FFE];
	[sflag:s4] =	ssyncadd.remote.s32 @!p0 $0x1  }
0xb4: {  	s26 =	simm.s32 $execute0_lowered;
	[smem:$0x3FD2] =	sst s25  }
0xb5: {  	s5 =	sshll.u32 s26, $0x1;
	_ =	strace $0x80000052;
	[dreg:$0x1] =	wrdreg $0xFFFFFFFF  }
0xb6: {  	s28 =	simm.s32 $_size_execute0_lowered;
	s3 =	sadd.s32 s3, s5;
	[dreg:$0x0] =	wrdreg $0x0  }
0xb7: {  	s5 =	sshll.u32 s28, $0x1;
	[dreg:$0x2] =	wrdreg s3  }
0xb8: {  	[dreg:$0x3] =	wrdreg s5  }
0xb9: {  	[dreg:$0x4] =	wrdreg $0xC0  }
0xba: {  	_ =	task [dreg:s22], $0x5FFFF  }
0xbb: {  	[dreg:$0x1] =	wrdreg $0xFFFFFFFF  }
0xbc: {  	[dreg:$0x0] =	wrdreg $0x60  }
0xbd: {  	[dreg:$0x2] =	wrdreg s24  }
0xbe: {  	[dreg:$0x3] =	wrdreg $0xD  }
0xbf: {  	_ =	task.clear_ibuf [dreg:s22], $0x4FFFF;
	_ =	strace $0x90000052  }
0xc0: {  	s29 =	simm.s32 $0xD;
	_ =	strace $0x80000054  }
0xc1: {  	_ =	swait.ge [sflag:s29], $0x1  }
0xc2: {  	[sflag:s29] =	ssyncadd.s32 $0xFFFFFFFF  }
0xc3: {  	_ =	strace $0x90000054  }
0xc4: {  	_ =	sfence  }
0xc5: {  	s30 =	sld [smem:$0x0];
	_ =	sdelay $0x2  }
0xc6: {  	s31 =	sshll.u32 s1, $0xD;
	s1 =	sshrl.u32 s1, $0x2  }
0xc7: {  	s4 =	sand.u32 $0x4000, s31;
	s1 =	sadd.s32 s1, s30  }
0xc8: {  	s0 =	sor.u32 s4, s0;
	s1 =	sshll.u32 s1, $0x11  }
0xc9: {  	s0 =	sor.u32 s1, s0  }
0xca: {  	s0 =	sadd.s32 $0x8F2B, s0  }
0xcb: {  	[sflag:s0] =	ssyncadd.remote.s32 $0x1  }
0xcc: {  	_ =	sfence.sel $0xFFFF  }
0xcd: {  	[dreg:$0x0] =	wrdreg $0xFFFFFFFF;
	(pc) =	sbr.abs _section_cstart, $3  }
0xce: {  	[dreg:$0x1] =	wrdreg $0xFFFFFFFF  }
0xcf: {  	_ =	task.clear_ibuf [dreg:s22], $0x2FFFF;
	_ =	strace $0x9FFFFFFF  }
0xd0: {  	(tm) =	ssettm $0x7FFFFFFF  }
0xd1: {  	_ =	shalt  }
tec
execute0_lowered:
.L_overlay_start_1:
0x0: {  	(tag) =	ssettag $0x1  }
0x1: {  	s1 =	srdreg.scid;
	s0 =	stileid.u32  }
0x2: {  	s16 =	sand.u32 $0x1, s1;
	s26 =	sshll.u32 s0, $0x1  }
0x3: {  	s8 =	sor.u32 s16, s26  }
0x4: {  	s9 =	rddreg [dreg:$0x0];
	s17 =	smul.u32 $0xC80, s8  }
0x5: {  	s2 =	simm.s32 $0x0;
	s1 =	rddreg [dreg:$0x1]  }
0x6: {  	[smem:$0x7FF] =	sst s2;
	s15 =	sadd.s32 $0x10400, s9;
	s3 =	sshrl.u32 s17, $0x3  }
0x7: {  	_ =	strace $0x80000053;
	s4 =	sadd.s32 s15, s3;
	s3 =	simm.s32 $0x2  }
0x8: {  	[tilespmem:s2], [sflag:$0x2] =	stream.linear.gather [hbm4b:s4+s2], $0x280, $0x38;
	[tilespmem:$0xA280] =	vst v63  }
0x9: {  	_ =	swait.ge [sflag:s3], $0x280  }
0xa: {  	s6 =	simm.s32 $0x280;
	[sflag:s3] =	ssyncset.done $0x0  }
0xb: {  	s7 =	simm.s32 $0x1;
	s5 =	sadd.s32 $0xF49200, s9;
	[sflag:s3] =	ssyncadd.s32 $0xFFFFFD80  }
0xc: {  	[tilespmem:s6], [sflag:$0x1] =	stream.indirect.gather [hbm4b:s5+s6], $0x40, s2, s6, $0xb8;
	[tilespmem:$0xA280] =	vst v63  }
0xd: {  	s8 =	smul.u32 $0x6400, s8;
	_ =	swait.ge [sflag:s7], $0xA000  }
0xe: {  	s18 =	sadd.s32 $0x33FE00, s9;
	[sflag:s7] =	ssyncset.done $0x0  }
0xf: {  	s8 =	sadd.s32 s18, s8;
	[sflag:s7] =	ssyncadd.s32 $0xFFFF6000  }
0x10: {  	[hbm4b:s8+s2] =	stream.linear.scatter [tilespmem:s6], [sflag:$0x2], $0xA000, $0x38;
	[tilespmem:$0xA280] =	vst v63  }
0x11: {  	s10 =	sadd.s32 $0x280, s17;
	_ =	swait.ge [sflag:s3], $0xA000  }
0x12: {  	s28 =	sshrl.u32 s10, $0x3;
	[sflag:s3] =	ssyncset.done $0x0  }
0x13: {  	s9 =	sadd.s32 s15, s28;
	[sflag:s3] =	ssyncadd.s32 $0xFFFF6000  }
0x14: {  	[tilespmem:s2], [sflag:$0x2] =	stream.linear.gather [hbm4b:s9+s2], $0x280, $0x38;
	[tilespmem:$0xA280] =	vst v63  }
0x15: {  	_ =	swait.ge [sflag:s3], $0x280  }
0x16: {  	[sflag:s3] =	ssyncset.done $0x0  }
0x17: {  	[sflag:s3] =	ssyncadd.s32 $0xFFFFFD80  }
0x18: {  	[tilespmem:s6], [sflag:$0x1] =	stream.indirect.gather [hbm4b:s5+s6], $0x40, s2, s6, $0xb8;
	[tilespmem:$0xA280] =	vst v63  }
0x19: {  	_ =	swait.ge [sflag:s7], $0xA000  }
0x1a: {  	s10 =	sshll.u32 s10, $0x3;
	[sflag:s7] =	ssyncset.done $0x0  }
0x1b: {  	s10 =	sadd.s32 s18, s10;
	[sflag:s7] =	ssyncadd.s32 $0xFFFF6000  }
0x1c: {  	[hbm4b:s10+s2] =	stream.linear.scatter [tilespmem:s6], [sflag:$0x2], $0xA000, $0x38;
	[tilespmem:$0xA280] =	vst v63  }
0x1d: {  	s12 =	sadd.s32 $0x500, s17;
	_ =	swait.ge [sflag:s3], $0xA000  }
0x1e: {  	s11 =	sshrl.u32 s12, $0x3;
	[sflag:s3] =	ssyncset.done $0x0  }
0x1f: {  	s11 =	sadd.s32 s15, s11;
	[sflag:s3] =	ssyncadd.s32 $0xFFFF6000  }
0x20: {  	[tilespmem:s2], [sflag:$0x2] =	stream.linear.gather [hbm4b:s11+s2], $0x280, $0x38;
	[tilespmem:$0xA280] =	vst v63  }
0x21: {  	_ =	swait.ge [sflag:s3], $0x280  }
0x22: {  	[sflag:s3] =	ssyncset.done $0x0  }
0x23: {  	[sflag:s3] =	ssyncadd.s32 $0xFFFFFD80  }
0x24: {  	[tilespmem:s6], [sflag:$0x1] =	stream.indirect.gather [hbm4b:s5+s6], $0x40, s2, s6, $0xb8;
	[tilespmem:$0xA280] =	vst v63  }
0x25: {  	_ =	swait.ge [sflag:s7], $0xA000  }
0x26: {  	s12 =	sshll.u32 s12, $0x3;
	[sflag:s7] =	ssyncset.done $0x0  }
0x27: {  	s12 =	sadd.s32 s18, s12;
	[sflag:s7] =	ssyncadd.s32 $0xFFFF6000  }
0x28: {  	[hbm4b:s12+s2] =	stream.linear.scatter [tilespmem:s6], [sflag:$0x2], $0xA000, $0x38;
	[tilespmem:$0xA280] =	vst v63  }
0x29: {  	s14 =	sadd.s32 $0x780, s17;
	_ =	swait.ge [sflag:s3], $0xA000  }
0x2a: {  	s13 =	sshrl.u32 s14, $0x3;
	[sflag:s3] =	ssyncset.done $0x0  }
0x2b: {  	s13 =	sadd.s32 s15, s13;
	[sflag:s3] =	ssyncadd.s32 $0xFFFF6000  }
0x2c: {  	[tilespmem:s2], [sflag:$0x2] =	stream.linear.gather [hbm4b:s13+s2], $0x280, $0x38;
	[tilespmem:$0xA280] =	vst v63  }
0x2d: {  	_ =	swait.ge [sflag:s3], $0x280  }
0x2e: {  	[sflag:s3] =	ssyncset.done $0x0  }
0x2f: {  	[sflag:s3] =	ssyncadd.s32 $0xFFFFFD80  }
0x30: {  	[tilespmem:s6], [sflag:$0x1] =	stream.indirect.gather [hbm4b:s5+s6], $0x40, s2, s6, $0xb8;
	[tilespmem:$0xA280] =	vst v63  }
0x31: {  	_ =	swait.ge [sflag:s7], $0xA000  }
0x32: {  	s14 =	sshll.u32 s14, $0x3;
	[sflag:s7] =	ssyncset.done $0x0  }
0x33: {  	s14 =	sadd.s32 s18, s14;
	[sflag:s7] =	ssyncadd.s32 $0xFFFF6000  }
0x34: {  	[hbm4b:s14+s2] =	stream.linear.scatter [tilespmem:s6], [sflag:$0x2], $0xA000, $0x38;
	[tilespmem:$0xA280] =	vst v63  }
0x35: {  	s17 =	sadd.s32 $0xA00, s17;
	_ =	swait.ge [sflag:s3], $0xA000  }
0x36: {  	s19 =	sshrl.u32 s17, $0x3;
	[sflag:s3] =	ssyncset.done $0x0  }
0x37: {  	s16 =	ssub.s32 $0x2, s16;
	s15 =	sadd.s32 s15, s19;
	[sflag:s3] =	ssyncadd.s32 $0xFFFF6000  }
0x38: {  	[tilespmem:s2], [sflag:$0x2] =	stream.linear.gather [hbm4b:s15+s2], $0x280, $0x38;
	[tilespmem:$0xA280] =	vst v63  }
0x39: {  	s29 =	sshrl.u32 s16, $0x1;
	_ =	swait.ge [sflag:s3], $0x280  }
0x3a: {  	s19 =	ssub.s32 s16, s29;
	[sflag:s3] =	ssyncset.done $0x0  }
0x3b: {  	s31 =	smax.u32 s19, $0x1;
	[sflag:s3] =	ssyncadd.s32 $0xFFFFFD80  }
0x3c: {  	[tilespmem:s6], [sflag:$0x1] =	stream.indirect.gather [hbm4b:s5+s6], $0x40, s2, s6, $0xb8;
	[tilespmem:$0xA280] =	vst v63  }
0x3d: {  	p0 =	sne.s32 s31, $0x1;
	_ =	swait.ge [sflag:s7], $0xA000  }
.Ltmp0:
0x3e: {  	s30 =	sshll.u32 s17, $0x3;
	[sflag:s7] =	ssyncset.done $0x0;
	(pc) =	sbr.rel @!p0 .LBB2_2-.Ltmp0, $4  }
0x3f: {  	s16 =	sadd.s32 s18, s30;
	[sflag:s7] =	ssyncadd.s32 $0xFFFF6000  }
0x40: {  	[hbm4b:s16+s2] =	stream.linear.scatter [tilespmem:s6], [sflag:$0x2], $0xA000, $0x38;
	[tilespmem:$0xA280] =	vst v63  }
0x41: {  	_ =	swait.ge [sflag:s3], $0xA000  }
0x42: {  	s17 =	sadd.s32 $0xFFFFFFFF, s31;
	[sflag:s3] =	ssyncset.done $0x0  }
.LBB2_1:
0x43: {  	p0 =	sne.s32 s17, $0x1;
	s17 =	sadd.s32 $0xFFFFFFFF, s17;
	[sflag:s3] =	ssyncadd.s32 $0xFFFF6000  }
0x44: {  	[tilespmem:s2], [sflag:$0x2] =	stream.linear.gather [hbm4b:s4+s2], $0x280, $0x38;
	[tilespmem:$0xA280] =	vst v63  }
0x45: {  	_ =	swait.ge [sflag:s3], $0x280  }
0x46: {  	[sflag:s3] =	ssyncset.done $0x0  }
0x47: {  	[sflag:s3] =	ssyncadd.s32 $0xFFFFFD80  }
0x48: {  	[tilespmem:s6], [sflag:$0x1] =	stream.indirect.gather [hbm4b:s5+s6], $0x40, s2, s6, $0xb8;
	[tilespmem:$0xA280] =	vst v63  }
0x49: {  	_ =	swait.ge [sflag:s7], $0xA000  }
0x4a: {  	[sflag:s7] =	ssyncset.done $0x0  }
0x4b: {  	[sflag:s7] =	ssyncadd.s32 $0xFFFF6000  }
0x4c: {  	[hbm4b:s8+s2] =	stream.linear.scatter [tilespmem:s6], [sflag:$0x2], $0xA000, $0x38;
	[tilespmem:$0xA280] =	vst v63  }
0x4d: {  	_ =	swait.ge [sflag:s3], $0xA000  }
0x4e: {  	[sflag:s3] =	ssyncset.done $0x0  }
0x4f: {  	[sflag:s3] =	ssyncadd.s32 $0xFFFF6000  }
0x50: {  	[tilespmem:s2], [sflag:$0x2] =	stream.linear.gather [hbm4b:s9+s2], $0x280, $0x38;
	[tilespmem:$0xA280] =	vst v63  }
0x51: {  	_ =	swait.ge [sflag:s3], $0x280  }
0x52: {  	[sflag:s3] =	ssyncset.done $0x0  }
0x53: {  	[sflag:s3] =	ssyncadd.s32 $0xFFFFFD80  }
0x54: {  	[tilespmem:s6], [sflag:$0x1] =	stream.indirect.gather [hbm4b:s5+s6], $0x40, s2, s6, $0xb8;
	[tilespmem:$0xA280] =	vst v63  }
0x55: {  	_ =	swait.ge [sflag:s7], $0xA000  }
0x56: {  	[sflag:s7] =	ssyncset.done $0x0  }
0x57: {  	[sflag:s7] =	ssyncadd.s32 $0xFFFF6000  }
0x58: {  	[hbm4b:s10+s2] =	stream.linear.scatter [tilespmem:s6], [sflag:$0x2], $0xA000, $0x38;
	[tilespmem:$0xA280] =	vst v63  }
0x59: {  	_ =	swait.ge [sflag:s3], $0xA000  }
0x5a: {  	[sflag:s3] =	ssyncset.done $0x0  }
0x5b: {  	[sflag:s3] =	ssyncadd.s32 $0xFFFF6000  }
0x5c: {  	[tilespmem:s2], [sflag:$0x2] =	stream.linear.gather [hbm4b:s11+s2], $0x280, $0x38;
	[tilespmem:$0xA280] =	vst v63  }
0x5d: {  	_ =	swait.ge [sflag:s3], $0x280  }
0x5e: {  	[sflag:s3] =	ssyncset.done $0x0  }
0x5f: {  	[sflag:s3] =	ssyncadd.s32 $0xFFFFFD80  }
0x60: {  	[tilespmem:s6], [sflag:$0x1] =	stream.indirect.gather [hbm4b:s5+s6], $0x40, s2, s6, $0xb8;
	[tilespmem:$0xA280] =	vst v63  }
0x61: {  	_ =	swait.ge [sflag:s7], $0xA000  }
0x62: {  	[sflag:s7] =	ssyncset.done $0x0  }
0x63: {  	[sflag:s7] =	ssyncadd.s32 $0xFFFF6000  }
0x64: {  	[hbm4b:s12+s2] =	stream.linear.scatter [tilespmem:s6], [sflag:$0x2], $0xA000, $0x38;
	[tilespmem:$0xA280] =	vst v63  }
0x65: {  	_ =	swait.ge [sflag:s3], $0xA000  }
0x66: {  	[sflag:s3] =	ssyncset.done $0x0  }
0x67: {  	[sflag:s3] =	ssyncadd.s32 $0xFFFF6000  }
0x68: {  	[tilespmem:s2], [sflag:$0x2] =	stream.linear.gather [hbm4b:s13+s2], $0x280, $0x38;
	[tilespmem:$0xA280] =	vst v63  }
0x69: {  	_ =	swait.ge [sflag:s3], $0x280  }
0x6a: {  	[sflag:s3] =	ssyncset.done $0x0  }
0x6b: {  	[sflag:s3] =	ssyncadd.s32 $0xFFFFFD80  }
0x6c: {  	[tilespmem:s6], [sflag:$0x1] =	stream.indirect.gather [hbm4b:s5+s6], $0x40, s2, s6, $0xb8;
	[tilespmem:$0xA280] =	vst v63  }
0x6d: {  	_ =	swait.ge [sflag:s7], $0xA000  }
0x6e: {  	[sflag:s7] =	ssyncset.done $0x0  }
0x6f: {  	[sflag:s7] =	ssyncadd.s32 $0xFFFF6000  }
0x70: {  	[hbm4b:s14+s2] =	stream.linear.scatter [tilespmem:s6], [sflag:$0x2], $0xA000, $0x38;
	[tilespmem:$0xA280] =	vst v63  }
0x71: {  	_ =	swait.ge [sflag:s3], $0xA000  }
0x72: {  	[sflag:s3] =	ssyncset.done $0x0  }
0x73: {  	[sflag:s3] =	ssyncadd.s32 $0xFFFF6000  }
0x74: {  	[tilespmem:s2], [sflag:$0x2] =	stream.linear.gather [hbm4b:s15+s2], $0x280, $0x38;
	[tilespmem:$0xA280] =	vst v63  }
0x75: {  	_ =	swait.ge [sflag:s3], $0x280  }
0x76: {  	[sflag:s3] =	ssyncset.done $0x0  }
0x77: {  	[sflag:s3] =	ssyncadd.s32 $0xFFFFFD80  }
0x78: {  	[tilespmem:s6], [sflag:$0x1] =	stream.indirect.gather [hbm4b:s5+s6], $0x40, s2, s6, $0xb8;
	[tilespmem:$0xA280] =	vst v63  }
0x79: {  	_ =	swait.ge [sflag:s7], $0xA000  }
.Ltmp1:
0x7a: {  	[sflag:s7] =	ssyncset.done $0x0;
	(pc) =	sbr.rel @p0 .LBB2_1-.Ltmp1, $4  }
0x7b: {  	[sflag:s7] =	ssyncadd.s32 $0xFFFF6000  }
0x7c: {  	[hbm4b:s16+s2] =	stream.linear.scatter [tilespmem:s6], [sflag:$0x2], $0xA000, $0x38;
	[tilespmem:$0xA280] =	vst v63  }
0x7d: {  	_ =	swait.ge [sflag:s3], $0xA000  }
0x7e: {  	[sflag:s3] =	ssyncset.done $0x0  }
.LBB2_2:
0x7f: {  	[sflag:s3] =	ssyncadd.s32 $0xFFFF6000  }
0x80: {  	_ =	sfence.sel $0x180000  }
0x81: {  	[bflag:$0x0] =	sbarrier.arrive $0xFFFF  }
0x82: {  	p0 =	sne.s32 s0, $0x0;
	_ =	strace $0x90000053  }
0x83: {  	s0 =	sadd.s32 @!p0 $0x100000, s1;
	[bflag:$0x2] =	sbarrier.arrive $0xFFFF  }
0x84: {  	[sflag:s0] =	ssyncadd.tile.s32 @!p0 $0x1;
	_ =	shalt  }
.Lfunc_end2:
_tile_overlayer_lowered:
.L_overlay_start_2:
0x85: {  	(tag) =	ssettag $0x2  }
0x86: {  	s0 =	rddreg [dreg:$0x0];
	s2 =	stileid.u32  }
0x87: {  	s1 =	rddreg [dreg:$0x1];
	p0 =	sne.s32 s2, $0x0  }
0x88: {  	s3 =	rddreg [dreg:$0x2];
	[bflag:$0x3] =	sbarrier.arrive $0xFFFF;
	s2 =	simm.s32 @!p0 $0x1C02  }
0x89: {  	[timem:s3], [sflag:s2] =	dma.local @!p0 [hbm:s0], s1  }
0x8a: {  	s0 =	simm.s32 @!p0 $0x2  }
0x8b: {  	_ =	swait.ge @!p0 [sflag:s0], s1  }
0x8c: {  	s1 =	ssub.s32 @!p0 $0x0, s1;
	[sflag:s0] =	ssyncset.done @!p0 $0x0  }
0x8d: {  	[sflag:s0] =	ssyncadd.s32 @!p0 s1  }
0x8e: {  	[bflag:$0x3] =	sbarrier.arrive $0xFFFF  }
0x8f: {  	_ =	shalt  }

// kernel: kernel.35.cloned.1.call-start
scs
__scs_entry_jumppad:
0x0: {  	(pc) =	sbr.rel $0x88, $3  }
0x1: {  	(tag) =	ssettag $0x0;
	lr =	simm.s32 $0x1  }
0x2: {  	[smem:$0x3F94] =	sst lr;
	_ =	strace $0xD0000000  }
0x3: {  	_ = 	snop  }
0x4: {  	_ = 	snop  }
0x5: {  	_ = 	snop  }
0x6: {  	_ = 	snop  }
0x7: {  	_ = 	snop  }
__scs_overlays_trampoline_lowered:
0x8: {  	[smem:$0x3FA3] =	sst s0  }
0x9: {  	[smem:$0x3FA4] =	sst s1  }
0xa: {  	[smem:$0x3FA5] =	sst s2  }
0xb: {  	[smem:$0x3FA6] =	sst s3  }
0xc: {  	[smem:$0x3FA7] =	sst s4  }
0xd: {  	[smem:$0x3FA8] =	sst s5  }
0xe: {  	[smem:$0x3FA9] =	sst s6  }
0xf: {  	[smem:$0x3FAA] =	sst s7  }
0x10: {  	[smem:$0x3FAB] =	sst s8  }
0x11: {  	[smem:$0x3FAC] =	sst s9;
	s0 =	simm.s32 @!p0 $0x0  }
0x12: {  	s1 =	sld [smem:$0x3F92];
	s0 =	simm.s32 @p0 $0x1  }
0x13: {  	[smem:$0x3FAD] =	sst s0;
	s0 =	simm.s32 @!p1 $0x0  }
0x14: {  	s2 =	sld [smem:$0x3F91];
	s0 =	simm.s32 @p1 $0x1  }
0x15: {  	[smem:$0x3FAE] =	sst s0;
	s0 =	simm.s32 @!p2 $0x0  }
0x16: {  	s3 =	sld [smem:$0x3FDB];
	s0 =	simm.s32 @p2 $0x1  }
0x17: {  	s4 =	simm.s32 $0x1BF5;
	[smem:$0x3FB0] =	sst s0  }
0x18: {  	s0 =	sld [smem:$0x3F93];
	_ =	swait.ge [sflag:s4], $0x0  }
0x19: {  	s7 =	sld [smem:$0x3F94]  }
0x1a: {  	s8 =	sadd.s32 $0xFFFFE003, lr  }
0x1b: {  	s9 =	sadd.s32 $0xFFFFFEF7, lr;
	s5 =	simm.s32 $0xFFFFFFFF;
	p2 =	slt.u32 s8, $0xFFFFF086  }
0x1c: {  	p1 =	slt.u32 s9, $0xF7A;
	s5 =	simm.s32 @!p2 $0x0  }
0x1d: {  	s5 =	simm.s32 @p1 $0x1;
	p0 =	seq.s32 s7, s2  }
0x1e: {  	s7 =	smul.u32 @!p0 $0xF7A, s2;
	p2 =	seq.s32 @!p0 s5, $0x0  }
0x1f: {  	s9 =	smul.u32 $0xF7A, s1;
	s8 =	simm.s32 @!p0 $0x1BF5;
	p2 =	por !p2, p0  }
0x20: {  	[sflag:s8] =	ssyncset.s32 @!p0 $0xFFFFF086;
	s6 =	sadd.s32 @!p0 s3, s7;
	s7 =	simm.s32 @!p0 $0x108  }
0x21: {  	s3 =	sadd.s32 s3, s9;
	s6 =	sadd.s32 @!p0 $0x88, s6;
	s7 =	simm.s32 @p2 $0x1082  }
0x22: {  	[simem:s7], [sflag:s8] =	dma.local @!p0 [hbm:s6], $0xF7A  }
0x23: {  	s9 =	sor.u32 $0xD0000000, s2;
	s6 =	simm.s32 $0x108;
	_ =	swait.ge @!p0 [sflag:s8], $0x0  }
0x24: {  	s3 =	sadd.s32 $0x88, s3;
	s6 =	simm.s32 @!p1 $0x1082;
	[sflag:s4] =	ssyncset.s32 $0xFFFFF086  }
0x25: {  	[simem:s6], [sflag:s4] =	dma.local [hbm:s3], $0xF7A  }
0x26: {  	[smem:$0x3F94] =	sst s1;
	(tag) =	ssettag s2;
	_ =	strace s9  }
0x27: {  	s1 =	sld [smem:$0x3FA4]  }
0x28: {  	s2 =	sld [smem:$0x3FA5]  }
0x29: {  	s4 =	sld [smem:$0x3FA7]  }
0x2a: {  	p0 =	seq.s32 s5, $0x0;
	s5 =	sld [smem:$0x3FA8]  }
0x2b: {  	s6 =	sld [smem:$0x3FA9]  }
0x2c: {  	s7 =	sld [smem:$0x3FAA]  }
0x2d: {  	s3 =	simm.s32 $0x108;
	s8 =	sld [smem:$0x3FAB]  }
0x2e: {  	s3 =	simm.s32 @!p0 $0x1082;
	s9 =	sld [smem:$0x3FAC]  }
0x2f: {  	lr =	sadd.s32 s0, s3;
	s0 =	sld [smem:$0x3FA3]  }
0x30: {  	s3 =	sld [smem:$0x3FA6]  }
0x31: {  	[smem:$0x3FAF] =	sst s10  }
0x32: {  	s10 =	sld [smem:$0x3FAD];
	_ =	sdelay $0x3  }
0x33: {  	p0 =	seq.s32 s10, $0x1;
	s10 =	sld [smem:$0x3FAF];
	_ =	sdelay $0x3  }
0x34: {  	[smem:$0x3FAF] =	sst s10  }
0x35: {  	s10 =	sld [smem:$0x3FAE];
	_ =	sdelay $0x3  }
0x36: {  	p1 =	seq.s32 s10, $0x1;
	s10 =	sld [smem:$0x3FAF];
	_ =	sdelay $0x3  }
0x37: {  	[smem:$0x3FAF] =	sst s10  }
0x38: {  	s10 =	sld [smem:$0x3FB0]  }
0x39: {  	_ = 	snop;
	(pc) =	sbr.ind lr, $3  }
0x3a: {  	_ = 	snop  }
0x3b: {  	_ = 	snop  }
0x3c: {  	p2 =	seq.s32 s10, $0x1;
	s10 =	sld [smem:$0x3FAF]  }
0x3d: {  	_ =	shalt  }
0x3e: {  	_ =	shalt  }
0x3f: {  	_ =	shalt  }
0x40: {  	_ =	shalt  }
0x41: {  	_ =	shalt  }
0x42: {  	_ =	shalt  }
0x43: {  	_ =	shalt  }
0x44: {  	_ =	shalt  }
0x45: {  	_ =	shalt  }
0x46: {  	_ =	shalt  }
0x47: {  	_ =	shalt  }
0x48: {  	_ =	shalt  }
0x49: {  	_ =	shalt  }
0x4a: {  	_ =	shalt  }
0x4b: {  	_ =	shalt  }
0x4c: {  	_ =	shalt  }
0x4d: {  	_ =	shalt  }
0x4e: {  	_ =	shalt  }
0x4f: {  	_ =	shalt  }
0x50: {  	_ =	shalt  }
0x51: {  	_ =	shalt  }
0x52: {  	_ =	shalt  }
0x53: {  	_ =	shalt  }
0x54: {  	_ =	shalt  }
0x55: {  	_ =	shalt  }
0x56: {  	_ =	shalt  }
0x57: {  	_ =	shalt  }
0x58: {  	_ =	shalt  }
0x59: {  	_ =	shalt  }
0x5a: {  	_ =	shalt  }
0x5b: {  	_ =	shalt  }
0x5c: {  	_ =	shalt  }
0x5d: {  	_ =	shalt  }
0x5e: {  	_ =	shalt  }
0x5f: {  	_ =	shalt  }
0x60: {  	_ =	shalt  }
0x61: {  	_ =	shalt  }
0x62: {  	_ =	shalt  }
0x63: {  	_ =	shalt  }
0x64: {  	_ =	shalt  }
0x65: {  	_ =	shalt  }
0x66: {  	_ =	shalt  }
0x67: {  	_ =	shalt  }
0x68: {  	_ =	shalt  }
0x69: {  	_ =	shalt  }
0x6a: {  	_ =	shalt  }
0x6b: {  	_ =	shalt  }
0x6c: {  	_ =	shalt  }
0x6d: {  	_ =	shalt  }
0x6e: {  	_ =	shalt  }
0x6f: {  	_ =	shalt  }
0x70: {  	_ =	shalt  }
0x71: {  	_ =	shalt  }
0x72: {  	_ =	shalt  }
0x73: {  	_ =	shalt  }
0x74: {  	_ =	shalt  }
0x75: {  	_ =	shalt  }
0x76: {  	_ =	shalt  }
0x77: {  	_ =	shalt  }
0x78: {  	_ =	shalt  }
0x79: {  	_ =	shalt  }
0x7a: {  	_ =	shalt  }
0x7b: {  	_ =	shalt  }
0x7c: {  	_ =	shalt  }
0x7d: {  	_ =	shalt  }
0x7e: {  	_ =	shalt  }
0x7f: {  	_ =	shalt  }
0x80: {  	_ =	shalt  }
0x81: {  	_ =	shalt  }
0x82: {  	_ =	shalt  }
0x83: {  	_ =	shalt  }
0x84: {  	_ =	shalt  }
0x85: {  	_ =	shalt  }
0x86: {  	_ =	shalt  }
0x87: {  	_ =	shalt  }
.Lfunc_end0:
.L_simem_size_0:
called_computation.5_lowered:
.L_overlay_start_0:
0x88: {  	s2 =	sld [smem:$0x3FD9]  }
0x89: {  	s3 =	sld [smem:$0x3FFE];
	_ =	sdelay $0x1  }
0x8a: {  	s1 =	srdreg.scid  }
0x8b: {  	s0 =	sand.u32 $0x1, s1  }
0x8c: {  	s17 =	sshll.u32 s0, $0xA;
	s2 =	sadd.s32 s3, s2  }
0x8d: {  	s2 =	sadd.s32 s2, s17  }
0x8e: {  	[smem:$0x3FBB] =	sst s2  }
0x8f: {  	_ = 	snop  }
0x90: {  	(tm) =	ssettm $0x1  }
0x91: {  	s18 =	sld [smem:$0x3FFB];
	_ =	sdelay $0x3  }
0x92: {  	_ =	strace s18  }
0x93: {  	s2 =	sld [smem:$0x3FFC];
	_ =	sdelay $0x3  }
0x94: {  	_ =	strace s2  }
0x95: {  	s2 =	sld [smem:$0x3FFD];
	_ =	sdelay $0x3  }
0x96: {  	_ =	strace s2  }
0x97: {  	_ =	strace $0x8FFFFFFF  }
0x98: {  	s19 =	sld [smem:$0x3FDB];
	_ =	sdelay $0x1  }
0x99: {  	s20 =	simm.s32 $_scs_section_size  }
0x9a: {  	s4 =	simm.s32 $_size__tile_overlayer_lowered;
	s5 =	simm.s32 $_tile_overlayer_lowered  }
0x9b: {  	s6 =	simm.s32 $0x1BFF;
	s21 =	sshll.u32 s5, $0x1;
	s3 =	sadd.s32 s20, s19  }
0x9c: {  	s22 =	simm.s32 $0x0;
	s4 =	sshll.u32 s4, $0x1;
	s5 =	sadd.s32 s21, s3  }
0x9d: {  	[timem:s22], [sflag:s6] =	dma.local [hbm:s5], s4  }
0x9e: {  	_ =	swait.ge [sflag:s6], s4  }
0x9f: {  	s4 =	ssub.s32 $0x0, s4;
	[sflag:s6] =	ssyncset.done $0x0  }
0xa0: {  	[sflag:s6] =	ssyncadd.s32 s4;
	_ =	sdelay $0x1  }
0xa1: {  	s23 =	simm.s32 $0x1B8B  }
0xa2: {  	_ =	swait.ge [sflag:s23], $0x1  }
0xa3: {  	[sflag:s23] =	ssyncset.done $0x0  }
0xa4: {  	[sflag:s23] =	ssyncadd.s32 $0xFFFFFFFF  }
0xa5: {  	s4 =	sld [smem:$0x0]  }
0xa6: {  	s5 =	sand.u32 $0xFFFFFFFE, s1  }
0xa7: {  	p0 =	sne.s32 s1, s5  }
0xa8: {  	s5 =	sshll.u32 @p0 s5, $0xE  }
0xa9: {  	s5 =	sadd.s32 @p0 $0x11B8D, s5;
	s6 =	sshll.u32 @p0 s4, $0x11  }
0xaa: {  	s5 =	sor.u32 @p0 s6, s5  }
0xab: {  	[sflag:s5] =	ssyncadd.remote.s32 @p0 $0x1;
	_ =	sdelay $0x1  }
0xac: {  	s5 =	simm.s32 @p0 $0x1B8D  }
0xad: {  	_ =	swait.eq @p0 [sflag:s5], $0x1  }
0xae: {  	[sflag:s5] =	ssyncadd.s32 @p0 $0xFFFFFFFF  }
0xaf: {  	s6 =	sshll.u32 @!p0 s1, $0xE  }
0xb0: {  	s6 =	sor.u32 @!p0 $0x4000, s6;
	s5 =	simm.s32 @!p0 $0x1B8D  }
0xb1: {  	s4 =	sshll.u32 @!p0 s4, $0x11;
	s6 =	sadd.s32 @!p0 $0x11B8D, s6;
	_ =	swait.eq @!p0 [sflag:s5], $0x1  }
0xb2: {  	s4 =	sor.u32 @!p0 s4, s6;
	[sflag:s5] =	ssyncadd.s32 @!p0 $0xFFFFFFFF  }
0xb3: {  	s25 =	simm.s32 $0x1B8E;
	s24 =	sld [smem:$0x3FFE];
	[sflag:s4] =	ssyncadd.remote.s32 @!p0 $0x1  }
0xb4: {  	s26 =	simm.s32 $execute0_lowered;
	[smem:$0x3FD2] =	sst s25  }
0xb5: {  	s5 =	sshll.u32 s26, $0x1;
	_ =	strace $0x80000055;
	[dreg:$0x1] =	wrdreg $0xFFFFFFFF  }
0xb6: {  	s28 =	simm.s32 $_size_execute0_lowered;
	s3 =	sadd.s32 s3, s5;
	[dreg:$0x0] =	wrdreg $0x0  }
0xb7: {  	s5 =	sshll.u32 s28, $0x1;
	[dreg:$0x2] =	wrdreg s3  }
0xb8: {  	[dreg:$0x3] =	wrdreg s5  }
0xb9: {  	[dreg:$0x4] =	wrdreg $0xC0  }
0xba: {  	_ =	task [dreg:s22], $0x5FFFF  }
0xbb: {  	[dreg:$0x1] =	wrdreg $0xFFFFFFFF  }
0xbc: {  	[dreg:$0x0] =	wrdreg $0x60  }
0xbd: {  	[dreg:$0x2] =	wrdreg s24  }
0xbe: {  	[dreg:$0x3] =	wrdreg $0xE  }
0xbf: {  	_ =	task.clear_ibuf [dreg:s22], $0x4FFFF;
	_ =	strace $0x90000055  }
0xc0: {  	s29 =	simm.s32 $0xE;
	_ =	strace $0x80000057  }
0xc1: {  	_ =	swait.ge [sflag:s29], $0x1  }
0xc2: {  	[sflag:s29] =	ssyncadd.s32 $0xFFFFFFFF  }
0xc3: {  	_ =	strace $0x90000057  }
0xc4: {  	_ =	sfence  }
0xc5: {  	s30 =	sld [smem:$0x0];
	_ =	sdelay $0x2  }
0xc6: {  	s31 =	sshll.u32 s1, $0xD;
	s1 =	sshrl.u32 s1, $0x2  }
0xc7: {  	s4 =	sand.u32 $0x4000, s31;
	s1 =	sadd.s32 s1, s30  }
0xc8: {  	s0 =	sor.u32 s4, s0;
	s1 =	sshll.u32 s1, $0x11  }
0xc9: {  	s0 =	sor.u32 s1, s0  }
0xca: {  	s0 =	sadd.s32 $0x8F2B, s0  }
0xcb: {  	[sflag:s0] =	ssyncadd.remote.s32 $0x1  }
0xcc: {  	_ =	sfence.sel $0xFFFF  }
0xcd: {  	[dreg:$0x0] =	wrdreg $0xFFFFFFFF;
	(pc) =	sbr.abs _section_cstart, $3  }
0xce: {  	[dreg:$0x1] =	wrdreg $0xFFFFFFFF  }
0xcf: {  	_ =	task.clear_ibuf [dreg:s22], $0x2FFFF;
	_ =	strace $0x9FFFFFFF  }
0xd0: {  	(tm) =	ssettm $0x7FFFFFFF  }
0xd1: {  	_ =	shalt  }
tec
execute0_lowered:
.L_overlay_start_1:
0x0: {  	(tag) =	ssettag $0x1  }
0x1: {  	s1 =	srdreg.scid;
	s0 =	stileid.u32  }
0x2: {  	s16 =	sand.u32 $0x1, s1;
	s26 =	sshll.u32 s0, $0x1  }
0x3: {  	s8 =	sor.u32 s16, s26  }
0x4: {  	s9 =	rddreg [dreg:$0x0];
	s17 =	smul.u32 $0xC80, s8  }
0x5: {  	s2 =	simm.s32 $0x0;
	s1 =	rddreg [dreg:$0x1]  }
0x6: {  	[smem:$0x7FF] =	sst s2;
	s15 =	sadd.s32 $0x13600, s9;
	s3 =	sshrl.u32 s17, $0x3  }
0x7: {  	_ =	strace $0x80000056;
	s4 =	sadd.s32 s15, s3;
	s3 =	simm.s32 $0x2  }
0x8: {  	[tilespmem:s2], [sflag:$0x2] =	stream.linear.gather [hbm4b:s4+s2], $0x280, $0x38;
	[tilespmem:$0xA280] =	vst v63  }
0x9: {  	_ =	swait.ge [sflag:s3], $0x280  }
0xa: {  	s6 =	simm.s32 $0x280;
	[sflag:s3] =	ssyncset.done $0x0  }
0xb: {  	s7 =	simm.s32 $0x1;
	s5 =	sadd.s32 $0xF49200, s9;
	[sflag:s3] =	ssyncadd.s32 $0xFFFFFD80  }
0xc: {  	[tilespmem:s6], [sflag:$0x1] =	stream.indirect.gather [hbm4b:s5+s6], $0x40, s2, s6, $0xb8;
	[tilespmem:$0xA280] =	vst v63  }
0xd: {  	s8 =	smul.u32 $0x6400, s8;
	_ =	swait.ge [sflag:s7], $0xA000  }
0xe: {  	s18 =	sadd.s32 $0x407E00, s9;
	[sflag:s7] =	ssyncset.done $0x0  }
0xf: {  	s8 =	sadd.s32 s18, s8;
	[sflag:s7] =	ssyncadd.s32 $0xFFFF6000  }
0x10: {  	[hbm4b:s8+s2] =	stream.linear.scatter [tilespmem:s6], [sflag:$0x2], $0xA000, $0x38;
	[tilespmem:$0xA280] =	vst v63  }
0x11: {  	s10 =	sadd.s32 $0x280, s17;
	_ =	swait.ge [sflag:s3], $0xA000  }
0x12: {  	s28 =	sshrl.u32 s10, $0x3;
	[sflag:s3] =	ssyncset.done $0x0  }
0x13: {  	s9 =	sadd.s32 s15, s28;
	[sflag:s3] =	ssyncadd.s32 $0xFFFF6000  }
0x14: {  	[tilespmem:s2], [sflag:$0x2] =	stream.linear.gather [hbm4b:s9+s2], $0x280, $0x38;
	[tilespmem:$0xA280] =	vst v63  }
0x15: {  	_ =	swait.ge [sflag:s3], $0x280  }
0x16: {  	[sflag:s3] =	ssyncset.done $0x0  }
0x17: {  	[sflag:s3] =	ssyncadd.s32 $0xFFFFFD80  }
0x18: {  	[tilespmem:s6], [sflag:$0x1] =	stream.indirect.gather [hbm4b:s5+s6], $0x40, s2, s6, $0xb8;
	[tilespmem:$0xA280] =	vst v63  }
0x19: {  	_ =	swait.ge [sflag:s7], $0xA000  }
0x1a: {  	s10 =	sshll.u32 s10, $0x3;
	[sflag:s7] =	ssyncset.done $0x0  }
0x1b: {  	s10 =	sadd.s32 s18, s10;
	[sflag:s7] =	ssyncadd.s32 $0xFFFF6000  }
0x1c: {  	[hbm4b:s10+s2] =	stream.linear.scatter [tilespmem:s6], [sflag:$0x2], $0xA000, $0x38;
	[tilespmem:$0xA280] =	vst v63  }
0x1d: {  	s12 =	sadd.s32 $0x500, s17;
	_ =	swait.ge [sflag:s3], $0xA000  }
0x1e: {  	s11 =	sshrl.u32 s12, $0x3;
	[sflag:s3] =	ssyncset.done $0x0  }
0x1f: {  	s11 =	sadd.s32 s15, s11;
	[sflag:s3] =	ssyncadd.s32 $0xFFFF6000  }
0x20: {  	[tilespmem:s2], [sflag:$0x2] =	stream.linear.gather [hbm4b:s11+s2], $0x280, $0x38;
	[tilespmem:$0xA280] =	vst v63  }
0x21: {  	_ =	swait.ge [sflag:s3], $0x280  }
0x22: {  	[sflag:s3] =	ssyncset.done $0x0  }
0x23: {  	[sflag:s3] =	ssyncadd.s32 $0xFFFFFD80  }
0x24: {  	[tilespmem:s6], [sflag:$0x1] =	stream.indirect.gather [hbm4b:s5+s6], $0x40, s2, s6, $0xb8;
	[tilespmem:$0xA280] =	vst v63  }
0x25: {  	_ =	swait.ge [sflag:s7], $0xA000  }
0x26: {  	s12 =	sshll.u32 s12, $0x3;
	[sflag:s7] =	ssyncset.done $0x0  }
0x27: {  	s12 =	sadd.s32 s18, s12;
	[sflag:s7] =	ssyncadd.s32 $0xFFFF6000  }
0x28: {  	[hbm4b:s12+s2] =	stream.linear.scatter [tilespmem:s6], [sflag:$0x2], $0xA000, $0x38;
	[tilespmem:$0xA280] =	vst v63  }
0x29: {  	s14 =	sadd.s32 $0x780, s17;
	_ =	swait.ge [sflag:s3], $0xA000  }
0x2a: {  	s13 =	sshrl.u32 s14, $0x3;
	[sflag:s3] =	ssyncset.done $0x0  }
0x2b: {  	s13 =	sadd.s32 s15, s13;
	[sflag:s3] =	ssyncadd.s32 $0xFFFF6000  }
0x2c: {  	[tilespmem:s2], [sflag:$0x2] =	stream.linear.gather [hbm4b:s13+s2], $0x280, $0x38;
	[tilespmem:$0xA280] =	vst v63  }
0x2d: {  	_ =	swait.ge [sflag:s3], $0x280  }
0x2e: {  	[sflag:s3] =	ssyncset.done $0x0  }
0x2f: {  	[sflag:s3] =	ssyncadd.s32 $0xFFFFFD80  }
0x30: {  	[tilespmem:s6], [sflag:$0x1] =	stream.indirect.gather [hbm4b:s5+s6], $0x40, s2, s6, $0xb8;
	[tilespmem:$0xA280] =	vst v63  }
0x31: {  	_ =	swait.ge [sflag:s7], $0xA000  }
0x32: {  	s14 =	sshll.u32 s14, $0x3;
	[sflag:s7] =	ssyncset.done $0x0  }
0x33: {  	s14 =	sadd.s32 s18, s14;
	[sflag:s7] =	ssyncadd.s32 $0xFFFF6000  }
0x34: {  	[hbm4b:s14+s2] =	stream.linear.scatter [tilespmem:s6], [sflag:$0x2], $0xA000, $0x38;
	[tilespmem:$0xA280] =	vst v63  }
0x35: {  	s17 =	sadd.s32 $0xA00, s17;
	_ =	swait.ge [sflag:s3], $0xA000  }
0x36: {  	s19 =	sshrl.u32 s17, $0x3;
	[sflag:s3] =	ssyncset.done $0x0  }
0x37: {  	s16 =	ssub.s32 $0x2, s16;
	s15 =	sadd.s32 s15, s19;
	[sflag:s3] =	ssyncadd.s32 $0xFFFF6000  }
0x38: {  	[tilespmem:s2], [sflag:$0x2] =	stream.linear.gather [hbm4b:s15+s2], $0x280, $0x38;
	[tilespmem:$0xA280] =	vst v63  }
0x39: {  	s29 =	sshrl.u32 s16, $0x1;
	_ =	swait.ge [sflag:s3], $0x280  }
0x3a: {  	s19 =	ssub.s32 s16, s29;
	[sflag:s3] =	ssyncset.done $0x0  }
0x3b: {  	s31 =	smax.u32 s19, $0x1;
	[sflag:s3] =	ssyncadd.s32 $0xFFFFFD80  }
0x3c: {  	[tilespmem:s6], [sflag:$0x1] =	stream.indirect.gather [hbm4b:s5+s6], $0x40, s2, s6, $0xb8;
	[tilespmem:$0xA280] =	vst v63  }
0x3d: {  	p0 =	sne.s32 s31, $0x1;
	_ =	swait.ge [sflag:s7], $0xA000  }
.Ltmp0:
0x3e: {  	s30 =	sshll.u32 s17, $0x3;
	[sflag:s7] =	ssyncset.done $0x0;
	(pc) =	sbr.rel @!p0 .LBB2_2-.Ltmp0, $4  }
0x3f: {  	s16 =	sadd.s32 s18, s30;
	[sflag:s7] =	ssyncadd.s32 $0xFFFF6000  }
0x40: {  	[hbm4b:s16+s2] =	stream.linear.scatter [tilespmem:s6], [sflag:$0x2], $0xA000, $0x38;
	[tilespmem:$0xA280] =	vst v63  }
0x41: {  	_ =	swait.ge [sflag:s3], $0xA000  }
0x42: {  	s17 =	sadd.s32 $0xFFFFFFFF, s31;
	[sflag:s3] =	ssyncset.done $0x0  }
.LBB2_1:
0x43: {  	p0 =	sne.s32 s17, $0x1;
	s17 =	sadd.s32 $0xFFFFFFFF, s17;
	[sflag:s3] =	ssyncadd.s32 $0xFFFF6000  }
0x44: {  	[tilespmem:s2], [sflag:$0x2] =	stream.linear.gather [hbm4b:s4+s2], $0x280, $0x38;
	[tilespmem:$0xA280] =	vst v63  }
0x45: {  	_ =	swait.ge [sflag:s3], $0x280  }
0x46: {  	[sflag:s3] =	ssyncset.done $0x0  }
0x47: {  	[sflag:s3] =	ssyncadd.s32 $0xFFFFFD80  }
0x48: {  	[tilespmem:s6], [sflag:$0x1] =	stream.indirect.gather [hbm4b:s5+s6], $0x40, s2, s6, $0xb8;
	[tilespmem:$0xA280] =	vst v63  }
0x49: {  	_ =	swait.ge [sflag:s7], $0xA000  }
0x4a: {  	[sflag:s7] =	ssyncset.done $0x0  }
0x4b: {  	[sflag:s7] =	ssyncadd.s32 $0xFFFF6000  }
0x4c: {  	[hbm4b:s8+s2] =	stream.linear.scatter [tilespmem:s6], [sflag:$0x2], $0xA000, $0x38;
	[tilespmem:$0xA280] =	vst v63  }
0x4d: {  	_ =	swait.ge [sflag:s3], $0xA000  }
0x4e: {  	[sflag:s3] =	ssyncset.done $0x0  }
0x4f: {  	[sflag:s3] =	ssyncadd.s32 $0xFFFF6000  }
0x50: {  	[tilespmem:s2], [sflag:$0x2] =	stream.linear.gather [hbm4b:s9+s2], $0x280, $0x38;
	[tilespmem:$0xA280] =	vst v63  }
0x51: {  	_ =	swait.ge [sflag:s3], $0x280  }
0x52: {  	[sflag:s3] =	ssyncset.done $0x0  }
0x53: {  	[sflag:s3] =	ssyncadd.s32 $0xFFFFFD80  }
0x54: {  	[tilespmem:s6], [sflag:$0x1] =	stream.indirect.gather [hbm4b:s5+s6], $0x40, s2, s6, $0xb8;
	[tilespmem:$0xA280] =	vst v63  }
0x55: {  	_ =	swait.ge [sflag:s7], $0xA000  }
0x56: {  	[sflag:s7] =	ssyncset.done $0x0  }
0x57: {  	[sflag:s7] =	ssyncadd.s32 $0xFFFF6000  }
0x58: {  	[hbm4b:s10+s2] =	stream.linear.scatter [tilespmem:s6], [sflag:$0x2], $0xA000, $0x38;
	[tilespmem:$0xA280] =	vst v63  }
0x59: {  	_ =	swait.ge [sflag:s3], $0xA000  }
0x5a: {  	[sflag:s3] =	ssyncset.done $0x0  }
0x5b: {  	[sflag:s3] =	ssyncadd.s32 $0xFFFF6000  }
0x5c: {  	[tilespmem:s2], [sflag:$0x2] =	stream.linear.gather [hbm4b:s11+s2], $0x280, $0x38;
	[tilespmem:$0xA280] =	vst v63  }
0x5d: {  	_ =	swait.ge [sflag:s3], $0x280  }
0x5e: {  	[sflag:s3] =	ssyncset.done $0x0  }
0x5f: {  	[sflag:s3] =	ssyncadd.s32 $0xFFFFFD80  }
0x60: {  	[tilespmem:s6], [sflag:$0x1] =	stream.indirect.gather [hbm4b:s5+s6], $0x40, s2, s6, $0xb8;
	[tilespmem:$0xA280] =	vst v63  }
0x61: {  	_ =	swait.ge [sflag:s7], $0xA000  }
0x62: {  	[sflag:s7] =	ssyncset.done $0x0  }
0x63: {  	[sflag:s7] =	ssyncadd.s32 $0xFFFF6000  }
0x64: {  	[hbm4b:s12+s2] =	stream.linear.scatter [tilespmem:s6], [sflag:$0x2], $0xA000, $0x38;
	[tilespmem:$0xA280] =	vst v63  }
0x65: {  	_ =	swait.ge [sflag:s3], $0xA000  }
0x66: {  	[sflag:s3] =	ssyncset.done $0x0  }
0x67: {  	[sflag:s3] =	ssyncadd.s32 $0xFFFF6000  }
0x68: {  	[tilespmem:s2], [sflag:$0x2] =	stream.linear.gather [hbm4b:s13+s2], $0x280, $0x38;
	[tilespmem:$0xA280] =	vst v63  }
0x69: {  	_ =	swait.ge [sflag:s3], $0x280  }
0x6a: {  	[sflag:s3] =	ssyncset.done $0x0  }
0x6b: {  	[sflag:s3] =	ssyncadd.s32 $0xFFFFFD80  }
0x6c: {  	[tilespmem:s6], [sflag:$0x1] =	stream.indirect.gather [hbm4b:s5+s6], $0x40, s2, s6, $0xb8;
	[tilespmem:$0xA280] =	vst v63  }
0x6d: {  	_ =	swait.ge [sflag:s7], $0xA000  }
0x6e: {  	[sflag:s7] =	ssyncset.done $0x0  }
0x6f: {  	[sflag:s7] =	ssyncadd.s32 $0xFFFF6000  }
0x70: {  	[hbm4b:s14+s2] =	stream.linear.scatter [tilespmem:s6], [sflag:$0x2], $0xA000, $0x38;
	[tilespmem:$0xA280] =	vst v63  }
0x71: {  	_ =	swait.ge [sflag:s3], $0xA000  }
0x72: {  	[sflag:s3] =	ssyncset.done $0x0  }
0x73: {  	[sflag:s3] =	ssyncadd.s32 $0xFFFF6000  }
0x74: {  	[tilespmem:s2], [sflag:$0x2] =	stream.linear.gather [hbm4b:s15+s2], $0x280, $0x38;
	[tilespmem:$0xA280] =	vst v63  }
0x75: {  	_ =	swait.ge [sflag:s3], $0x280  }
0x76: {  	[sflag:s3] =	ssyncset.done $0x0  }
0x77: {  	[sflag:s3] =	ssyncadd.s32 $0xFFFFFD80  }
0x78: {  	[tilespmem:s6], [sflag:$0x1] =	stream.indirect.gather [hbm4b:s5+s6], $0x40, s2, s6, $0xb8;
	[tilespmem:$0xA280] =	vst v63  }
0x79: {  	_ =	swait.ge [sflag:s7], $0xA000  }
.Ltmp1:
0x7a: {  	[sflag:s7] =	ssyncset.done $0x0;
	(pc) =	sbr.rel @p0 .LBB2_1-.Ltmp1, $4  }
0x7b: {  	[sflag:s7] =	ssyncadd.s32 $0xFFFF6000  }
0x7c: {  	[hbm4b:s16+s2] =	stream.linear.scatter [tilespmem:s6], [sflag:$0x2], $0xA000, $0x38;
	[tilespmem:$0xA280] =	vst v63  }
0x7d: {  	_ =	swait.ge [sflag:s3], $0xA000  }
0x7e: {  	[sflag:s3] =	ssyncset.done $0x0  }
.LBB2_2:
0x7f: {  	[sflag:s3] =	ssyncadd.s32 $0xFFFF6000  }
0x80: {  	_ =	sfence.sel $0x180000  }
0x81: {  	[bflag:$0x0] =	sbarrier.arrive $0xFFFF  }
0x82: {  	p0 =	sne.s32 s0, $0x0;
	_ =	strace $0x90000056  }
0x83: {  	s0 =	sadd.s32 @!p0 $0x100000, s1;
	[bflag:$0x2] =	sbarrier.arrive $0xFFFF  }
0x84: {  	[sflag:s0] =	ssyncadd.tile.s32 @!p0 $0x1;
	_ =	shalt  }
.Lfunc_end2:
_tile_overlayer_lowered:
.L_overlay_start_2:
0x85: {  	(tag) =	ssettag $0x2  }
0x86: {  	s0 =	rddreg [dreg:$0x0];
	s2 =	stileid.u32  }
0x87: {  	s1 =	rddreg [dreg:$0x1];
	p0 =	sne.s32 s2, $0x0  }
0x88: {  	s3 =	rddreg [dreg:$0x2];
	[bflag:$0x3] =	sbarrier.arrive $0xFFFF;
	s2 =	simm.s32 @!p0 $0x1C02  }
0x89: {  	[timem:s3], [sflag:s2] =	dma.local @!p0 [hbm:s0], s1  }
0x8a: {  	s0 =	simm.s32 @!p0 $0x2  }
0x8b: {  	_ =	swait.ge @!p0 [sflag:s0], s1  }
0x8c: {  	s1 =	ssub.s32 @!p0 $0x0, s1;
	[sflag:s0] =	ssyncset.done @!p0 $0x0  }
0x8d: {  	[sflag:s0] =	ssyncadd.s32 @!p0 s1  }
0x8e: {  	[bflag:$0x3] =	sbarrier.arrive $0xFFFF  }
0x8f: {  	_ =	shalt  }

// kernel: kernel.38.cloned.1.call-start
scs
__scs_entry_jumppad:
0x0: {  	(pc) =	sbr.rel $0x88, $3  }
0x1: {  	(tag) =	ssettag $0x0;
	lr =	simm.s32 $0x1  }
0x2: {  	[smem:$0x3F94] =	sst lr;
	_ =	strace $0xD0000000  }
0x3: {  	_ = 	snop  }
0x4: {  	_ = 	snop  }
0x5: {  	_ = 	snop  }
0x6: {  	_ = 	snop  }
0x7: {  	_ = 	snop  }
__scs_overlays_trampoline_lowered:
0x8: {  	[smem:$0x3FA3] =	sst s0  }
0x9: {  	[smem:$0x3FA4] =	sst s1  }
0xa: {  	[smem:$0x3FA5] =	sst s2  }
0xb: {  	[smem:$0x3FA6] =	sst s3  }
0xc: {  	[smem:$0x3FA7] =	sst s4  }
0xd: {  	[smem:$0x3FA8] =	sst s5  }
0xe: {  	[smem:$0x3FA9] =	sst s6  }
0xf: {  	[smem:$0x3FAA] =	sst s7  }
0x10: {  	[smem:$0x3FAB] =	sst s8  }
0x11: {  	[smem:$0x3FAC] =	sst s9;
	s0 =	simm.s32 @!p0 $0x0  }
0x12: {  	s1 =	sld [smem:$0x3F92];
	s0 =	simm.s32 @p0 $0x1  }
0x13: {  	[smem:$0x3FAD] =	sst s0;
	s0 =	simm.s32 @!p1 $0x0  }
0x14: {  	s2 =	sld [smem:$0x3F91];
	s0 =	simm.s32 @p1 $0x1  }
0x15: {  	[smem:$0x3FAE] =	sst s0;
	s0 =	simm.s32 @!p2 $0x0  }
0x16: {  	s3 =	sld [smem:$0x3FDB];
	s0 =	simm.s32 @p2 $0x1  }
0x17: {  	s4 =	simm.s32 $0x1BF5;
	[smem:$0x3FB0] =	sst s0  }
0x18: {  	s0 =	sld [smem:$0x3F93];
	_ =	swait.ge [sflag:s4], $0x0  }
0x19: {  	s7 =	sld [smem:$0x3F94]  }
0x1a: {  	s8 =	sadd.s32 $0xFFFFE003, lr  }
0x1b: {  	s9 =	sadd.s32 $0xFFFFFEF7, lr;
	s5 =	simm.s32 $0xFFFFFFFF;
	p2 =	slt.u32 s8, $0xFFFFF086  }
0x1c: {  	p1 =	slt.u32 s9, $0xF7A;
	s5 =	simm.s32 @!p2 $0x0  }
0x1d: {  	s5 =	simm.s32 @p1 $0x1;
	p0 =	seq.s32 s7, s2  }
0x1e: {  	s7 =	smul.u32 @!p0 $0xF7A, s2;
	p2 =	seq.s32 @!p0 s5, $0x0  }
0x1f: {  	s9 =	smul.u32 $0xF7A, s1;
	s8 =	simm.s32 @!p0 $0x1BF5;
	p2 =	por !p2, p0  }
0x20: {  	[sflag:s8] =	ssyncset.s32 @!p0 $0xFFFFF086;
	s6 =	sadd.s32 @!p0 s3, s7;
	s7 =	simm.s32 @!p0 $0x108  }
0x21: {  	s3 =	sadd.s32 s3, s9;
	s6 =	sadd.s32 @!p0 $0x88, s6;
	s7 =	simm.s32 @p2 $0x1082  }
0x22: {  	[simem:s7], [sflag:s8] =	dma.local @!p0 [hbm:s6], $0xF7A  }
0x23: {  	s9 =	sor.u32 $0xD0000000, s2;
	s6 =	simm.s32 $0x108;
	_ =	swait.ge @!p0 [sflag:s8], $0x0  }
0x24: {  	s3 =	sadd.s32 $0x88, s3;
	s6 =	simm.s32 @!p1 $0x1082;
	[sflag:s4] =	ssyncset.s32 $0xFFFFF086  }
0x25: {  	[simem:s6], [sflag:s4] =	dma.local [hbm:s3], $0xF7A  }
0x26: {  	[smem:$0x3F94] =	sst s1;
	(tag) =	ssettag s2;
	_ =	strace s9  }
0x27: {  	s1 =	sld [smem:$0x3FA4]  }
0x28: {  	s2 =	sld [smem:$0x3FA5]  }
0x29: {  	s4 =	sld [smem:$0x3FA7]  }
0x2a: {  	p0 =	seq.s32 s5, $0x0;
	s5 =	sld [smem:$0x3FA8]  }
0x2b: {  	s6 =	sld [smem:$0x3FA9]  }
0x2c: {  	s7 =	sld [smem:$0x3FAA]  }
0x2d: {  	s3 =	simm.s32 $0x108;
	s8 =	sld [smem:$0x3FAB]  }
0x2e: {  	s3 =	simm.s32 @!p0 $0x1082;
	s9 =	sld [smem:$0x3FAC]  }
0x2f: {  	lr =	sadd.s32 s0, s3;
	s0 =	sld [smem:$0x3FA3]  }
0x30: {  	s3 =	sld [smem:$0x3FA6]  }
0x31: {  	[smem:$0x3FAF] =	sst s10  }
0x32: {  	s10 =	sld [smem:$0x3FAD];
	_ =	sdelay $0x3  }
0x33: {  	p0 =	seq.s32 s10, $0x1;
	s10 =	sld [smem:$0x3FAF];
	_ =	sdelay $0x3  }
0x34: {  	[smem:$0x3FAF] =	sst s10  }
0x35: {  	s10 =	sld [smem:$0x3FAE];
	_ =	sdelay $0x3  }
0x36: {  	p1 =	seq.s32 s10, $0x1;
	s10 =	sld [smem:$0x3FAF];
	_ =	sdelay $0x3  }
0x37: {  	[smem:$0x3FAF] =	sst s10  }
0x38: {  	s10 =	sld [smem:$0x3FB0]  }
0x39: {  	_ = 	snop;
	(pc) =	sbr.ind lr, $3  }
0x3a: {  	_ = 	snop  }
0x3b: {  	_ = 	snop  }
0x3c: {  	p2 =	seq.s32 s10, $0x1;
	s10 =	sld [smem:$0x3FAF]  }
0x3d: {  	_ =	shalt  }
0x3e: {  	_ =	shalt  }
0x3f: {  	_ =	shalt  }
0x40: {  	_ =	shalt  }
0x41: {  	_ =	shalt  }
0x42: {  	_ =	shalt  }
0x43: {  	_ =	shalt  }
0x44: {  	_ =	shalt  }
0x45: {  	_ =	shalt  }
0x46: {  	_ =	shalt  }
0x47: {  	_ =	shalt  }
0x48: {  	_ =	shalt  }
0x49: {  	_ =	shalt  }
0x4a: {  	_ =	shalt  }
0x4b: {  	_ =	shalt  }
0x4c: {  	_ =	shalt  }
0x4d: {  	_ =	shalt  }
0x4e: {  	_ =	shalt  }
0x4f: {  	_ =	shalt  }
0x50: {  	_ =	shalt  }
0x51: {  	_ =	shalt  }
0x52: {  	_ =	shalt  }
0x53: {  	_ =	shalt  }
0x54: {  	_ =	shalt  }
0x55: {  	_ =	shalt  }
0x56: {  	_ =	shalt  }
0x57: {  	_ =	shalt  }
0x58: {  	_ =	shalt  }
0x59: {  	_ =	shalt  }
0x5a: {  	_ =	shalt  }
0x5b: {  	_ =	shalt  }
0x5c: {  	_ =	shalt  }
0x5d: {  	_ =	shalt  }
0x5e: {  	_ =	shalt  }
0x5f: {  	_ =	shalt  }
0x60: {  	_ =	shalt  }
0x61: {  	_ =	shalt  }
0x62: {  	_ =	shalt  }
0x63: {  	_ =	shalt  }
0x64: {  	_ =	shalt  }
0x65: {  	_ =	shalt  }
0x66: {  	_ =	shalt  }
0x67: {  	_ =	shalt  }
0x68: {  	_ =	shalt  }
0x69: {  	_ =	shalt  }
0x6a: {  	_ =	shalt  }
0x6b: {  	_ =	shalt  }
0x6c: {  	_ =	shalt  }
0x6d: {  	_ =	shalt  }
0x6e: {  	_ =	shalt  }
0x6f: {  	_ =	shalt  }
0x70: {  	_ =	shalt  }
0x71: {  	_ =	shalt  }
0x72: {  	_ =	shalt  }
0x73: {  	_ =	shalt  }
0x74: {  	_ =	shalt  }
0x75: {  	_ =	shalt  }
0x76: {  	_ =	shalt  }
0x77: {  	_ =	shalt  }
0x78: {  	_ =	shalt  }
0x79: {  	_ =	shalt  }
0x7a: {  	_ =	shalt  }
0x7b: {  	_ =	shalt  }
0x7c: {  	_ =	shalt  }
0x7d: {  	_ =	shalt  }
0x7e: {  	_ =	shalt  }
0x7f: {  	_ =	shalt  }
0x80: {  	_ =	shalt  }
0x81: {  	_ =	shalt  }
0x82: {  	_ =	shalt  }
0x83: {  	_ =	shalt  }
0x84: {  	_ =	shalt  }
0x85: {  	_ =	shalt  }
0x86: {  	_ =	shalt  }
0x87: {  	_ =	shalt  }
.Lfunc_end0:
.L_simem_size_0:
called_computation.6_lowered:
.L_overlay_start_0:
0x88: {  	s2 =	sld [smem:$0x3FD9]  }
0x89: {  	s3 =	sld [smem:$0x3FFE];
	_ =	sdelay $0x1  }
0x8a: {  	s1 =	srdreg.scid  }
0x8b: {  	s0 =	sand.u32 $0x1, s1  }
0x8c: {  	s17 =	sshll.u32 s0, $0xA;
	s2 =	sadd.s32 s3, s2  }
0x8d: {  	s2 =	sadd.s32 s2, s17  }
0x8e: {  	[smem:$0x3FBB] =	sst s2  }
0x8f: {  	_ = 	snop  }
0x90: {  	(tm) =	ssettm $0x1  }
0x91: {  	s18 =	sld [smem:$0x3FFB];
	_ =	sdelay $0x3  }
0x92: {  	_ =	strace s18  }
0x93: {  	s2 =	sld [smem:$0x3FFC];
	_ =	sdelay $0x3  }
0x94: {  	_ =	strace s2  }
0x95: {  	s2 =	sld [smem:$0x3FFD];
	_ =	sdelay $0x3  }
0x96: {  	_ =	strace s2  }
0x97: {  	_ =	strace $0x8FFFFFFF  }
0x98: {  	s19 =	sld [smem:$0x3FDB];
	_ =	sdelay $0x1  }
0x99: {  	s20 =	simm.s32 $_scs_section_size  }
0x9a: {  	s4 =	simm.s32 $_size__tile_overlayer_lowered;
	s5 =	simm.s32 $_tile_overlayer_lowered  }
0x9b: {  	s6 =	simm.s32 $0x1BFF;
	s21 =	sshll.u32 s5, $0x1;
	s3 =	sadd.s32 s20, s19  }
0x9c: {  	s22 =	simm.s32 $0x0;
	s4 =	sshll.u32 s4, $0x1;
	s5 =	sadd.s32 s21, s3  }
0x9d: {  	[timem:s22], [sflag:s6] =	dma.local [hbm:s5], s4  }
0x9e: {  	_ =	swait.ge [sflag:s6], s4  }
0x9f: {  	s4 =	ssub.s32 $0x0, s4;
	[sflag:s6] =	ssyncset.done $0x0  }
0xa0: {  	[sflag:s6] =	ssyncadd.s32 s4;
	_ =	sdelay $0x1  }
0xa1: {  	s23 =	simm.s32 $0x1B8B  }
0xa2: {  	_ =	swait.ge [sflag:s23], $0x1  }
0xa3: {  	[sflag:s23] =	ssyncset.done $0x0  }
0xa4: {  	[sflag:s23] =	ssyncadd.s32 $0xFFFFFFFF  }
0xa5: {  	s4 =	sld [smem:$0x0]  }
0xa6: {  	s5 =	sand.u32 $0xFFFFFFFE, s1  }
0xa7: {  	p0 =	sne.s32 s1, s5  }
0xa8: {  	s5 =	sshll.u32 @p0 s5, $0xE  }
0xa9: {  	s5 =	sadd.s32 @p0 $0x11B8D, s5;
	s6 =	sshll.u32 @p0 s4, $0x11  }
0xaa: {  	s5 =	sor.u32 @p0 s6, s5  }
0xab: {  	[sflag:s5] =	ssyncadd.remote.s32 @p0 $0x1;
	_ =	sdelay $0x1  }
0xac: {  	s5 =	simm.s32 @p0 $0x1B8D  }
0xad: {  	_ =	swait.eq @p0 [sflag:s5], $0x1  }
0xae: {  	[sflag:s5] =	ssyncadd.s32 @p0 $0xFFFFFFFF  }
0xaf: {  	s6 =	sshll.u32 @!p0 s1, $0xE  }
0xb0: {  	s6 =	sor.u32 @!p0 $0x4000, s6;
	s5 =	simm.s32 @!p0 $0x1B8D  }
0xb1: {  	s4 =	sshll.u32 @!p0 s4, $0x11;
	s6 =	sadd.s32 @!p0 $0x11B8D, s6;
	_ =	swait.eq @!p0 [sflag:s5], $0x1  }
0xb2: {  	s4 =	sor.u32 @!p0 s4, s6;
	[sflag:s5] =	ssyncadd.s32 @!p0 $0xFFFFFFFF  }
0xb3: {  	s25 =	simm.s32 $0x1B8E;
	s24 =	sld [smem:$0x3FFE];
	[sflag:s4] =	ssyncadd.remote.s32 @!p0 $0x1  }
0xb4: {  	s26 =	simm.s32 $execute0_lowered;
	[smem:$0x3FD2] =	sst s25  }
0xb5: {  	s5 =	sshll.u32 s26, $0x1;
	_ =	strace $0x80000058;
	[dreg:$0x1] =	wrdreg $0xFFFFFFFF  }
0xb6: {  	s28 =	simm.s32 $_size_execute0_lowered;
	s3 =	sadd.s32 s3, s5;
	[dreg:$0x0] =	wrdreg $0x0  }
0xb7: {  	s5 =	sshll.u32 s28, $0x1;
	[dreg:$0x2] =	wrdreg s3  }
0xb8: {  	[dreg:$0x3] =	wrdreg s5  }
0xb9: {  	[dreg:$0x4] =	wrdreg $0xC0  }
0xba: {  	_ =	task [dreg:s22], $0x5FFFF  }
0xbb: {  	[dreg:$0x1] =	wrdreg $0xFFFFFFFF  }
0xbc: {  	[dreg:$0x0] =	wrdreg $0x60  }
0xbd: {  	[dreg:$0x2] =	wrdreg s24  }
0xbe: {  	[dreg:$0x3] =	wrdreg $0xF  }
0xbf: {  	_ =	task.clear_ibuf [dreg:s22], $0x4FFFF;
	_ =	strace $0x90000058  }
0xc0: {  	s29 =	simm.s32 $0xF;
	_ =	strace $0x8000005A  }
0xc1: {  	_ =	swait.ge [sflag:s29], $0x1  }
0xc2: {  	[sflag:s29] =	ssyncadd.s32 $0xFFFFFFFF  }
0xc3: {  	_ =	strace $0x9000005A  }
0xc4: {  	_ =	sfence  }
0xc5: {  	s30 =	sld [smem:$0x0];
	_ =	sdelay $0x2  }
0xc6: {  	s31 =	sshll.u32 s1, $0xD;
	s1 =	sshrl.u32 s1, $0x2  }
0xc7: {  	s4 =	sand.u32 $0x4000, s31;
	s1 =	sadd.s32 s1, s30  }
0xc8: {  	s0 =	sor.u32 s4, s0;
	s1 =	sshll.u32 s1, $0x11  }
0xc9: {  	s0 =	sor.u32 s1, s0  }
0xca: {  	s0 =	sadd.s32 $0x8F2B, s0  }
0xcb: {  	[sflag:s0] =	ssyncadd.remote.s32 $0x1  }
0xcc: {  	_ =	sfence.sel $0xFFFF  }
0xcd: {  	[dreg:$0x0] =	wrdreg $0xFFFFFFFF;
	(pc) =	sbr.abs _section_cstart, $3  }
0xce: {  	[dreg:$0x1] =	wrdreg $0xFFFFFFFF  }
0xcf: {  	_ =	task.clear_ibuf [dreg:s22], $0x2FFFF;
	_ =	strace $0x9FFFFFFF  }
0xd0: {  	(tm) =	ssettm $0x7FFFFFFF  }
0xd1: {  	_ =	shalt  }
tec
execute0_lowered:
.L_overlay_start_1:
0x0: {  	(tag) =	ssettag $0x1  }
0x1: {  	s1 =	srdreg.scid;
	s0 =	stileid.u32  }
0x2: {  	s16 =	sand.u32 $0x1, s1;
	s26 =	sshll.u32 s0, $0x1  }
0x3: {  	s8 =	sor.u32 s16, s26  }
0x4: {  	s9 =	rddreg [dreg:$0x0];
	s17 =	smul.u32 $0xC80, s8  }
0x5: {  	s2 =	simm.s32 $0x0;
	s1 =	rddreg [dreg:$0x1]  }
0x6: {  	[smem:$0x7FF] =	sst s2;
	s15 =	sadd.s32 $0x16800, s9;
	s3 =	sshrl.u32 s17, $0x3  }
0x7: {  	_ =	strace $0x80000059;
	s4 =	sadd.s32 s15, s3;
	s3 =	simm.s32 $0x2  }
0x8: {  	[tilespmem:s2], [sflag:$0x2] =	stream.linear.gather [hbm4b:s4+s2], $0x280, $0x38;
	[tilespmem:$0xA280] =	vst v63  }
0x9: {  	_ =	swait.ge [sflag:s3], $0x280  }
0xa: {  	s6 =	simm.s32 $0x280;
	[sflag:s3] =	ssyncset.done $0x0  }
0xb: {  	s7 =	simm.s32 $0x1;
	s5 =	sadd.s32 $0xF49200, s9;
	[sflag:s3] =	ssyncadd.s32 $0xFFFFFD80  }
0xc: {  	[tilespmem:s6], [sflag:$0x1] =	stream.indirect.gather [hbm4b:s5+s6], $0x40, s2, s6, $0xb8;
	[tilespmem:$0xA280] =	vst v63  }
0xd: {  	s8 =	smul.u32 $0x6400, s8;
	_ =	swait.ge [sflag:s7], $0xA000  }
0xe: {  	s18 =	sadd.s32 $0x4CFE00, s9;
	[sflag:s7] =	ssyncset.done $0x0  }
0xf: {  	s8 =	sadd.s32 s18, s8;
	[sflag:s7] =	ssyncadd.s32 $0xFFFF6000  }
0x10: {  	[hbm4b:s8+s2] =	stream.linear.scatter [tilespmem:s6], [sflag:$0x2], $0xA000, $0x38;
	[tilespmem:$0xA280] =	vst v63  }
0x11: {  	s10 =	sadd.s32 $0x280, s17;
	_ =	swait.ge [sflag:s3], $0xA000  }
0x12: {  	s28 =	sshrl.u32 s10, $0x3;
	[sflag:s3] =	ssyncset.done $0x0  }
0x13: {  	s9 =	sadd.s32 s15, s28;
	[sflag:s3] =	ssyncadd.s32 $0xFFFF6000  }
0x14: {  	[tilespmem:s2], [sflag:$0x2] =	stream.linear.gather [hbm4b:s9+s2], $0x280, $0x38;
	[tilespmem:$0xA280] =	vst v63  }
0x15: {  	_ =	swait.ge [sflag:s3], $0x280  }
0x16: {  	[sflag:s3] =	ssyncset.done $0x0  }
0x17: {  	[sflag:s3] =	ssyncadd.s32 $0xFFFFFD80  }
0x18: {  	[tilespmem:s6], [sflag:$0x1] =	stream.indirect.gather [hbm4b:s5+s6], $0x40, s2, s6, $0xb8;
	[tilespmem:$0xA280] =	vst v63  }
0x19: {  	_ =	swait.ge [sflag:s7], $0xA000  }
0x1a: {  	s10 =	sshll.u32 s10, $0x3;
	[sflag:s7] =	ssyncset.done $0x0  }
0x1b: {  	s10 =	sadd.s32 s18, s10;
	[sflag:s7] =	ssyncadd.s32 $0xFFFF6000  }
0x1c: {  	[hbm4b:s10+s2] =	stream.linear.scatter [tilespmem:s6], [sflag:$0x2], $0xA000, $0x38;
	[tilespmem:$0xA280] =	vst v63  }
0x1d: {  	s12 =	sadd.s32 $0x500, s17;
	_ =	swait.ge [sflag:s3], $0xA000  }
0x1e: {  	s11 =	sshrl.u32 s12, $0x3;
	[sflag:s3] =	ssyncset.done $0x0  }
0x1f: {  	s11 =	sadd.s32 s15, s11;
	[sflag:s3] =	ssyncadd.s32 $0xFFFF6000  }
0x20: {  	[tilespmem:s2], [sflag:$0x2] =	stream.linear.gather [hbm4b:s11+s2], $0x280, $0x38;
	[tilespmem:$0xA280] =	vst v63  }
0x21: {  	_ =	swait.ge [sflag:s3], $0x280  }
0x22: {  	[sflag:s3] =	ssyncset.done $0x0  }
0x23: {  	[sflag:s3] =	ssyncadd.s32 $0xFFFFFD80  }
0x24: {  	[tilespmem:s6], [sflag:$0x1] =	stream.indirect.gather [hbm4b:s5+s6], $0x40, s2, s6, $0xb8;
	[tilespmem:$0xA280] =	vst v63  }
0x25: {  	_ =	swait.ge [sflag:s7], $0xA000  }
0x26: {  	s12 =	sshll.u32 s12, $0x3;
	[sflag:s7] =	ssyncset.done $0x0  }
0x27: {  	s12 =	sadd.s32 s18, s12;
	[sflag:s7] =	ssyncadd.s32 $0xFFFF6000  }
0x28: {  	[hbm4b:s12+s2] =	stream.linear.scatter [tilespmem:s6], [sflag:$0x2], $0xA000, $0x38;
	[tilespmem:$0xA280] =	vst v63  }
0x29: {  	s14 =	sadd.s32 $0x780, s17;
	_ =	swait.ge [sflag:s3], $0xA000  }
0x2a: {  	s13 =	sshrl.u32 s14, $0x3;
	[sflag:s3] =	ssyncset.done $0x0  }
0x2b: {  	s13 =	sadd.s32 s15, s13;
	[sflag:s3] =	ssyncadd.s32 $0xFFFF6000  }
0x2c: {  	[tilespmem:s2], [sflag:$0x2] =	stream.linear.gather [hbm4b:s13+s2], $0x280, $0x38;
	[tilespmem:$0xA280] =	vst v63  }
0x2d: {  	_ =	swait.ge [sflag:s3], $0x280  }
0x2e: {  	[sflag:s3] =	ssyncset.done $0x0  }
0x2f: {  	[sflag:s3] =	ssyncadd.s32 $0xFFFFFD80  }
0x30: {  	[tilespmem:s6], [sflag:$0x1] =	stream.indirect.gather [hbm4b:s5+s6], $0x40, s2, s6, $0xb8;
	[tilespmem:$0xA280] =	vst v63  }
0x31: {  	_ =	swait.ge [sflag:s7], $0xA000  }
0x32: {  	s14 =	sshll.u32 s14, $0x3;
	[sflag:s7] =	ssyncset.done $0x0  }
0x33: {  	s14 =	sadd.s32 s18, s14;
	[sflag:s7] =	ssyncadd.s32 $0xFFFF6000  }
0x34: {  	[hbm4b:s14+s2] =	stream.linear.scatter [tilespmem:s6], [sflag:$0x2], $0xA000, $0x38;
	[tilespmem:$0xA280] =	vst v63  }
0x35: {  	s17 =	sadd.s32 $0xA00, s17;
	_ =	swait.ge [sflag:s3], $0xA000  }
0x36: {  	s19 =	sshrl.u32 s17, $0x3;
	[sflag:s3] =	ssyncset.done $0x0  }
0x37: {  	s16 =	ssub.s32 $0x2, s16;
	s15 =	sadd.s32 s15, s19;
	[sflag:s3] =	ssyncadd.s32 $0xFFFF6000  }
0x38: {  	[tilespmem:s2], [sflag:$0x2] =	stream.linear.gather [hbm4b:s15+s2], $0x280, $0x38;
	[tilespmem:$0xA280] =	vst v63  }
0x39: {  	s29 =	sshrl.u32 s16, $0x1;
	_ =	swait.ge [sflag:s3], $0x280  }
0x3a: {  	s19 =	ssub.s32 s16, s29;
	[sflag:s3] =	ssyncset.done $0x0  }
0x3b: {  	s31 =	smax.u32 s19, $0x1;
	[sflag:s3] =	ssyncadd.s32 $0xFFFFFD80  }
0x3c: {  	[tilespmem:s6], [sflag:$0x1] =	stream.indirect.gather [hbm4b:s5+s6], $0x40, s2, s6, $0xb8;
	[tilespmem:$0xA280] =	vst v63  }
0x3d: {  	p0 =	sne.s32 s31, $0x1;
	_ =	swait.ge [sflag:s7], $0xA000  }
.Ltmp0:
0x3e: {  	s30 =	sshll.u32 s17, $0x3;
	[sflag:s7] =	ssyncset.done $0x0;
	(pc) =	sbr.rel @!p0 .LBB2_2-.Ltmp0, $4  }
0x3f: {  	s16 =	sadd.s32 s18, s30;
	[sflag:s7] =	ssyncadd.s32 $0xFFFF6000  }
0x40: {  	[hbm4b:s16+s2] =	stream.linear.scatter [tilespmem:s6], [sflag:$0x2], $0xA000, $0x38;
	[tilespmem:$0xA280] =	vst v63  }
0x41: {  	_ =	swait.ge [sflag:s3], $0xA000  }
0x42: {  	s17 =	sadd.s32 $0xFFFFFFFF, s31;
	[sflag:s3] =	ssyncset.done $0x0  }
.LBB2_1:
0x43: {  	p0 =	sne.s32 s17, $0x1;
	s17 =	sadd.s32 $0xFFFFFFFF, s17;
	[sflag:s3] =	ssyncadd.s32 $0xFFFF6000  }
0x44: {  	[tilespmem:s2], [sflag:$0x2] =	stream.linear.gather [hbm4b:s4+s2], $0x280, $0x38;
	[tilespmem:$0xA280] =	vst v63  }
0x45: {  	_ =	swait.ge [sflag:s3], $0x280  }
0x46: {  	[sflag:s3] =	ssyncset.done $0x0  }
0x47: {  	[sflag:s3] =	ssyncadd.s32 $0xFFFFFD80  }
0x48: {  	[tilespmem:s6], [sflag:$0x1] =	stream.indirect.gather [hbm4b:s5+s6], $0x40, s2, s6, $0xb8;
	[tilespmem:$0xA280] =	vst v63  }
0x49: {  	_ =	swait.ge [sflag:s7], $0xA000  }
0x4a: {  	[sflag:s7] =	ssyncset.done $0x0  }
0x4b: {  	[sflag:s7] =	ssyncadd.s32 $0xFFFF6000  }
0x4c: {  	[hbm4b:s8+s2] =	stream.linear.scatter [tilespmem:s6], [sflag:$0x2], $0xA000, $0x38;
	[tilespmem:$0xA280] =	vst v63  }
0x4d: {  	_ =	swait.ge [sflag:s3], $0xA000  }
0x4e: {  	[sflag:s3] =	ssyncset.done $0x0  }
0x4f: {  	[sflag:s3] =	ssyncadd.s32 $0xFFFF6000  }
0x50: {  	[tilespmem:s2], [sflag:$0x2] =	stream.linear.gather [hbm4b:s9+s2], $0x280, $0x38;
	[tilespmem:$0xA280] =	vst v63  }
0x51: {  	_ =	swait.ge [sflag:s3], $0x280  }
0x52: {  	[sflag:s3] =	ssyncset.done $0x0  }
0x53: {  	[sflag:s3] =	ssyncadd.s32 $0xFFFFFD80  }
0x54: {  	[tilespmem:s6], [sflag:$0x1] =	stream.indirect.gather [hbm4b:s5+s6], $0x40, s2, s6, $0xb8;
	[tilespmem:$0xA280] =	vst v63  }
0x55: {  	_ =	swait.ge [sflag:s7], $0xA000  }
0x56: {  	[sflag:s7] =	ssyncset.done $0x0  }
0x57: {  	[sflag:s7] =	ssyncadd.s32 $0xFFFF6000  }
0x58: {  	[hbm4b:s10+s2] =	stream.linear.scatter [tilespmem:s6], [sflag:$0x2], $0xA000, $0x38;
	[tilespmem:$0xA280] =	vst v63  }
0x59: {  	_ =	swait.ge [sflag:s3], $0xA000  }
0x5a: {  	[sflag:s3] =	ssyncset.done $0x0  }
0x5b: {  	[sflag:s3] =	ssyncadd.s32 $0xFFFF6000  }
0x5c: {  	[tilespmem:s2], [sflag:$0x2] =	stream.linear.gather [hbm4b:s11+s2], $0x280, $0x38;
	[tilespmem:$0xA280] =	vst v63  }
0x5d: {  	_ =	swait.ge [sflag:s3], $0x280  }
0x5e: {  	[sflag:s3] =	ssyncset.done $0x0  }
0x5f: {  	[sflag:s3] =	ssyncadd.s32 $0xFFFFFD80  }
0x60: {  	[tilespmem:s6], [sflag:$0x1] =	stream.indirect.gather [hbm4b:s5+s6], $0x40, s2, s6, $0xb8;
	[tilespmem:$0xA280] =	vst v63  }
0x61: {  	_ =	swait.ge [sflag:s7], $0xA000  }
0x62: {  	[sflag:s7] =	ssyncset.done $0x0  }
0x63: {  	[sflag:s7] =	ssyncadd.s32 $0xFFFF6000  }
0x64: {  	[hbm4b:s12+s2] =	stream.linear.scatter [tilespmem:s6], [sflag:$0x2], $0xA000, $0x38;
	[tilespmem:$0xA280] =	vst v63  }
0x65: {  	_ =	swait.ge [sflag:s3], $0xA000  }
0x66: {  	[sflag:s3] =	ssyncset.done $0x0  }
0x67: {  	[sflag:s3] =	ssyncadd.s32 $0xFFFF6000  }
0x68: {  	[tilespmem:s2], [sflag:$0x2] =	stream.linear.gather [hbm4b:s13+s2], $0x280, $0x38;
	[tilespmem:$0xA280] =	vst v63  }
0x69: {  	_ =	swait.ge [sflag:s3], $0x280  }
0x6a: {  	[sflag:s3] =	ssyncset.done $0x0  }
0x6b: {  	[sflag:s3] =	ssyncadd.s32 $0xFFFFFD80  }
0x6c: {  	[tilespmem:s6], [sflag:$0x1] =	stream.indirect.gather [hbm4b:s5+s6], $0x40, s2, s6, $0xb8;
	[tilespmem:$0xA280] =	vst v63  }
0x6d: {  	_ =	swait.ge [sflag:s7], $0xA000  }
0x6e: {  	[sflag:s7] =	ssyncset.done $0x0  }
0x6f: {  	[sflag:s7] =	ssyncadd.s32 $0xFFFF6000  }
0x70: {  	[hbm4b:s14+s2] =	stream.linear.scatter [tilespmem:s6], [sflag:$0x2], $0xA000, $0x38;
	[tilespmem:$0xA280] =	vst v63  }
0x71: {  	_ =	swait.ge [sflag:s3], $0xA000  }
0x72: {  	[sflag:s3] =	ssyncset.done $0x0  }
0x73: {  	[sflag:s3] =	ssyncadd.s32 $0xFFFF6000  }
0x74: {  	[tilespmem:s2], [sflag:$0x2] =	stream.linear.gather [hbm4b:s15+s2], $0x280, $0x38;
	[tilespmem:$0xA280] =	vst v63  }
0x75: {  	_ =	swait.ge [sflag:s3], $0x280  }
0x76: {  	[sflag:s3] =	ssyncset.done $0x0  }
0x77: {  	[sflag:s3] =	ssyncadd.s32 $0xFFFFFD80  }
0x78: {  	[tilespmem:s6], [sflag:$0x1] =	stream.indirect.gather [hbm4b:s5+s6], $0x40, s2, s6, $0xb8;
	[tilespmem:$0xA280] =	vst v63  }
0x79: {  	_ =	swait.ge [sflag:s7], $0xA000  }
.Ltmp1:
0x7a: {  	[sflag:s7] =	ssyncset.done $0x0;
	(pc) =	sbr.rel @p0 .LBB2_1-.Ltmp1, $4  }
0x7b: {  	[sflag:s7] =	ssyncadd.s32 $0xFFFF6000  }
0x7c: {  	[hbm4b:s16+s2] =	stream.linear.scatter [tilespmem:s6], [sflag:$0x2], $0xA000, $0x38;
	[tilespmem:$0xA280] =	vst v63  }
0x7d: {  	_ =	swait.ge [sflag:s3], $0xA000  }
0x7e: {  	[sflag:s3] =	ssyncset.done $0x0  }
.LBB2_2:
0x7f: {  	[sflag:s3] =	ssyncadd.s32 $0xFFFF6000  }
0x80: {  	_ =	sfence.sel $0x180000  }
0x81: {  	[bflag:$0x0] =	sbarrier.arrive $0xFFFF  }
0x82: {  	p0 =	sne.s32 s0, $0x0;
	_ =	strace $0x90000059  }
0x83: {  	s0 =	sadd.s32 @!p0 $0x100000, s1;
	[bflag:$0x2] =	sbarrier.arrive $0xFFFF  }
0x84: {  	[sflag:s0] =	ssyncadd.tile.s32 @!p0 $0x1;
	_ =	shalt  }
.Lfunc_end2:
_tile_overlayer_lowered:
.L_overlay_start_2:
0x85: {  	(tag) =	ssettag $0x2  }
0x86: {  	s0 =	rddreg [dreg:$0x0];
	s2 =	stileid.u32  }
0x87: {  	s1 =	rddreg [dreg:$0x1];
	p0 =	sne.s32 s2, $0x0  }
0x88: {  	s3 =	rddreg [dreg:$0x2];
	[bflag:$0x3] =	sbarrier.arrive $0xFFFF;
	s2 =	simm.s32 @!p0 $0x1C02  }
0x89: {  	[timem:s3], [sflag:s2] =	dma.local @!p0 [hbm:s0], s1  }
0x8a: {  	s0 =	simm.s32 @!p0 $0x2  }
0x8b: {  	_ =	swait.ge @!p0 [sflag:s0], s1  }
0x8c: {  	s1 =	ssub.s32 @!p0 $0x0, s1;
	[sflag:s0] =	ssyncset.done @!p0 $0x0  }
0x8d: {  	[sflag:s0] =	ssyncadd.s32 @!p0 s1  }
0x8e: {  	[bflag:$0x3] =	sbarrier.arrive $0xFFFF  }
0x8f: {  	_ =	shalt  }

// kernel: kernel.41.cloned.1.call-start
scs
__scs_entry_jumppad:
0x0: {  	(pc) =	sbr.rel $0x88, $3  }
0x1: {  	(tag) =	ssettag $0x0;
	lr =	simm.s32 $0x1  }
0x2: {  	[smem:$0x3F94] =	sst lr;
	_ =	strace $0xD0000000  }
0x3: {  	_ = 	snop  }
0x4: {  	_ = 	snop  }
0x5: {  	_ = 	snop  }
0x6: {  	_ = 	snop  }
0x7: {  	_ = 	snop  }
__scs_overlays_trampoline_lowered:
0x8: {  	[smem:$0x3FA3] =	sst s0  }
0x9: {  	[smem:$0x3FA4] =	sst s1  }
0xa: {  	[smem:$0x3FA5] =	sst s2  }
0xb: {  	[smem:$0x3FA6] =	sst s3  }
0xc: {  	[smem:$0x3FA7] =	sst s4  }
0xd: {  	[smem:$0x3FA8] =	sst s5  }
0xe: {  	[smem:$0x3FA9] =	sst s6  }
0xf: {  	[smem:$0x3FAA] =	sst s7  }
0x10: {  	[smem:$0x3FAB] =	sst s8  }
0x11: {  	[smem:$0x3FAC] =	sst s9;
	s0 =	simm.s32 @!p0 $0x0  }
0x12: {  	s1 =	sld [smem:$0x3F92];
	s0 =	simm.s32 @p0 $0x1  }
0x13: {  	[smem:$0x3FAD] =	sst s0;
	s0 =	simm.s32 @!p1 $0x0  }
0x14: {  	s2 =	sld [smem:$0x3F91];
	s0 =	simm.s32 @p1 $0x1  }
0x15: {  	[smem:$0x3FAE] =	sst s0;
	s0 =	simm.s32 @!p2 $0x0  }
0x16: {  	s3 =	sld [smem:$0x3FDB];
	s0 =	simm.s32 @p2 $0x1  }
0x17: {  	s4 =	simm.s32 $0x1BF5;
	[smem:$0x3FB0] =	sst s0  }
0x18: {  	s0 =	sld [smem:$0x3F93];
	_ =	swait.ge [sflag:s4], $0x0  }
0x19: {  	s7 =	sld [smem:$0x3F94]  }
0x1a: {  	s8 =	sadd.s32 $0xFFFFE003, lr  }
0x1b: {  	s9 =	sadd.s32 $0xFFFFFEF7, lr;
	s5 =	simm.s32 $0xFFFFFFFF;
	p2 =	slt.u32 s8, $0xFFFFF086  }
0x1c: {  	p1 =	slt.u32 s9, $0xF7A;
	s5 =	simm.s32 @!p2 $0x0  }
0x1d: {  	s5 =	simm.s32 @p1 $0x1;
	p0 =	seq.s32 s7, s2  }
0x1e: {  	s7 =	smul.u32 @!p0 $0xF7A, s2;
	p2 =	seq.s32 @!p0 s5, $0x0  }
0x1f: {  	s9 =	smul.u32 $0xF7A, s1;
	s8 =	simm.s32 @!p0 $0x1BF5;
	p2 =	por !p2, p0  }
0x20: {  	[sflag:s8] =	ssyncset.s32 @!p0 $0xFFFFF086;
	s6 =	sadd.s32 @!p0 s3, s7;
	s7 =	simm.s32 @!p0 $0x108  }
0x21: {  	s3 =	sadd.s32 s3, s9;
	s6 =	sadd.s32 @!p0 $0x88, s6;
	s7 =	simm.s32 @p2 $0x1082  }
0x22: {  	[simem:s7], [sflag:s8] =	dma.local @!p0 [hbm:s6], $0xF7A  }
0x23: {  	s9 =	sor.u32 $0xD0000000, s2;
	s6 =	simm.s32 $0x108;
	_ =	swait.ge @!p0 [sflag:s8], $0x0  }
0x24: {  	s3 =	sadd.s32 $0x88, s3;
	s6 =	simm.s32 @!p1 $0x1082;
	[sflag:s4] =	ssyncset.s32 $0xFFFFF086  }
0x25: {  	[simem:s6], [sflag:s4] =	dma.local [hbm:s3], $0xF7A  }
0x26: {  	[smem:$0x3F94] =	sst s1;
	(tag) =	ssettag s2;
	_ =	strace s9  }
0x27: {  	s1 =	sld [smem:$0x3FA4]  }
0x28: {  	s2 =	sld [smem:$0x3FA5]  }
0x29: {  	s4 =	sld [smem:$0x3FA7]  }
0x2a: {  	p0 =	seq.s32 s5, $0x0;
	s5 =	sld [smem:$0x3FA8]  }
0x2b: {  	s6 =	sld [smem:$0x3FA9]  }
0x2c: {  	s7 =	sld [smem:$0x3FAA]  }
0x2d: {  	s3 =	simm.s32 $0x108;
	s8 =	sld [smem:$0x3FAB]  }
0x2e: {  	s3 =	simm.s32 @!p0 $0x1082;
	s9 =	sld [smem:$0x3FAC]  }
0x2f: {  	lr =	sadd.s32 s0, s3;
	s0 =	sld [smem:$0x3FA3]  }
0x30: {  	s3 =	sld [smem:$0x3FA6]  }
0x31: {  	[smem:$0x3FAF] =	sst s10  }
0x32: {  	s10 =	sld [smem:$0x3FAD];
	_ =	sdelay $0x3  }
0x33: {  	p0 =	seq.s32 s10, $0x1;
	s10 =	sld [smem:$0x3FAF];
	_ =	sdelay $0x3  }
0x34: {  	[smem:$0x3FAF] =	sst s10  }
0x35: {  	s10 =	sld [smem:$0x3FAE];
	_ =	sdelay $0x3  }
0x36: {  	p1 =	seq.s32 s10, $0x1;
	s10 =	sld [smem:$0x3FAF];
	_ =	sdelay $0x3  }
0x37: {  	[smem:$0x3FAF] =	sst s10  }
0x38: {  	s10 =	sld [smem:$0x3FB0]  }
0x39: {  	_ = 	snop;
	(pc) =	sbr.ind lr, $3  }
0x3a: {  	_ = 	snop  }
0x3b: {  	_ = 	snop  }
0x3c: {  	p2 =	seq.s32 s10, $0x1;
	s10 =	sld [smem:$0x3FAF]  }
0x3d: {  	_ =	shalt  }
0x3e: {  	_ =	shalt  }
0x3f: {  	_ =	shalt  }
0x40: {  	_ =	shalt  }
0x41: {  	_ =	shalt  }
0x42: {  	_ =	shalt  }
0x43: {  	_ =	shalt  }
0x44: {  	_ =	shalt  }
0x45: {  	_ =	shalt  }
0x46: {  	_ =	shalt  }
0x47: {  	_ =	shalt  }
0x48: {  	_ =	shalt  }
0x49: {  	_ =	shalt  }
0x4a: {  	_ =	shalt  }
0x4b: {  	_ =	shalt  }
0x4c: {  	_ =	shalt  }
0x4d: {  	_ =	shalt  }
0x4e: {  	_ =	shalt  }
0x4f: {  	_ =	shalt  }
0x50: {  	_ =	shalt  }
0x51: {  	_ =	shalt  }
0x52: {  	_ =	shalt  }
0x53: {  	_ =	shalt  }
0x54: {  	_ =	shalt  }
0x55: {  	_ =	shalt  }
0x56: {  	_ =	shalt  }
0x57: {  	_ =	shalt  }
0x58: {  	_ =	shalt  }
0x59: {  	_ =	shalt  }
0x5a: {  	_ =	shalt  }
0x5b: {  	_ =	shalt  }
0x5c: {  	_ =	shalt  }
0x5d: {  	_ =	shalt  }
0x5e: {  	_ =	shalt  }
0x5f: {  	_ =	shalt  }
0x60: {  	_ =	shalt  }
0x61: {  	_ =	shalt  }
0x62: {  	_ =	shalt  }
0x63: {  	_ =	shalt  }
0x64: {  	_ =	shalt  }
0x65: {  	_ =	shalt  }
0x66: {  	_ =	shalt  }
0x67: {  	_ =	shalt  }
0x68: {  	_ =	shalt  }
0x69: {  	_ =	shalt  }
0x6a: {  	_ =	shalt  }
0x6b: {  	_ =	shalt  }
0x6c: {  	_ =	shalt  }
0x6d: {  	_ =	shalt  }
0x6e: {  	_ =	shalt  }
0x6f: {  	_ =	shalt  }
0x70: {  	_ =	shalt  }
0x71: {  	_ =	shalt  }
0x72: {  	_ =	shalt  }
0x73: {  	_ =	shalt  }
0x74: {  	_ =	shalt  }
0x75: {  	_ =	shalt  }
0x76: {  	_ =	shalt  }
0x77: {  	_ =	shalt  }
0x78: {  	_ =	shalt  }
0x79: {  	_ =	shalt  }
0x7a: {  	_ =	shalt  }
0x7b: {  	_ =	shalt  }
0x7c: {  	_ =	shalt  }
0x7d: {  	_ =	shalt  }
0x7e: {  	_ =	shalt  }
0x7f: {  	_ =	shalt  }
0x80: {  	_ =	shalt  }
0x81: {  	_ =	shalt  }
0x82: {  	_ =	shalt  }
0x83: {  	_ =	shalt  }
0x84: {  	_ =	shalt  }
0x85: {  	_ =	shalt  }
0x86: {  	_ =	shalt  }
0x87: {  	_ =	shalt  }
.Lfunc_end0:
.L_simem_size_0:
called_computation.7_lowered:
.L_overlay_start_0:
0x88: {  	s2 =	sld [smem:$0x3FD9]  }
0x89: {  	s3 =	sld [smem:$0x3FFE];
	_ =	sdelay $0x1  }
0x8a: {  	s1 =	srdreg.scid  }
0x8b: {  	s0 =	sand.u32 $0x1, s1  }
0x8c: {  	s17 =	sshll.u32 s0, $0xA;
	s2 =	sadd.s32 s3, s2  }
0x8d: {  	s2 =	sadd.s32 s2, s17  }
0x8e: {  	[smem:$0x3FBB] =	sst s2  }
0x8f: {  	_ = 	snop  }
0x90: {  	(tm) =	ssettm $0x1  }
0x91: {  	s18 =	sld [smem:$0x3FFB];
	_ =	sdelay $0x3  }
0x92: {  	_ =	strace s18  }
0x93: {  	s2 =	sld [smem:$0x3FFC];
	_ =	sdelay $0x3  }
0x94: {  	_ =	strace s2  }
0x95: {  	s2 =	sld [smem:$0x3FFD];
	_ =	sdelay $0x3  }
0x96: {  	_ =	strace s2  }
0x97: {  	_ =	strace $0x8FFFFFFF  }
0x98: {  	s19 =	sld [smem:$0x3FDB];
	_ =	sdelay $0x1  }
0x99: {  	s20 =	simm.s32 $_scs_section_size  }
0x9a: {  	s4 =	simm.s32 $_size__tile_overlayer_lowered;
	s5 =	simm.s32 $_tile_overlayer_lowered  }
0x9b: {  	s6 =	simm.s32 $0x1BFF;
	s21 =	sshll.u32 s5, $0x1;
	s3 =	sadd.s32 s20, s19  }
0x9c: {  	s22 =	simm.s32 $0x0;
	s4 =	sshll.u32 s4, $0x1;
	s5 =	sadd.s32 s21, s3  }
0x9d: {  	[timem:s22], [sflag:s6] =	dma.local [hbm:s5], s4  }
0x9e: {  	_ =	swait.ge [sflag:s6], s4  }
0x9f: {  	s4 =	ssub.s32 $0x0, s4;
	[sflag:s6] =	ssyncset.done $0x0  }
0xa0: {  	[sflag:s6] =	ssyncadd.s32 s4;
	_ =	sdelay $0x1  }
0xa1: {  	s23 =	simm.s32 $0x1B8B  }
0xa2: {  	_ =	swait.ge [sflag:s23], $0x1  }
0xa3: {  	[sflag:s23] =	ssyncset.done $0x0  }
0xa4: {  	[sflag:s23] =	ssyncadd.s32 $0xFFFFFFFF  }
0xa5: {  	s4 =	sld [smem:$0x0]  }
0xa6: {  	s5 =	sand.u32 $0xFFFFFFFE, s1  }
0xa7: {  	p0 =	sne.s32 s1, s5  }
0xa8: {  	s5 =	sshll.u32 @p0 s5, $0xE  }
0xa9: {  	s5 =	sadd.s32 @p0 $0x11B8D, s5;
	s6 =	sshll.u32 @p0 s4, $0x11  }
0xaa: {  	s5 =	sor.u32 @p0 s6, s5  }
0xab: {  	[sflag:s5] =	ssyncadd.remote.s32 @p0 $0x1;
	_ =	sdelay $0x1  }
0xac: {  	s5 =	simm.s32 @p0 $0x1B8D  }
0xad: {  	_ =	swait.eq @p0 [sflag:s5], $0x1  }
0xae: {  	[sflag:s5] =	ssyncadd.s32 @p0 $0xFFFFFFFF  }
0xaf: {  	s6 =	sshll.u32 @!p0 s1, $0xE  }
0xb0: {  	s6 =	sor.u32 @!p0 $0x4000, s6;
	s5 =	simm.s32 @!p0 $0x1B8D  }
0xb1: {  	s4 =	sshll.u32 @!p0 s4, $0x11;
	s6 =	sadd.s32 @!p0 $0x11B8D, s6;
	_ =	swait.eq @!p0 [sflag:s5], $0x1  }
0xb2: {  	s4 =	sor.u32 @!p0 s4, s6;
	[sflag:s5] =	ssyncadd.s32 @!p0 $0xFFFFFFFF  }
0xb3: {  	s25 =	simm.s32 $0x1B8E;
	s24 =	sld [smem:$0x3FFE];
	[sflag:s4] =	ssyncadd.remote.s32 @!p0 $0x1  }
0xb4: {  	s26 =	simm.s32 $execute0_lowered;
	[smem:$0x3FD2] =	sst s25  }
0xb5: {  	s5 =	sshll.u32 s26, $0x1;
	_ =	strace $0x8000005B;
	[dreg:$0x1] =	wrdreg $0xFFFFFFFF  }
0xb6: {  	s28 =	simm.s32 $_size_execute0_lowered;
	s3 =	sadd.s32 s3, s5;
	[dreg:$0x0] =	wrdreg $0x0  }
0xb7: {  	s5 =	sshll.u32 s28, $0x1;
	[dreg:$0x2] =	wrdreg s3  }
0xb8: {  	[dreg:$0x3] =	wrdreg s5  }
0xb9: {  	[dreg:$0x4] =	wrdreg $0xC0  }
0xba: {  	_ =	task [dreg:s22], $0x5FFFF  }
0xbb: {  	[dreg:$0x1] =	wrdreg $0xFFFFFFFF  }
0xbc: {  	[dreg:$0x0] =	wrdreg $0x60  }
0xbd: {  	[dreg:$0x2] =	wrdreg s24  }
0xbe: {  	[dreg:$0x3] =	wrdreg $0x10  }
0xbf: {  	_ =	task.clear_ibuf [dreg:s22], $0x4FFFF;
	_ =	strace $0x9000005B  }
0xc0: {  	s29 =	simm.s32 $0x10;
	_ =	strace $0x8000005D  }
0xc1: {  	_ =	swait.ge [sflag:s29], $0x1  }
0xc2: {  	[sflag:s29] =	ssyncadd.s32 $0xFFFFFFFF  }
0xc3: {  	_ =	strace $0x9000005D  }
0xc4: {  	_ =	sfence  }
0xc5: {  	s30 =	sld [smem:$0x0];
	_ =	sdelay $0x2  }
0xc6: {  	s31 =	sshll.u32 s1, $0xD;
	s1 =	sshrl.u32 s1, $0x2  }
0xc7: {  	s4 =	sand.u32 $0x4000, s31;
	s1 =	sadd.s32 s1, s30  }
0xc8: {  	s0 =	sor.u32 s4, s0;
	s1 =	sshll.u32 s1, $0x11  }
0xc9: {  	s0 =	sor.u32 s1, s0  }
0xca: {  	s0 =	sadd.s32 $0x8F2B, s0  }
0xcb: {  	[sflag:s0] =	ssyncadd.remote.s32 $0x1  }
0xcc: {  	_ =	sfence.sel $0xFFFF  }
0xcd: {  	[dreg:$0x0] =	wrdreg $0xFFFFFFFF;
	(pc) =	sbr.abs _section_cstart, $3  }
0xce: {  	[dreg:$0x1] =	wrdreg $0xFFFFFFFF  }
0xcf: {  	_ =	task.clear_ibuf [dreg:s22], $0x2FFFF;
	_ =	strace $0x9FFFFFFF  }
0xd0: {  	(tm) =	ssettm $0x7FFFFFFF  }
0xd1: {  	_ =	shalt  }
tec
execute0_lowered:
.L_overlay_start_1:
0x0: {  	(tag) =	ssettag $0x1  }
0x1: {  	s1 =	srdreg.scid;
	s0 =	stileid.u32  }
0x2: {  	s16 =	sand.u32 $0x1, s1;
	s26 =	sshll.u32 s0, $0x1  }
0x3: {  	s8 =	sor.u32 s16, s26  }
0x4: {  	s9 =	rddreg [dreg:$0x0];
	s17 =	smul.u32 $0xC80, s8  }
0x5: {  	s2 =	simm.s32 $0x0;
	s1 =	rddreg [dreg:$0x1]  }
0x6: {  	[smem:$0x7FF] =	sst s2;
	s15 =	sadd.s32 $0x19A00, s9;
	s3 =	sshrl.u32 s17, $0x3  }
0x7: {  	_ =	strace $0x8000005C;
	s4 =	sadd.s32 s15, s3;
	s3 =	simm.s32 $0x2  }
0x8: {  	[tilespmem:s2], [sflag:$0x2] =	stream.linear.gather [hbm4b:s4+s2], $0x280, $0x38;
	[tilespmem:$0xA280] =	vst v63  }
0x9: {  	_ =	swait.ge [sflag:s3], $0x280  }
0xa: {  	s6 =	simm.s32 $0x280;
	[sflag:s3] =	ssyncset.done $0x0  }
0xb: {  	s7 =	simm.s32 $0x1;
	s5 =	sadd.s32 $0xF49200, s9;
	[sflag:s3] =	ssyncadd.s32 $0xFFFFFD80  }
0xc: {  	[tilespmem:s6], [sflag:$0x1] =	stream.indirect.gather [hbm4b:s5+s6], $0x40, s2, s6, $0xb8;
	[tilespmem:$0xA280] =	vst v63  }
0xd: {  	s8 =	smul.u32 $0x6400, s8;
	_ =	swait.ge [sflag:s7], $0xA000  }
0xe: {  	s18 =	sadd.s32 $0x597E00, s9;
	[sflag:s7] =	ssyncset.done $0x0  }
0xf: {  	s8 =	sadd.s32 s18, s8;
	[sflag:s7] =	ssyncadd.s32 $0xFFFF6000  }
0x10: {  	[hbm4b:s8+s2] =	stream.linear.scatter [tilespmem:s6], [sflag:$0x2], $0xA000, $0x38;
	[tilespmem:$0xA280] =	vst v63  }
0x11: {  	s10 =	sadd.s32 $0x280, s17;
	_ =	swait.ge [sflag:s3], $0xA000  }
0x12: {  	s28 =	sshrl.u32 s10, $0x3;
	[sflag:s3] =	ssyncset.done $0x0  }
0x13: {  	s9 =	sadd.s32 s15, s28;
	[sflag:s3] =	ssyncadd.s32 $0xFFFF6000  }
0x14: {  	[tilespmem:s2], [sflag:$0x2] =	stream.linear.gather [hbm4b:s9+s2], $0x280, $0x38;
	[tilespmem:$0xA280] =	vst v63  }
0x15: {  	_ =	swait.ge [sflag:s3], $0x280  }
0x16: {  	[sflag:s3] =	ssyncset.done $0x0  }
0x17: {  	[sflag:s3] =	ssyncadd.s32 $0xFFFFFD80  }
0x18: {  	[tilespmem:s6], [sflag:$0x1] =	stream.indirect.gather [hbm4b:s5+s6], $0x40, s2, s6, $0xb8;
	[tilespmem:$0xA280] =	vst v63  }
0x19: {  	_ =	swait.ge [sflag:s7], $0xA000  }
0x1a: {  	s10 =	sshll.u32 s10, $0x3;
	[sflag:s7] =	ssyncset.done $0x0  }
0x1b: {  	s10 =	sadd.s32 s18, s10;
	[sflag:s7] =	ssyncadd.s32 $0xFFFF6000  }
0x1c: {  	[hbm4b:s10+s2] =	stream.linear.scatter [tilespmem:s6], [sflag:$0x2], $0xA000, $0x38;
	[tilespmem:$0xA280] =	vst v63  }
0x1d: {  	s12 =	sadd.s32 $0x500, s17;
	_ =	swait.ge [sflag:s3], $0xA000  }
0x1e: {  	s11 =	sshrl.u32 s12, $0x3;
	[sflag:s3] =	ssyncset.done $0x0  }
0x1f: {  	s11 =	sadd.s32 s15, s11;
	[sflag:s3] =	ssyncadd.s32 $0xFFFF6000  }
0x20: {  	[tilespmem:s2], [sflag:$0x2] =	stream.linear.gather [hbm4b:s11+s2], $0x280, $0x38;
	[tilespmem:$0xA280] =	vst v63  }
0x21: {  	_ =	swait.ge [sflag:s3], $0x280  }
0x22: {  	[sflag:s3] =	ssyncset.done $0x0  }
0x23: {  	[sflag:s3] =	ssyncadd.s32 $0xFFFFFD80  }
0x24: {  	[tilespmem:s6], [sflag:$0x1] =	stream.indirect.gather [hbm4b:s5+s6], $0x40, s2, s6, $0xb8;
	[tilespmem:$0xA280] =	vst v63  }
0x25: {  	_ =	swait.ge [sflag:s7], $0xA000  }
0x26: {  	s12 =	sshll.u32 s12, $0x3;
	[sflag:s7] =	ssyncset.done $0x0  }
0x27: {  	s12 =	sadd.s32 s18, s12;
	[sflag:s7] =	ssyncadd.s32 $0xFFFF6000  }
0x28: {  	[hbm4b:s12+s2] =	stream.linear.scatter [tilespmem:s6], [sflag:$0x2], $0xA000, $0x38;
	[tilespmem:$0xA280] =	vst v63  }
0x29: {  	s14 =	sadd.s32 $0x780, s17;
	_ =	swait.ge [sflag:s3], $0xA000  }
0x2a: {  	s13 =	sshrl.u32 s14, $0x3;
	[sflag:s3] =	ssyncset.done $0x0  }
0x2b: {  	s13 =	sadd.s32 s15, s13;
	[sflag:s3] =	ssyncadd.s32 $0xFFFF6000  }
0x2c: {  	[tilespmem:s2], [sflag:$0x2] =	stream.linear.gather [hbm4b:s13+s2], $0x280, $0x38;
	[tilespmem:$0xA280] =	vst v63  }
0x2d: {  	_ =	swait.ge [sflag:s3], $0x280  }
0x2e: {  	[sflag:s3] =	ssyncset.done $0x0  }
0x2f: {  	[sflag:s3] =	ssyncadd.s32 $0xFFFFFD80  }
0x30: {  	[tilespmem:s6], [sflag:$0x1] =	stream.indirect.gather [hbm4b:s5+s6], $0x40, s2, s6, $0xb8;
	[tilespmem:$0xA280] =	vst v63  }
0x31: {  	_ =	swait.ge [sflag:s7], $0xA000  }
0x32: {  	s14 =	sshll.u32 s14, $0x3;
	[sflag:s7] =	ssyncset.done $0x0  }
0x33: {  	s14 =	sadd.s32 s18, s14;
	[sflag:s7] =	ssyncadd.s32 $0xFFFF6000  }
0x34: {  	[hbm4b:s14+s2] =	stream.linear.scatter [tilespmem:s6], [sflag:$0x2], $0xA000, $0x38;
	[tilespmem:$0xA280] =	vst v63  }
0x35: {  	s17 =	sadd.s32 $0xA00, s17;
	_ =	swait.ge [sflag:s3], $0xA000  }
0x36: {  	s19 =	sshrl.u32 s17, $0x3;
	[sflag:s3] =	ssyncset.done $0x0  }
0x37: {  	s16 =	ssub.s32 $0x2, s16;
	s15 =	sadd.s32 s15, s19;
	[sflag:s3] =	ssyncadd.s32 $0xFFFF6000  }
0x38: {  	[tilespmem:s2], [sflag:$0x2] =	stream.linear.gather [hbm4b:s15+s2], $0x280, $0x38;
	[tilespmem:$0xA280] =	vst v63  }
0x39: {  	s29 =	sshrl.u32 s16, $0x1;
	_ =	swait.ge [sflag:s3], $0x280  }
0x3a: {  	s19 =	ssub.s32 s16, s29;
	[sflag:s3] =	ssyncset.done $0x0  }
0x3b: {  	s31 =	smax.u32 s19, $0x1;
	[sflag:s3] =	ssyncadd.s32 $0xFFFFFD80  }
0x3c: {  	[tilespmem:s6], [sflag:$0x1] =	stream.indirect.gather [hbm4b:s5+s6], $0x40, s2, s6, $0xb8;
	[tilespmem:$0xA280] =	vst v63  }
0x3d: {  	p0 =	sne.s32 s31, $0x1;
	_ =	swait.ge [sflag:s7], $0xA000  }
.Ltmp0:
0x3e: {  	s30 =	sshll.u32 s17, $0x3;
	[sflag:s7] =	ssyncset.done $0x0;
	(pc) =	sbr.rel @!p0 .LBB2_2-.Ltmp0, $4  }
0x3f: {  	s16 =	sadd.s32 s18, s30;
	[sflag:s7] =	ssyncadd.s32 $0xFFFF6000  }
0x40: {  	[hbm4b:s16+s2] =	stream.linear.scatter [tilespmem:s6], [sflag:$0x2], $0xA000, $0x38;
	[tilespmem:$0xA280] =	vst v63  }
0x41: {  	_ =	swait.ge [sflag:s3], $0xA000  }
0x42: {  	s17 =	sadd.s32 $0xFFFFFFFF, s31;
	[sflag:s3] =	ssyncset.done $0x0  }
.LBB2_1:
0x43: {  	p0 =	sne.s32 s17, $0x1;
	s17 =	sadd.s32 $0xFFFFFFFF, s17;
	[sflag:s3] =	ssyncadd.s32 $0xFFFF6000  }
0x44: {  	[tilespmem:s2], [sflag:$0x2] =	stream.linear.gather [hbm4b:s4+s2], $0x280, $0x38;
	[tilespmem:$0xA280] =	vst v63  }
0x45: {  	_ =	swait.ge [sflag:s3], $0x280  }
0x46: {  	[sflag:s3] =	ssyncset.done $0x0  }
0x47: {  	[sflag:s3] =	ssyncadd.s32 $0xFFFFFD80  }
0x48: {  	[tilespmem:s6], [sflag:$0x1] =	stream.indirect.gather [hbm4b:s5+s6], $0x40, s2, s6, $0xb8;
	[tilespmem:$0xA280] =	vst v63  }
0x49: {  	_ =	swait.ge [sflag:s7], $0xA000  }
0x4a: {  	[sflag:s7] =	ssyncset.done $0x0  }
0x4b: {  	[sflag:s7] =	ssyncadd.s32 $0xFFFF6000  }
0x4c: {  	[hbm4b:s8+s2] =	stream.linear.scatter [tilespmem:s6], [sflag:$0x2], $0xA000, $0x38;
	[tilespmem:$0xA280] =	vst v63  }
0x4d: {  	_ =	swait.ge [sflag:s3], $0xA000  }
0x4e: {  	[sflag:s3] =	ssyncset.done $0x0  }
0x4f: {  	[sflag:s3] =	ssyncadd.s32 $0xFFFF6000  }
0x50: {  	[tilespmem:s2], [sflag:$0x2] =	stream.linear.gather [hbm4b:s9+s2], $0x280, $0x38;
	[tilespmem:$0xA280] =	vst v63  }
0x51: {  	_ =	swait.ge [sflag:s3], $0x280  }
0x52: {  	[sflag:s3] =	ssyncset.done $0x0  }
0x53: {  	[sflag:s3] =	ssyncadd.s32 $0xFFFFFD80  }
0x54: {  	[tilespmem:s6], [sflag:$0x1] =	stream.indirect.gather [hbm4b:s5+s6], $0x40, s2, s6, $0xb8;
	[tilespmem:$0xA280] =	vst v63  }
0x55: {  	_ =	swait.ge [sflag:s7], $0xA000  }
0x56: {  	[sflag:s7] =	ssyncset.done $0x0  }
0x57: {  	[sflag:s7] =	ssyncadd.s32 $0xFFFF6000  }
0x58: {  	[hbm4b:s10+s2] =	stream.linear.scatter [tilespmem:s6], [sflag:$0x2], $0xA000, $0x38;
	[tilespmem:$0xA280] =	vst v63  }
0x59: {  	_ =	swait.ge [sflag:s3], $0xA000  }
0x5a: {  	[sflag:s3] =	ssyncset.done $0x0  }
0x5b: {  	[sflag:s3] =	ssyncadd.s32 $0xFFFF6000  }
0x5c: {  	[tilespmem:s2], [sflag:$0x2] =	stream.linear.gather [hbm4b:s11+s2], $0x280, $0x38;
	[tilespmem:$0xA280] =	vst v63  }
0x5d: {  	_ =	swait.ge [sflag:s3], $0x280  }
0x5e: {  	[sflag:s3] =	ssyncset.done $0x0  }
0x5f: {  	[sflag:s3] =	ssyncadd.s32 $0xFFFFFD80  }
0x60: {  	[tilespmem:s6], [sflag:$0x1] =	stream.indirect.gather [hbm4b:s5+s6], $0x40, s2, s6, $0xb8;
	[tilespmem:$0xA280] =	vst v63  }
0x61: {  	_ =	swait.ge [sflag:s7], $0xA000  }
0x62: {  	[sflag:s7] =	ssyncset.done $0x0  }
0x63: {  	[sflag:s7] =	ssyncadd.s32 $0xFFFF6000  }
0x64: {  	[hbm4b:s12+s2] =	stream.linear.scatter [tilespmem:s6], [sflag:$0x2], $0xA000, $0x38;
	[tilespmem:$0xA280] =	vst v63  }
0x65: {  	_ =	swait.ge [sflag:s3], $0xA000  }
0x66: {  	[sflag:s3] =	ssyncset.done $0x0  }
0x67: {  	[sflag:s3] =	ssyncadd.s32 $0xFFFF6000  }
0x68: {  	[tilespmem:s2], [sflag:$0x2] =	stream.linear.gather [hbm4b:s13+s2], $0x280, $0x38;
	[tilespmem:$0xA280] =	vst v63  }
0x69: {  	_ =	swait.ge [sflag:s3], $0x280  }
0x6a: {  	[sflag:s3] =	ssyncset.done $0x0  }
0x6b: {  	[sflag:s3] =	ssyncadd.s32 $0xFFFFFD80  }
0x6c: {  	[tilespmem:s6], [sflag:$0x1] =	stream.indirect.gather [hbm4b:s5+s6], $0x40, s2, s6, $0xb8;
	[tilespmem:$0xA280] =	vst v63  }
0x6d: {  	_ =	swait.ge [sflag:s7], $0xA000  }
0x6e: {  	[sflag:s7] =	ssyncset.done $0x0  }
0x6f: {  	[sflag:s7] =	ssyncadd.s32 $0xFFFF6000  }
0x70: {  	[hbm4b:s14+s2] =	stream.linear.scatter [tilespmem:s6], [sflag:$0x2], $0xA000, $0x38;
	[tilespmem:$0xA280] =	vst v63  }
0x71: {  	_ =	swait.ge [sflag:s3], $0xA000  }
0x72: {  	[sflag:s3] =	ssyncset.done $0x0  }
0x73: {  	[sflag:s3] =	ssyncadd.s32 $0xFFFF6000  }
0x74: {  	[tilespmem:s2], [sflag:$0x2] =	stream.linear.gather [hbm4b:s15+s2], $0x280, $0x38;
	[tilespmem:$0xA280] =	vst v63  }
0x75: {  	_ =	swait.ge [sflag:s3], $0x280  }
0x76: {  	[sflag:s3] =	ssyncset.done $0x0  }
0x77: {  	[sflag:s3] =	ssyncadd.s32 $0xFFFFFD80  }
0x78: {  	[tilespmem:s6], [sflag:$0x1] =	stream.indirect.gather [hbm4b:s5+s6], $0x40, s2, s6, $0xb8;
	[tilespmem:$0xA280] =	vst v63  }
0x79: {  	_ =	swait.ge [sflag:s7], $0xA000  }
.Ltmp1:
0x7a: {  	[sflag:s7] =	ssyncset.done $0x0;
	(pc) =	sbr.rel @p0 .LBB2_1-.Ltmp1, $4  }
0x7b: {  	[sflag:s7] =	ssyncadd.s32 $0xFFFF6000  }
0x7c: {  	[hbm4b:s16+s2] =	stream.linear.scatter [tilespmem:s6], [sflag:$0x2], $0xA000, $0x38;
	[tilespmem:$0xA280] =	vst v63  }
0x7d: {  	_ =	swait.ge [sflag:s3], $0xA000  }
0x7e: {  	[sflag:s3] =	ssyncset.done $0x0  }
.LBB2_2:
0x7f: {  	[sflag:s3] =	ssyncadd.s32 $0xFFFF6000  }
0x80: {  	_ =	sfence.sel $0x180000  }
0x81: {  	[bflag:$0x0] =	sbarrier.arrive $0xFFFF  }
0x82: {  	p0 =	sne.s32 s0, $0x0;
	_ =	strace $0x9000005C  }
0x83: {  	s0 =	sadd.s32 @!p0 $0x100000, s1;
	[bflag:$0x2] =	sbarrier.arrive $0xFFFF  }
0x84: {  	[sflag:s0] =	ssyncadd.tile.s32 @!p0 $0x1;
	_ =	shalt  }
.Lfunc_end2:
_tile_overlayer_lowered:
.L_overlay_start_2:
0x85: {  	(tag) =	ssettag $0x2  }
0x86: {  	s0 =	rddreg [dreg:$0x0];
	s2 =	stileid.u32  }
0x87: {  	s1 =	rddreg [dreg:$0x1];
	p0 =	sne.s32 s2, $0x0  }
0x88: {  	s3 =	rddreg [dreg:$0x2];
	[bflag:$0x3] =	sbarrier.arrive $0xFFFF;
	s2 =	simm.s32 @!p0 $0x1C02  }
0x89: {  	[timem:s3], [sflag:s2] =	dma.local @!p0 [hbm:s0], s1  }
0x8a: {  	s0 =	simm.s32 @!p0 $0x2  }
0x8b: {  	_ =	swait.ge @!p0 [sflag:s0], s1  }
0x8c: {  	s1 =	ssub.s32 @!p0 $0x0, s1;
	[sflag:s0] =	ssyncset.done @!p0 $0x0  }
0x8d: {  	[sflag:s0] =	ssyncadd.s32 @!p0 s1  }
0x8e: {  	[bflag:$0x3] =	sbarrier.arrive $0xFFFF  }
0x8f: {  	_ =	shalt  }

// kernel: kernel.44.cloned.1.call-start
scs
__scs_entry_jumppad:
0x0: {  	(pc) =	sbr.rel $0x88, $3  }
0x1: {  	(tag) =	ssettag $0x0;
	lr =	simm.s32 $0x1  }
0x2: {  	[smem:$0x3F94] =	sst lr;
	_ =	strace $0xD0000000  }
0x3: {  	_ = 	snop  }
0x4: {  	_ = 	snop  }
0x5: {  	_ = 	snop  }
0x6: {  	_ = 	snop  }
0x7: {  	_ = 	snop  }
__scs_overlays_trampoline_lowered:
0x8: {  	[smem:$0x3FA3] =	sst s0  }
0x9: {  	[smem:$0x3FA4] =	sst s1  }
0xa: {  	[smem:$0x3FA5] =	sst s2  }
0xb: {  	[smem:$0x3FA6] =	sst s3  }
0xc: {  	[smem:$0x3FA7] =	sst s4  }
0xd: {  	[smem:$0x3FA8] =	sst s5  }
0xe: {  	[smem:$0x3FA9] =	sst s6  }
0xf: {  	[smem:$0x3FAA] =	sst s7  }
0x10: {  	[smem:$0x3FAB] =	sst s8  }
0x11: {  	[smem:$0x3FAC] =	sst s9;
	s0 =	simm.s32 @!p0 $0x0  }
0x12: {  	s1 =	sld [smem:$0x3F92];
	s0 =	simm.s32 @p0 $0x1  }
0x13: {  	[smem:$0x3FAD] =	sst s0;
	s0 =	simm.s32 @!p1 $0x0  }
0x14: {  	s2 =	sld [smem:$0x3F91];
	s0 =	simm.s32 @p1 $0x1  }
0x15: {  	[smem:$0x3FAE] =	sst s0;
	s0 =	simm.s32 @!p2 $0x0  }
0x16: {  	s3 =	sld [smem:$0x3FDB];
	s0 =	simm.s32 @p2 $0x1  }
0x17: {  	s4 =	simm.s32 $0x1BF5;
	[smem:$0x3FB0] =	sst s0  }
0x18: {  	s0 =	sld [smem:$0x3F93];
	_ =	swait.ge [sflag:s4], $0x0  }
0x19: {  	s7 =	sld [smem:$0x3F94]  }
0x1a: {  	s8 =	sadd.s32 $0xFFFFE003, lr  }
0x1b: {  	s9 =	sadd.s32 $0xFFFFFEF7, lr;
	s5 =	simm.s32 $0xFFFFFFFF;
	p2 =	slt.u32 s8, $0xFFFFF086  }
0x1c: {  	p1 =	slt.u32 s9, $0xF7A;
	s5 =	simm.s32 @!p2 $0x0  }
0x1d: {  	s5 =	simm.s32 @p1 $0x1;
	p0 =	seq.s32 s7, s2  }
0x1e: {  	s7 =	smul.u32 @!p0 $0xF7A, s2;
	p2 =	seq.s32 @!p0 s5, $0x0  }
0x1f: {  	s9 =	smul.u32 $0xF7A, s1;
	s8 =	simm.s32 @!p0 $0x1BF5;
	p2 =	por !p2, p0  }
0x20: {  	[sflag:s8] =	ssyncset.s32 @!p0 $0xFFFFF086;
	s6 =	sadd.s32 @!p0 s3, s7;
	s7 =	simm.s32 @!p0 $0x108  }
0x21: {  	s3 =	sadd.s32 s3, s9;
	s6 =	sadd.s32 @!p0 $0x88, s6;
	s7 =	simm.s32 @p2 $0x1082  }
0x22: {  	[simem:s7], [sflag:s8] =	dma.local @!p0 [hbm:s6], $0xF7A  }
0x23: {  	s9 =	sor.u32 $0xD0000000, s2;
	s6 =	simm.s32 $0x108;
	_ =	swait.ge @!p0 [sflag:s8], $0x0  }
0x24: {  	s3 =	sadd.s32 $0x88, s3;
	s6 =	simm.s32 @!p1 $0x1082;
	[sflag:s4] =	ssyncset.s32 $0xFFFFF086  }
0x25: {  	[simem:s6], [sflag:s4] =	dma.local [hbm:s3], $0xF7A  }
0x26: {  	[smem:$0x3F94] =	sst s1;
	(tag) =	ssettag s2;
	_ =	strace s9  }
0x27: {  	s1 =	sld [smem:$0x3FA4]  }
0x28: {  	s2 =	sld [smem:$0x3FA5]  }
0x29: {  	s4 =	sld [smem:$0x3FA7]  }
0x2a: {  	p0 =	seq.s32 s5, $0x0;
	s5 =	sld [smem:$0x3FA8]  }
0x2b: {  	s6 =	sld [smem:$0x3FA9]  }
0x2c: {  	s7 =	sld [smem:$0x3FAA]  }
0x2d: {  	s3 =	simm.s32 $0x108;
	s8 =	sld [smem:$0x3FAB]  }
0x2e: {  	s3 =	simm.s32 @!p0 $0x1082;
	s9 =	sld [smem:$0x3FAC]  }
0x2f: {  	lr =	sadd.s32 s0, s3;
	s0 =	sld [smem:$0x3FA3]  }
0x30: {  	s3 =	sld [smem:$0x3FA6]  }
0x31: {  	[smem:$0x3FAF] =	sst s10  }
0x32: {  	s10 =	sld [smem:$0x3FAD];
	_ =	sdelay $0x3  }
0x33: {  	p0 =	seq.s32 s10, $0x1;
	s10 =	sld [smem:$0x3FAF];
	_ =	sdelay $0x3  }
0x34: {  	[smem:$0x3FAF] =	sst s10  }
0x35: {  	s10 =	sld [smem:$0x3FAE];
	_ =	sdelay $0x3  }
0x36: {  	p1 =	seq.s32 s10, $0x1;
	s10 =	sld [smem:$0x3FAF];
	_ =	sdelay $0x3  }
0x37: {  	[smem:$0x3FAF] =	sst s10  }
0x38: {  	s10 =	sld [smem:$0x3FB0]  }
0x39: {  	_ = 	snop;
	(pc) =	sbr.ind lr, $3  }
0x3a: {  	_ = 	snop  }
0x3b: {  	_ = 	snop  }
0x3c: {  	p2 =	seq.s32 s10, $0x1;
	s10 =	sld [smem:$0x3FAF]  }
0x3d: {  	_ =	shalt  }
0x3e: {  	_ =	shalt  }
0x3f: {  	_ =	shalt  }
0x40: {  	_ =	shalt  }
0x41: {  	_ =	shalt  }
0x42: {  	_ =	shalt  }
0x43: {  	_ =	shalt  }
0x44: {  	_ =	shalt  }
0x45: {  	_ =	shalt  }
0x46: {  	_ =	shalt  }
0x47: {  	_ =	shalt  }
0x48: {  	_ =	shalt  }
0x49: {  	_ =	shalt  }
0x4a: {  	_ =	shalt  }
0x4b: {  	_ =	shalt  }
0x4c: {  	_ =	shalt  }
0x4d: {  	_ =	shalt  }
0x4e: {  	_ =	shalt  }
0x4f: {  	_ =	shalt  }
0x50: {  	_ =	shalt  }
0x51: {  	_ =	shalt  }
0x52: {  	_ =	shalt  }
0x53: {  	_ =	shalt  }
0x54: {  	_ =	shalt  }
0x55: {  	_ =	shalt  }
0x56: {  	_ =	shalt  }
0x57: {  	_ =	shalt  }
0x58: {  	_ =	shalt  }
0x59: {  	_ =	shalt  }
0x5a: {  	_ =	shalt  }
0x5b: {  	_ =	shalt  }
0x5c: {  	_ =	shalt  }
0x5d: {  	_ =	shalt  }
0x5e: {  	_ =	shalt  }
0x5f: {  	_ =	shalt  }
0x60: {  	_ =	shalt  }
0x61: {  	_ =	shalt  }
0x62: {  	_ =	shalt  }
0x63: {  	_ =	shalt  }
0x64: {  	_ =	shalt  }
0x65: {  	_ =	shalt  }
0x66: {  	_ =	shalt  }
0x67: {  	_ =	shalt  }
0x68: {  	_ =	shalt  }
0x69: {  	_ =	shalt  }
0x6a: {  	_ =	shalt  }
0x6b: {  	_ =	shalt  }
0x6c: {  	_ =	shalt  }
0x6d: {  	_ =	shalt  }
0x6e: {  	_ =	shalt  }
0x6f: {  	_ =	shalt  }
0x70: {  	_ =	shalt  }
0x71: {  	_ =	shalt  }
0x72: {  	_ =	shalt  }
0x73: {  	_ =	shalt  }
0x74: {  	_ =	shalt  }
0x75: {  	_ =	shalt  }
0x76: {  	_ =	shalt  }
0x77: {  	_ =	shalt  }
0x78: {  	_ =	shalt  }
0x79: {  	_ =	shalt  }
0x7a: {  	_ =	shalt  }
0x7b: {  	_ =	shalt  }
0x7c: {  	_ =	shalt  }
0x7d: {  	_ =	shalt  }
0x7e: {  	_ =	shalt  }
0x7f: {  	_ =	shalt  }
0x80: {  	_ =	shalt  }
0x81: {  	_ =	shalt  }
0x82: {  	_ =	shalt  }
0x83: {  	_ =	shalt  }
0x84: {  	_ =	shalt  }
0x85: {  	_ =	shalt  }
0x86: {  	_ =	shalt  }
0x87: {  	_ =	shalt  }
.Lfunc_end0:
.L_simem_size_0:
called_computation.8_lowered:
.L_overlay_start_0:
0x88: {  	s2 =	sld [smem:$0x3FD9]  }
0x89: {  	s3 =	sld [smem:$0x3FFE];
	_ =	sdelay $0x1  }
0x8a: {  	s1 =	srdreg.scid  }
0x8b: {  	s0 =	sand.u32 $0x1, s1  }
0x8c: {  	s16 =	sshll.u32 s0, $0xA;
	s2 =	sadd.s32 s3, s2  }
0x8d: {  	s2 =	sadd.s32 s2, s16  }
0x8e: {  	[smem:$0x3FBB] =	sst s2  }
0x8f: {  	_ = 	snop  }
0x90: {  	(tm) =	ssettm $0x1  }
0x91: {  	s17 =	sld [smem:$0x3FFB];
	_ =	sdelay $0x3  }
0x92: {  	_ =	strace s17  }
0x93: {  	s2 =	sld [smem:$0x3FFC];
	_ =	sdelay $0x3  }
0x94: {  	_ =	strace s2  }
0x95: {  	s2 =	sld [smem:$0x3FFD];
	_ =	sdelay $0x3  }
0x96: {  	_ =	strace s2  }
0x97: {  	_ =	strace $0x8FFFFFFF  }
0x98: {  	s18 =	sld [smem:$0x3FDB];
	_ =	sdelay $0x1  }
0x99: {  	s19 =	simm.s32 $_scs_section_size  }
0x9a: {  	s4 =	simm.s32 $_size__tile_overlayer_lowered;
	s5 =	simm.s32 $_tile_overlayer_lowered  }
0x9b: {  	s22 =	simm.s32 $0x1BFF;
	s21 =	sshll.u32 s5, $0x1;
	s2 =	sadd.s32 s19, s18  }
0x9c: {  	s6 =	simm.s32 $0x0;
	s20 =	sshll.u32 s4, $0x1;
	s4 =	sadd.s32 s21, s2  }
0x9d: {  	[timem:s6], [sflag:s22] =	dma.local [hbm:s4], s20  }
0x9e: {  	_ =	swait.ge [sflag:s22], s20  }
0x9f: {  	s3 =	ssub.s32 $0x0, s20;
	[sflag:s22] =	ssyncset.done $0x0  }
0xa0: {  	[sflag:s22] =	ssyncadd.s32 s3;
	_ =	sdelay $0x1  }
0xa1: {  	s23 =	simm.s32 $0x1B8B  }
0xa2: {  	_ =	swait.ge [sflag:s23], $0x1  }
0xa3: {  	[sflag:s23] =	ssyncset.done $0x0  }
0xa4: {  	s25 =	simm.s32 $0x1B8E;
	s24 =	sld [smem:$0x3FFE];
	[sflag:s23] =	ssyncadd.s32 $0xFFFFFFFF  }
0xa5: {  	s26 =	simm.s32 $execute0_lowered;
	[smem:$0x3FD2] =	sst s25  }
0xa6: {  	s4 =	sshll.u32 s26, $0x1;
	_ =	strace $0x8000005E;
	[dreg:$0x1] =	wrdreg $0xFFFFFFFF  }
0xa7: {  	s28 =	simm.s32 $_size_execute0_lowered;
	s2 =	sadd.s32 s2, s4;
	[dreg:$0x0] =	wrdreg $0x0  }
0xa8: {  	s4 =	sshll.u32 s28, $0x1;
	[dreg:$0x2] =	wrdreg s2  }
0xa9: {  	[dreg:$0x3] =	wrdreg s4  }
0xaa: {  	[dreg:$0x4] =	wrdreg $0xC0  }
0xab: {  	_ =	task [dreg:s6], $0x5FFFF  }
0xac: {  	[dreg:$0x1] =	wrdreg $0xFFFFFFFF  }
0xad: {  	[dreg:$0x0] =	wrdreg $0x60  }
0xae: {  	[dreg:$0x2] =	wrdreg s24  }
0xaf: {  	[dreg:$0x3] =	wrdreg $0x9  }
0xb0: {  	_ =	task.clear_ibuf [dreg:s6], $0x4FFFF;
	_ =	strace $0x9000005E  }
0xb1: {  	s29 =	simm.s32 $0x9;
	_ =	strace $0x80000060  }
0xb2: {  	_ =	swait.ge [sflag:s29], $0x1  }
0xb3: {  	[sflag:s29] =	ssyncadd.s32 $0xFFFFFFFF  }
0xb4: {  	_ =	strace $0x90000060  }
0xb5: {  	_ =	sfence  }
0xb6: {  	s30 =	sld [smem:$0x0];
	_ =	sdelay $0x2  }
0xb7: {  	s31 =	sshll.u32 s1, $0xD;
	s1 =	sshrl.u32 s1, $0x2  }
0xb8: {  	s3 =	sand.u32 $0x4000, s31;
	s1 =	sadd.s32 s1, s30  }
0xb9: {  	s0 =	sor.u32 s3, s0;
	s1 =	sshll.u32 s1, $0x11  }
0xba: {  	s0 =	sor.u32 s1, s0  }
0xbb: {  	s0 =	sadd.s32 $0x8F2B, s0  }
0xbc: {  	[sflag:s0] =	ssyncadd.remote.s32 $0x1  }
0xbd: {  	_ =	sfence.sel $0xFFFF  }
0xbe: {  	[dreg:$0x0] =	wrdreg $0xFFFFFFFF;
	(pc) =	sbr.abs _section_cstart, $3  }
0xbf: {  	[dreg:$0x1] =	wrdreg $0xFFFFFFFF  }
0xc0: {  	_ =	task.clear_ibuf [dreg:s6], $0x2FFFF;
	_ =	strace $0x9FFFFFFF  }
0xc1: {  	(tm) =	ssettm $0x7FFFFFFF  }
tec
execute0_lowered:
.L_overlay_start_1:
0x0: {  	(tag) =	ssettag $0x1  }
0x1: {  	s1 =	srdreg.scid  }
0x2: {  	s0 =	stileid.u32;
	s6 =	sand.u32 $0x1, s1  }
0x3: {  	s8 =	rddreg [dreg:$0x0];
	s30 =	sshll.u32 s0, $0xB;
	s2 =	sshll.u32 s6, $0xA  }
0x4: {  	s7 =	simm.s32 $0x1;
	s1 =	rddreg [dreg:$0x1];
	s9 =	sor.u32 s2, s30  }
0x5: {  	s5 =	sadd.s32 $0x6E00, s8;
	s2 =	simm.s32 $0x0;
	s3 =	sshrl.u32 s9, $0x3  }
0x6: {  	s10 =	ssub.s32 $0x2, s6;
	[smem:$0x7FF] =	sst s2;
	s3 =	sadd.s32 s3, s8  }
0x7: {  	_ =	strace $0x8000005F;
	s4 =	sadd.s32 $0x67AE00, s3;
	s3 =	simm.s32 $0x2  }
0x8: {  	[tilespmem:s2], [sflag:$0x2] =	stream.linear.gather [hbm4b:s4+s2], $0x400, $0x38;
	[tilespmem:$0x10400] =	vst v63  }
0x9: {  	s6 =	simm.s32 $0x400;
	s11 =	sshrl.u32 s10, $0x1;
	_ =	swait.ge [sflag:s3], $0x400  }
0xa: {  	s9 =	sshll.u32 s9, $0x3;
	s31 =	ssub.s32 s10, s11;
	[sflag:s3] =	ssyncset.done $0x0  }
0xb: {  	s8 =	sadd.s32 s9, s8;
	s9 =	smax.u32 s31, $0x1;
	[sflag:s3] =	ssyncadd.s32 $0xFFFFFC00  }
0xc: {  	[tilespmem:s6], [sflag:$0x1] =	stream.indirect.gather [hbm4b:s5+s6], $0x40, s2, s6, $0xb8;
	[tilespmem:$0x10400] =	vst v63  }
0xd: {  	p0 =	sne.s32 s9, $0x1;
	_ =	swait.ge [sflag:s7], $0x10000  }
.Ltmp0:
0xe: {  	[sflag:s7] =	ssyncset.done $0x0;
	(pc) =	sbr.rel @!p0 .LBB2_2-.Ltmp0, $4  }
0xf: {  	s8 =	sadd.s32 $0xEE00, s8;
	[sflag:s7] =	ssyncadd.s32 $0xFFFF0000  }
0x10: {  	[hbm4b:s8+s2] =	stream.linear.scatter [tilespmem:s6], [sflag:$0x2], $0x10000, $0x38;
	[tilespmem:$0x10400] =	vst v63  }
0x11: {  	_ =	swait.ge [sflag:s3], $0x10000  }
0x12: {  	s9 =	sadd.s32 $0xFFFFFFFF, s9;
	[sflag:s3] =	ssyncset.done $0x0  }
.LBB2_1:
0x13: {  	p0 =	sne.s32 s9, $0x1;
	s9 =	sadd.s32 $0xFFFFFFFF, s9;
	[sflag:s3] =	ssyncadd.s32 $0xFFFF0000  }
0x14: {  	[tilespmem:s2], [sflag:$0x2] =	stream.linear.gather [hbm4b:s4+s2], $0x400, $0x38;
	[tilespmem:$0x10400] =	vst v63  }
0x15: {  	_ =	swait.ge [sflag:s3], $0x400  }
0x16: {  	[sflag:s3] =	ssyncset.done $0x0  }
0x17: {  	[sflag:s3] =	ssyncadd.s32 $0xFFFFFC00  }
0x18: {  	[tilespmem:s6], [sflag:$0x1] =	stream.indirect.gather [hbm4b:s5+s6], $0x40, s2, s6, $0xb8;
	[tilespmem:$0x10400] =	vst v63  }
0x19: {  	_ =	swait.ge [sflag:s7], $0x10000  }
.Ltmp1:
0x1a: {  	[sflag:s7] =	ssyncset.done $0x0;
	(pc) =	sbr.rel @p0 .LBB2_1-.Ltmp1, $4  }
0x1b: {  	[sflag:s7] =	ssyncadd.s32 $0xFFFF0000  }
0x1c: {  	[hbm4b:s8+s2] =	stream.linear.scatter [tilespmem:s6], [sflag:$0x2], $0x10000, $0x38;
	[tilespmem:$0x10400] =	vst v63  }
0x1d: {  	_ =	swait.ge [sflag:s3], $0x10000  }
0x1e: {  	[sflag:s3] =	ssyncset.done $0x0  }
.LBB2_2:
0x1f: {  	[sflag:s3] =	ssyncadd.s32 $0xFFFF0000  }
0x20: {  	_ =	sfence.sel $0x180000  }
0x21: {  	[bflag:$0x0] =	sbarrier.arrive $0xFFFF  }
0x22: {  	p0 =	sne.s32 s0, $0x0;
	_ =	strace $0x9000005F  }
0x23: {  	s0 =	sadd.s32 @!p0 $0x100000, s1;
	[bflag:$0x2] =	sbarrier.arrive $0xFFFF  }
0x24: {  	[sflag:s0] =	ssyncadd.tile.s32 @!p0 $0x1;
	_ =	shalt  }
.Lfunc_end2:
_tile_overlayer_lowered:
.L_overlay_start_2:
0x25: {  	(tag) =	ssettag $0x2  }
0x26: {  	s0 =	rddreg [dreg:$0x0];
	s2 =	stileid.u32  }
0x27: {  	s1 =	rddreg [dreg:$0x1];
	p0 =	sne.s32 s2, $0x0  }
0x28: {  	s3 =	rddreg [dreg:$0x2];
	[bflag:$0x3] =	sbarrier.arrive $0xFFFF;
	s2 =	simm.s32 @!p0 $0x1C02  }
0x29: {  	[timem:s3], [sflag:s2] =	dma.local @!p0 [hbm:s0], s1  }
0x2a: {  	s0 =	simm.s32 @!p0 $0x2  }
0x2b: {  	_ =	swait.ge @!p0 [sflag:s0], s1  }
0x2c: {  	s1 =	ssub.s32 @!p0 $0x0, s1;
	[sflag:s0] =	ssyncset.done @!p0 $0x0  }
0x2d: {  	[sflag:s0] =	ssyncadd.s32 @!p0 s1  }
0x2e: {  	[bflag:$0x3] =	sbarrier.arrive $0xFFFF  }
0x2f: {  	_ =	shalt  }

</sc_bundles>
